<compile_context>
chip_gen: v7x
topology: tpu7x:2x2x1
jax: 0.10.2.dev20260603
libtpu: 0.0.44.dev20260713+nightly
codegen_flags: <defaults>
</compile_context>

<pallas_src>
import functools

import jax
import jax.numpy as jnp
from jax import lax
from jax.experimental import pallas as pl
from jax.experimental.pallas import tpu as pltpu
from jax.experimental.pallas import tpu_sc as plsc

_BATCH = 16384
_EMB = 32


def _make_sc_gather_t(batch, emb_dim, vocab):
    info = plsc.get_sparse_core_info()
    nc, ns = info.num_cores, info.num_subcores
    half = emb_dim // nc
    ichunk = 2048
    nt = batch // 128
    mesh = plsc.VectorSubcoreMesh(core_axis_name="c", subcore_axis_name="s")

    @functools.partial(
        pl.kernel,
        out_type=jax.ShapeDtypeStruct((2 * emb_dim, nt, 128), jnp.float32),
        mesh=mesh,
        compiler_params=pltpu.CompilerParams(needs_layout_passes=False),
        scratch_types=[
            pltpu.VMEM((vocab,), jnp.float32),
            pltpu.VMEM((2, ichunk), jnp.int32),
            pltpu.VMEM((2, ichunk), jnp.int32),
            pltpu.VMEM((2, ichunk // 128, 128), jnp.float32),
            pltpu.VMEM((2, ichunk // 128, 128), jnp.float32),
            pltpu.SemaphoreType.DMA,
            pltpu.SemaphoreType.DMA,
            pltpu.SemaphoreType.DMA,
            pltpu.SemaphoreType.DMA,
            pltpu.SemaphoreType.DMA,
            pltpu.SemaphoreType.DMA,
            pltpu.SemaphoreType.DMA,
            pltpu.SemaphoreType.DMA,
            pltpu.SemaphoreType.DMA,
        ],
    )
    def sc_gather(tT_hbm, ia_hbm, ib_hbm, rows_hbm,
                  row_v, ia_v, ib_v, ra_v, rb_v,
                  sem_row, sem_ia0, sem_ia1, sem_ib0, sem_ib1,
                  sem_ra0, sem_ra1, sem_rb0, sem_rb1):
        c = lax.axis_index("c")
        s = lax.axis_index("s")
        d = c * half + s
        sem_ia = [sem_ia0, sem_ia1]
        sem_ib = [sem_ib0, sem_ib1]
        sem_ra = [sem_ra0, sem_ra1]
        sem_rb = [sem_rb0, sem_rb1]

        h_row = pltpu.async_copy(tT_hbm.at[d], row_v, sem_row)

        nch = batch // ichunk
        tpc = ichunk // 128

        def start_in(k):
            sl = k % 2
            return (
                pltpu.async_copy(ia_hbm.at[pl.ds(k * ichunk, ichunk)],
                                 ia_v.at[sl], sem_ia[sl]),
                pltpu.async_copy(ib_hbm.at[pl.ds(k * ichunk, ichunk)],
                                 ib_v.at[sl], sem_ib[sl]),
            )

        h_in = start_in(0)
        h_row.wait()
        h_out = [None] * nch
        for k in range(nch):
            sl = k % 2
            h_in[0].wait()
            h_in[1].wait()
            if k + 1 < nch:
                h_in = start_in(k + 1)
            if k >= 2:
                h_out[k - 2][0].wait()
                h_out[k - 2][1].wait()

            @plsc.parallel_loop(0, ichunk // 16, unroll=16)
            def gather_one(j):
                off = j * 16
                t, l = off // 128, off % 128
                ra_v[sl, t, pl.ds(l, 16)] = plsc.load_gather(
                    row_v, [ia_v[sl, pl.ds(off, 16)]])
                rb_v[sl, t, pl.ds(l, 16)] = plsc.load_gather(
                    row_v, [ib_v[sl, pl.ds(off, 16)]])

            h_out[k] = (
                pltpu.async_copy(ra_v.at[sl],
                                 rows_hbm.at[d, pl.ds(k * tpc, tpc)],
                                 sem_ra[sl]),
                pltpu.async_copy(rb_v.at[sl],
                                 rows_hbm.at[emb_dim + d, pl.ds(k * tpc, tpc)],
                                 sem_rb[sl]),
            )
        for k in (nch - 2, nch - 1):
            h_out[k][0].wait()
            h_out[k][1].wait()

    return sc_gather


def _make_sc_xpose(batch, emb_dim):
    info = plsc.get_sparse_core_info()
    nw = info.num_cores * info.num_subcores
    nt = batch // 128
    per_w = batch // nw
    tpw = per_w // 128
    two_d = 2 * emb_dim
    mesh = plsc.VectorSubcoreMesh(core_axis_name="c", subcore_axis_name="s")

    @functools.partial(
        pl.kernel,
        out_type=jax.ShapeDtypeStruct((batch, 128), jnp.float32),
        mesh=mesh,
        compiler_params=pltpu.CompilerParams(use_tc_tiling_on_sc=False,
                                             needs_layout_passes=False),
        scratch_types=[
            pltpu.VMEM((two_d, tpw, 128), jnp.float32),
            pltpu.VMEM((per_w, 129), jnp.float32),
        ],
    )
    def sc_xpose(rows_hbm, comb_hbm, xch_v, out_t):
        wid = lax.axis_index("s") * info.num_cores + lax.axis_index("c")
        b0 = wid * per_w
        pltpu.sync_copy(rows_hbm.at[:, pl.ds(wid * tpw, tpw)], xch_v)
        lane16 = lax.broadcasted_iota(jnp.int32, (16,), 0)

        @plsc.parallel_loop(0, two_d * per_w // 16, unroll=8)
        def xpose_one(t):
            r = t % two_d
            bb = (t // two_d) * 16
            vals = xch_v[r, bb // 128, pl.ds(bb % 128, 16)]
            plsc.store_scatter(
                out_t, [bb + lane16, jnp.full((16,), r, jnp.int32)], vals)
        pltpu.sync_copy(out_t.at[:, pl.ds(0, 128)], comb_hbm.at[pl.ds(b0, per_w)])

    return sc_xpose


_sc_gather_t = _make_sc_gather_t(_BATCH, _EMB, 100000)
_sc_xpose = _make_sc_xpose(_BATCH, _EMB)


def _dot_t(a, w):
    return lax.dot_general(a, w, (((1,), (1,)), ((), ())),
                           preferred_element_type=jnp.float32)


def _mlp_body(comb, ft, w1, b1, w2, b2, w3, b3, w4, out):
    x = jnp.concatenate([comb[:, 0:64], ft[...]], axis=1)
    h = jnp.maximum(_dot_t(x, w1[...]) + b1[...], 0.0)
    h = jnp.maximum(_dot_t(h, w2[...]) + b2[...], 0.0)
    h = jnp.maximum(_dot_t(h, w3[...]) + b3[...], 0.0)
    h = jnp.concatenate([h, jnp.ones((h.shape[0], 1), jnp.float32)], axis=1)
    out[...] = jax.nn.sigmoid(_dot_t(w4[...], h))


def _mlp(comb, ft, W1, b1, W2, b2, W3, b3, W4e, blk=2048):
    batch = comb.shape[0]
    grid = (batch // blk,)
    full = lambda a: pl.BlockSpec(a.shape, lambda i: (0,) * a.ndim)
    row = lambda a: pl.BlockSpec((blk, a.shape[1]), lambda i: (i, 0))
    return pl.pallas_call(
        _mlp_body,
        grid=grid,
        in_specs=[
            row(comb), row(ft),
            full(W1), full(b1), full(W2), full(b2),
            full(W3), full(b3), full(W4e),
        ],
        out_specs=pl.BlockSpec((1, blk), lambda i: (0, i)),
        out_shape=jax.ShapeDtypeStruct((1, batch), jnp.float32),
    )(comb, ft, W1, b1, W2, b2, W3, b3, W4e)


def kernel(airport_a, airport_b, features, table,
           W1, b1, W2, b2, W3, b3, W4, b4):
    ia = airport_a.astype(jnp.int32)
    ib = airport_b.astype(jnp.int32)
    rows = _sc_gather_t(table.T, ia, ib)
    comb = _sc_xpose(rows)
    w4e = jnp.concatenate([W4, b4.reshape(1, 1)], axis=1)
    out = _mlp(comb, features,
               W1, b1.reshape(1, -1), W2, b2.reshape(1, -1),
               W3, b3.reshape(1, -1), w4e)
    return out.reshape(-1)

# --- scband reference (transcript-rebuilt; emitter-appended) ---
"""Pipeline reference for scband-airport-embedding-model-26379689132529 (READ-ONLY COPY).

The authoritative reference and input builder live on the scoring server;
editing this copy changes nothing except your own understanding.
"""

import jax, jax.numpy as jnp
import numpy as np

NUM_AIRPORTS = 100000
EMB_DIM = 32
EXTRA = 42
BATCH = 16384


def setup_inputs(seed: int = 0) -> dict:
    key = jax.random.key(seed)
    ks = jax.random.split(key, 12)
    airport_a = jax.random.randint(ks[0], (BATCH,), 0, NUM_AIRPORTS, dtype=jnp.int64 if jax.config.jax_enable_x64 else jnp.int32)
    airport_b = jax.random.randint(ks[1], (BATCH,), 0, NUM_AIRPORTS, dtype=jnp.int64 if jax.config.jax_enable_x64 else jnp.int32)
    features = jax.random.normal(ks[2], (BATCH, EXTRA), dtype=jnp.float32)
    table = jax.random.normal(ks[3], (NUM_AIRPORTS, EMB_DIM), dtype=jnp.float32)
    in_dim = EMB_DIM * 2 + EXTRA  # 106
    def lin(k, fan_in, fan_out):
        bound = 1.0 / np.sqrt(fan_in)
        kw, kb = jax.random.split(k)
        W = jax.random.uniform(kw, (fan_out, fan_in), minval=-bound, maxval=bound, dtype=jnp.float32)
        b = jax.random.uniform(kb, (fan_out,), minval=-bound, maxval=bound, dtype=jnp.float32)
        return W, b
    W1, b1 = lin(ks[4], in_dim, 256)
    W2, b2 = lin(ks[5], 256, 128)
    W3, b3 = lin(ks[6], 128, 64)
    W4, b4 = lin(ks[7], 64, 1)
    return {
        'airport_a': airport_a, 'airport_b': airport_b, 'features': features,
        'table': table,
        'W1': W1, 'b1': b1, 'W2': W2, 'b2': b2,
        'W3': W3, 'b3': b3, 'W4': W4, 'b4': b4,
    }


def reference(airport_a, airport_b, features, table, W1, b1, W2, b2, W3, b3, W4, b4):
    # Embedding lookups (SparseCore gather)
    emb_a = jnp.take(table, airport_a, axis=0)
    emb_b = jnp.take(table, airport_b, axis=0)
    x = jnp.concatenate([emb_a, emb_b, features], axis=1)
    # MLP (dropout is identity in eval mode)
    h = jax.nn.relu(x @ W1.T + b1)
    h = jax.nn.relu(h @ W2.T + b2)
    h = jax.nn.relu(h @ W3.T + b3)
    out = jax.nn.sigmoid(h @ W4.T + b4)
    return out.squeeze(1)


if False:  # reference __main__ guard neutralized (emitter)
    inp = setup_inputs()
    out = reference(**inp)
    print(out.shape, out.dtype)

if __name__ == "__main__":
    import jax
    _d = setup_inputs()
    print(jax.jit(kernel)(*tuple(_d.values())))

</pallas_src>

<mosaic_0001>
#map = affine_map<(d0, d1) -> (0, 0)>
#map1 = affine_map<(d0, d1) -> (0)>
#map2 = affine_map<(d0, d1) -> (0, 0, 0)>
module attributes {stable_mosaic.version = 14 : i64} {
  func.func @sc_gather(%arg0: i32, %arg1: i32, %arg2: memref<32x100000xf32, #tpu.memory_space<hbm>>, %arg3: memref<16384xi32, #tpu.memory_space<hbm>>, %arg4: memref<16384xi32, #tpu.memory_space<hbm>>, %arg5: memref<64x128x128xf32, #tpu.memory_space<hbm>>, %arg6: memref<100000xf32, #tpu.memory_space<vmem>>, %arg7: memref<2x2048xi32, #tpu.memory_space<vmem>>, %arg8: memref<2x2048xi32, #tpu.memory_space<vmem>>, %arg9: memref<2x16x128xf32, #tpu.memory_space<vmem>>, %arg10: memref<2x16x128xf32, #tpu.memory_space<vmem>>, %arg11: memref<!tpu.dma_semaphore, #tpu.memory_space<semaphore_mem>>, %arg12: memref<!tpu.dma_semaphore, #tpu.memory_space<semaphore_mem>>, %arg13: memref<!tpu.dma_semaphore, #tpu.memory_space<semaphore_mem>>, %arg14: memref<!tpu.dma_semaphore, #tpu.memory_space<semaphore_mem>>, %arg15: memref<!tpu.dma_semaphore, #tpu.memory_space<semaphore_mem>>, %arg16: memref<!tpu.dma_semaphore, #tpu.memory_space<semaphore_mem>>, %arg17: memref<!tpu.dma_semaphore, #tpu.memory_space<semaphore_mem>>, %arg18: memref<!tpu.dma_semaphore, #tpu.memory_space<semaphore_mem>>, %arg19: memref<!tpu.dma_semaphore, #tpu.memory_space<semaphore_mem>>) attributes {dimension_semantics = [#tpu.dimension_semantics<core_parallel>, #tpu.dimension_semantics<subcore_parallel>], iteration_bounds = array<i64: 2, 16>, scalar_prefetch = 0 : i64, scratch_operands = 14 : i64, tpu.core_type = #tpu.core_type<sc_vector_subcore>, window_params = [{transform_indices = #map}, {transform_indices = #map1}, {transform_indices = #map1}, {transform_indices = #map2}]} {
    %mul3A = arith.constant 16 : i32
    %mul3A_0 = arith.muli %arg0, %mul3A : i32
    %add3A = arith.addi %mul3A_0, %arg1 : i32
    %dma_start3A = arith.constant 0 : i32
    %dma_start3A_1 = tpu.memref_slice %arg2[%add3A, %dma_start3A] : memref<32x100000xf32, #tpu.memory_space<hbm>> -> memref<1x100000xf32, #tpu.memory_space<hbm>>
    %dma_start3A_2 = tpu.memref_squeeze %dma_start3A_1 : memref<1x100000xf32, #tpu.memory_space<hbm>> -> memref<100000xf32, #tpu.memory_space<hbm>>
    %dma_start3A_3 = arith.constant 0 : i32
    %dma_start3A_4 = tpu.memref_slice %arg2[%add3A, %dma_start3A_3] : memref<32x100000xf32, #tpu.memory_space<hbm>> -> memref<1x100000xf32, #tpu.memory_space<hbm>>
    %dma_start3A_5 = tpu.memref_squeeze %dma_start3A_4 : memref<1x100000xf32, #tpu.memory_space<hbm>> -> memref<100000xf32, #tpu.memory_space<hbm>>
    tpu.enqueue_dma source(%dma_start3A_5 : memref<100000xf32, #tpu.memory_space<hbm>>) target(%arg6 : memref<100000xf32, #tpu.memory_space<vmem>>) target_semaphore(%arg11 : memref<!tpu.dma_semaphore, #tpu.memory_space<semaphore_mem>>)
    %dma_start3A_6 = arith.constant 0 : i32
    %dma_start3A_7 = arith.constant 0 : i32
    %dma_start3A_8 = tpu.memref_slice %arg7[%dma_start3A_6, %dma_start3A_7] : memref<2x2048xi32, #tpu.memory_space<vmem>> -> memref<1x2048xi32, #tpu.memory_space<vmem>>
    %dma_start3A_9 = tpu.memref_squeeze %dma_start3A_8 : memref<1x2048xi32, #tpu.memory_space<vmem>> -> memref<2048xi32, #tpu.memory_space<vmem>>
    %dma_start3A_10 = arith.constant 0 : i32
    %dma_start3A_11 = tpu.memref_slice %arg3[%dma_start3A_10] : memref<16384xi32, #tpu.memory_space<hbm>> -> memref<2048xi32, #tpu.memory_space<hbm>>
    %dma_start3A_12 = arith.constant 0 : i32
    %dma_start3A_13 = tpu.memref_slice %arg7[%dma_start3A_6, %dma_start3A_12] : memref<2x2048xi32, #tpu.memory_space<vmem>> -> memref<1x2048xi32, #tpu.memory_space<vmem>>
    %dma_start3A_14 = tpu.memref_squeeze %dma_start3A_13 : memref<1x2048xi32, #tpu.memory_space<vmem>> -> memref<2048xi32, #tpu.memory_space<vmem>>
    %dma_start3A_15 = arith.constant 0 : i32
    %dma_start3A_16 = tpu.memref_slice %arg3[%dma_start3A_15] : memref<16384xi32, #tpu.memory_space<hbm>> -> memref<2048xi32, #tpu.memory_space<hbm>>
    tpu.enqueue_dma source(%dma_start3A_16 : memref<2048xi32, #tpu.memory_space<hbm>>) target(%dma_start3A_14 : memref<2048xi32, #tpu.memory_space<vmem>>) target_semaphore(%arg12 : memref<!tpu.dma_semaphore, #tpu.memory_space<semaphore_mem>>)
    %dma_start3A_17 = arith.constant 0 : i32
    %dma_start3A_18 = arith.constant 0 : i32
    %dma_start3A_19 = tpu.memref_slice %arg8[%dma_start3A_17, %dma_start3A_18] : memref<2x2048xi32, #tpu.memory_space<vmem>> -> memref<1x2048xi32, #tpu.memory_space<vmem>>
    %dma_start3A_20 = tpu.memref_squeeze %dma_start3A_19 : memref<1x2048xi32, #tpu.memory_space<vmem>> -> memref<2048xi32, #tpu.memory_space<vmem>>
    %dma_start3A_21 = arith.constant 0 : i32
    %dma_start3A_22 = tpu.memref_slice %arg4[%dma_start3A_21] : memref<16384xi32, #tpu.memory_space<hbm>> -> memref<2048xi32, #tpu.memory_space<hbm>>
    %dma_start3A_23 = arith.constant 0 : i32
    %dma_start3A_24 = tpu.memref_slice %arg8[%dma_start3A_17, %dma_start3A_23] : memref<2x2048xi32, #tpu.memory_space<vmem>> -> memref<1x2048xi32, #tpu.memory_space<vmem>>
    %dma_start3A_25 = tpu.memref_squeeze %dma_start3A_24 : memref<1x2048xi32, #tpu.memory_space<vmem>> -> memref<2048xi32, #tpu.memory_space<vmem>>
    %dma_start3A_26 = arith.constant 0 : i32
    %dma_start3A_27 = tpu.memref_slice %arg4[%dma_start3A_26] : memref<16384xi32, #tpu.memory_space<hbm>> -> memref<2048xi32, #tpu.memory_space<hbm>>
    tpu.enqueue_dma source(%dma_start3A_27 : memref<2048xi32, #tpu.memory_space<hbm>>) target(%dma_start3A_25 : memref<2048xi32, #tpu.memory_space<vmem>>) target_semaphore(%arg14 : memref<!tpu.dma_semaphore, #tpu.memory_space<semaphore_mem>>)
    %dma_wait3A = arith.constant 0 : i32
    %dma_wait3A_28 = tpu.memref_slice %arg2[%add3A, %dma_wait3A] : memref<32x100000xf32, #tpu.memory_space<hbm>> -> memref<1x100000xf32, #tpu.memory_space<hbm>>
    %dma_wait3A_29 = tpu.memref_squeeze %dma_wait3A_28 : memref<1x100000xf32, #tpu.memory_space<hbm>> -> memref<100000xf32, #tpu.memory_space<hbm>>
    %dma_wait3A_30 = arith.constant 0 : i32
    %dma_wait3A_31 = tpu.memref_slice %arg2[%add3A, %dma_wait3A_30] : memref<32x100000xf32, #tpu.memory_space<hbm>> -> memref<1x100000xf32, #tpu.memory_space<hbm>>
    %dma_wait3A_32 = tpu.memref_squeeze %dma_wait3A_31 : memref<1x100000xf32, #tpu.memory_space<hbm>> -> memref<100000xf32, #tpu.memory_space<hbm>>
    tpu.wait_dma2 semaphore(%arg11 : memref<!tpu.dma_semaphore, #tpu.memory_space<semaphore_mem>>) src(%dma_wait3A_32 : memref<100000xf32, #tpu.memory_space<hbm>>) dst(%arg6 : memref<100000xf32, #tpu.memory_space<vmem>>)
    %dma_wait3A_33 = arith.constant 0 : i32
    %dma_wait3A_34 = arith.constant 0 : i32
    %dma_wait3A_35 = tpu.memref_slice %arg7[%dma_wait3A_33, %dma_wait3A_34] : memref<2x2048xi32, #tpu.memory_space<vmem>> -> memref<1x2048xi32, #tpu.memory_space<vmem>>
    %dma_wait3A_36 = tpu.memref_squeeze %dma_wait3A_35 : memref<1x2048xi32, #tpu.memory_space<vmem>> -> memref<2048xi32, #tpu.memory_space<vmem>>
    %dma_wait3A_37 = arith.constant 0 : i32
    %dma_wait3A_38 = tpu.memref_slice %arg3[%dma_wait3A_37] : memref<16384xi32, #tpu.memory_space<hbm>> -> memref<2048xi32, #tpu.memory_space<hbm>>
    %dma_wait3A_39 = arith.constant 0 : i32
    %dma_wait3A_40 = tpu.memref_slice %arg7[%dma_wait3A_33, %dma_wait3A_39] : memref<2x2048xi32, #tpu.memory_space<vmem>> -> memref<1x2048xi32, #tpu.memory_space<vmem>>
    %dma_wait3A_41 = tpu.memref_squeeze %dma_wait3A_40 : memref<1x2048xi32, #tpu.memory_space<vmem>> -> memref<2048xi32, #tpu.memory_space<vmem>>
    %dma_wait3A_42 = arith.constant 0 : i32
    %dma_wait3A_43 = tpu.memref_slice %arg3[%dma_wait3A_42] : memref<16384xi32, #tpu.memory_space<hbm>> -> memref<2048xi32, #tpu.memory_space<hbm>>
    tpu.wait_dma2 semaphore(%arg12 : memref<!tpu.dma_semaphore, #tpu.memory_space<semaphore_mem>>) src(%dma_wait3A_43 : memref<2048xi32, #tpu.memory_space<hbm>>) dst(%dma_wait3A_41 : memref<2048xi32, #tpu.memory_space<vmem>>)
    %dma_wait3A_44 = arith.constant 0 : i32
    %dma_wait3A_45 = arith.constant 0 : i32
    %dma_wait3A_46 = tpu.memref_slice %arg8[%dma_wait3A_44, %dma_wait3A_45] : memref<2x2048xi32, #tpu.memory_space<vmem>> -> memref<1x2048xi32, #tpu.memory_space<vmem>>
    %dma_wait3A_47 = tpu.memref_squeeze %dma_wait3A_46 : memref<1x2048xi32, #tpu.memory_space<vmem>> -> memref<2048xi32, #tpu.memory_space<vmem>>
    %dma_wait3A_48 = arith.constant 0 : i32
    %dma_wait3A_49 = tpu.memref_slice %arg4[%dma_wait3A_48] : memref<16384xi32, #tpu.memory_space<hbm>> -> memref<2048xi32, #tpu.memory_space<hbm>>
    %dma_wait3A_50 = arith.constant 0 : i32
    %dma_wait3A_51 = tpu.memref_slice %arg8[%dma_wait3A_44, %dma_wait3A_50] : memref<2x2048xi32, #tpu.memory_space<vmem>> -> memref<1x2048xi32, #tpu.memory_space<vmem>>
    %dma_wait3A_52 = tpu.memref_squeeze %dma_wait3A_51 : memref<1x2048xi32, #tpu.memory_space<vmem>> -> memref<2048xi32, #tpu.memory_space<vmem>>
    %dma_wait3A_53 = arith.constant 0 : i32
    %dma_wait3A_54 = tpu.memref_slice %arg4[%dma_wait3A_53] : memref<16384xi32, #tpu.memory_space<hbm>> -> memref<2048xi32, #tpu.memory_space<hbm>>
    tpu.wait_dma2 semaphore(%arg14 : memref<!tpu.dma_semaphore, #tpu.memory_space<semaphore_mem>>) src(%dma_wait3A_54 : memref<2048xi32, #tpu.memory_space<hbm>>) dst(%dma_wait3A_52 : memref<2048xi32, #tpu.memory_space<vmem>>)
    %dma_start3A_55 = arith.constant 1 : i32
    %dma_start3A_56 = arith.constant 0 : i32
    %dma_start3A_57 = tpu.memref_slice %arg7[%dma_start3A_55, %dma_start3A_56] : memref<2x2048xi32, #tpu.memory_space<vmem>> -> memref<1x2048xi32, #tpu.memory_space<vmem>>
    %dma_start3A_58 = tpu.memref_squeeze %dma_start3A_57 : memref<1x2048xi32, #tpu.memory_space<vmem>> -> memref<2048xi32, #tpu.memory_space<vmem>>
    %dma_start3A_59 = arith.constant 2048 : i32
    %dma_start3A_60 = tpu.memref_slice %arg3[%dma_start3A_59] : memref<16384xi32, #tpu.memory_space<hbm>> -> memref<2048xi32, #tpu.memory_space<hbm>>
    %dma_start3A_61 = arith.constant 0 : i32
    %dma_start3A_62 = tpu.memref_slice %arg7[%dma_start3A_55, %dma_start3A_61] : memref<2x2048xi32, #tpu.memory_space<vmem>> -> memref<1x2048xi32, #tpu.memory_space<vmem>>
    %dma_start3A_63 = tpu.memref_squeeze %dma_start3A_62 : memref<1x2048xi32, #tpu.memory_space<vmem>> -> memref<2048xi32, #tpu.memory_space<vmem>>
    %dma_start3A_64 = arith.constant 2048 : i32
    %dma_start3A_65 = tpu.memref_slice %arg3[%dma_start3A_64] : memref<16384xi32, #tpu.memory_space<hbm>> -> memref<2048xi32, #tpu.memory_space<hbm>>
    tpu.enqueue_dma source(%dma_start3A_65 : memref<2048xi32, #tpu.memory_space<hbm>>) target(%dma_start3A_63 : memref<2048xi32, #tpu.memory_space<vmem>>) target_semaphore(%arg13 : memref<!tpu.dma_semaphore, #tpu.memory_space<semaphore_mem>>)
    %dma_start3A_66 = arith.constant 1 : i32
    %dma_start3A_67 = arith.constant 0 : i32
    %dma_start3A_68 = tpu.memref_slice %arg8[%dma_start3A_66, %dma_start3A_67] : memref<2x2048xi32, #tpu.memory_space<vmem>> -> memref<1x2048xi32, #tpu.memory_space<vmem>>
    %dma_start3A_69 = tpu.memref_squeeze %dma_start3A_68 : memref<1x2048xi32, #tpu.memory_space<vmem>> -> memref<2048xi32, #tpu.memory_space<vmem>>
    %dma_start3A_70 = arith.constant 2048 : i32
    %dma_start3A_71 = tpu.memref_slice %arg4[%dma_start3A_70] : memref<16384xi32, #tpu.memory_space<hbm>> -> memref<2048xi32, #tpu.memory_space<hbm>>
    %dma_start3A_72 = arith.constant 0 : i32
    %dma_start3A_73 = tpu.memref_slice %arg8[%dma_start3A_66, %dma_start3A_72] : memref<2x2048xi32, #tpu.memory_space<vmem>> -> memref<1x2048xi32, #tpu.memory_space<vmem>>
    %dma_start3A_74 = tpu.memref_squeeze %dma_start3A_73 : memref<1x2048xi32, #tpu.memory_space<vmem>> -> memref<2048xi32, #tpu.memory_space<vmem>>
    %dma_start3A_75 = arith.constant 2048 : i32
    %dma_start3A_76 = tpu.memref_slice %arg4[%dma_start3A_75] : memref<16384xi32, #tpu.memory_space<hbm>> -> memref<2048xi32, #tpu.memory_space<hbm>>
    tpu.enqueue_dma source(%dma_start3A_76 : memref<2048xi32, #tpu.memory_space<hbm>>) target(%dma_start3A_74 : memref<2048xi32, #tpu.memory_space<vmem>>) target_semaphore(%arg15 : memref<!tpu.dma_semaphore, #tpu.memory_space<semaphore_mem>>)
    %parallel_loop3A = arith.constant 0 : i32
    %parallel_loop3A_77 = arith.constant 128 : i32
    %parallel_loop3A_78 = arith.constant 1 : i32
    scf.for %parallel_loop3A_946 = %parallel_loop3A to %parallel_loop3A_77 step %parallel_loop3A_78  : i32 {
      %parallel_loop3A_947 = arith.constant 16 : i32
      %parallel_loop3A_948 = arith.muli %parallel_loop3A_946, %parallel_loop3A_947 : i32
      %parallel_loop3A_949 = arith.constant 128 : i32
      %parallel_loop3A_950 = arith.divsi %parallel_loop3A_948, %parallel_loop3A_949 : i32
      %parallel_loop3A_951 = arith.constant 0 : i32
      %parallel_loop3A_952 = arith.cmpi sgt, %parallel_loop3A_948, %parallel_loop3A_951 : i32
      %parallel_loop3A_953 = arith.extui %parallel_loop3A_952 : i1 to i32
      %parallel_loop3A_954 = arith.constant 0 : i32
      %parallel_loop3A_955 = arith.cmpi slt, %parallel_loop3A_948, %parallel_loop3A_954 : i32
      %parallel_loop3A_956 = arith.extui %parallel_loop3A_955 : i1 to i32
      %parallel_loop3A_957 = arith.subi %parallel_loop3A_953, %parallel_loop3A_956 : i32
      %parallel_loop3A_958 = arith.constant 0 : i32
      %parallel_loop3A_959 = arith.cmpi sgt, %parallel_loop3A_949, %parallel_loop3A_958 : i32
      %parallel_loop3A_960 = arith.extui %parallel_loop3A_959 : i1 to i32
      %parallel_loop3A_961 = arith.constant 0 : i32
      %parallel_loop3A_962 = arith.cmpi slt, %parallel_loop3A_949, %parallel_loop3A_961 : i32
      %parallel_loop3A_963 = arith.extui %parallel_loop3A_962 : i1 to i32
      %parallel_loop3A_964 = arith.subi %parallel_loop3A_960, %parallel_loop3A_963 : i32
      %parallel_loop3A_965 = arith.cmpi ne, %parallel_loop3A_957, %parallel_loop3A_964 : i32
      %parallel_loop3A_966 = arith.remsi %parallel_loop3A_948, %parallel_loop3A_949 : i32
      %parallel_loop3A_967 = arith.constant 0 : i32
      %parallel_loop3A_968 = arith.cmpi ne, %parallel_loop3A_966, %parallel_loop3A_967 : i32
      %parallel_loop3A_969 = arith.andi %parallel_loop3A_965, %parallel_loop3A_968 : i1
      %parallel_loop3A_970 = arith.constant 1 : i32
      %parallel_loop3A_971 = arith.subi %parallel_loop3A_950, %parallel_loop3A_970 : i32
      %parallel_loop3A_972 = arith.select %parallel_loop3A_969, %parallel_loop3A_971, %parallel_loop3A_950 : i32
      %parallel_loop3A_973 = arith.constant 128 : i32
      %parallel_loop3A_974 = arith.constant 0 : i32
      %parallel_loop3A_975 = arith.cmpi eq, %parallel_loop3A_973, %parallel_loop3A_974 : i32
      %parallel_loop3A_976 = arith.constant 1 : i32
      %parallel_loop3A_977 = arith.select %parallel_loop3A_975, %parallel_loop3A_976, %parallel_loop3A_973 : i32
      %parallel_loop3A_978 = arith.remsi %parallel_loop3A_948, %parallel_loop3A_977 : i32
      %parallel_loop3A_979 = arith.constant 0 : i32
      %parallel_loop3A_980 = arith.cmpi ne, %parallel_loop3A_978, %parallel_loop3A_979 : i32
      %parallel_loop3A_981 = arith.constant 0 : i32
      %parallel_loop3A_982 = arith.cmpi slt, %parallel_loop3A_978, %parallel_loop3A_981 : i32
      %parallel_loop3A_983 = arith.constant 0 : i32
      %parallel_loop3A_984 = arith.cmpi slt, %parallel_loop3A_977, %parallel_loop3A_983 : i32
      %parallel_loop3A_985 = arith.xori %parallel_loop3A_982, %parallel_loop3A_984 : i1
      %parallel_loop3A_986 = arith.andi %parallel_loop3A_985, %parallel_loop3A_980 : i1
      %parallel_loop3A_987 = arith.addi %parallel_loop3A_978, %parallel_loop3A_977 : i32
      %parallel_loop3A_988 = arith.select %parallel_loop3A_986, %parallel_loop3A_987, %parallel_loop3A_978 : i32
      %parallel_loop3A_989 = arith.constant 0 : i32
      %parallel_loop3A_990 = arith.index_cast %parallel_loop3A_989 : i32 to index
      %parallel_loop3A_991 = arith.index_cast %parallel_loop3A_948 : i32 to index
      %parallel_loop3A_992 = tpu.vector_load %arg7[%parallel_loop3A_990, %parallel_loop3A_991] {strides = array<i32>} : memref<2x2048xi32, #tpu.memory_space<vmem>>, vector<16xi32>,
      %parallel_loop3A_993 = tpu.vector_load_idx %arg6[%parallel_loop3A_992] : memref<100000xf32, #tpu.memory_space<vmem>>[vector<16xi32>], vector<16xf32>,
      %parallel_loop3A_994 = arith.constant 0 : i32
      %parallel_loop3A_995 = arith.index_cast %parallel_loop3A_994 : i32 to index
      %parallel_loop3A_996 = arith.index_cast %parallel_loop3A_972 : i32 to index
      %parallel_loop3A_997 = arith.index_cast %parallel_loop3A_988 : i32 to index
      %parallel_loop3A_998 = tpu.vector_load %arg9[%parallel_loop3A_995, %parallel_loop3A_996, %parallel_loop3A_997] {strides = array<i32>} : memref<2x16x128xf32, #tpu.memory_space<vmem>>, vector<16xf32>,
      tpu.vector_store %arg9[%parallel_loop3A_995, %parallel_loop3A_996, %parallel_loop3A_997], %parallel_loop3A_993 {strides = array<i32>} : memref<2x16x128xf32, #tpu.memory_space<vmem>>, vector<16xf32>,
      %parallel_loop3A_999 = arith.constant 0 : i32
      %parallel_loop3A_1000 = arith.index_cast %parallel_loop3A_999 : i32 to index
      %parallel_loop3A_1001 = arith.index_cast %parallel_loop3A_948 : i32 to index
      %parallel_loop3A_1002 = tpu.vector_load %arg8[%parallel_loop3A_1000, %parallel_loop3A_1001] {strides = array<i32>} : memref<2x2048xi32, #tpu.memory_space<vmem>>, vector<16xi32>,
      %parallel_loop3A_1003 = tpu.vector_load_idx %arg6[%parallel_loop3A_1002] : memref<100000xf32, #tpu.memory_space<vmem>>[vector<16xi32>], vector<16xf32>,
      %parallel_loop3A_1004 = arith.constant 0 : i32
      %parallel_loop3A_1005 = arith.index_cast %parallel_loop3A_1004 : i32 to index
      %parallel_loop3A_1006 = arith.index_cast %parallel_loop3A_972 : i32 to index
      %parallel_loop3A_1007 = arith.index_cast %parallel_loop3A_988 : i32 to index
      %parallel_loop3A_1008 = tpu.vector_load %arg10[%parallel_loop3A_1005, %parallel_loop3A_1006, %parallel_loop3A_1007] {strides = array<i32>} : memref<2x16x128xf32, #tpu.memory_space<vmem>>, vector<16xf32>,
      tpu.vector_store %arg10[%parallel_loop3A_1005, %parallel_loop3A_1006, %parallel_loop3A_1007], %parallel_loop3A_1003 {strides = array<i32>} : memref<2x16x128xf32, #tpu.memory_space<vmem>>, vector<16xf32>,
    } {sc.loop_unroll_factor = 16 : i64, sc.parallel_access}
    %dma_start3A_79 = arith.constant 0 : i32
    %dma_start3A_80 = arith.constant 0 : i32
    %dma_start3A_81 = arith.constant 0 : i32
    %dma_start3A_82 = tpu.memref_slice %arg9[%dma_start3A_79, %dma_start3A_80, %dma_start3A_81] : memref<2x16x128xf32, #tpu.memory_space<vmem>> -> memref<1x16x128xf32, #tpu.memory_space<vmem>>
    %dma_start3A_83 = tpu.memref_squeeze %dma_start3A_82 : memref<1x16x128xf32, #tpu.memory_space<vmem>> -> memref<16x128xf32, #tpu.memory_space<vmem>>
    %dma_start3A_84 = arith.constant 0 : i32
    %dma_start3A_85 = arith.constant 0 : i32
    %dma_start3A_86 = tpu.memref_slice %arg5[%add3A, %dma_start3A_84, %dma_start3A_85] : memref<64x128x128xf32, #tpu.memory_space<hbm>> -> memref<1x16x128xf32, #tpu.memory_space<hbm>>
    %dma_start3A_87 = tpu.memref_squeeze %dma_start3A_86 : memref<1x16x128xf32, #tpu.memory_space<hbm>> -> memref<16x128xf32, #tpu.memory_space<hbm>>
    %dma_start3A_88 = arith.constant 0 : i32
    %dma_start3A_89 = arith.constant 0 : i32
    %dma_start3A_90 = tpu.memref_slice %arg5[%add3A, %dma_start3A_88, %dma_start3A_89] : memref<64x128x128xf32, #tpu.memory_space<hbm>> -> memref<1x16x128xf32, #tpu.memory_space<hbm>>
    %dma_start3A_91 = tpu.memref_squeeze %dma_start3A_90 : memref<1x16x128xf32, #tpu.memory_space<hbm>> -> memref<16x128xf32, #tpu.memory_space<hbm>>
    %dma_start3A_92 = arith.constant 0 : i32
    %dma_start3A_93 = arith.constant 0 : i32
    %dma_start3A_94 = tpu.memref_slice %arg9[%dma_start3A_79, %dma_start3A_92, %dma_start3A_93] : memref<2x16x128xf32, #tpu.memory_space<vmem>> -> memref<1x16x128xf32, #tpu.memory_space<vmem>>
    %dma_start3A_95 = tpu.memref_squeeze %dma_start3A_94 : memref<1x16x128xf32, #tpu.memory_space<vmem>> -> memref<16x128xf32, #tpu.memory_space<vmem>>
    tpu.enqueue_dma source(%dma_start3A_95 : memref<16x128xf32, #tpu.memory_space<vmem>>) target(%dma_start3A_91 : memref<16x128xf32, #tpu.memory_space<hbm>>) target_semaphore(%arg16 : memref<!tpu.dma_semaphore, #tpu.memory_space<semaphore_mem>>)
    %add3A_96 = arith.constant 32 : i32
    %add3A_97 = arith.addi %add3A_96, %add3A : i32
    %dma_start3A_98 = arith.constant 0 : i32
    %dma_start3A_99 = arith.constant 0 : i32
    %dma_start3A_100 = arith.constant 0 : i32
    %dma_start3A_101 = tpu.memref_slice %arg10[%dma_start3A_98, %dma_start3A_99, %dma_start3A_100] : memref<2x16x128xf32, #tpu.memory_space<vmem>> -> memref<1x16x128xf32, #tpu.memory_space<vmem>>
    %dma_start3A_102 = tpu.memref_squeeze %dma_start3A_101 : memref<1x16x128xf32, #tpu.memory_space<vmem>> -> memref<16x128xf32, #tpu.memory_space<vmem>>
    %dma_start3A_103 = arith.constant 0 : i32
    %dma_start3A_104 = arith.constant 0 : i32
    %dma_start3A_105 = tpu.memref_slice %arg5[%add3A_97, %dma_start3A_103, %dma_start3A_104] : memref<64x128x128xf32, #tpu.memory_space<hbm>> -> memref<1x16x128xf32, #tpu.memory_space<hbm>>
    %dma_start3A_106 = tpu.memref_squeeze %dma_start3A_105 : memref<1x16x128xf32, #tpu.memory_space<hbm>> -> memref<16x128xf32, #tpu.memory_space<hbm>>
    %dma_start3A_107 = arith.constant 0 : i32
    %dma_start3A_108 = arith.constant 0 : i32
    %dma_start3A_109 = tpu.memref_slice %arg5[%add3A_97, %dma_start3A_107, %dma_start3A_108] : memref<64x128x128xf32, #tpu.memory_space<hbm>> -> memref<1x16x128xf32, #tpu.memory_space<hbm>>
    %dma_start3A_110 = tpu.memref_squeeze %dma_start3A_109 : memref<1x16x128xf32, #tpu.memory_space<hbm>> -> memref<16x128xf32, #tpu.memory_space<hbm>>
    %dma_start3A_111 = arith.constant 0 : i32
    %dma_start3A_112 = arith.constant 0 : i32
    %dma_start3A_113 = tpu.memref_slice %arg10[%dma_start3A_98, %dma_start3A_111, %dma_start3A_112] : memref<2x16x128xf32, #tpu.memory_space<vmem>> -> memref<1x16x128xf32, #tpu.memory_space<vmem>>
    %dma_start3A_114 = tpu.memref_squeeze %dma_start3A_113 : memref<1x16x128xf32, #tpu.memory_space<vmem>> -> memref<16x128xf32, #tpu.memory_space<vmem>>
    tpu.enqueue_dma source(%dma_start3A_114 : memref<16x128xf32, #tpu.memory_space<vmem>>) target(%dma_start3A_110 : memref<16x128xf32, #tpu.memory_space<hbm>>) target_semaphore(%arg18 : memref<!tpu.dma_semaphore, #tpu.memory_space<semaphore_mem>>)
    %dma_wait3A_115 = arith.constant 1 : i32
    %dma_wait3A_116 = arith.constant 0 : i32
    %dma_wait3A_117 = tpu.memref_slice %arg7[%dma_wait3A_115, %dma_wait3A_116] : memref<2x2048xi32, #tpu.memory_space<vmem>> -> memref<1x2048xi32, #tpu.memory_space<vmem>>
    %dma_wait3A_118 = tpu.memref_squeeze %dma_wait3A_117 : memref<1x2048xi32, #tpu.memory_space<vmem>> -> memref<2048xi32, #tpu.memory_space<vmem>>
    %dma_wait3A_119 = arith.constant 2048 : i32
    %dma_wait3A_120 = tpu.memref_slice %arg3[%dma_wait3A_119] : memref<16384xi32, #tpu.memory_space<hbm>> -> memref<2048xi32, #tpu.memory_space<hbm>>
    %dma_wait3A_121 = arith.constant 0 : i32
    %dma_wait3A_122 = tpu.memref_slice %arg7[%dma_wait3A_115, %dma_wait3A_121] : memref<2x2048xi32, #tpu.memory_space<vmem>> -> memref<1x2048xi32, #tpu.memory_space<vmem>>
    %dma_wait3A_123 = tpu.memref_squeeze %dma_wait3A_122 : memref<1x2048xi32, #tpu.memory_space<vmem>> -> memref<2048xi32, #tpu.memory_space<vmem>>
    %dma_wait3A_124 = arith.constant 2048 : i32
    %dma_wait3A_125 = tpu.memref_slice %arg3[%dma_wait3A_124] : memref<16384xi32, #tpu.memory_space<hbm>> -> memref<2048xi32, #tpu.memory_space<hbm>>
    tpu.wait_dma2 semaphore(%arg13 : memref<!tpu.dma_semaphore, #tpu.memory_space<semaphore_mem>>) src(%dma_wait3A_125 : memref<2048xi32, #tpu.memory_space<hbm>>) dst(%dma_wait3A_123 : memref<2048xi32, #tpu.memory_space<vmem>>)
    %dma_wait3A_126 = arith.constant 1 : i32
    %dma_wait3A_127 = arith.constant 0 : i32
    %dma_wait3A_128 = tpu.memref_slice %arg8[%dma_wait3A_126, %dma_wait3A_127] : memref<2x2048xi32, #tpu.memory_space<vmem>> -> memref<1x2048xi32, #tpu.memory_space<vmem>>
    %dma_wait3A_129 = tpu.memref_squeeze %dma_wait3A_128 : memref<1x2048xi32, #tpu.memory_space<vmem>> -> memref<2048xi32, #tpu.memory_space<vmem>>
    %dma_wait3A_130 = arith.constant 2048 : i32
    %dma_wait3A_131 = tpu.memref_slice %arg4[%dma_wait3A_130] : memref<16384xi32, #tpu.memory_space<hbm>> -> memref<2048xi32, #tpu.memory_space<hbm>>
    %dma_wait3A_132 = arith.constant 0 : i32
    %dma_wait3A_133 = tpu.memref_slice %arg8[%dma_wait3A_126, %dma_wait3A_132] : memref<2x2048xi32, #tpu.memory_space<vmem>> -> memref<1x2048xi32, #tpu.memory_space<vmem>>
    %dma_wait3A_134 = tpu.memref_squeeze %dma_wait3A_133 : memref<1x2048xi32, #tpu.memory_space<vmem>> -> memref<2048xi32, #tpu.memory_space<vmem>>
    %dma_wait3A_135 = arith.constant 2048 : i32
    %dma_wait3A_136 = tpu.memref_slice %arg4[%dma_wait3A_135] : memref<16384xi32, #tpu.memory_space<hbm>> -> memref<2048xi32, #tpu.memory_space<hbm>>
    tpu.wait_dma2 semaphore(%arg15 : memref<!tpu.dma_semaphore, #tpu.memory_space<semaphore_mem>>) src(%dma_wait3A_136 : memref<2048xi32, #tpu.memory_space<hbm>>) dst(%dma_wait3A_134 : memref<2048xi32, #tpu.memory_space<vmem>>)
    %dma_start3A_137 = arith.constant 0 : i32
    %dma_start3A_138 = arith.constant 0 : i32
    %dma_start3A_139 = tpu.memref_slice %arg7[%dma_start3A_137, %dma_start3A_138] : memref<2x2048xi32, #tpu.memory_space<vmem>> -> memref<1x2048xi32, #tpu.memory_space<vmem>>
    %dma_start3A_140 = tpu.memref_squeeze %dma_start3A_139 : memref<1x2048xi32, #tpu.memory_space<vmem>> -> memref<2048xi32, #tpu.memory_space<vmem>>
    %dma_start3A_141 = arith.constant 4096 : i32
    %dma_start3A_142 = tpu.memref_slice %arg3[%dma_start3A_141] : memref<16384xi32, #tpu.memory_space<hbm>> -> memref<2048xi32, #tpu.memory_space<hbm>>
    %dma_start3A_143 = arith.constant 0 : i32
    %dma_start3A_144 = tpu.memref_slice %arg7[%dma_start3A_137, %dma_start3A_143] : memref<2x2048xi32, #tpu.memory_space<vmem>> -> memref<1x2048xi32, #tpu.memory_space<vmem>>
    %dma_start3A_145 = tpu.memref_squeeze %dma_start3A_144 : memref<1x2048xi32, #tpu.memory_space<vmem>> -> memref<2048xi32, #tpu.memory_space<vmem>>
    %dma_start3A_146 = arith.constant 4096 : i32
    %dma_start3A_147 = tpu.memref_slice %arg3[%dma_start3A_146] : memref<16384xi32, #tpu.memory_space<hbm>> -> memref<2048xi32, #tpu.memory_space<hbm>>
    tpu.enqueue_dma source(%dma_start3A_147 : memref<2048xi32, #tpu.memory_space<hbm>>) target(%dma_start3A_145 : memref<2048xi32, #tpu.memory_space<vmem>>) target_semaphore(%arg12 : memref<!tpu.dma_semaphore, #tpu.memory_space<semaphore_mem>>)
    %dma_start3A_148 = arith.constant 0 : i32
    %dma_start3A_149 = arith.constant 0 : i32
    %dma_start3A_150 = tpu.memref_slice %arg8[%dma_start3A_148, %dma_start3A_149] : memref<2x2048xi32, #tpu.memory_space<vmem>> -> memref<1x2048xi32, #tpu.memory_space<vmem>>
    %dma_start3A_151 = tpu.memref_squeeze %dma_start3A_150 : memref<1x2048xi32, #tpu.memory_space<vmem>> -> memref<2048xi32, #tpu.memory_space<vmem>>
    %dma_start3A_152 = arith.constant 4096 : i32
    %dma_start3A_153 = tpu.memref_slice %arg4[%dma_start3A_152] : memref<16384xi32, #tpu.memory_space<hbm>> -> memref<2048xi32, #tpu.memory_space<hbm>>
    %dma_start3A_154 = arith.constant 0 : i32
    %dma_start3A_155 = tpu.memref_slice %arg8[%dma_start3A_148, %dma_start3A_154] : memref<2x2048xi32, #tpu.memory_space<vmem>> -> memref<1x2048xi32, #tpu.memory_space<vmem>>
    %dma_start3A_156 = tpu.memref_squeeze %dma_start3A_155 : memref<1x2048xi32, #tpu.memory_space<vmem>> -> memref<2048xi32, #tpu.memory_space<vmem>>
    %dma_start3A_157 = arith.constant 4096 : i32
    %dma_start3A_158 = tpu.memref_slice %arg4[%dma_start3A_157] : memref<16384xi32, #tpu.memory_space<hbm>> -> memref<2048xi32, #tpu.memory_space<hbm>>
    tpu.enqueue_dma source(%dma_start3A_158 : memref<2048xi32, #tpu.memory_space<hbm>>) target(%dma_start3A_156 : memref<2048xi32, #tpu.memory_space<vmem>>) target_semaphore(%arg14 : memref<!tpu.dma_semaphore, #tpu.memory_space<semaphore_mem>>)
    %parallel_loop3A_159 = arith.constant 0 : i32
    %parallel_loop3A_160 = arith.constant 128 : i32
    %parallel_loop3A_161 = arith.constant 1 : i32
    scf.for %parallel_loop3A_946 = %parallel_loop3A_159 to %parallel_loop3A_160 step %parallel_loop3A_161  : i32 {
      %parallel_loop3A_947 = arith.constant 16 : i32
      %parallel_loop3A_948 = arith.muli %parallel_loop3A_946, %parallel_loop3A_947 : i32
      %parallel_loop3A_949 = arith.constant 128 : i32
      %parallel_loop3A_950 = arith.divsi %parallel_loop3A_948, %parallel_loop3A_949 : i32
      %parallel_loop3A_951 = arith.constant 0 : i32
      %parallel_loop3A_952 = arith.cmpi sgt, %parallel_loop3A_948, %parallel_loop3A_951 : i32
      %parallel_loop3A_953 = arith.extui %parallel_loop3A_952 : i1 to i32
      %parallel_loop3A_954 = arith.constant 0 : i32
      %parallel_loop3A_955 = arith.cmpi slt, %parallel_loop3A_948, %parallel_loop3A_954 : i32
      %parallel_loop3A_956 = arith.extui %parallel_loop3A_955 : i1 to i32
      %parallel_loop3A_957 = arith.subi %parallel_loop3A_953, %parallel_loop3A_956 : i32
      %parallel_loop3A_958 = arith.constant 0 : i32
      %parallel_loop3A_959 = arith.cmpi sgt, %parallel_loop3A_949, %parallel_loop3A_958 : i32
      %parallel_loop3A_960 = arith.extui %parallel_loop3A_959 : i1 to i32
      %parallel_loop3A_961 = arith.constant 0 : i32
      %parallel_loop3A_962 = arith.cmpi slt, %parallel_loop3A_949, %parallel_loop3A_961 : i32
      %parallel_loop3A_963 = arith.extui %parallel_loop3A_962 : i1 to i32
      %parallel_loop3A_964 = arith.subi %parallel_loop3A_960, %parallel_loop3A_963 : i32
      %parallel_loop3A_965 = arith.cmpi ne, %parallel_loop3A_957, %parallel_loop3A_964 : i32
      %parallel_loop3A_966 = arith.remsi %parallel_loop3A_948, %parallel_loop3A_949 : i32
      %parallel_loop3A_967 = arith.constant 0 : i32
      %parallel_loop3A_968 = arith.cmpi ne, %parallel_loop3A_966, %parallel_loop3A_967 : i32
      %parallel_loop3A_969 = arith.andi %parallel_loop3A_965, %parallel_loop3A_968 : i1
      %parallel_loop3A_970 = arith.constant 1 : i32
      %parallel_loop3A_971 = arith.subi %parallel_loop3A_950, %parallel_loop3A_970 : i32
      %parallel_loop3A_972 = arith.select %parallel_loop3A_969, %parallel_loop3A_971, %parallel_loop3A_950 : i32
      %parallel_loop3A_973 = arith.constant 128 : i32
      %parallel_loop3A_974 = arith.constant 0 : i32
      %parallel_loop3A_975 = arith.cmpi eq, %parallel_loop3A_973, %parallel_loop3A_974 : i32
      %parallel_loop3A_976 = arith.constant 1 : i32
      %parallel_loop3A_977 = arith.select %parallel_loop3A_975, %parallel_loop3A_976, %parallel_loop3A_973 : i32
      %parallel_loop3A_978 = arith.remsi %parallel_loop3A_948, %parallel_loop3A_977 : i32
      %parallel_loop3A_979 = arith.constant 0 : i32
      %parallel_loop3A_980 = arith.cmpi ne, %parallel_loop3A_978, %parallel_loop3A_979 : i32
      %parallel_loop3A_981 = arith.constant 0 : i32
      %parallel_loop3A_982 = arith.cmpi slt, %parallel_loop3A_978, %parallel_loop3A_981 : i32
      %parallel_loop3A_983 = arith.constant 0 : i32
      %parallel_loop3A_984 = arith.cmpi slt, %parallel_loop3A_977, %parallel_loop3A_983 : i32
      %parallel_loop3A_985 = arith.xori %parallel_loop3A_982, %parallel_loop3A_984 : i1
      %parallel_loop3A_986 = arith.andi %parallel_loop3A_985, %parallel_loop3A_980 : i1
      %parallel_loop3A_987 = arith.addi %parallel_loop3A_978, %parallel_loop3A_977 : i32
      %parallel_loop3A_988 = arith.select %parallel_loop3A_986, %parallel_loop3A_987, %parallel_loop3A_978 : i32
      %parallel_loop3A_989 = arith.constant 1 : i32
      %parallel_loop3A_990 = arith.index_cast %parallel_loop3A_989 : i32 to index
      %parallel_loop3A_991 = arith.index_cast %parallel_loop3A_948 : i32 to index
      %parallel_loop3A_992 = tpu.vector_load %arg7[%parallel_loop3A_990, %parallel_loop3A_991] {strides = array<i32>} : memref<2x2048xi32, #tpu.memory_space<vmem>>, vector<16xi32>,
      %parallel_loop3A_993 = tpu.vector_load_idx %arg6[%parallel_loop3A_992] : memref<100000xf32, #tpu.memory_space<vmem>>[vector<16xi32>], vector<16xf32>,
      %parallel_loop3A_994 = arith.constant 1 : i32
      %parallel_loop3A_995 = arith.index_cast %parallel_loop3A_994 : i32 to index
      %parallel_loop3A_996 = arith.index_cast %parallel_loop3A_972 : i32 to index
      %parallel_loop3A_997 = arith.index_cast %parallel_loop3A_988 : i32 to index
      %parallel_loop3A_998 = tpu.vector_load %arg9[%parallel_loop3A_995, %parallel_loop3A_996, %parallel_loop3A_997] {strides = array<i32>} : memref<2x16x128xf32, #tpu.memory_space<vmem>>, vector<16xf32>,
      tpu.vector_store %arg9[%parallel_loop3A_995, %parallel_loop3A_996, %parallel_loop3A_997], %parallel_loop3A_993 {strides = array<i32>} : memref<2x16x128xf32, #tpu.memory_space<vmem>>, vector<16xf32>,
      %parallel_loop3A_999 = arith.constant 1 : i32
      %parallel_loop3A_1000 = arith.index_cast %parallel_loop3A_999 : i32 to index
      %parallel_loop3A_1001 = arith.index_cast %parallel_loop3A_948 : i32 to index
      %parallel_loop3A_1002 = tpu.vector_load %arg8[%parallel_loop3A_1000, %parallel_loop3A_1001] {strides = array<i32>} : memref<2x2048xi32, #tpu.memory_space<vmem>>, vector<16xi32>,
      %parallel_loop3A_1003 = tpu.vector_load_idx %arg6[%parallel_loop3A_1002] : memref<100000xf32, #tpu.memory_space<vmem>>[vector<16xi32>], vector<16xf32>,
      %parallel_loop3A_1004 = arith.constant 1 : i32
      %parallel_loop3A_1005 = arith.index_cast %parallel_loop3A_1004 : i32 to index
      %parallel_loop3A_1006 = arith.index_cast %parallel_loop3A_972 : i32 to index
      %parallel_loop3A_1007 = arith.index_cast %parallel_loop3A_988 : i32 to index
      %parallel_loop3A_1008 = tpu.vector_load %arg10[%parallel_loop3A_1005, %parallel_loop3A_1006, %parallel_loop3A_1007] {strides = array<i32>} : memref<2x16x128xf32, #tpu.memory_space<vmem>>, vector<16xf32>,
      tpu.vector_store %arg10[%parallel_loop3A_1005, %parallel_loop3A_1006, %parallel_loop3A_1007], %parallel_loop3A_1003 {strides = array<i32>} : memref<2x16x128xf32, #tpu.memory_space<vmem>>, vector<16xf32>,
    } {sc.loop_unroll_factor = 16 : i64, sc.parallel_access}
    %dma_start3A_162 = arith.constant 1 : i32
    %dma_start3A_163 = arith.constant 0 : i32
    %dma_start3A_164 = arith.constant 0 : i32
    %dma_start3A_165 = tpu.memref_slice %arg9[%dma_start3A_162, %dma_start3A_163, %dma_start3A_164] : memref<2x16x128xf32, #tpu.memory_space<vmem>> -> memref<1x16x128xf32, #tpu.memory_space<vmem>>
    %dma_start3A_166 = tpu.memref_squeeze %dma_start3A_165 : memref<1x16x128xf32, #tpu.memory_space<vmem>> -> memref<16x128xf32, #tpu.memory_space<vmem>>
    %dma_start3A_167 = arith.constant 16 : i32
    %dma_start3A_168 = arith.constant 0 : i32
    %dma_start3A_169 = tpu.memref_slice %arg5[%add3A, %dma_start3A_167, %dma_start3A_168] : memref<64x128x128xf32, #tpu.memory_space<hbm>> -> memref<1x16x128xf32, #tpu.memory_space<hbm>>
    %dma_start3A_170 = tpu.memref_squeeze %dma_start3A_169 : memref<1x16x128xf32, #tpu.memory_space<hbm>> -> memref<16x128xf32, #tpu.memory_space<hbm>>
    %dma_start3A_171 = arith.constant 16 : i32
    %dma_start3A_172 = arith.constant 0 : i32
    %dma_start3A_173 = tpu.memref_slice %arg5[%add3A, %dma_start3A_171, %dma_start3A_172] : memref<64x128x128xf32, #tpu.memory_space<hbm>> -> memref<1x16x128xf32, #tpu.memory_space<hbm>>
    %dma_start3A_174 = tpu.memref_squeeze %dma_start3A_173 : memref<1x16x128xf32, #tpu.memory_space<hbm>> -> memref<16x128xf32, #tpu.memory_space<hbm>>
    %dma_start3A_175 = arith.constant 0 : i32
    %dma_start3A_176 = arith.constant 0 : i32
    %dma_start3A_177 = tpu.memref_slice %arg9[%dma_start3A_162, %dma_start3A_175, %dma_start3A_176] : memref<2x16x128xf32, #tpu.memory_space<vmem>> -> memref<1x16x128xf32, #tpu.memory_space<vmem>>
    %dma_start3A_178 = tpu.memref_squeeze %dma_start3A_177 : memref<1x16x128xf32, #tpu.memory_space<vmem>> -> memref<16x128xf32, #tpu.memory_space<vmem>>
    tpu.enqueue_dma source(%dma_start3A_178 : memref<16x128xf32, #tpu.memory_space<vmem>>) target(%dma_start3A_174 : memref<16x128xf32, #tpu.memory_space<hbm>>) target_semaphore(%arg17 : memref<!tpu.dma_semaphore, #tpu.memory_space<semaphore_mem>>)
    %add3A_179 = arith.constant 32 : i32
    %add3A_180 = arith.addi %add3A_179, %add3A : i32
    %dma_start3A_181 = arith.constant 1 : i32
    %dma_start3A_182 = arith.constant 0 : i32
    %dma_start3A_183 = arith.constant 0 : i32
    %dma_start3A_184 = tpu.memref_slice %arg10[%dma_start3A_181, %dma_start3A_182, %dma_start3A_183] : memref<2x16x128xf32, #tpu.memory_space<vmem>> -> memref<1x16x128xf32, #tpu.memory_space<vmem>>
    %dma_start3A_185 = tpu.memref_squeeze %dma_start3A_184 : memref<1x16x128xf32, #tpu.memory_space<vmem>> -> memref<16x128xf32, #tpu.memory_space<vmem>>
    %dma_start3A_186 = arith.constant 16 : i32
    %dma_start3A_187 = arith.constant 0 : i32
    %dma_start3A_188 = tpu.memref_slice %arg5[%add3A_180, %dma_start3A_186, %dma_start3A_187] : memref<64x128x128xf32, #tpu.memory_space<hbm>> -> memref<1x16x128xf32, #tpu.memory_space<hbm>>
    %dma_start3A_189 = tpu.memref_squeeze %dma_start3A_188 : memref<1x16x128xf32, #tpu.memory_space<hbm>> -> memref<16x128xf32, #tpu.memory_space<hbm>>
    %dma_start3A_190 = arith.constant 16 : i32
    %dma_start3A_191 = arith.constant 0 : i32
    %dma_start3A_192 = tpu.memref_slice %arg5[%add3A_180, %dma_start3A_190, %dma_start3A_191] : memref<64x128x128xf32, #tpu.memory_space<hbm>> -> memref<1x16x128xf32, #tpu.memory_space<hbm>>
    %dma_start3A_193 = tpu.memref_squeeze %dma_start3A_192 : memref<1x16x128xf32, #tpu.memory_space<hbm>> -> memref<16x128xf32, #tpu.memory_space<hbm>>
    %dma_start3A_194 = arith.constant 0 : i32
    %dma_start3A_195 = arith.constant 0 : i32
    %dma_start3A_196 = tpu.memref_slice %arg10[%dma_start3A_181, %dma_start3A_194, %dma_start3A_195] : memref<2x16x128xf32, #tpu.memory_space<vmem>> -> memref<1x16x128xf32, #tpu.memory_space<vmem>>
    %dma_start3A_197 = tpu.memref_squeeze %dma_start3A_196 : memref<1x16x128xf32, #tpu.memory_space<vmem>> -> memref<16x128xf32, #tpu.memory_space<vmem>>
    tpu.enqueue_dma source(%dma_start3A_197 : memref<16x128xf32, #tpu.memory_space<vmem>>) target(%dma_start3A_193 : memref<16x128xf32, #tpu.memory_space<hbm>>) target_semaphore(%arg19 : memref<!tpu.dma_semaphore, #tpu.memory_space<semaphore_mem>>)
    %dma_wait3A_198 = arith.constant 0 : i32
    %dma_wait3A_199 = arith.constant 0 : i32
    %dma_wait3A_200 = tpu.memref_slice %arg7[%dma_wait3A_198, %dma_wait3A_199] : memref<2x2048xi32, #tpu.memory_space<vmem>> -> memref<1x2048xi32, #tpu.memory_space<vmem>>
    %dma_wait3A_201 = tpu.memref_squeeze %dma_wait3A_200 : memref<1x2048xi32, #tpu.memory_space<vmem>> -> memref<2048xi32, #tpu.memory_space<vmem>>
    %dma_wait3A_202 = arith.constant 4096 : i32
    %dma_wait3A_203 = tpu.memref_slice %arg3[%dma_wait3A_202] : memref<16384xi32, #tpu.memory_space<hbm>> -> memref<2048xi32, #tpu.memory_space<hbm>>
    %dma_wait3A_204 = arith.constant 0 : i32
    %dma_wait3A_205 = tpu.memref_slice %arg7[%dma_wait3A_198, %dma_wait3A_204] : memref<2x2048xi32, #tpu.memory_space<vmem>> -> memref<1x2048xi32, #tpu.memory_space<vmem>>
    %dma_wait3A_206 = tpu.memref_squeeze %dma_wait3A_205 : memref<1x2048xi32, #tpu.memory_space<vmem>> -> memref<2048xi32, #tpu.memory_space<vmem>>
    %dma_wait3A_207 = arith.constant 4096 : i32
    %dma_wait3A_208 = tpu.memref_slice %arg3[%dma_wait3A_207] : memref<16384xi32, #tpu.memory_space<hbm>> -> memref<2048xi32, #tpu.memory_space<hbm>>
    tpu.wait_dma2 semaphore(%arg12 : memref<!tpu.dma_semaphore, #tpu.memory_space<semaphore_mem>>) src(%dma_wait3A_208 : memref<2048xi32, #tpu.memory_space<hbm>>) dst(%dma_wait3A_206 : memref<2048xi32, #tpu.memory_space<vmem>>)
    %dma_wait3A_209 = arith.constant 0 : i32
    %dma_wait3A_210 = arith.constant 0 : i32
    %dma_wait3A_211 = tpu.memref_slice %arg8[%dma_wait3A_209, %dma_wait3A_210] : memref<2x2048xi32, #tpu.memory_space<vmem>> -> memref<1x2048xi32, #tpu.memory_space<vmem>>
    %dma_wait3A_212 = tpu.memref_squeeze %dma_wait3A_211 : memref<1x2048xi32, #tpu.memory_space<vmem>> -> memref<2048xi32, #tpu.memory_space<vmem>>
    %dma_wait3A_213 = arith.constant 4096 : i32
    %dma_wait3A_214 = tpu.memref_slice %arg4[%dma_wait3A_213] : memref<16384xi32, #tpu.memory_space<hbm>> -> memref<2048xi32, #tpu.memory_space<hbm>>
    %dma_wait3A_215 = arith.constant 0 : i32
    %dma_wait3A_216 = tpu.memref_slice %arg8[%dma_wait3A_209, %dma_wait3A_215] : memref<2x2048xi32, #tpu.memory_space<vmem>> -> memref<1x2048xi32, #tpu.memory_space<vmem>>
    %dma_wait3A_217 = tpu.memref_squeeze %dma_wait3A_216 : memref<1x2048xi32, #tpu.memory_space<vmem>> -> memref<2048xi32, #tpu.memory_space<vmem>>
    %dma_wait3A_218 = arith.constant 4096 : i32
    %dma_wait3A_219 = tpu.memref_slice %arg4[%dma_wait3A_218] : memref<16384xi32, #tpu.memory_space<hbm>> -> memref<2048xi32, #tpu.memory_space<hbm>>
    tpu.wait_dma2 semaphore(%arg14 : memref<!tpu.dma_semaphore, #tpu.memory_space<semaphore_mem>>) src(%dma_wait3A_219 : memref<2048xi32, #tpu.memory_space<hbm>>) dst(%dma_wait3A_217 : memref<2048xi32, #tpu.memory_space<vmem>>)
    %dma_start3A_220 = arith.constant 1 : i32
    %dma_start3A_221 = arith.constant 0 : i32
    %dma_start3A_222 = tpu.memref_slice %arg7[%dma_start3A_220, %dma_start3A_221] : memref<2x2048xi32, #tpu.memory_space<vmem>> -> memref<1x2048xi32, #tpu.memory_space<vmem>>
    %dma_start3A_223 = tpu.memref_squeeze %dma_start3A_222 : memref<1x2048xi32, #tpu.memory_space<vmem>> -> memref<2048xi32, #tpu.memory_space<vmem>>
    %dma_start3A_224 = arith.constant 6144 : i32
    %dma_start3A_225 = tpu.memref_slice %arg3[%dma_start3A_224] : memref<16384xi32, #tpu.memory_space<hbm>> -> memref<2048xi32, #tpu.memory_space<hbm>>
    %dma_start3A_226 = arith.constant 0 : i32
    %dma_start3A_227 = tpu.memref_slice %arg7[%dma_start3A_220, %dma_start3A_226] : memref<2x2048xi32, #tpu.memory_space<vmem>> -> memref<1x2048xi32, #tpu.memory_space<vmem>>
    %dma_start3A_228 = tpu.memref_squeeze %dma_start3A_227 : memref<1x2048xi32, #tpu.memory_space<vmem>> -> memref<2048xi32, #tpu.memory_space<vmem>>
    %dma_start3A_229 = arith.constant 6144 : i32
    %dma_start3A_230 = tpu.memref_slice %arg3[%dma_start3A_229] : memref<16384xi32, #tpu.memory_space<hbm>> -> memref<2048xi32, #tpu.memory_space<hbm>>
    tpu.enqueue_dma source(%dma_start3A_230 : memref<2048xi32, #tpu.memory_space<hbm>>) target(%dma_start3A_228 : memref<2048xi32, #tpu.memory_space<vmem>>) target_semaphore(%arg13 : memref<!tpu.dma_semaphore, #tpu.memory_space<semaphore_mem>>)
    %dma_start3A_231 = arith.constant 1 : i32
    %dma_start3A_232 = arith.constant 0 : i32
    %dma_start3A_233 = tpu.memref_slice %arg8[%dma_start3A_231, %dma_start3A_232] : memref<2x2048xi32, #tpu.memory_space<vmem>> -> memref<1x2048xi32, #tpu.memory_space<vmem>>
    %dma_start3A_234 = tpu.memref_squeeze %dma_start3A_233 : memref<1x2048xi32, #tpu.memory_space<vmem>> -> memref<2048xi32, #tpu.memory_space<vmem>>
    %dma_start3A_235 = arith.constant 6144 : i32
    %dma_start3A_236 = tpu.memref_slice %arg4[%dma_start3A_235] : memref<16384xi32, #tpu.memory_space<hbm>> -> memref<2048xi32, #tpu.memory_space<hbm>>
    %dma_start3A_237 = arith.constant 0 : i32
    %dma_start3A_238 = tpu.memref_slice %arg8[%dma_start3A_231, %dma_start3A_237] : memref<2x2048xi32, #tpu.memory_space<vmem>> -> memref<1x2048xi32, #tpu.memory_space<vmem>>
    %dma_start3A_239 = tpu.memref_squeeze %dma_start3A_238 : memref<1x2048xi32, #tpu.memory_space<vmem>> -> memref<2048xi32, #tpu.memory_space<vmem>>
    %dma_start3A_240 = arith.constant 6144 : i32
    %dma_start3A_241 = tpu.memref_slice %arg4[%dma_start3A_240] : memref<16384xi32, #tpu.memory_space<hbm>> -> memref<2048xi32, #tpu.memory_space<hbm>>
    tpu.enqueue_dma source(%dma_start3A_241 : memref<2048xi32, #tpu.memory_space<hbm>>) target(%dma_start3A_239 : memref<2048xi32, #tpu.memory_space<vmem>>) target_semaphore(%arg15 : memref<!tpu.dma_semaphore, #tpu.memory_space<semaphore_mem>>)
    %dma_wait3A_242 = arith.constant 0 : i32
    %dma_wait3A_243 = arith.constant 0 : i32
    %dma_wait3A_244 = arith.constant 0 : i32
    %dma_wait3A_245 = tpu.memref_slice %arg9[%dma_wait3A_242, %dma_wait3A_243, %dma_wait3A_244] : memref<2x16x128xf32, #tpu.memory_space<vmem>> -> memref<1x16x128xf32, #tpu.memory_space<vmem>>
    %dma_wait3A_246 = tpu.memref_squeeze %dma_wait3A_245 : memref<1x16x128xf32, #tpu.memory_space<vmem>> -> memref<16x128xf32, #tpu.memory_space<vmem>>
    %dma_wait3A_247 = arith.constant 0 : i32
    %dma_wait3A_248 = arith.constant 0 : i32
    %dma_wait3A_249 = tpu.memref_slice %arg5[%add3A, %dma_wait3A_247, %dma_wait3A_248] : memref<64x128x128xf32, #tpu.memory_space<hbm>> -> memref<1x16x128xf32, #tpu.memory_space<hbm>>
    %dma_wait3A_250 = tpu.memref_squeeze %dma_wait3A_249 : memref<1x16x128xf32, #tpu.memory_space<hbm>> -> memref<16x128xf32, #tpu.memory_space<hbm>>
    %dma_wait3A_251 = arith.constant 0 : i32
    %dma_wait3A_252 = arith.constant 0 : i32
    %dma_wait3A_253 = tpu.memref_slice %arg5[%add3A, %dma_wait3A_251, %dma_wait3A_252] : memref<64x128x128xf32, #tpu.memory_space<hbm>> -> memref<1x16x128xf32, #tpu.memory_space<hbm>>
    %dma_wait3A_254 = tpu.memref_squeeze %dma_wait3A_253 : memref<1x16x128xf32, #tpu.memory_space<hbm>> -> memref<16x128xf32, #tpu.memory_space<hbm>>
    %dma_wait3A_255 = arith.constant 0 : i32
    %dma_wait3A_256 = arith.constant 0 : i32
    %dma_wait3A_257 = tpu.memref_slice %arg9[%dma_wait3A_242, %dma_wait3A_255, %dma_wait3A_256] : memref<2x16x128xf32, #tpu.memory_space<vmem>> -> memref<1x16x128xf32, #tpu.memory_space<vmem>>
    %dma_wait3A_258 = tpu.memref_squeeze %dma_wait3A_257 : memref<1x16x128xf32, #tpu.memory_space<vmem>> -> memref<16x128xf32, #tpu.memory_space<vmem>>
    tpu.wait_dma2 semaphore(%arg16 : memref<!tpu.dma_semaphore, #tpu.memory_space<semaphore_mem>>) src(%dma_wait3A_258 : memref<16x128xf32, #tpu.memory_space<vmem>>) dst(%dma_wait3A_254 : memref<16x128xf32, #tpu.memory_space<hbm>>)
    %dma_wait3A_259 = arith.constant 0 : i32
    %dma_wait3A_260 = arith.constant 0 : i32
    %dma_wait3A_261 = arith.constant 0 : i32
    %dma_wait3A_262 = tpu.memref_slice %arg10[%dma_wait3A_259, %dma_wait3A_260, %dma_wait3A_261] : memref<2x16x128xf32, #tpu.memory_space<vmem>> -> memref<1x16x128xf32, #tpu.memory_space<vmem>>
    %dma_wait3A_263 = tpu.memref_squeeze %dma_wait3A_262 : memref<1x16x128xf32, #tpu.memory_space<vmem>> -> memref<16x128xf32, #tpu.memory_space<vmem>>
    %dma_wait3A_264 = arith.constant 0 : i32
    %dma_wait3A_265 = arith.constant 0 : i32
    %dma_wait3A_266 = tpu.memref_slice %arg5[%add3A_97, %dma_wait3A_264, %dma_wait3A_265] : memref<64x128x128xf32, #tpu.memory_space<hbm>> -> memref<1x16x128xf32, #tpu.memory_space<hbm>>
    %dma_wait3A_267 = tpu.memref_squeeze %dma_wait3A_266 : memref<1x16x128xf32, #tpu.memory_space<hbm>> -> memref<16x128xf32, #tpu.memory_space<hbm>>
    %dma_wait3A_268 = arith.constant 0 : i32
    %dma_wait3A_269 = arith.constant 0 : i32
    %dma_wait3A_270 = tpu.memref_slice %arg5[%add3A_97, %dma_wait3A_268, %dma_wait3A_269] : memref<64x128x128xf32, #tpu.memory_space<hbm>> -> memref<1x16x128xf32, #tpu.memory_space<hbm>>
    %dma_wait3A_271 = tpu.memref_squeeze %dma_wait3A_270 : memref<1x16x128xf32, #tpu.memory_space<hbm>> -> memref<16x128xf32, #tpu.memory_space<hbm>>
    %dma_wait3A_272 = arith.constant 0 : i32
    %dma_wait3A_273 = arith.constant 0 : i32
    %dma_wait3A_274 = tpu.memref_slice %arg10[%dma_wait3A_259, %dma_wait3A_272, %dma_wait3A_273] : memref<2x16x128xf32, #tpu.memory_space<vmem>> -> memref<1x16x128xf32, #tpu.memory_space<vmem>>
    %dma_wait3A_275 = tpu.memref_squeeze %dma_wait3A_274 : memref<1x16x128xf32, #tpu.memory_space<vmem>> -> memref<16x128xf32, #tpu.memory_space<vmem>>
    tpu.wait_dma2 semaphore(%arg18 : memref<!tpu.dma_semaphore, #tpu.memory_space<semaphore_mem>>) src(%dma_wait3A_275 : memref<16x128xf32, #tpu.memory_space<vmem>>) dst(%dma_wait3A_271 : memref<16x128xf32, #tpu.memory_space<hbm>>)
    %parallel_loop3A_276 = arith.constant 0 : i32
    %parallel_loop3A_277 = arith.constant 128 : i32
    %parallel_loop3A_278 = arith.constant 1 : i32
    scf.for %parallel_loop3A_946 = %parallel_loop3A_276 to %parallel_loop3A_277 step %parallel_loop3A_278  : i32 {
      %parallel_loop3A_947 = arith.constant 16 : i32
      %parallel_loop3A_948 = arith.muli %parallel_loop3A_946, %parallel_loop3A_947 : i32
      %parallel_loop3A_949 = arith.constant 128 : i32
      %parallel_loop3A_950 = arith.divsi %parallel_loop3A_948, %parallel_loop3A_949 : i32
      %parallel_loop3A_951 = arith.constant 0 : i32
      %parallel_loop3A_952 = arith.cmpi sgt, %parallel_loop3A_948, %parallel_loop3A_951 : i32
      %parallel_loop3A_953 = arith.extui %parallel_loop3A_952 : i1 to i32
      %parallel_loop3A_954 = arith.constant 0 : i32
      %parallel_loop3A_955 = arith.cmpi slt, %parallel_loop3A_948, %parallel_loop3A_954 : i32
      %parallel_loop3A_956 = arith.extui %parallel_loop3A_955 : i1 to i32
      %parallel_loop3A_957 = arith.subi %parallel_loop3A_953, %parallel_loop3A_956 : i32
      %parallel_loop3A_958 = arith.constant 0 : i32
      %parallel_loop3A_959 = arith.cmpi sgt, %parallel_loop3A_949, %parallel_loop3A_958 : i32
      %parallel_loop3A_960 = arith.extui %parallel_loop3A_959 : i1 to i32
      %parallel_loop3A_961 = arith.constant 0 : i32
      %parallel_loop3A_962 = arith.cmpi slt, %parallel_loop3A_949, %parallel_loop3A_961 : i32
      %parallel_loop3A_963 = arith.extui %parallel_loop3A_962 : i1 to i32
      %parallel_loop3A_964 = arith.subi %parallel_loop3A_960, %parallel_loop3A_963 : i32
      %parallel_loop3A_965 = arith.cmpi ne, %parallel_loop3A_957, %parallel_loop3A_964 : i32
      %parallel_loop3A_966 = arith.remsi %parallel_loop3A_948, %parallel_loop3A_949 : i32
      %parallel_loop3A_967 = arith.constant 0 : i32
      %parallel_loop3A_968 = arith.cmpi ne, %parallel_loop3A_966, %parallel_loop3A_967 : i32
      %parallel_loop3A_969 = arith.andi %parallel_loop3A_965, %parallel_loop3A_968 : i1
      %parallel_loop3A_970 = arith.constant 1 : i32
      %parallel_loop3A_971 = arith.subi %parallel_loop3A_950, %parallel_loop3A_970 : i32
      %parallel_loop3A_972 = arith.select %parallel_loop3A_969, %parallel_loop3A_971, %parallel_loop3A_950 : i32
      %parallel_loop3A_973 = arith.constant 128 : i32
      %parallel_loop3A_974 = arith.constant 0 : i32
      %parallel_loop3A_975 = arith.cmpi eq, %parallel_loop3A_973, %parallel_loop3A_974 : i32
      %parallel_loop3A_976 = arith.constant 1 : i32
      %parallel_loop3A_977 = arith.select %parallel_loop3A_975, %parallel_loop3A_976, %parallel_loop3A_973 : i32
      %parallel_loop3A_978 = arith.remsi %parallel_loop3A_948, %parallel_loop3A_977 : i32
      %parallel_loop3A_979 = arith.constant 0 : i32
      %parallel_loop3A_980 = arith.cmpi ne, %parallel_loop3A_978, %parallel_loop3A_979 : i32
      %parallel_loop3A_981 = arith.constant 0 : i32
      %parallel_loop3A_982 = arith.cmpi slt, %parallel_loop3A_978, %parallel_loop3A_981 : i32
      %parallel_loop3A_983 = arith.constant 0 : i32
      %parallel_loop3A_984 = arith.cmpi slt, %parallel_loop3A_977, %parallel_loop3A_983 : i32
      %parallel_loop3A_985 = arith.xori %parallel_loop3A_982, %parallel_loop3A_984 : i1
      %parallel_loop3A_986 = arith.andi %parallel_loop3A_985, %parallel_loop3A_980 : i1
      %parallel_loop3A_987 = arith.addi %parallel_loop3A_978, %parallel_loop3A_977 : i32
      %parallel_loop3A_988 = arith.select %parallel_loop3A_986, %parallel_loop3A_987, %parallel_loop3A_978 : i32
      %parallel_loop3A_989 = arith.constant 0 : i32
      %parallel_loop3A_990 = arith.index_cast %parallel_loop3A_989 : i32 to index
      %parallel_loop3A_991 = arith.index_cast %parallel_loop3A_948 : i32 to index
      %parallel_loop3A_992 = tpu.vector_load %arg7[%parallel_loop3A_990, %parallel_loop3A_991] {strides = array<i32>} : memref<2x2048xi32, #tpu.memory_space<vmem>>, vector<16xi32>,
      %parallel_loop3A_993 = tpu.vector_load_idx %arg6[%parallel_loop3A_992] : memref<100000xf32, #tpu.memory_space<vmem>>[vector<16xi32>], vector<16xf32>,
      %parallel_loop3A_994 = arith.constant 0 : i32
      %parallel_loop3A_995 = arith.index_cast %parallel_loop3A_994 : i32 to index
      %parallel_loop3A_996 = arith.index_cast %parallel_loop3A_972 : i32 to index
      %parallel_loop3A_997 = arith.index_cast %parallel_loop3A_988 : i32 to index
      %parallel_loop3A_998 = tpu.vector_load %arg9[%parallel_loop3A_995, %parallel_loop3A_996, %parallel_loop3A_997] {strides = array<i32>} : memref<2x16x128xf32, #tpu.memory_space<vmem>>, vector<16xf32>,
      tpu.vector_store %arg9[%parallel_loop3A_995, %parallel_loop3A_996, %parallel_loop3A_997], %parallel_loop3A_993 {strides = array<i32>} : memref<2x16x128xf32, #tpu.memory_space<vmem>>, vector<16xf32>,
      %parallel_loop3A_999 = arith.constant 0 : i32
      %parallel_loop3A_1000 = arith.index_cast %parallel_loop3A_999 : i32 to index
      %parallel_loop3A_1001 = arith.index_cast %parallel_loop3A_948 : i32 to index
      %parallel_loop3A_1002 = tpu.vector_load %arg8[%parallel_loop3A_1000, %parallel_loop3A_1001] {strides = array<i32>} : memref<2x2048xi32, #tpu.memory_space<vmem>>, vector<16xi32>,
      %parallel_loop3A_1003 = tpu.vector_load_idx %arg6[%parallel_loop3A_1002] : memref<100000xf32, #tpu.memory_space<vmem>>[vector<16xi32>], vector<16xf32>,
      %parallel_loop3A_1004 = arith.constant 0 : i32
      %parallel_loop3A_1005 = arith.index_cast %parallel_loop3A_1004 : i32 to index
      %parallel_loop3A_1006 = arith.index_cast %parallel_loop3A_972 : i32 to index
      %parallel_loop3A_1007 = arith.index_cast %parallel_loop3A_988 : i32 to index
      %parallel_loop3A_1008 = tpu.vector_load %arg10[%parallel_loop3A_1005, %parallel_loop3A_1006, %parallel_loop3A_1007] {strides = array<i32>} : memref<2x16x128xf32, #tpu.memory_space<vmem>>, vector<16xf32>,
      tpu.vector_store %arg10[%parallel_loop3A_1005, %parallel_loop3A_1006, %parallel_loop3A_1007], %parallel_loop3A_1003 {strides = array<i32>} : memref<2x16x128xf32, #tpu.memory_space<vmem>>, vector<16xf32>,
    } {sc.loop_unroll_factor = 16 : i64, sc.parallel_access}
    %dma_start3A_279 = arith.constant 0 : i32
    %dma_start3A_280 = arith.constant 0 : i32
    %dma_start3A_281 = arith.constant 0 : i32
    %dma_start3A_282 = tpu.memref_slice %arg9[%dma_start3A_279, %dma_start3A_280, %dma_start3A_281] : memref<2x16x128xf32, #tpu.memory_space<vmem>> -> memref<1x16x128xf32, #tpu.memory_space<vmem>>
    %dma_start3A_283 = tpu.memref_squeeze %dma_start3A_282 : memref<1x16x128xf32, #tpu.memory_space<vmem>> -> memref<16x128xf32, #tpu.memory_space<vmem>>
    %dma_start3A_284 = arith.constant 32 : i32
    %dma_start3A_285 = arith.constant 0 : i32
    %dma_start3A_286 = tpu.memref_slice %arg5[%add3A, %dma_start3A_284, %dma_start3A_285] : memref<64x128x128xf32, #tpu.memory_space<hbm>> -> memref<1x16x128xf32, #tpu.memory_space<hbm>>
    %dma_start3A_287 = tpu.memref_squeeze %dma_start3A_286 : memref<1x16x128xf32, #tpu.memory_space<hbm>> -> memref<16x128xf32, #tpu.memory_space<hbm>>
    %dma_start3A_288 = arith.constant 32 : i32
    %dma_start3A_289 = arith.constant 0 : i32
    %dma_start3A_290 = tpu.memref_slice %arg5[%add3A, %dma_start3A_288, %dma_start3A_289] : memref<64x128x128xf32, #tpu.memory_space<hbm>> -> memref<1x16x128xf32, #tpu.memory_space<hbm>>
    %dma_start3A_291 = tpu.memref_squeeze %dma_start3A_290 : memref<1x16x128xf32, #tpu.memory_space<hbm>> -> memref<16x128xf32, #tpu.memory_space<hbm>>
    %dma_start3A_292 = arith.constant 0 : i32
    %dma_start3A_293 = arith.constant 0 : i32
    %dma_start3A_294 = tpu.memref_slice %arg9[%dma_start3A_279, %dma_start3A_292, %dma_start3A_293] : memref<2x16x128xf32, #tpu.memory_space<vmem>> -> memref<1x16x128xf32, #tpu.memory_space<vmem>>
    %dma_start3A_295 = tpu.memref_squeeze %dma_start3A_294 : memref<1x16x128xf32, #tpu.memory_space<vmem>> -> memref<16x128xf32, #tpu.memory_space<vmem>>
    tpu.enqueue_dma source(%dma_start3A_295 : memref<16x128xf32, #tpu.memory_space<vmem>>) target(%dma_start3A_291 : memref<16x128xf32, #tpu.memory_space<hbm>>) target_semaphore(%arg16 : memref<!tpu.dma_semaphore, #tpu.memory_space<semaphore_mem>>)
    %add3A_296 = arith.constant 32 : i32
    %add3A_297 = arith.addi %add3A_296, %add3A : i32
    %dma_start3A_298 = arith.constant 0 : i32
    %dma_start3A_299 = arith.constant 0 : i32
    %dma_start3A_300 = arith.constant 0 : i32
    %dma_start3A_301 = tpu.memref_slice %arg10[%dma_start3A_298, %dma_start3A_299, %dma_start3A_300] : memref<2x16x128xf32, #tpu.memory_space<vmem>> -> memref<1x16x128xf32, #tpu.memory_space<vmem>>
    %dma_start3A_302 = tpu.memref_squeeze %dma_start3A_301 : memref<1x16x128xf32, #tpu.memory_space<vmem>> -> memref<16x128xf32, #tpu.memory_space<vmem>>
    %dma_start3A_303 = arith.constant 32 : i32
    %dma_start3A_304 = arith.constant 0 : i32
    %dma_start3A_305 = tpu.memref_slice %arg5[%add3A_297, %dma_start3A_303, %dma_start3A_304] : memref<64x128x128xf32, #tpu.memory_space<hbm>> -> memref<1x16x128xf32, #tpu.memory_space<hbm>>
    %dma_start3A_306 = tpu.memref_squeeze %dma_start3A_305 : memref<1x16x128xf32, #tpu.memory_space<hbm>> -> memref<16x128xf32, #tpu.memory_space<hbm>>
    %dma_start3A_307 = arith.constant 32 : i32
    %dma_start3A_308 = arith.constant 0 : i32
    %dma_start3A_309 = tpu.memref_slice %arg5[%add3A_297, %dma_start3A_307, %dma_start3A_308] : memref<64x128x128xf32, #tpu.memory_space<hbm>> -> memref<1x16x128xf32, #tpu.memory_space<hbm>>
    %dma_start3A_310 = tpu.memref_squeeze %dma_start3A_309 : memref<1x16x128xf32, #tpu.memory_space<hbm>> -> memref<16x128xf32, #tpu.memory_space<hbm>>
    %dma_start3A_311 = arith.constant 0 : i32
    %dma_start3A_312 = arith.constant 0 : i32
    %dma_start3A_313 = tpu.memref_slice %arg10[%dma_start3A_298, %dma_start3A_311, %dma_start3A_312] : memref<2x16x128xf32, #tpu.memory_space<vmem>> -> memref<1x16x128xf32, #tpu.memory_space<vmem>>
    %dma_start3A_314 = tpu.memref_squeeze %dma_start3A_313 : memref<1x16x128xf32, #tpu.memory_space<vmem>> -> memref<16x128xf32, #tpu.memory_space<vmem>>
    tpu.enqueue_dma source(%dma_start3A_314 : memref<16x128xf32, #tpu.memory_space<vmem>>) target(%dma_start3A_310 : memref<16x128xf32, #tpu.memory_space<hbm>>) target_semaphore(%arg18 : memref<!tpu.dma_semaphore, #tpu.memory_space<semaphore_mem>>)
    %dma_wait3A_315 = arith.constant 1 : i32
    %dma_wait3A_316 = arith.constant 0 : i32
    %dma_wait3A_317 = tpu.memref_slice %arg7[%dma_wait3A_315, %dma_wait3A_316] : memref<2x2048xi32, #tpu.memory_space<vmem>> -> memref<1x2048xi32, #tpu.memory_space<vmem>>
    %dma_wait3A_318 = tpu.memref_squeeze %dma_wait3A_317 : memref<1x2048xi32, #tpu.memory_space<vmem>> -> memref<2048xi32, #tpu.memory_space<vmem>>
    %dma_wait3A_319 = arith.constant 6144 : i32
    %dma_wait3A_320 = tpu.memref_slice %arg3[%dma_wait3A_319] : memref<16384xi32, #tpu.memory_space<hbm>> -> memref<2048xi32, #tpu.memory_space<hbm>>
    %dma_wait3A_321 = arith.constant 0 : i32
    %dma_wait3A_322 = tpu.memref_slice %arg7[%dma_wait3A_315, %dma_wait3A_321] : memref<2x2048xi32, #tpu.memory_space<vmem>> -> memref<1x2048xi32, #tpu.memory_space<vmem>>
    %dma_wait3A_323 = tpu.memref_squeeze %dma_wait3A_322 : memref<1x2048xi32, #tpu.memory_space<vmem>> -> memref<2048xi32, #tpu.memory_space<vmem>>
    %dma_wait3A_324 = arith.constant 6144 : i32
    %dma_wait3A_325 = tpu.memref_slice %arg3[%dma_wait3A_324] : memref<16384xi32, #tpu.memory_space<hbm>> -> memref<2048xi32, #tpu.memory_space<hbm>>
    tpu.wait_dma2 semaphore(%arg13 : memref<!tpu.dma_semaphore, #tpu.memory_space<semaphore_mem>>) src(%dma_wait3A_325 : memref<2048xi32, #tpu.memory_space<hbm>>) dst(%dma_wait3A_323 : memref<2048xi32, #tpu.memory_space<vmem>>)
    %dma_wait3A_326 = arith.constant 1 : i32
    %dma_wait3A_327 = arith.constant 0 : i32
    %dma_wait3A_328 = tpu.memref_slice %arg8[%dma_wait3A_326, %dma_wait3A_327] : memref<2x2048xi32, #tpu.memory_space<vmem>> -> memref<1x2048xi32, #tpu.memory_space<vmem>>
    %dma_wait3A_329 = tpu.memref_squeeze %dma_wait3A_328 : memref<1x2048xi32, #tpu.memory_space<vmem>> -> memref<2048xi32, #tpu.memory_space<vmem>>
    %dma_wait3A_330 = arith.constant 6144 : i32
    %dma_wait3A_331 = tpu.memref_slice %arg4[%dma_wait3A_330] : memref<16384xi32, #tpu.memory_space<hbm>> -> memref<2048xi32, #tpu.memory_space<hbm>>
    %dma_wait3A_332 = arith.constant 0 : i32
    %dma_wait3A_333 = tpu.memref_slice %arg8[%dma_wait3A_326, %dma_wait3A_332] : memref<2x2048xi32, #tpu.memory_space<vmem>> -> memref<1x2048xi32, #tpu.memory_space<vmem>>
    %dma_wait3A_334 = tpu.memref_squeeze %dma_wait3A_333 : memref<1x2048xi32, #tpu.memory_space<vmem>> -> memref<2048xi32, #tpu.memory_space<vmem>>
    %dma_wait3A_335 = arith.constant 6144 : i32
    %dma_wait3A_336 = tpu.memref_slice %arg4[%dma_wait3A_335] : memref<16384xi32, #tpu.memory_space<hbm>> -> memref<2048xi32, #tpu.memory_space<hbm>>
    tpu.wait_dma2 semaphore(%arg15 : memref<!tpu.dma_semaphore, #tpu.memory_space<semaphore_mem>>) src(%dma_wait3A_336 : memref<2048xi32, #tpu.memory_space<hbm>>) dst(%dma_wait3A_334 : memref<2048xi32, #tpu.memory_space<vmem>>)
    %dma_start3A_337 = arith.constant 0 : i32
    %dma_start3A_338 = arith.constant 0 : i32
    %dma_start3A_339 = tpu.memref_slice %arg7[%dma_start3A_337, %dma_start3A_338] : memref<2x2048xi32, #tpu.memory_space<vmem>> -> memref<1x2048xi32, #tpu.memory_space<vmem>>
    %dma_start3A_340 = tpu.memref_squeeze %dma_start3A_339 : memref<1x2048xi32, #tpu.memory_space<vmem>> -> memref<2048xi32, #tpu.memory_space<vmem>>
    %dma_start3A_341 = arith.constant 8192 : i32
    %dma_start3A_342 = tpu.memref_slice %arg3[%dma_start3A_341] : memref<16384xi32, #tpu.memory_space<hbm>> -> memref<2048xi32, #tpu.memory_space<hbm>>
    %dma_start3A_343 = arith.constant 0 : i32
    %dma_start3A_344 = tpu.memref_slice %arg7[%dma_start3A_337, %dma_start3A_343] : memref<2x2048xi32, #tpu.memory_space<vmem>> -> memref<1x2048xi32, #tpu.memory_space<vmem>>
    %dma_start3A_345 = tpu.memref_squeeze %dma_start3A_344 : memref<1x2048xi32, #tpu.memory_space<vmem>> -> memref<2048xi32, #tpu.memory_space<vmem>>
    %dma_start3A_346 = arith.constant 8192 : i32
    %dma_start3A_347 = tpu.memref_slice %arg3[%dma_start3A_346] : memref<16384xi32, #tpu.memory_space<hbm>> -> memref<2048xi32, #tpu.memory_space<hbm>>
    tpu.enqueue_dma source(%dma_start3A_347 : memref<2048xi32, #tpu.memory_space<hbm>>) target(%dma_start3A_345 : memref<2048xi32, #tpu.memory_space<vmem>>) target_semaphore(%arg12 : memref<!tpu.dma_semaphore, #tpu.memory_space<semaphore_mem>>)
    %dma_start3A_348 = arith.constant 0 : i32
    %dma_start3A_349 = arith.constant 0 : i32
    %dma_start3A_350 = tpu.memref_slice %arg8[%dma_start3A_348, %dma_start3A_349] : memref<2x2048xi32, #tpu.memory_space<vmem>> -> memref<1x2048xi32, #tpu.memory_space<vmem>>
    %dma_start3A_351 = tpu.memref_squeeze %dma_start3A_350 : memref<1x2048xi32, #tpu.memory_space<vmem>> -> memref<2048xi32, #tpu.memory_space<vmem>>
    %dma_start3A_352 = arith.constant 8192 : i32
    %dma_start3A_353 = tpu.memref_slice %arg4[%dma_start3A_352] : memref<16384xi32, #tpu.memory_space<hbm>> -> memref<2048xi32, #tpu.memory_space<hbm>>
    %dma_start3A_354 = arith.constant 0 : i32
    %dma_start3A_355 = tpu.memref_slice %arg8[%dma_start3A_348, %dma_start3A_354] : memref<2x2048xi32, #tpu.memory_space<vmem>> -> memref<1x2048xi32, #tpu.memory_space<vmem>>
    %dma_start3A_356 = tpu.memref_squeeze %dma_start3A_355 : memref<1x2048xi32, #tpu.memory_space<vmem>> -> memref<2048xi32, #tpu.memory_space<vmem>>
    %dma_start3A_357 = arith.constant 8192 : i32
    %dma_start3A_358 = tpu.memref_slice %arg4[%dma_start3A_357] : memref<16384xi32, #tpu.memory_space<hbm>> -> memref<2048xi32, #tpu.memory_space<hbm>>
    tpu.enqueue_dma source(%dma_start3A_358 : memref<2048xi32, #tpu.memory_space<hbm>>) target(%dma_start3A_356 : memref<2048xi32, #tpu.memory_space<vmem>>) target_semaphore(%arg14 : memref<!tpu.dma_semaphore, #tpu.memory_space<semaphore_mem>>)
    %dma_wait3A_359 = arith.constant 1 : i32
    %dma_wait3A_360 = arith.constant 0 : i32
    %dma_wait3A_361 = arith.constant 0 : i32
    %dma_wait3A_362 = tpu.memref_slice %arg9[%dma_wait3A_359, %dma_wait3A_360, %dma_wait3A_361] : memref<2x16x128xf32, #tpu.memory_space<vmem>> -> memref<1x16x128xf32, #tpu.memory_space<vmem>>
    %dma_wait3A_363 = tpu.memref_squeeze %dma_wait3A_362 : memref<1x16x128xf32, #tpu.memory_space<vmem>> -> memref<16x128xf32, #tpu.memory_space<vmem>>
    %dma_wait3A_364 = arith.constant 16 : i32
    %dma_wait3A_365 = arith.constant 0 : i32
    %dma_wait3A_366 = tpu.memref_slice %arg5[%add3A, %dma_wait3A_364, %dma_wait3A_365] : memref<64x128x128xf32, #tpu.memory_space<hbm>> -> memref<1x16x128xf32, #tpu.memory_space<hbm>>
    %dma_wait3A_367 = tpu.memref_squeeze %dma_wait3A_366 : memref<1x16x128xf32, #tpu.memory_space<hbm>> -> memref<16x128xf32, #tpu.memory_space<hbm>>
    %dma_wait3A_368 = arith.constant 16 : i32
    %dma_wait3A_369 = arith.constant 0 : i32
    %dma_wait3A_370 = tpu.memref_slice %arg5[%add3A, %dma_wait3A_368, %dma_wait3A_369] : memref<64x128x128xf32, #tpu.memory_space<hbm>> -> memref<1x16x128xf32, #tpu.memory_space<hbm>>
    %dma_wait3A_371 = tpu.memref_squeeze %dma_wait3A_370 : memref<1x16x128xf32, #tpu.memory_space<hbm>> -> memref<16x128xf32, #tpu.memory_space<hbm>>
    %dma_wait3A_372 = arith.constant 0 : i32
    %dma_wait3A_373 = arith.constant 0 : i32
    %dma_wait3A_374 = tpu.memref_slice %arg9[%dma_wait3A_359, %dma_wait3A_372, %dma_wait3A_373] : memref<2x16x128xf32, #tpu.memory_space<vmem>> -> memref<1x16x128xf32, #tpu.memory_space<vmem>>
    %dma_wait3A_375 = tpu.memref_squeeze %dma_wait3A_374 : memref<1x16x128xf32, #tpu.memory_space<vmem>> -> memref<16x128xf32, #tpu.memory_space<vmem>>
    tpu.wait_dma2 semaphore(%arg17 : memref<!tpu.dma_semaphore, #tpu.memory_space<semaphore_mem>>) src(%dma_wait3A_375 : memref<16x128xf32, #tpu.memory_space<vmem>>) dst(%dma_wait3A_371 : memref<16x128xf32, #tpu.memory_space<hbm>>)
    %dma_wait3A_376 = arith.constant 1 : i32
    %dma_wait3A_377 = arith.constant 0 : i32
    %dma_wait3A_378 = arith.constant 0 : i32
    %dma_wait3A_379 = tpu.memref_slice %arg10[%dma_wait3A_376, %dma_wait3A_377, %dma_wait3A_378] : memref<2x16x128xf32, #tpu.memory_space<vmem>> -> memref<1x16x128xf32, #tpu.memory_space<vmem>>
    %dma_wait3A_380 = tpu.memref_squeeze %dma_wait3A_379 : memref<1x16x128xf32, #tpu.memory_space<vmem>> -> memref<16x128xf32, #tpu.memory_space<vmem>>
    %dma_wait3A_381 = arith.constant 16 : i32
    %dma_wait3A_382 = arith.constant 0 : i32
    %dma_wait3A_383 = tpu.memref_slice %arg5[%add3A_180, %dma_wait3A_381, %dma_wait3A_382] : memref<64x128x128xf32, #tpu.memory_space<hbm>> -> memref<1x16x128xf32, #tpu.memory_space<hbm>>
    %dma_wait3A_384 = tpu.memref_squeeze %dma_wait3A_383 : memref<1x16x128xf32, #tpu.memory_space<hbm>> -> memref<16x128xf32, #tpu.memory_space<hbm>>
    %dma_wait3A_385 = arith.constant 16 : i32
    %dma_wait3A_386 = arith.constant 0 : i32
    %dma_wait3A_387 = tpu.memref_slice %arg5[%add3A_180, %dma_wait3A_385, %dma_wait3A_386] : memref<64x128x128xf32, #tpu.memory_space<hbm>> -> memref<1x16x128xf32, #tpu.memory_space<hbm>>
    %dma_wait3A_388 = tpu.memref_squeeze %dma_wait3A_387 : memref<1x16x128xf32, #tpu.memory_space<hbm>> -> memref<16x128xf32, #tpu.memory_space<hbm>>
    %dma_wait3A_389 = arith.constant 0 : i32
    %dma_wait3A_390 = arith.constant 0 : i32
    %dma_wait3A_391 = tpu.memref_slice %arg10[%dma_wait3A_376, %dma_wait3A_389, %dma_wait3A_390] : memref<2x16x128xf32, #tpu.memory_space<vmem>> -> memref<1x16x128xf32, #tpu.memory_space<vmem>>
    %dma_wait3A_392 = tpu.memref_squeeze %dma_wait3A_391 : memref<1x16x128xf32, #tpu.memory_space<vmem>> -> memref<16x128xf32, #tpu.memory_space<vmem>>
    tpu.wait_dma2 semaphore(%arg19 : memref<!tpu.dma_semaphore, #tpu.memory_space<semaphore_mem>>) src(%dma_wait3A_392 : memref<16x128xf32, #tpu.memory_space<vmem>>) dst(%dma_wait3A_388 : memref<16x128xf32, #tpu.memory_space<hbm>>)
    %parallel_loop3A_393 = arith.constant 0 : i32
    %parallel_loop3A_394 = arith.constant 128 : i32
    %parallel_loop3A_395 = arith.constant 1 : i32
    scf.for %parallel_loop3A_946 = %parallel_loop3A_393 to %parallel_loop3A_394 step %parallel_loop3A_395  : i32 {
      %parallel_loop3A_947 = arith.constant 16 : i32
      %parallel_loop3A_948 = arith.muli %parallel_loop3A_946, %parallel_loop3A_947 : i32
      %parallel_loop3A_949 = arith.constant 128 : i32
      %parallel_loop3A_950 = arith.divsi %parallel_loop3A_948, %parallel_loop3A_949 : i32
      %parallel_loop3A_951 = arith.constant 0 : i32
      %parallel_loop3A_952 = arith.cmpi sgt, %parallel_loop3A_948, %parallel_loop3A_951 : i32
      %parallel_loop3A_953 = arith.extui %parallel_loop3A_952 : i1 to i32
      %parallel_loop3A_954 = arith.constant 0 : i32
      %parallel_loop3A_955 = arith.cmpi slt, %parallel_loop3A_948, %parallel_loop3A_954 : i32
      %parallel_loop3A_956 = arith.extui %parallel_loop3A_955 : i1 to i32
      %parallel_loop3A_957 = arith.subi %parallel_loop3A_953, %parallel_loop3A_956 : i32
      %parallel_loop3A_958 = arith.constant 0 : i32
      %parallel_loop3A_959 = arith.cmpi sgt, %parallel_loop3A_949, %parallel_loop3A_958 : i32
      %parallel_loop3A_960 = arith.extui %parallel_loop3A_959 : i1 to i32
      %parallel_loop3A_961 = arith.constant 0 : i32
      %parallel_loop3A_962 = arith.cmpi slt, %parallel_loop3A_949, %parallel_loop3A_961 : i32
      %parallel_loop3A_963 = arith.extui %parallel_loop3A_962 : i1 to i32
      %parallel_loop3A_964 = arith.subi %parallel_loop3A_960, %parallel_loop3A_963 : i32
      %parallel_loop3A_965 = arith.cmpi ne, %parallel_loop3A_957, %parallel_loop3A_964 : i32
      %parallel_loop3A_966 = arith.remsi %parallel_loop3A_948, %parallel_loop3A_949 : i32
      %parallel_loop3A_967 = arith.constant 0 : i32
      %parallel_loop3A_968 = arith.cmpi ne, %parallel_loop3A_966, %parallel_loop3A_967 : i32
      %parallel_loop3A_969 = arith.andi %parallel_loop3A_965, %parallel_loop3A_968 : i1
      %parallel_loop3A_970 = arith.constant 1 : i32
      %parallel_loop3A_971 = arith.subi %parallel_loop3A_950, %parallel_loop3A_970 : i32
      %parallel_loop3A_972 = arith.select %parallel_loop3A_969, %parallel_loop3A_971, %parallel_loop3A_950 : i32
      %parallel_loop3A_973 = arith.constant 128 : i32
      %parallel_loop3A_974 = arith.constant 0 : i32
      %parallel_loop3A_975 = arith.cmpi eq, %parallel_loop3A_973, %parallel_loop3A_974 : i32
      %parallel_loop3A_976 = arith.constant 1 : i32
      %parallel_loop3A_977 = arith.select %parallel_loop3A_975, %parallel_loop3A_976, %parallel_loop3A_973 : i32
      %parallel_loop3A_978 = arith.remsi %parallel_loop3A_948, %parallel_loop3A_977 : i32
      %parallel_loop3A_979 = arith.constant 0 : i32
      %parallel_loop3A_980 = arith.cmpi ne, %parallel_loop3A_978, %parallel_loop3A_979 : i32
      %parallel_loop3A_981 = arith.constant 0 : i32
      %parallel_loop3A_982 = arith.cmpi slt, %parallel_loop3A_978, %parallel_loop3A_981 : i32
      %parallel_loop3A_983 = arith.constant 0 : i32
      %parallel_loop3A_984 = arith.cmpi slt, %parallel_loop3A_977, %parallel_loop3A_983 : i32
      %parallel_loop3A_985 = arith.xori %parallel_loop3A_982, %parallel_loop3A_984 : i1
      %parallel_loop3A_986 = arith.andi %parallel_loop3A_985, %parallel_loop3A_980 : i1
      %parallel_loop3A_987 = arith.addi %parallel_loop3A_978, %parallel_loop3A_977 : i32
      %parallel_loop3A_988 = arith.select %parallel_loop3A_986, %parallel_loop3A_987, %parallel_loop3A_978 : i32
      %parallel_loop3A_989 = arith.constant 1 : i32
      %parallel_loop3A_990 = arith.index_cast %parallel_loop3A_989 : i32 to index
      %parallel_loop3A_991 = arith.index_cast %parallel_loop3A_948 : i32 to index
      %parallel_loop3A_992 = tpu.vector_load %arg7[%parallel_loop3A_990, %parallel_loop3A_991] {strides = array<i32>} : memref<2x2048xi32, #tpu.memory_space<vmem>>, vector<16xi32>,
      %parallel_loop3A_993 = tpu.vector_load_idx %arg6[%parallel_loop3A_992] : memref<100000xf32, #tpu.memory_space<vmem>>[vector<16xi32>], vector<16xf32>,
      %parallel_loop3A_994 = arith.constant 1 : i32
      %parallel_loop3A_995 = arith.index_cast %parallel_loop3A_994 : i32 to index
      %parallel_loop3A_996 = arith.index_cast %parallel_loop3A_972 : i32 to index
      %parallel_loop3A_997 = arith.index_cast %parallel_loop3A_988 : i32 to index
      %parallel_loop3A_998 = tpu.vector_load %arg9[%parallel_loop3A_995, %parallel_loop3A_996, %parallel_loop3A_997] {strides = array<i32>} : memref<2x16x128xf32, #tpu.memory_space<vmem>>, vector<16xf32>,
      tpu.vector_store %arg9[%parallel_loop3A_995, %parallel_loop3A_996, %parallel_loop3A_997], %parallel_loop3A_993 {strides = array<i32>} : memref<2x16x128xf32, #tpu.memory_space<vmem>>, vector<16xf32>,
      %parallel_loop3A_999 = arith.constant 1 : i32
      %parallel_loop3A_1000 = arith.index_cast %parallel_loop3A_999 : i32 to index
      %parallel_loop3A_1001 = arith.index_cast %parallel_loop3A_948 : i32 to index
      %parallel_loop3A_1002 = tpu.vector_load %arg8[%parallel_loop3A_1000, %parallel_loop3A_1001] {strides = array<i32>} : memref<2x2048xi32, #tpu.memory_space<vmem>>, vector<16xi32>,
      %parallel_loop3A_1003 = tpu.vector_load_idx %arg6[%parallel_loop3A_1002] : memref<100000xf32, #tpu.memory_space<vmem>>[vector<16xi32>], vector<16xf32>,
      %parallel_loop3A_1004 = arith.constant 1 : i32
      %parallel_loop3A_1005 = arith.index_cast %parallel_loop3A_1004 : i32 to index
      %parallel_loop3A_1006 = arith.index_cast %parallel_loop3A_972 : i32 to index
      %parallel_loop3A_1007 = arith.index_cast %parallel_loop3A_988 : i32 to index
      %parallel_loop3A_1008 = tpu.vector_load %arg10[%parallel_loop3A_1005, %parallel_loop3A_1006, %parallel_loop3A_1007] {strides = array<i32>} : memref<2x16x128xf32, #tpu.memory_space<vmem>>, vector<16xf32>,
      tpu.vector_store %arg10[%parallel_loop3A_1005, %parallel_loop3A_1006, %parallel_loop3A_1007], %parallel_loop3A_1003 {strides = array<i32>} : memref<2x16x128xf32, #tpu.memory_space<vmem>>, vector<16xf32>,
    } {sc.loop_unroll_factor = 16 : i64, sc.parallel_access}
    %dma_start3A_396 = arith.constant 1 : i32
    %dma_start3A_397 = arith.constant 0 : i32
    %dma_start3A_398 = arith.constant 0 : i32
    %dma_start3A_399 = tpu.memref_slice %arg9[%dma_start3A_396, %dma_start3A_397, %dma_start3A_398] : memref<2x16x128xf32, #tpu.memory_space<vmem>> -> memref<1x16x128xf32, #tpu.memory_space<vmem>>
    %dma_start3A_400 = tpu.memref_squeeze %dma_start3A_399 : memref<1x16x128xf32, #tpu.memory_space<vmem>> -> memref<16x128xf32, #tpu.memory_space<vmem>>
    %dma_start3A_401 = arith.constant 48 : i32
    %dma_start3A_402 = arith.constant 0 : i32
    %dma_start3A_403 = tpu.memref_slice %arg5[%add3A, %dma_start3A_401, %dma_start3A_402] : memref<64x128x128xf32, #tpu.memory_space<hbm>> -> memref<1x16x128xf32, #tpu.memory_space<hbm>>
    %dma_start3A_404 = tpu.memref_squeeze %dma_start3A_403 : memref<1x16x128xf32, #tpu.memory_space<hbm>> -> memref<16x128xf32, #tpu.memory_space<hbm>>
    %dma_start3A_405 = arith.constant 48 : i32
    %dma_start3A_406 = arith.constant 0 : i32
    %dma_start3A_407 = tpu.memref_slice %arg5[%add3A, %dma_start3A_405, %dma_start3A_406] : memref<64x128x128xf32, #tpu.memory_space<hbm>> -> memref<1x16x128xf32, #tpu.memory_space<hbm>>
    %dma_start3A_408 = tpu.memref_squeeze %dma_start3A_407 : memref<1x16x128xf32, #tpu.memory_space<hbm>> -> memref<16x128xf32, #tpu.memory_space<hbm>>
    %dma_start3A_409 = arith.constant 0 : i32
    %dma_start3A_410 = arith.constant 0 : i32
    %dma_start3A_411 = tpu.memref_slice %arg9[%dma_start3A_396, %dma_start3A_409, %dma_start3A_410] : memref<2x16x128xf32, #tpu.memory_space<vmem>> -> memref<1x16x128xf32, #tpu.memory_space<vmem>>
    %dma_start3A_412 = tpu.memref_squeeze %dma_start3A_411 : memref<1x16x128xf32, #tpu.memory_space<vmem>> -> memref<16x128xf32, #tpu.memory_space<vmem>>
    tpu.enqueue_dma source(%dma_start3A_412 : memref<16x128xf32, #tpu.memory_space<vmem>>) target(%dma_start3A_408 : memref<16x128xf32, #tpu.memory_space<hbm>>) target_semaphore(%arg17 : memref<!tpu.dma_semaphore, #tpu.memory_space<semaphore_mem>>)
    %add3A_413 = arith.constant 32 : i32
    %add3A_414 = arith.addi %add3A_413, %add3A : i32
    %dma_start3A_415 = arith.constant 1 : i32
    %dma_start3A_416 = arith.constant 0 : i32
    %dma_start3A_417 = arith.constant 0 : i32
    %dma_start3A_418 = tpu.memref_slice %arg10[%dma_start3A_415, %dma_start3A_416, %dma_start3A_417] : memref<2x16x128xf32, #tpu.memory_space<vmem>> -> memref<1x16x128xf32, #tpu.memory_space<vmem>>
    %dma_start3A_419 = tpu.memref_squeeze %dma_start3A_418 : memref<1x16x128xf32, #tpu.memory_space<vmem>> -> memref<16x128xf32, #tpu.memory_space<vmem>>
    %dma_start3A_420 = arith.constant 48 : i32
    %dma_start3A_421 = arith.constant 0 : i32
    %dma_start3A_422 = tpu.memref_slice %arg5[%add3A_414, %dma_start3A_420, %dma_start3A_421] : memref<64x128x128xf32, #tpu.memory_space<hbm>> -> memref<1x16x128xf32, #tpu.memory_space<hbm>>
    %dma_start3A_423 = tpu.memref_squeeze %dma_start3A_422 : memref<1x16x128xf32, #tpu.memory_space<hbm>> -> memref<16x128xf32, #tpu.memory_space<hbm>>
    %dma_start3A_424 = arith.constant 48 : i32
    %dma_start3A_425 = arith.constant 0 : i32
    %dma_start3A_426 = tpu.memref_slice %arg5[%add3A_414, %dma_start3A_424, %dma_start3A_425] : memref<64x128x128xf32, #tpu.memory_space<hbm>> -> memref<1x16x128xf32, #tpu.memory_space<hbm>>
    %dma_start3A_427 = tpu.memref_squeeze %dma_start3A_426 : memref<1x16x128xf32, #tpu.memory_space<hbm>> -> memref<16x128xf32, #tpu.memory_space<hbm>>
    %dma_start3A_428 = arith.constant 0 : i32
    %dma_start3A_429 = arith.constant 0 : i32
    %dma_start3A_430 = tpu.memref_slice %arg10[%dma_start3A_415, %dma_start3A_428, %dma_start3A_429] : memref<2x16x128xf32, #tpu.memory_space<vmem>> -> memref<1x16x128xf32, #tpu.memory_space<vmem>>
    %dma_start3A_431 = tpu.memref_squeeze %dma_start3A_430 : memref<1x16x128xf32, #tpu.memory_space<vmem>> -> memref<16x128xf32, #tpu.memory_space<vmem>>
    tpu.enqueue_dma source(%dma_start3A_431 : memref<16x128xf32, #tpu.memory_space<vmem>>) target(%dma_start3A_427 : memref<16x128xf32, #tpu.memory_space<hbm>>) target_semaphore(%arg19 : memref<!tpu.dma_semaphore, #tpu.memory_space<semaphore_mem>>)
    %dma_wait3A_432 = arith.constant 0 : i32
    %dma_wait3A_433 = arith.constant 0 : i32
    %dma_wait3A_434 = tpu.memref_slice %arg7[%dma_wait3A_432, %dma_wait3A_433] : memref<2x2048xi32, #tpu.memory_space<vmem>> -> memref<1x2048xi32, #tpu.memory_space<vmem>>
    %dma_wait3A_435 = tpu.memref_squeeze %dma_wait3A_434 : memref<1x2048xi32, #tpu.memory_space<vmem>> -> memref<2048xi32, #tpu.memory_space<vmem>>
    %dma_wait3A_436 = arith.constant 8192 : i32
    %dma_wait3A_437 = tpu.memref_slice %arg3[%dma_wait3A_436] : memref<16384xi32, #tpu.memory_space<hbm>> -> memref<2048xi32, #tpu.memory_space<hbm>>
    %dma_wait3A_438 = arith.constant 0 : i32
    %dma_wait3A_439 = tpu.memref_slice %arg7[%dma_wait3A_432, %dma_wait3A_438] : memref<2x2048xi32, #tpu.memory_space<vmem>> -> memref<1x2048xi32, #tpu.memory_space<vmem>>
    %dma_wait3A_440 = tpu.memref_squeeze %dma_wait3A_439 : memref<1x2048xi32, #tpu.memory_space<vmem>> -> memref<2048xi32, #tpu.memory_space<vmem>>
    %dma_wait3A_441 = arith.constant 8192 : i32
    %dma_wait3A_442 = tpu.memref_slice %arg3[%dma_wait3A_441] : memref<16384xi32, #tpu.memory_space<hbm>> -> memref<2048xi32, #tpu.memory_space<hbm>>
    tpu.wait_dma2 semaphore(%arg12 : memref<!tpu.dma_semaphore, #tpu.memory_space<semaphore_mem>>) src(%dma_wait3A_442 : memref<2048xi32, #tpu.memory_space<hbm>>) dst(%dma_wait3A_440 : memref<2048xi32, #tpu.memory_space<vmem>>)
    %dma_wait3A_443 = arith.constant 0 : i32
    %dma_wait3A_444 = arith.constant 0 : i32
    %dma_wait3A_445 = tpu.memref_slice %arg8[%dma_wait3A_443, %dma_wait3A_444] : memref<2x2048xi32, #tpu.memory_space<vmem>> -> memref<1x2048xi32, #tpu.memory_space<vmem>>
    %dma_wait3A_446 = tpu.memref_squeeze %dma_wait3A_445 : memref<1x2048xi32, #tpu.memory_space<vmem>> -> memref<2048xi32, #tpu.memory_space<vmem>>
    %dma_wait3A_447 = arith.constant 8192 : i32
    %dma_wait3A_448 = tpu.memref_slice %arg4[%dma_wait3A_447] : memref<16384xi32, #tpu.memory_space<hbm>> -> memref<2048xi32, #tpu.memory_space<hbm>>
    %dma_wait3A_449 = arith.constant 0 : i32
    %dma_wait3A_450 = tpu.memref_slice %arg8[%dma_wait3A_443, %dma_wait3A_449] : memref<2x2048xi32, #tpu.memory_space<vmem>> -> memref<1x2048xi32, #tpu.memory_space<vmem>>
    %dma_wait3A_451 = tpu.memref_squeeze %dma_wait3A_450 : memref<1x2048xi32, #tpu.memory_space<vmem>> -> memref<2048xi32, #tpu.memory_space<vmem>>
    %dma_wait3A_452 = arith.constant 8192 : i32
    %dma_wait3A_453 = tpu.memref_slice %arg4[%dma_wait3A_452] : memref<16384xi32, #tpu.memory_space<hbm>> -> memref<2048xi32, #tpu.memory_space<hbm>>
    tpu.wait_dma2 semaphore(%arg14 : memref<!tpu.dma_semaphore, #tpu.memory_space<semaphore_mem>>) src(%dma_wait3A_453 : memref<2048xi32, #tpu.memory_space<hbm>>) dst(%dma_wait3A_451 : memref<2048xi32, #tpu.memory_space<vmem>>)
    %dma_start3A_454 = arith.constant 1 : i32
    %dma_start3A_455 = arith.constant 0 : i32
    %dma_start3A_456 = tpu.memref_slice %arg7[%dma_start3A_454, %dma_start3A_455] : memref<2x2048xi32, #tpu.memory_space<vmem>> -> memref<1x2048xi32, #tpu.memory_space<vmem>>
    %dma_start3A_457 = tpu.memref_squeeze %dma_start3A_456 : memref<1x2048xi32, #tpu.memory_space<vmem>> -> memref<2048xi32, #tpu.memory_space<vmem>>
    %dma_start3A_458 = arith.constant 10240 : i32
    %dma_start3A_459 = tpu.memref_slice %arg3[%dma_start3A_458] : memref<16384xi32, #tpu.memory_space<hbm>> -> memref<2048xi32, #tpu.memory_space<hbm>>
    %dma_start3A_460 = arith.constant 0 : i32
    %dma_start3A_461 = tpu.memref_slice %arg7[%dma_start3A_454, %dma_start3A_460] : memref<2x2048xi32, #tpu.memory_space<vmem>> -> memref<1x2048xi32, #tpu.memory_space<vmem>>
    %dma_start3A_462 = tpu.memref_squeeze %dma_start3A_461 : memref<1x2048xi32, #tpu.memory_space<vmem>> -> memref<2048xi32, #tpu.memory_space<vmem>>
    %dma_start3A_463 = arith.constant 10240 : i32
    %dma_start3A_464 = tpu.memref_slice %arg3[%dma_start3A_463] : memref<16384xi32, #tpu.memory_space<hbm>> -> memref<2048xi32, #tpu.memory_space<hbm>>
    tpu.enqueue_dma source(%dma_start3A_464 : memref<2048xi32, #tpu.memory_space<hbm>>) target(%dma_start3A_462 : memref<2048xi32, #tpu.memory_space<vmem>>) target_semaphore(%arg13 : memref<!tpu.dma_semaphore, #tpu.memory_space<semaphore_mem>>)
    %dma_start3A_465 = arith.constant 1 : i32
    %dma_start3A_466 = arith.constant 0 : i32
    %dma_start3A_467 = tpu.memref_slice %arg8[%dma_start3A_465, %dma_start3A_466] : memref<2x2048xi32, #tpu.memory_space<vmem>> -> memref<1x2048xi32, #tpu.memory_space<vmem>>
    %dma_start3A_468 = tpu.memref_squeeze %dma_start3A_467 : memref<1x2048xi32, #tpu.memory_space<vmem>> -> memref<2048xi32, #tpu.memory_space<vmem>>
    %dma_start3A_469 = arith.constant 10240 : i32
    %dma_start3A_470 = tpu.memref_slice %arg4[%dma_start3A_469] : memref<16384xi32, #tpu.memory_space<hbm>> -> memref<2048xi32, #tpu.memory_space<hbm>>
    %dma_start3A_471 = arith.constant 0 : i32
    %dma_start3A_472 = tpu.memref_slice %arg8[%dma_start3A_465, %dma_start3A_471] : memref<2x2048xi32, #tpu.memory_space<vmem>> -> memref<1x2048xi32, #tpu.memory_space<vmem>>
    %dma_start3A_473 = tpu.memref_squeeze %dma_start3A_472 : memref<1x2048xi32, #tpu.memory_space<vmem>> -> memref<2048xi32, #tpu.memory_space<vmem>>
    %dma_start3A_474 = arith.constant 10240 : i32
    %dma_start3A_475 = tpu.memref_slice %arg4[%dma_start3A_474] : memref<16384xi32, #tpu.memory_space<hbm>> -> memref<2048xi32, #tpu.memory_space<hbm>>
    tpu.enqueue_dma source(%dma_start3A_475 : memref<2048xi32, #tpu.memory_space<hbm>>) target(%dma_start3A_473 : memref<2048xi32, #tpu.memory_space<vmem>>) target_semaphore(%arg15 : memref<!tpu.dma_semaphore, #tpu.memory_space<semaphore_mem>>)
    %dma_wait3A_476 = arith.constant 0 : i32
    %dma_wait3A_477 = arith.constant 0 : i32
    %dma_wait3A_478 = arith.constant 0 : i32
    %dma_wait3A_479 = tpu.memref_slice %arg9[%dma_wait3A_476, %dma_wait3A_477, %dma_wait3A_478] : memref<2x16x128xf32, #tpu.memory_space<vmem>> -> memref<1x16x128xf32, #tpu.memory_space<vmem>>
    %dma_wait3A_480 = tpu.memref_squeeze %dma_wait3A_479 : memref<1x16x128xf32, #tpu.memory_space<vmem>> -> memref<16x128xf32, #tpu.memory_space<vmem>>
    %dma_wait3A_481 = arith.constant 32 : i32
    %dma_wait3A_482 = arith.constant 0 : i32
    %dma_wait3A_483 = tpu.memref_slice %arg5[%add3A, %dma_wait3A_481, %dma_wait3A_482] : memref<64x128x128xf32, #tpu.memory_space<hbm>> -> memref<1x16x128xf32, #tpu.memory_space<hbm>>
    %dma_wait3A_484 = tpu.memref_squeeze %dma_wait3A_483 : memref<1x16x128xf32, #tpu.memory_space<hbm>> -> memref<16x128xf32, #tpu.memory_space<hbm>>
    %dma_wait3A_485 = arith.constant 32 : i32
    %dma_wait3A_486 = arith.constant 0 : i32
    %dma_wait3A_487 = tpu.memref_slice %arg5[%add3A, %dma_wait3A_485, %dma_wait3A_486] : memref<64x128x128xf32, #tpu.memory_space<hbm>> -> memref<1x16x128xf32, #tpu.memory_space<hbm>>
    %dma_wait3A_488 = tpu.memref_squeeze %dma_wait3A_487 : memref<1x16x128xf32, #tpu.memory_space<hbm>> -> memref<16x128xf32, #tpu.memory_space<hbm>>
    %dma_wait3A_489 = arith.constant 0 : i32
    %dma_wait3A_490 = arith.constant 0 : i32
    %dma_wait3A_491 = tpu.memref_slice %arg9[%dma_wait3A_476, %dma_wait3A_489, %dma_wait3A_490] : memref<2x16x128xf32, #tpu.memory_space<vmem>> -> memref<1x16x128xf32, #tpu.memory_space<vmem>>
    %dma_wait3A_492 = tpu.memref_squeeze %dma_wait3A_491 : memref<1x16x128xf32, #tpu.memory_space<vmem>> -> memref<16x128xf32, #tpu.memory_space<vmem>>
    tpu.wait_dma2 semaphore(%arg16 : memref<!tpu.dma_semaphore, #tpu.memory_space<semaphore_mem>>) src(%dma_wait3A_492 : memref<16x128xf32, #tpu.memory_space<vmem>>) dst(%dma_wait3A_488 : memref<16x128xf32, #tpu.memory_space<hbm>>)
    %dma_wait3A_493 = arith.constant 0 : i32
    %dma_wait3A_494 = arith.constant 0 : i32
    %dma_wait3A_495 = arith.constant 0 : i32
    %dma_wait3A_496 = tpu.memref_slice %arg10[%dma_wait3A_493, %dma_wait3A_494, %dma_wait3A_495] : memref<2x16x128xf32, #tpu.memory_space<vmem>> -> memref<1x16x128xf32, #tpu.memory_space<vmem>>
    %dma_wait3A_497 = tpu.memref_squeeze %dma_wait3A_496 : memref<1x16x128xf32, #tpu.memory_space<vmem>> -> memref<16x128xf32, #tpu.memory_space<vmem>>
    %dma_wait3A_498 = arith.constant 32 : i32
    %dma_wait3A_499 = arith.constant 0 : i32
    %dma_wait3A_500 = tpu.memref_slice %arg5[%add3A_297, %dma_wait3A_498, %dma_wait3A_499] : memref<64x128x128xf32, #tpu.memory_space<hbm>> -> memref<1x16x128xf32, #tpu.memory_space<hbm>>
    %dma_wait3A_501 = tpu.memref_squeeze %dma_wait3A_500 : memref<1x16x128xf32, #tpu.memory_space<hbm>> -> memref<16x128xf32, #tpu.memory_space<hbm>>
    %dma_wait3A_502 = arith.constant 32 : i32
    %dma_wait3A_503 = arith.constant 0 : i32
    %dma_wait3A_504 = tpu.memref_slice %arg5[%add3A_297, %dma_wait3A_502, %dma_wait3A_503] : memref<64x128x128xf32, #tpu.memory_space<hbm>> -> memref<1x16x128xf32, #tpu.memory_space<hbm>>
    %dma_wait3A_505 = tpu.memref_squeeze %dma_wait3A_504 : memref<1x16x128xf32, #tpu.memory_space<hbm>> -> memref<16x128xf32, #tpu.memory_space<hbm>>
    %dma_wait3A_506 = arith.constant 0 : i32
    %dma_wait3A_507 = arith.constant 0 : i32
    %dma_wait3A_508 = tpu.memref_slice %arg10[%dma_wait3A_493, %dma_wait3A_506, %dma_wait3A_507] : memref<2x16x128xf32, #tpu.memory_space<vmem>> -> memref<1x16x128xf32, #tpu.memory_space<vmem>>
    %dma_wait3A_509 = tpu.memref_squeeze %dma_wait3A_508 : memref<1x16x128xf32, #tpu.memory_space<vmem>> -> memref<16x128xf32, #tpu.memory_space<vmem>>
    tpu.wait_dma2 semaphore(%arg18 : memref<!tpu.dma_semaphore, #tpu.memory_space<semaphore_mem>>) src(%dma_wait3A_509 : memref<16x128xf32, #tpu.memory_space<vmem>>) dst(%dma_wait3A_505 : memref<16x128xf32, #tpu.memory_space<hbm>>)
    %parallel_loop3A_510 = arith.constant 0 : i32
    %parallel_loop3A_511 = arith.constant 128 : i32
    %parallel_loop3A_512 = arith.constant 1 : i32
    scf.for %parallel_loop3A_946 = %parallel_loop3A_510 to %parallel_loop3A_511 step %parallel_loop3A_512  : i32 {
      %parallel_loop3A_947 = arith.constant 16 : i32
      %parallel_loop3A_948 = arith.muli %parallel_loop3A_946, %parallel_loop3A_947 : i32
      %parallel_loop3A_949 = arith.constant 128 : i32
      %parallel_loop3A_950 = arith.divsi %parallel_loop3A_948, %parallel_loop3A_949 : i32
      %parallel_loop3A_951 = arith.constant 0 : i32
      %parallel_loop3A_952 = arith.cmpi sgt, %parallel_loop3A_948, %parallel_loop3A_951 : i32
      %parallel_loop3A_953 = arith.extui %parallel_loop3A_952 : i1 to i32
      %parallel_loop3A_954 = arith.constant 0 : i32
      %parallel_loop3A_955 = arith.cmpi slt, %parallel_loop3A_948, %parallel_loop3A_954 : i32
      %parallel_loop3A_956 = arith.extui %parallel_loop3A_955 : i1 to i32
      %parallel_loop3A_957 = arith.subi %parallel_loop3A_953, %parallel_loop3A_956 : i32
      %parallel_loop3A_958 = arith.constant 0 : i32
      %parallel_loop3A_959 = arith.cmpi sgt, %parallel_loop3A_949, %parallel_loop3A_958 : i32
      %parallel_loop3A_960 = arith.extui %parallel_loop3A_959 : i1 to i32
      %parallel_loop3A_961 = arith.constant 0 : i32
      %parallel_loop3A_962 = arith.cmpi slt, %parallel_loop3A_949, %parallel_loop3A_961 : i32
      %parallel_loop3A_963 = arith.extui %parallel_loop3A_962 : i1 to i32
      %parallel_loop3A_964 = arith.subi %parallel_loop3A_960, %parallel_loop3A_963 : i32
      %parallel_loop3A_965 = arith.cmpi ne, %parallel_loop3A_957, %parallel_loop3A_964 : i32
      %parallel_loop3A_966 = arith.remsi %parallel_loop3A_948, %parallel_loop3A_949 : i32
      %parallel_loop3A_967 = arith.constant 0 : i32
      %parallel_loop3A_968 = arith.cmpi ne, %parallel_loop3A_966, %parallel_loop3A_967 : i32
      %parallel_loop3A_969 = arith.andi %parallel_loop3A_965, %parallel_loop3A_968 : i1
      %parallel_loop3A_970 = arith.constant 1 : i32
      %parallel_loop3A_971 = arith.subi %parallel_loop3A_950, %parallel_loop3A_970 : i32
      %parallel_loop3A_972 = arith.select %parallel_loop3A_969, %parallel_loop3A_971, %parallel_loop3A_950 : i32
      %parallel_loop3A_973 = arith.constant 128 : i32
      %parallel_loop3A_974 = arith.constant 0 : i32
      %parallel_loop3A_975 = arith.cmpi eq, %parallel_loop3A_973, %parallel_loop3A_974 : i32
      %parallel_loop3A_976 = arith.constant 1 : i32
      %parallel_loop3A_977 = arith.select %parallel_loop3A_975, %parallel_loop3A_976, %parallel_loop3A_973 : i32
      %parallel_loop3A_978 = arith.remsi %parallel_loop3A_948, %parallel_loop3A_977 : i32
      %parallel_loop3A_979 = arith.constant 0 : i32
      %parallel_loop3A_980 = arith.cmpi ne, %parallel_loop3A_978, %parallel_loop3A_979 : i32
      %parallel_loop3A_981 = arith.constant 0 : i32
      %parallel_loop3A_982 = arith.cmpi slt, %parallel_loop3A_978, %parallel_loop3A_981 : i32
      %parallel_loop3A_983 = arith.constant 0 : i32
      %parallel_loop3A_984 = arith.cmpi slt, %parallel_loop3A_977, %parallel_loop3A_983 : i32
      %parallel_loop3A_985 = arith.xori %parallel_loop3A_982, %parallel_loop3A_984 : i1
      %parallel_loop3A_986 = arith.andi %parallel_loop3A_985, %parallel_loop3A_980 : i1
      %parallel_loop3A_987 = arith.addi %parallel_loop3A_978, %parallel_loop3A_977 : i32
      %parallel_loop3A_988 = arith.select %parallel_loop3A_986, %parallel_loop3A_987, %parallel_loop3A_978 : i32
      %parallel_loop3A_989 = arith.constant 0 : i32
      %parallel_loop3A_990 = arith.index_cast %parallel_loop3A_989 : i32 to index
      %parallel_loop3A_991 = arith.index_cast %parallel_loop3A_948 : i32 to index
      %parallel_loop3A_992 = tpu.vector_load %arg7[%parallel_loop3A_990, %parallel_loop3A_991] {strides = array<i32>} : memref<2x2048xi32, #tpu.memory_space<vmem>>, vector<16xi32>,
      %parallel_loop3A_993 = tpu.vector_load_idx %arg6[%parallel_loop3A_992] : memref<100000xf32, #tpu.memory_space<vmem>>[vector<16xi32>], vector<16xf32>,
      %parallel_loop3A_994 = arith.constant 0 : i32
      %parallel_loop3A_995 = arith.index_cast %parallel_loop3A_994 : i32 to index
      %parallel_loop3A_996 = arith.index_cast %parallel_loop3A_972 : i32 to index
      %parallel_loop3A_997 = arith.index_cast %parallel_loop3A_988 : i32 to index
      %parallel_loop3A_998 = tpu.vector_load %arg9[%parallel_loop3A_995, %parallel_loop3A_996, %parallel_loop3A_997] {strides = array<i32>} : memref<2x16x128xf32, #tpu.memory_space<vmem>>, vector<16xf32>,
      tpu.vector_store %arg9[%parallel_loop3A_995, %parallel_loop3A_996, %parallel_loop3A_997], %parallel_loop3A_993 {strides = array<i32>} : memref<2x16x128xf32, #tpu.memory_space<vmem>>, vector<16xf32>,
      %parallel_loop3A_999 = arith.constant 0 : i32
      %parallel_loop3A_1000 = arith.index_cast %parallel_loop3A_999 : i32 to index
      %parallel_loop3A_1001 = arith.index_cast %parallel_loop3A_948 : i32 to index
      %parallel_loop3A_1002 = tpu.vector_load %arg8[%parallel_loop3A_1000, %parallel_loop3A_1001] {strides = array<i32>} : memref<2x2048xi32, #tpu.memory_space<vmem>>, vector<16xi32>,
      %parallel_loop3A_1003 = tpu.vector_load_idx %arg6[%parallel_loop3A_1002] : memref<100000xf32, #tpu.memory_space<vmem>>[vector<16xi32>], vector<16xf32>,
      %parallel_loop3A_1004 = arith.constant 0 : i32
      %parallel_loop3A_1005 = arith.index_cast %parallel_loop3A_1004 : i32 to index
      %parallel_loop3A_1006 = arith.index_cast %parallel_loop3A_972 : i32 to index
      %parallel_loop3A_1007 = arith.index_cast %parallel_loop3A_988 : i32 to index
      %parallel_loop3A_1008 = tpu.vector_load %arg10[%parallel_loop3A_1005, %parallel_loop3A_1006, %parallel_loop3A_1007] {strides = array<i32>} : memref<2x16x128xf32, #tpu.memory_space<vmem>>, vector<16xf32>,
      tpu.vector_store %arg10[%parallel_loop3A_1005, %parallel_loop3A_1006, %parallel_loop3A_1007], %parallel_loop3A_1003 {strides = array<i32>} : memref<2x16x128xf32, #tpu.memory_space<vmem>>, vector<16xf32>,
    } {sc.loop_unroll_factor = 16 : i64, sc.parallel_access}
    %dma_start3A_513 = arith.constant 0 : i32
    %dma_start3A_514 = arith.constant 0 : i32
    %dma_start3A_515 = arith.constant 0 : i32
    %dma_start3A_516 = tpu.memref_slice %arg9[%dma_start3A_513, %dma_start3A_514, %dma_start3A_515] : memref<2x16x128xf32, #tpu.memory_space<vmem>> -> memref<1x16x128xf32, #tpu.memory_space<vmem>>
    %dma_start3A_517 = tpu.memref_squeeze %dma_start3A_516 : memref<1x16x128xf32, #tpu.memory_space<vmem>> -> memref<16x128xf32, #tpu.memory_space<vmem>>
    %dma_start3A_518 = arith.constant 64 : i32
    %dma_start3A_519 = arith.constant 0 : i32
    %dma_start3A_520 = tpu.memref_slice %arg5[%add3A, %dma_start3A_518, %dma_start3A_519] : memref<64x128x128xf32, #tpu.memory_space<hbm>> -> memref<1x16x128xf32, #tpu.memory_space<hbm>>
    %dma_start3A_521 = tpu.memref_squeeze %dma_start3A_520 : memref<1x16x128xf32, #tpu.memory_space<hbm>> -> memref<16x128xf32, #tpu.memory_space<hbm>>
    %dma_start3A_522 = arith.constant 64 : i32
    %dma_start3A_523 = arith.constant 0 : i32
    %dma_start3A_524 = tpu.memref_slice %arg5[%add3A, %dma_start3A_522, %dma_start3A_523] : memref<64x128x128xf32, #tpu.memory_space<hbm>> -> memref<1x16x128xf32, #tpu.memory_space<hbm>>
    %dma_start3A_525 = tpu.memref_squeeze %dma_start3A_524 : memref<1x16x128xf32, #tpu.memory_space<hbm>> -> memref<16x128xf32, #tpu.memory_space<hbm>>
    %dma_start3A_526 = arith.constant 0 : i32
    %dma_start3A_527 = arith.constant 0 : i32
    %dma_start3A_528 = tpu.memref_slice %arg9[%dma_start3A_513, %dma_start3A_526, %dma_start3A_527] : memref<2x16x128xf32, #tpu.memory_space<vmem>> -> memref<1x16x128xf32, #tpu.memory_space<vmem>>
    %dma_start3A_529 = tpu.memref_squeeze %dma_start3A_528 : memref<1x16x128xf32, #tpu.memory_space<vmem>> -> memref<16x128xf32, #tpu.memory_space<vmem>>
    tpu.enqueue_dma source(%dma_start3A_529 : memref<16x128xf32, #tpu.memory_space<vmem>>) target(%dma_start3A_525 : memref<16x128xf32, #tpu.memory_space<hbm>>) target_semaphore(%arg16 : memref<!tpu.dma_semaphore, #tpu.memory_space<semaphore_mem>>)
    %add3A_530 = arith.constant 32 : i32
    %add3A_531 = arith.addi %add3A_530, %add3A : i32
    %dma_start3A_532 = arith.constant 0 : i32
    %dma_start3A_533 = arith.constant 0 : i32
    %dma_start3A_534 = arith.constant 0 : i32
    %dma_start3A_535 = tpu.memref_slice %arg10[%dma_start3A_532, %dma_start3A_533, %dma_start3A_534] : memref<2x16x128xf32, #tpu.memory_space<vmem>> -> memref<1x16x128xf32, #tpu.memory_space<vmem>>
    %dma_start3A_536 = tpu.memref_squeeze %dma_start3A_535 : memref<1x16x128xf32, #tpu.memory_space<vmem>> -> memref<16x128xf32, #tpu.memory_space<vmem>>
    %dma_start3A_537 = arith.constant 64 : i32
    %dma_start3A_538 = arith.constant 0 : i32
    %dma_start3A_539 = tpu.memref_slice %arg5[%add3A_531, %dma_start3A_537, %dma_start3A_538] : memref<64x128x128xf32, #tpu.memory_space<hbm>> -> memref<1x16x128xf32, #tpu.memory_space<hbm>>
    %dma_start3A_540 = tpu.memref_squeeze %dma_start3A_539 : memref<1x16x128xf32, #tpu.memory_space<hbm>> -> memref<16x128xf32, #tpu.memory_space<hbm>>
    %dma_start3A_541 = arith.constant 64 : i32
    %dma_start3A_542 = arith.constant 0 : i32
    %dma_start3A_543 = tpu.memref_slice %arg5[%add3A_531, %dma_start3A_541, %dma_start3A_542] : memref<64x128x128xf32, #tpu.memory_space<hbm>> -> memref<1x16x128xf32, #tpu.memory_space<hbm>>
    %dma_start3A_544 = tpu.memref_squeeze %dma_start3A_543 : memref<1x16x128xf32, #tpu.memory_space<hbm>> -> memref<16x128xf32, #tpu.memory_space<hbm>>
    %dma_start3A_545 = arith.constant 0 : i32
    %dma_start3A_546 = arith.constant 0 : i32
    %dma_start3A_547 = tpu.memref_slice %arg10[%dma_start3A_532, %dma_start3A_545, %dma_start3A_546] : memref<2x16x128xf32, #tpu.memory_space<vmem>> -> memref<1x16x128xf32, #tpu.memory_space<vmem>>
    %dma_start3A_548 = tpu.memref_squeeze %dma_start3A_547 : memref<1x16x128xf32, #tpu.memory_space<vmem>> -> memref<16x128xf32, #tpu.memory_space<vmem>>
    tpu.enqueue_dma source(%dma_start3A_548 : memref<16x128xf32, #tpu.memory_space<vmem>>) target(%dma_start3A_544 : memref<16x128xf32, #tpu.memory_space<hbm>>) target_semaphore(%arg18 : memref<!tpu.dma_semaphore, #tpu.memory_space<semaphore_mem>>)
    %dma_wait3A_549 = arith.constant 1 : i32
    %dma_wait3A_550 = arith.constant 0 : i32
    %dma_wait3A_551 = tpu.memref_slice %arg7[%dma_wait3A_549, %dma_wait3A_550] : memref<2x2048xi32, #tpu.memory_space<vmem>> -> memref<1x2048xi32, #tpu.memory_space<vmem>>
    %dma_wait3A_552 = tpu.memref_squeeze %dma_wait3A_551 : memref<1x2048xi32, #tpu.memory_space<vmem>> -> memref<2048xi32, #tpu.memory_space<vmem>>
    %dma_wait3A_553 = arith.constant 10240 : i32
    %dma_wait3A_554 = tpu.memref_slice %arg3[%dma_wait3A_553] : memref<16384xi32, #tpu.memory_space<hbm>> -> memref<2048xi32, #tpu.memory_space<hbm>>
    %dma_wait3A_555 = arith.constant 0 : i32
    %dma_wait3A_556 = tpu.memref_slice %arg7[%dma_wait3A_549, %dma_wait3A_555] : memref<2x2048xi32, #tpu.memory_space<vmem>> -> memref<1x2048xi32, #tpu.memory_space<vmem>>
    %dma_wait3A_557 = tpu.memref_squeeze %dma_wait3A_556 : memref<1x2048xi32, #tpu.memory_space<vmem>> -> memref<2048xi32, #tpu.memory_space<vmem>>
    %dma_wait3A_558 = arith.constant 10240 : i32
    %dma_wait3A_559 = tpu.memref_slice %arg3[%dma_wait3A_558] : memref<16384xi32, #tpu.memory_space<hbm>> -> memref<2048xi32, #tpu.memory_space<hbm>>
    tpu.wait_dma2 semaphore(%arg13 : memref<!tpu.dma_semaphore, #tpu.memory_space<semaphore_mem>>) src(%dma_wait3A_559 : memref<2048xi32, #tpu.memory_space<hbm>>) dst(%dma_wait3A_557 : memref<2048xi32, #tpu.memory_space<vmem>>)
    %dma_wait3A_560 = arith.constant 1 : i32
    %dma_wait3A_561 = arith.constant 0 : i32
    %dma_wait3A_562 = tpu.memref_slice %arg8[%dma_wait3A_560, %dma_wait3A_561] : memref<2x2048xi32, #tpu.memory_space<vmem>> -> memref<1x2048xi32, #tpu.memory_space<vmem>>
    %dma_wait3A_563 = tpu.memref_squeeze %dma_wait3A_562 : memref<1x2048xi32, #tpu.memory_space<vmem>> -> memref<2048xi32, #tpu.memory_space<vmem>>
    %dma_wait3A_564 = arith.constant 10240 : i32
    %dma_wait3A_565 = tpu.memref_slice %arg4[%dma_wait3A_564] : memref<16384xi32, #tpu.memory_space<hbm>> -> memref<2048xi32, #tpu.memory_space<hbm>>
    %dma_wait3A_566 = arith.constant 0 : i32
    %dma_wait3A_567 = tpu.memref_slice %arg8[%dma_wait3A_560, %dma_wait3A_566] : memref<2x2048xi32, #tpu.memory_space<vmem>> -> memref<1x2048xi32, #tpu.memory_space<vmem>>
    %dma_wait3A_568 = tpu.memref_squeeze %dma_wait3A_567 : memref<1x2048xi32, #tpu.memory_space<vmem>> -> memref<2048xi32, #tpu.memory_space<vmem>>
    %dma_wait3A_569 = arith.constant 10240 : i32
    %dma_wait3A_570 = tpu.memref_slice %arg4[%dma_wait3A_569] : memref<16384xi32, #tpu.memory_space<hbm>> -> memref<2048xi32, #tpu.memory_space<hbm>>
    tpu.wait_dma2 semaphore(%arg15 : memref<!tpu.dma_semaphore, #tpu.memory_space<semaphore_mem>>) src(%dma_wait3A_570 : memref<2048xi32, #tpu.memory_space<hbm>>) dst(%dma_wait3A_568 : memref<2048xi32, #tpu.memory_space<vmem>>)
    %dma_start3A_571 = arith.constant 0 : i32
    %dma_start3A_572 = arith.constant 0 : i32
    %dma_start3A_573 = tpu.memref_slice %arg7[%dma_start3A_571, %dma_start3A_572] : memref<2x2048xi32, #tpu.memory_space<vmem>> -> memref<1x2048xi32, #tpu.memory_space<vmem>>
    %dma_start3A_574 = tpu.memref_squeeze %dma_start3A_573 : memref<1x2048xi32, #tpu.memory_space<vmem>> -> memref<2048xi32, #tpu.memory_space<vmem>>
    %dma_start3A_575 = arith.constant 12288 : i32
    %dma_start3A_576 = tpu.memref_slice %arg3[%dma_start3A_575] : memref<16384xi32, #tpu.memory_space<hbm>> -> memref<2048xi32, #tpu.memory_space<hbm>>
    %dma_start3A_577 = arith.constant 0 : i32
    %dma_start3A_578 = tpu.memref_slice %arg7[%dma_start3A_571, %dma_start3A_577] : memref<2x2048xi32, #tpu.memory_space<vmem>> -> memref<1x2048xi32, #tpu.memory_space<vmem>>
    %dma_start3A_579 = tpu.memref_squeeze %dma_start3A_578 : memref<1x2048xi32, #tpu.memory_space<vmem>> -> memref<2048xi32, #tpu.memory_space<vmem>>
    %dma_start3A_580 = arith.constant 12288 : i32
    %dma_start3A_581 = tpu.memref_slice %arg3[%dma_start3A_580] : memref<16384xi32, #tpu.memory_space<hbm>> -> memref<2048xi32, #tpu.memory_space<hbm>>
    tpu.enqueue_dma source(%dma_start3A_581 : memref<2048xi32, #tpu.memory_space<hbm>>) target(%dma_start3A_579 : memref<2048xi32, #tpu.memory_space<vmem>>) target_semaphore(%arg12 : memref<!tpu.dma_semaphore, #tpu.memory_space<semaphore_mem>>)
    %dma_start3A_582 = arith.constant 0 : i32
    %dma_start3A_583 = arith.constant 0 : i32
    %dma_start3A_584 = tpu.memref_slice %arg8[%dma_start3A_582, %dma_start3A_583] : memref<2x2048xi32, #tpu.memory_space<vmem>> -> memref<1x2048xi32, #tpu.memory_space<vmem>>
    %dma_start3A_585 = tpu.memref_squeeze %dma_start3A_584 : memref<1x2048xi32, #tpu.memory_space<vmem>> -> memref<2048xi32, #tpu.memory_space<vmem>>
    %dma_start3A_586 = arith.constant 12288 : i32
    %dma_start3A_587 = tpu.memref_slice %arg4[%dma_start3A_586] : memref<16384xi32, #tpu.memory_space<hbm>> -> memref<2048xi32, #tpu.memory_space<hbm>>
    %dma_start3A_588 = arith.constant 0 : i32
    %dma_start3A_589 = tpu.memref_slice %arg8[%dma_start3A_582, %dma_start3A_588] : memref<2x2048xi32, #tpu.memory_space<vmem>> -> memref<1x2048xi32, #tpu.memory_space<vmem>>
    %dma_start3A_590 = tpu.memref_squeeze %dma_start3A_589 : memref<1x2048xi32, #tpu.memory_space<vmem>> -> memref<2048xi32, #tpu.memory_space<vmem>>
    %dma_start3A_591 = arith.constant 12288 : i32
    %dma_start3A_592 = tpu.memref_slice %arg4[%dma_start3A_591] : memref<16384xi32, #tpu.memory_space<hbm>> -> memref<2048xi32, #tpu.memory_space<hbm>>
    tpu.enqueue_dma source(%dma_start3A_592 : memref<2048xi32, #tpu.memory_space<hbm>>) target(%dma_start3A_590 : memref<2048xi32, #tpu.memory_space<vmem>>) target_semaphore(%arg14 : memref<!tpu.dma_semaphore, #tpu.memory_space<semaphore_mem>>)
    %dma_wait3A_593 = arith.constant 1 : i32
    %dma_wait3A_594 = arith.constant 0 : i32
    %dma_wait3A_595 = arith.constant 0 : i32
    %dma_wait3A_596 = tpu.memref_slice %arg9[%dma_wait3A_593, %dma_wait3A_594, %dma_wait3A_595] : memref<2x16x128xf32, #tpu.memory_space<vmem>> -> memref<1x16x128xf32, #tpu.memory_space<vmem>>
    %dma_wait3A_597 = tpu.memref_squeeze %dma_wait3A_596 : memref<1x16x128xf32, #tpu.memory_space<vmem>> -> memref<16x128xf32, #tpu.memory_space<vmem>>
    %dma_wait3A_598 = arith.constant 48 : i32
    %dma_wait3A_599 = arith.constant 0 : i32
    %dma_wait3A_600 = tpu.memref_slice %arg5[%add3A, %dma_wait3A_598, %dma_wait3A_599] : memref<64x128x128xf32, #tpu.memory_space<hbm>> -> memref<1x16x128xf32, #tpu.memory_space<hbm>>
    %dma_wait3A_601 = tpu.memref_squeeze %dma_wait3A_600 : memref<1x16x128xf32, #tpu.memory_space<hbm>> -> memref<16x128xf32, #tpu.memory_space<hbm>>
    %dma_wait3A_602 = arith.constant 48 : i32
    %dma_wait3A_603 = arith.constant 0 : i32
    %dma_wait3A_604 = tpu.memref_slice %arg5[%add3A, %dma_wait3A_602, %dma_wait3A_603] : memref<64x128x128xf32, #tpu.memory_space<hbm>> -> memref<1x16x128xf32, #tpu.memory_space<hbm>>
    %dma_wait3A_605 = tpu.memref_squeeze %dma_wait3A_604 : memref<1x16x128xf32, #tpu.memory_space<hbm>> -> memref<16x128xf32, #tpu.memory_space<hbm>>
    %dma_wait3A_606 = arith.constant 0 : i32
    %dma_wait3A_607 = arith.constant 0 : i32
    %dma_wait3A_608 = tpu.memref_slice %arg9[%dma_wait3A_593, %dma_wait3A_606, %dma_wait3A_607] : memref<2x16x128xf32, #tpu.memory_space<vmem>> -> memref<1x16x128xf32, #tpu.memory_space<vmem>>
    %dma_wait3A_609 = tpu.memref_squeeze %dma_wait3A_608 : memref<1x16x128xf32, #tpu.memory_space<vmem>> -> memref<16x128xf32, #tpu.memory_space<vmem>>
    tpu.wait_dma2 semaphore(%arg17 : memref<!tpu.dma_semaphore, #tpu.memory_space<semaphore_mem>>) src(%dma_wait3A_609 : memref<16x128xf32, #tpu.memory_space<vmem>>) dst(%dma_wait3A_605 : memref<16x128xf32, #tpu.memory_space<hbm>>)
    %dma_wait3A_610 = arith.constant 1 : i32
    %dma_wait3A_611 = arith.constant 0 : i32
    %dma_wait3A_612 = arith.constant 0 : i32
    %dma_wait3A_613 = tpu.memref_slice %arg10[%dma_wait3A_610, %dma_wait3A_611, %dma_wait3A_612] : memref<2x16x128xf32, #tpu.memory_space<vmem>> -> memref<1x16x128xf32, #tpu.memory_space<vmem>>
    %dma_wait3A_614 = tpu.memref_squeeze %dma_wait3A_613 : memref<1x16x128xf32, #tpu.memory_space<vmem>> -> memref<16x128xf32, #tpu.memory_space<vmem>>
    %dma_wait3A_615 = arith.constant 48 : i32
    %dma_wait3A_616 = arith.constant 0 : i32
    %dma_wait3A_617 = tpu.memref_slice %arg5[%add3A_414, %dma_wait3A_615, %dma_wait3A_616] : memref<64x128x128xf32, #tpu.memory_space<hbm>> -> memref<1x16x128xf32, #tpu.memory_space<hbm>>
    %dma_wait3A_618 = tpu.memref_squeeze %dma_wait3A_617 : memref<1x16x128xf32, #tpu.memory_space<hbm>> -> memref<16x128xf32, #tpu.memory_space<hbm>>
    %dma_wait3A_619 = arith.constant 48 : i32
    %dma_wait3A_620 = arith.constant 0 : i32
    %dma_wait3A_621 = tpu.memref_slice %arg5[%add3A_414, %dma_wait3A_619, %dma_wait3A_620] : memref<64x128x128xf32, #tpu.memory_space<hbm>> -> memref<1x16x128xf32, #tpu.memory_space<hbm>>
    %dma_wait3A_622 = tpu.memref_squeeze %dma_wait3A_621 : memref<1x16x128xf32, #tpu.memory_space<hbm>> -> memref<16x128xf32, #tpu.memory_space<hbm>>
    %dma_wait3A_623 = arith.constant 0 : i32
    %dma_wait3A_624 = arith.constant 0 : i32
    %dma_wait3A_625 = tpu.memref_slice %arg10[%dma_wait3A_610, %dma_wait3A_623, %dma_wait3A_624] : memref<2x16x128xf32, #tpu.memory_space<vmem>> -> memref<1x16x128xf32, #tpu.memory_space<vmem>>
    %dma_wait3A_626 = tpu.memref_squeeze %dma_wait3A_625 : memref<1x16x128xf32, #tpu.memory_space<vmem>> -> memref<16x128xf32, #tpu.memory_space<vmem>>
    tpu.wait_dma2 semaphore(%arg19 : memref<!tpu.dma_semaphore, #tpu.memory_space<semaphore_mem>>) src(%dma_wait3A_626 : memref<16x128xf32, #tpu.memory_space<vmem>>) dst(%dma_wait3A_622 : memref<16x128xf32, #tpu.memory_space<hbm>>)
    %parallel_loop3A_627 = arith.constant 0 : i32
    %parallel_loop3A_628 = arith.constant 128 : i32
    %parallel_loop3A_629 = arith.constant 1 : i32
    scf.for %parallel_loop3A_946 = %parallel_loop3A_627 to %parallel_loop3A_628 step %parallel_loop3A_629  : i32 {
      %parallel_loop3A_947 = arith.constant 16 : i32
      %parallel_loop3A_948 = arith.muli %parallel_loop3A_946, %parallel_loop3A_947 : i32
      %parallel_loop3A_949 = arith.constant 128 : i32
      %parallel_loop3A_950 = arith.divsi %parallel_loop3A_948, %parallel_loop3A_949 : i32
      %parallel_loop3A_951 = arith.constant 0 : i32
      %parallel_loop3A_952 = arith.cmpi sgt, %parallel_loop3A_948, %parallel_loop3A_951 : i32
      %parallel_loop3A_953 = arith.extui %parallel_loop3A_952 : i1 to i32
      %parallel_loop3A_954 = arith.constant 0 : i32
      %parallel_loop3A_955 = arith.cmpi slt, %parallel_loop3A_948, %parallel_loop3A_954 : i32
      %parallel_loop3A_956 = arith.extui %parallel_loop3A_955 : i1 to i32
      %parallel_loop3A_957 = arith.subi %parallel_loop3A_953, %parallel_loop3A_956 : i32
      %parallel_loop3A_958 = arith.constant 0 : i32
      %parallel_loop3A_959 = arith.cmpi sgt, %parallel_loop3A_949, %parallel_loop3A_958 : i32
      %parallel_loop3A_960 = arith.extui %parallel_loop3A_959 : i1 to i32
      %parallel_loop3A_961 = arith.constant 0 : i32
      %parallel_loop3A_962 = arith.cmpi slt, %parallel_loop3A_949, %parallel_loop3A_961 : i32
      %parallel_loop3A_963 = arith.extui %parallel_loop3A_962 : i1 to i32
      %parallel_loop3A_964 = arith.subi %parallel_loop3A_960, %parallel_loop3A_963 : i32
      %parallel_loop3A_965 = arith.cmpi ne, %parallel_loop3A_957, %parallel_loop3A_964 : i32
      %parallel_loop3A_966 = arith.remsi %parallel_loop3A_948, %parallel_loop3A_949 : i32
      %parallel_loop3A_967 = arith.constant 0 : i32
      %parallel_loop3A_968 = arith.cmpi ne, %parallel_loop3A_966, %parallel_loop3A_967 : i32
      %parallel_loop3A_969 = arith.andi %parallel_loop3A_965, %parallel_loop3A_968 : i1
      %parallel_loop3A_970 = arith.constant 1 : i32
      %parallel_loop3A_971 = arith.subi %parallel_loop3A_950, %parallel_loop3A_970 : i32
      %parallel_loop3A_972 = arith.select %parallel_loop3A_969, %parallel_loop3A_971, %parallel_loop3A_950 : i32
      %parallel_loop3A_973 = arith.constant 128 : i32
      %parallel_loop3A_974 = arith.constant 0 : i32
      %parallel_loop3A_975 = arith.cmpi eq, %parallel_loop3A_973, %parallel_loop3A_974 : i32
      %parallel_loop3A_976 = arith.constant 1 : i32
      %parallel_loop3A_977 = arith.select %parallel_loop3A_975, %parallel_loop3A_976, %parallel_loop3A_973 : i32
      %parallel_loop3A_978 = arith.remsi %parallel_loop3A_948, %parallel_loop3A_977 : i32
      %parallel_loop3A_979 = arith.constant 0 : i32
      %parallel_loop3A_980 = arith.cmpi ne, %parallel_loop3A_978, %parallel_loop3A_979 : i32
      %parallel_loop3A_981 = arith.constant 0 : i32
      %parallel_loop3A_982 = arith.cmpi slt, %parallel_loop3A_978, %parallel_loop3A_981 : i32
      %parallel_loop3A_983 = arith.constant 0 : i32
      %parallel_loop3A_984 = arith.cmpi slt, %parallel_loop3A_977, %parallel_loop3A_983 : i32
      %parallel_loop3A_985 = arith.xori %parallel_loop3A_982, %parallel_loop3A_984 : i1
      %parallel_loop3A_986 = arith.andi %parallel_loop3A_985, %parallel_loop3A_980 : i1
      %parallel_loop3A_987 = arith.addi %parallel_loop3A_978, %parallel_loop3A_977 : i32
      %parallel_loop3A_988 = arith.select %parallel_loop3A_986, %parallel_loop3A_987, %parallel_loop3A_978 : i32
      %parallel_loop3A_989 = arith.constant 1 : i32
      %parallel_loop3A_990 = arith.index_cast %parallel_loop3A_989 : i32 to index
      %parallel_loop3A_991 = arith.index_cast %parallel_loop3A_948 : i32 to index
      %parallel_loop3A_992 = tpu.vector_load %arg7[%parallel_loop3A_990, %parallel_loop3A_991] {strides = array<i32>} : memref<2x2048xi32, #tpu.memory_space<vmem>>, vector<16xi32>,
      %parallel_loop3A_993 = tpu.vector_load_idx %arg6[%parallel_loop3A_992] : memref<100000xf32, #tpu.memory_space<vmem>>[vector<16xi32>], vector<16xf32>,
      %parallel_loop3A_994 = arith.constant 1 : i32
      %parallel_loop3A_995 = arith.index_cast %parallel_loop3A_994 : i32 to index
      %parallel_loop3A_996 = arith.index_cast %parallel_loop3A_972 : i32 to index
      %parallel_loop3A_997 = arith.index_cast %parallel_loop3A_988 : i32 to index
      %parallel_loop3A_998 = tpu.vector_load %arg9[%parallel_loop3A_995, %parallel_loop3A_996, %parallel_loop3A_997] {strides = array<i32>} : memref<2x16x128xf32, #tpu.memory_space<vmem>>, vector<16xf32>,
      tpu.vector_store %arg9[%parallel_loop3A_995, %parallel_loop3A_996, %parallel_loop3A_997], %parallel_loop3A_993 {strides = array<i32>} : memref<2x16x128xf32, #tpu.memory_space<vmem>>, vector<16xf32>,
      %parallel_loop3A_999 = arith.constant 1 : i32
      %parallel_loop3A_1000 = arith.index_cast %parallel_loop3A_999 : i32 to index
      %parallel_loop3A_1001 = arith.index_cast %parallel_loop3A_948 : i32 to index
      %parallel_loop3A_1002 = tpu.vector_load %arg8[%parallel_loop3A_1000, %parallel_loop3A_1001] {strides = array<i32>} : memref<2x2048xi32, #tpu.memory_space<vmem>>, vector<16xi32>,
      %parallel_loop3A_1003 = tpu.vector_load_idx %arg6[%parallel_loop3A_1002] : memref<100000xf32, #tpu.memory_space<vmem>>[vector<16xi32>], vector<16xf32>,
      %parallel_loop3A_1004 = arith.constant 1 : i32
      %parallel_loop3A_1005 = arith.index_cast %parallel_loop3A_1004 : i32 to index
      %parallel_loop3A_1006 = arith.index_cast %parallel_loop3A_972 : i32 to index
      %parallel_loop3A_1007 = arith.index_cast %parallel_loop3A_988 : i32 to index
      %parallel_loop3A_1008 = tpu.vector_load %arg10[%parallel_loop3A_1005, %parallel_loop3A_1006, %parallel_loop3A_1007] {strides = array<i32>} : memref<2x16x128xf32, #tpu.memory_space<vmem>>, vector<16xf32>,
      tpu.vector_store %arg10[%parallel_loop3A_1005, %parallel_loop3A_1006, %parallel_loop3A_1007], %parallel_loop3A_1003 {strides = array<i32>} : memref<2x16x128xf32, #tpu.memory_space<vmem>>, vector<16xf32>,
    } {sc.loop_unroll_factor = 16 : i64, sc.parallel_access}
    %dma_start3A_630 = arith.constant 1 : i32
    %dma_start3A_631 = arith.constant 0 : i32
    %dma_start3A_632 = arith.constant 0 : i32
    %dma_start3A_633 = tpu.memref_slice %arg9[%dma_start3A_630, %dma_start3A_631, %dma_start3A_632] : memref<2x16x128xf32, #tpu.memory_space<vmem>> -> memref<1x16x128xf32, #tpu.memory_space<vmem>>
    %dma_start3A_634 = tpu.memref_squeeze %dma_start3A_633 : memref<1x16x128xf32, #tpu.memory_space<vmem>> -> memref<16x128xf32, #tpu.memory_space<vmem>>
    %dma_start3A_635 = arith.constant 80 : i32
    %dma_start3A_636 = arith.constant 0 : i32
    %dma_start3A_637 = tpu.memref_slice %arg5[%add3A, %dma_start3A_635, %dma_start3A_636] : memref<64x128x128xf32, #tpu.memory_space<hbm>> -> memref<1x16x128xf32, #tpu.memory_space<hbm>>
    %dma_start3A_638 = tpu.memref_squeeze %dma_start3A_637 : memref<1x16x128xf32, #tpu.memory_space<hbm>> -> memref<16x128xf32, #tpu.memory_space<hbm>>
    %dma_start3A_639 = arith.constant 80 : i32
    %dma_start3A_640 = arith.constant 0 : i32
    %dma_start3A_641 = tpu.memref_slice %arg5[%add3A, %dma_start3A_639, %dma_start3A_640] : memref<64x128x128xf32, #tpu.memory_space<hbm>> -> memref<1x16x128xf32, #tpu.memory_space<hbm>>
    %dma_start3A_642 = tpu.memref_squeeze %dma_start3A_641 : memref<1x16x128xf32, #tpu.memory_space<hbm>> -> memref<16x128xf32, #tpu.memory_space<hbm>>
    %dma_start3A_643 = arith.constant 0 : i32
    %dma_start3A_644 = arith.constant 0 : i32
    %dma_start3A_645 = tpu.memref_slice %arg9[%dma_start3A_630, %dma_start3A_643, %dma_start3A_644] : memref<2x16x128xf32, #tpu.memory_space<vmem>> -> memref<1x16x128xf32, #tpu.memory_space<vmem>>
    %dma_start3A_646 = tpu.memref_squeeze %dma_start3A_645 : memref<1x16x128xf32, #tpu.memory_space<vmem>> -> memref<16x128xf32, #tpu.memory_space<vmem>>
    tpu.enqueue_dma source(%dma_start3A_646 : memref<16x128xf32, #tpu.memory_space<vmem>>) target(%dma_start3A_642 : memref<16x128xf32, #tpu.memory_space<hbm>>) target_semaphore(%arg17 : memref<!tpu.dma_semaphore, #tpu.memory_space<semaphore_mem>>)
    %add3A_647 = arith.constant 32 : i32
    %add3A_648 = arith.addi %add3A_647, %add3A : i32
    %dma_start3A_649 = arith.constant 1 : i32
    %dma_start3A_650 = arith.constant 0 : i32
    %dma_start3A_651 = arith.constant 0 : i32
    %dma_start3A_652 = tpu.memref_slice %arg10[%dma_start3A_649, %dma_start3A_650, %dma_start3A_651] : memref<2x16x128xf32, #tpu.memory_space<vmem>> -> memref<1x16x128xf32, #tpu.memory_space<vmem>>
    %dma_start3A_653 = tpu.memref_squeeze %dma_start3A_652 : memref<1x16x128xf32, #tpu.memory_space<vmem>> -> memref<16x128xf32, #tpu.memory_space<vmem>>
    %dma_start3A_654 = arith.constant 80 : i32
    %dma_start3A_655 = arith.constant 0 : i32
    %dma_start3A_656 = tpu.memref_slice %arg5[%add3A_648, %dma_start3A_654, %dma_start3A_655] : memref<64x128x128xf32, #tpu.memory_space<hbm>> -> memref<1x16x128xf32, #tpu.memory_space<hbm>>
    %dma_start3A_657 = tpu.memref_squeeze %dma_start3A_656 : memref<1x16x128xf32, #tpu.memory_space<hbm>> -> memref<16x128xf32, #tpu.memory_space<hbm>>
    %dma_start3A_658 = arith.constant 80 : i32
    %dma_start3A_659 = arith.constant 0 : i32
    %dma_start3A_660 = tpu.memref_slice %arg5[%add3A_648, %dma_start3A_658, %dma_start3A_659] : memref<64x128x128xf32, #tpu.memory_space<hbm>> -> memref<1x16x128xf32, #tpu.memory_space<hbm>>
    %dma_start3A_661 = tpu.memref_squeeze %dma_start3A_660 : memref<1x16x128xf32, #tpu.memory_space<hbm>> -> memref<16x128xf32, #tpu.memory_space<hbm>>
    %dma_start3A_662 = arith.constant 0 : i32
    %dma_start3A_663 = arith.constant 0 : i32
    %dma_start3A_664 = tpu.memref_slice %arg10[%dma_start3A_649, %dma_start3A_662, %dma_start3A_663] : memref<2x16x128xf32, #tpu.memory_space<vmem>> -> memref<1x16x128xf32, #tpu.memory_space<vmem>>
    %dma_start3A_665 = tpu.memref_squeeze %dma_start3A_664 : memref<1x16x128xf32, #tpu.memory_space<vmem>> -> memref<16x128xf32, #tpu.memory_space<vmem>>
    tpu.enqueue_dma source(%dma_start3A_665 : memref<16x128xf32, #tpu.memory_space<vmem>>) target(%dma_start3A_661 : memref<16x128xf32, #tpu.memory_space<hbm>>) target_semaphore(%arg19 : memref<!tpu.dma_semaphore, #tpu.memory_space<semaphore_mem>>)
    %dma_wait3A_666 = arith.constant 0 : i32
    %dma_wait3A_667 = arith.constant 0 : i32
    %dma_wait3A_668 = tpu.memref_slice %arg7[%dma_wait3A_666, %dma_wait3A_667] : memref<2x2048xi32, #tpu.memory_space<vmem>> -> memref<1x2048xi32, #tpu.memory_space<vmem>>
    %dma_wait3A_669 = tpu.memref_squeeze %dma_wait3A_668 : memref<1x2048xi32, #tpu.memory_space<vmem>> -> memref<2048xi32, #tpu.memory_space<vmem>>
    %dma_wait3A_670 = arith.constant 12288 : i32
    %dma_wait3A_671 = tpu.memref_slice %arg3[%dma_wait3A_670] : memref<16384xi32, #tpu.memory_space<hbm>> -> memref<2048xi32, #tpu.memory_space<hbm>>
    %dma_wait3A_672 = arith.constant 0 : i32
    %dma_wait3A_673 = tpu.memref_slice %arg7[%dma_wait3A_666, %dma_wait3A_672] : memref<2x2048xi32, #tpu.memory_space<vmem>> -> memref<1x2048xi32, #tpu.memory_space<vmem>>
    %dma_wait3A_674 = tpu.memref_squeeze %dma_wait3A_673 : memref<1x2048xi32, #tpu.memory_space<vmem>> -> memref<2048xi32, #tpu.memory_space<vmem>>
    %dma_wait3A_675 = arith.constant 12288 : i32
    %dma_wait3A_676 = tpu.memref_slice %arg3[%dma_wait3A_675] : memref<16384xi32, #tpu.memory_space<hbm>> -> memref<2048xi32, #tpu.memory_space<hbm>>
    tpu.wait_dma2 semaphore(%arg12 : memref<!tpu.dma_semaphore, #tpu.memory_space<semaphore_mem>>) src(%dma_wait3A_676 : memref<2048xi32, #tpu.memory_space<hbm>>) dst(%dma_wait3A_674 : memref<2048xi32, #tpu.memory_space<vmem>>)
    %dma_wait3A_677 = arith.constant 0 : i32
    %dma_wait3A_678 = arith.constant 0 : i32
    %dma_wait3A_679 = tpu.memref_slice %arg8[%dma_wait3A_677, %dma_wait3A_678] : memref<2x2048xi32, #tpu.memory_space<vmem>> -> memref<1x2048xi32, #tpu.memory_space<vmem>>
    %dma_wait3A_680 = tpu.memref_squeeze %dma_wait3A_679 : memref<1x2048xi32, #tpu.memory_space<vmem>> -> memref<2048xi32, #tpu.memory_space<vmem>>
    %dma_wait3A_681 = arith.constant 12288 : i32
    %dma_wait3A_682 = tpu.memref_slice %arg4[%dma_wait3A_681] : memref<16384xi32, #tpu.memory_space<hbm>> -> memref<2048xi32, #tpu.memory_space<hbm>>
    %dma_wait3A_683 = arith.constant 0 : i32
    %dma_wait3A_684 = tpu.memref_slice %arg8[%dma_wait3A_677, %dma_wait3A_683] : memref<2x2048xi32, #tpu.memory_space<vmem>> -> memref<1x2048xi32, #tpu.memory_space<vmem>>
    %dma_wait3A_685 = tpu.memref_squeeze %dma_wait3A_684 : memref<1x2048xi32, #tpu.memory_space<vmem>> -> memref<2048xi32, #tpu.memory_space<vmem>>
    %dma_wait3A_686 = arith.constant 12288 : i32
    %dma_wait3A_687 = tpu.memref_slice %arg4[%dma_wait3A_686] : memref<16384xi32, #tpu.memory_space<hbm>> -> memref<2048xi32, #tpu.memory_space<hbm>>
    tpu.wait_dma2 semaphore(%arg14 : memref<!tpu.dma_semaphore, #tpu.memory_space<semaphore_mem>>) src(%dma_wait3A_687 : memref<2048xi32, #tpu.memory_space<hbm>>) dst(%dma_wait3A_685 : memref<2048xi32, #tpu.memory_space<vmem>>)
    %dma_start3A_688 = arith.constant 1 : i32
    %dma_start3A_689 = arith.constant 0 : i32
    %dma_start3A_690 = tpu.memref_slice %arg7[%dma_start3A_688, %dma_start3A_689] : memref<2x2048xi32, #tpu.memory_space<vmem>> -> memref<1x2048xi32, #tpu.memory_space<vmem>>
    %dma_start3A_691 = tpu.memref_squeeze %dma_start3A_690 : memref<1x2048xi32, #tpu.memory_space<vmem>> -> memref<2048xi32, #tpu.memory_space<vmem>>
    %dma_start3A_692 = arith.constant 14336 : i32
    %dma_start3A_693 = tpu.memref_slice %arg3[%dma_start3A_692] : memref<16384xi32, #tpu.memory_space<hbm>> -> memref<2048xi32, #tpu.memory_space<hbm>>
    %dma_start3A_694 = arith.constant 0 : i32
    %dma_start3A_695 = tpu.memref_slice %arg7[%dma_start3A_688, %dma_start3A_694] : memref<2x2048xi32, #tpu.memory_space<vmem>> -> memref<1x2048xi32, #tpu.memory_space<vmem>>
    %dma_start3A_696 = tpu.memref_squeeze %dma_start3A_695 : memref<1x2048xi32, #tpu.memory_space<vmem>> -> memref<2048xi32, #tpu.memory_space<vmem>>
    %dma_start3A_697 = arith.constant 14336 : i32
    %dma_start3A_698 = tpu.memref_slice %arg3[%dma_start3A_697] : memref<16384xi32, #tpu.memory_space<hbm>> -> memref<2048xi32, #tpu.memory_space<hbm>>
    tpu.enqueue_dma source(%dma_start3A_698 : memref<2048xi32, #tpu.memory_space<hbm>>) target(%dma_start3A_696 : memref<2048xi32, #tpu.memory_space<vmem>>) target_semaphore(%arg13 : memref<!tpu.dma_semaphore, #tpu.memory_space<semaphore_mem>>)
    %dma_start3A_699 = arith.constant 1 : i32
    %dma_start3A_700 = arith.constant 0 : i32
    %dma_start3A_701 = tpu.memref_slice %arg8[%dma_start3A_699, %dma_start3A_700] : memref<2x2048xi32, #tpu.memory_space<vmem>> -> memref<1x2048xi32, #tpu.memory_space<vmem>>
    %dma_start3A_702 = tpu.memref_squeeze %dma_start3A_701 : memref<1x2048xi32, #tpu.memory_space<vmem>> -> memref<2048xi32, #tpu.memory_space<vmem>>
    %dma_start3A_703 = arith.constant 14336 : i32
    %dma_start3A_704 = tpu.memref_slice %arg4[%dma_start3A_703] : memref<16384xi32, #tpu.memory_space<hbm>> -> memref<2048xi32, #tpu.memory_space<hbm>>
    %dma_start3A_705 = arith.constant 0 : i32
    %dma_start3A_706 = tpu.memref_slice %arg8[%dma_start3A_699, %dma_start3A_705] : memref<2x2048xi32, #tpu.memory_space<vmem>> -> memref<1x2048xi32, #tpu.memory_space<vmem>>
    %dma_start3A_707 = tpu.memref_squeeze %dma_start3A_706 : memref<1x2048xi32, #tpu.memory_space<vmem>> -> memref<2048xi32, #tpu.memory_space<vmem>>
    %dma_start3A_708 = arith.constant 14336 : i32
    %dma_start3A_709 = tpu.memref_slice %arg4[%dma_start3A_708] : memref<16384xi32, #tpu.memory_space<hbm>> -> memref<2048xi32, #tpu.memory_space<hbm>>
    tpu.enqueue_dma source(%dma_start3A_709 : memref<2048xi32, #tpu.memory_space<hbm>>) target(%dma_start3A_707 : memref<2048xi32, #tpu.memory_space<vmem>>) target_semaphore(%arg15 : memref<!tpu.dma_semaphore, #tpu.memory_space<semaphore_mem>>)
    %dma_wait3A_710 = arith.constant 0 : i32
    %dma_wait3A_711 = arith.constant 0 : i32
    %dma_wait3A_712 = arith.constant 0 : i32
    %dma_wait3A_713 = tpu.memref_slice %arg9[%dma_wait3A_710, %dma_wait3A_711, %dma_wait3A_712] : memref<2x16x128xf32, #tpu.memory_space<vmem>> -> memref<1x16x128xf32, #tpu.memory_space<vmem>>
    %dma_wait3A_714 = tpu.memref_squeeze %dma_wait3A_713 : memref<1x16x128xf32, #tpu.memory_space<vmem>> -> memref<16x128xf32, #tpu.memory_space<vmem>>
    %dma_wait3A_715 = arith.constant 64 : i32
    %dma_wait3A_716 = arith.constant 0 : i32
    %dma_wait3A_717 = tpu.memref_slice %arg5[%add3A, %dma_wait3A_715, %dma_wait3A_716] : memref<64x128x128xf32, #tpu.memory_space<hbm>> -> memref<1x16x128xf32, #tpu.memory_space<hbm>>
    %dma_wait3A_718 = tpu.memref_squeeze %dma_wait3A_717 : memref<1x16x128xf32, #tpu.memory_space<hbm>> -> memref<16x128xf32, #tpu.memory_space<hbm>>
    %dma_wait3A_719 = arith.constant 64 : i32
    %dma_wait3A_720 = arith.constant 0 : i32
    %dma_wait3A_721 = tpu.memref_slice %arg5[%add3A, %dma_wait3A_719, %dma_wait3A_720] : memref<64x128x128xf32, #tpu.memory_space<hbm>> -> memref<1x16x128xf32, #tpu.memory_space<hbm>>
    %dma_wait3A_722 = tpu.memref_squeeze %dma_wait3A_721 : memref<1x16x128xf32, #tpu.memory_space<hbm>> -> memref<16x128xf32, #tpu.memory_space<hbm>>
    %dma_wait3A_723 = arith.constant 0 : i32
    %dma_wait3A_724 = arith.constant 0 : i32
    %dma_wait3A_725 = tpu.memref_slice %arg9[%dma_wait3A_710, %dma_wait3A_723, %dma_wait3A_724] : memref<2x16x128xf32, #tpu.memory_space<vmem>> -> memref<1x16x128xf32, #tpu.memory_space<vmem>>
    %dma_wait3A_726 = tpu.memref_squeeze %dma_wait3A_725 : memref<1x16x128xf32, #tpu.memory_space<vmem>> -> memref<16x128xf32, #tpu.memory_space<vmem>>
    tpu.wait_dma2 semaphore(%arg16 : memref<!tpu.dma_semaphore, #tpu.memory_space<semaphore_mem>>) src(%dma_wait3A_726 : memref<16x128xf32, #tpu.memory_space<vmem>>) dst(%dma_wait3A_722 : memref<16x128xf32, #tpu.memory_space<hbm>>)
    %dma_wait3A_727 = arith.constant 0 : i32
    %dma_wait3A_728 = arith.constant 0 : i32
    %dma_wait3A_729 = arith.constant 0 : i32
    %dma_wait3A_730 = tpu.memref_slice %arg10[%dma_wait3A_727, %dma_wait3A_728, %dma_wait3A_729] : memref<2x16x128xf32, #tpu.memory_space<vmem>> -> memref<1x16x128xf32, #tpu.memory_space<vmem>>
    %dma_wait3A_731 = tpu.memref_squeeze %dma_wait3A_730 : memref<1x16x128xf32, #tpu.memory_space<vmem>> -> memref<16x128xf32, #tpu.memory_space<vmem>>
    %dma_wait3A_732 = arith.constant 64 : i32
    %dma_wait3A_733 = arith.constant 0 : i32
    %dma_wait3A_734 = tpu.memref_slice %arg5[%add3A_531, %dma_wait3A_732, %dma_wait3A_733] : memref<64x128x128xf32, #tpu.memory_space<hbm>> -> memref<1x16x128xf32, #tpu.memory_space<hbm>>
    %dma_wait3A_735 = tpu.memref_squeeze %dma_wait3A_734 : memref<1x16x128xf32, #tpu.memory_space<hbm>> -> memref<16x128xf32, #tpu.memory_space<hbm>>
    %dma_wait3A_736 = arith.constant 64 : i32
    %dma_wait3A_737 = arith.constant 0 : i32
    %dma_wait3A_738 = tpu.memref_slice %arg5[%add3A_531, %dma_wait3A_736, %dma_wait3A_737] : memref<64x128x128xf32, #tpu.memory_space<hbm>> -> memref<1x16x128xf32, #tpu.memory_space<hbm>>
    %dma_wait3A_739 = tpu.memref_squeeze %dma_wait3A_738 : memref<1x16x128xf32, #tpu.memory_space<hbm>> -> memref<16x128xf32, #tpu.memory_space<hbm>>
    %dma_wait3A_740 = arith.constant 0 : i32
    %dma_wait3A_741 = arith.constant 0 : i32
    %dma_wait3A_742 = tpu.memref_slice %arg10[%dma_wait3A_727, %dma_wait3A_740, %dma_wait3A_741] : memref<2x16x128xf32, #tpu.memory_space<vmem>> -> memref<1x16x128xf32, #tpu.memory_space<vmem>>
    %dma_wait3A_743 = tpu.memref_squeeze %dma_wait3A_742 : memref<1x16x128xf32, #tpu.memory_space<vmem>> -> memref<16x128xf32, #tpu.memory_space<vmem>>
    tpu.wait_dma2 semaphore(%arg18 : memref<!tpu.dma_semaphore, #tpu.memory_space<semaphore_mem>>) src(%dma_wait3A_743 : memref<16x128xf32, #tpu.memory_space<vmem>>) dst(%dma_wait3A_739 : memref<16x128xf32, #tpu.memory_space<hbm>>)
    %parallel_loop3A_744 = arith.constant 0 : i32
    %parallel_loop3A_745 = arith.constant 128 : i32
    %parallel_loop3A_746 = arith.constant 1 : i32
    scf.for %parallel_loop3A_946 = %parallel_loop3A_744 to %parallel_loop3A_745 step %parallel_loop3A_746  : i32 {
      %parallel_loop3A_947 = arith.constant 16 : i32
      %parallel_loop3A_948 = arith.muli %parallel_loop3A_946, %parallel_loop3A_947 : i32
      %parallel_loop3A_949 = arith.constant 128 : i32
      %parallel_loop3A_950 = arith.divsi %parallel_loop3A_948, %parallel_loop3A_949 : i32
      %parallel_loop3A_951 = arith.constant 0 : i32
      %parallel_loop3A_952 = arith.cmpi sgt, %parallel_loop3A_948, %parallel_loop3A_951 : i32
      %parallel_loop3A_953 = arith.extui %parallel_loop3A_952 : i1 to i32
      %parallel_loop3A_954 = arith.constant 0 : i32
      %parallel_loop3A_955 = arith.cmpi slt, %parallel_loop3A_948, %parallel_loop3A_954 : i32
      %parallel_loop3A_956 = arith.extui %parallel_loop3A_955 : i1 to i32
      %parallel_loop3A_957 = arith.subi %parallel_loop3A_953, %parallel_loop3A_956 : i32
      %parallel_loop3A_958 = arith.constant 0 : i32
      %parallel_loop3A_959 = arith.cmpi sgt, %parallel_loop3A_949, %parallel_loop3A_958 : i32
      %parallel_loop3A_960 = arith.extui %parallel_loop3A_959 : i1 to i32
      %parallel_loop3A_961 = arith.constant 0 : i32
      %parallel_loop3A_962 = arith.cmpi slt, %parallel_loop3A_949, %parallel_loop3A_961 : i32
      %parallel_loop3A_963 = arith.extui %parallel_loop3A_962 : i1 to i32
      %parallel_loop3A_964 = arith.subi %parallel_loop3A_960, %parallel_loop3A_963 : i32
      %parallel_loop3A_965 = arith.cmpi ne, %parallel_loop3A_957, %parallel_loop3A_964 : i32
      %parallel_loop3A_966 = arith.remsi %parallel_loop3A_948, %parallel_loop3A_949 : i32
      %parallel_loop3A_967 = arith.constant 0 : i32
      %parallel_loop3A_968 = arith.cmpi ne, %parallel_loop3A_966, %parallel_loop3A_967 : i32
      %parallel_loop3A_969 = arith.andi %parallel_loop3A_965, %parallel_loop3A_968 : i1
      %parallel_loop3A_970 = arith.constant 1 : i32
      %parallel_loop3A_971 = arith.subi %parallel_loop3A_950, %parallel_loop3A_970 : i32
      %parallel_loop3A_972 = arith.select %parallel_loop3A_969, %parallel_loop3A_971, %parallel_loop3A_950 : i32
      %parallel_loop3A_973 = arith.constant 128 : i32
      %parallel_loop3A_974 = arith.constant 0 : i32
      %parallel_loop3A_975 = arith.cmpi eq, %parallel_loop3A_973, %parallel_loop3A_974 : i32
      %parallel_loop3A_976 = arith.constant 1 : i32
      %parallel_loop3A_977 = arith.select %parallel_loop3A_975, %parallel_loop3A_976, %parallel_loop3A_973 : i32
      %parallel_loop3A_978 = arith.remsi %parallel_loop3A_948, %parallel_loop3A_977 : i32
      %parallel_loop3A_979 = arith.constant 0 : i32
      %parallel_loop3A_980 = arith.cmpi ne, %parallel_loop3A_978, %parallel_loop3A_979 : i32
      %parallel_loop3A_981 = arith.constant 0 : i32
      %parallel_loop3A_982 = arith.cmpi slt, %parallel_loop3A_978, %parallel_loop3A_981 : i32
      %parallel_loop3A_983 = arith.constant 0 : i32
      %parallel_loop3A_984 = arith.cmpi slt, %parallel_loop3A_977, %parallel_loop3A_983 : i32
      %parallel_loop3A_985 = arith.xori %parallel_loop3A_982, %parallel_loop3A_984 : i1
      %parallel_loop3A_986 = arith.andi %parallel_loop3A_985, %parallel_loop3A_980 : i1
      %parallel_loop3A_987 = arith.addi %parallel_loop3A_978, %parallel_loop3A_977 : i32
      %parallel_loop3A_988 = arith.select %parallel_loop3A_986, %parallel_loop3A_987, %parallel_loop3A_978 : i32
      %parallel_loop3A_989 = arith.constant 0 : i32
      %parallel_loop3A_990 = arith.index_cast %parallel_loop3A_989 : i32 to index
      %parallel_loop3A_991 = arith.index_cast %parallel_loop3A_948 : i32 to index
      %parallel_loop3A_992 = tpu.vector_load %arg7[%parallel_loop3A_990, %parallel_loop3A_991] {strides = array<i32>} : memref<2x2048xi32, #tpu.memory_space<vmem>>, vector<16xi32>,
      %parallel_loop3A_993 = tpu.vector_load_idx %arg6[%parallel_loop3A_992] : memref<100000xf32, #tpu.memory_space<vmem>>[vector<16xi32>], vector<16xf32>,
      %parallel_loop3A_994 = arith.constant 0 : i32
      %parallel_loop3A_995 = arith.index_cast %parallel_loop3A_994 : i32 to index
      %parallel_loop3A_996 = arith.index_cast %parallel_loop3A_972 : i32 to index
      %parallel_loop3A_997 = arith.index_cast %parallel_loop3A_988 : i32 to index
      %parallel_loop3A_998 = tpu.vector_load %arg9[%parallel_loop3A_995, %parallel_loop3A_996, %parallel_loop3A_997] {strides = array<i32>} : memref<2x16x128xf32, #tpu.memory_space<vmem>>, vector<16xf32>,
      tpu.vector_store %arg9[%parallel_loop3A_995, %parallel_loop3A_996, %parallel_loop3A_997], %parallel_loop3A_993 {strides = array<i32>} : memref<2x16x128xf32, #tpu.memory_space<vmem>>, vector<16xf32>,
      %parallel_loop3A_999 = arith.constant 0 : i32
      %parallel_loop3A_1000 = arith.index_cast %parallel_loop3A_999 : i32 to index
      %parallel_loop3A_1001 = arith.index_cast %parallel_loop3A_948 : i32 to index
      %parallel_loop3A_1002 = tpu.vector_load %arg8[%parallel_loop3A_1000, %parallel_loop3A_1001] {strides = array<i32>} : memref<2x2048xi32, #tpu.memory_space<vmem>>, vector<16xi32>,
      %parallel_loop3A_1003 = tpu.vector_load_idx %arg6[%parallel_loop3A_1002] : memref<100000xf32, #tpu.memory_space<vmem>>[vector<16xi32>], vector<16xf32>,
      %parallel_loop3A_1004 = arith.constant 0 : i32
      %parallel_loop3A_1005 = arith.index_cast %parallel_loop3A_1004 : i32 to index
      %parallel_loop3A_1006 = arith.index_cast %parallel_loop3A_972 : i32 to index
      %parallel_loop3A_1007 = arith.index_cast %parallel_loop3A_988 : i32 to index
      %parallel_loop3A_1008 = tpu.vector_load %arg10[%parallel_loop3A_1005, %parallel_loop3A_1006, %parallel_loop3A_1007] {strides = array<i32>} : memref<2x16x128xf32, #tpu.memory_space<vmem>>, vector<16xf32>,
      tpu.vector_store %arg10[%parallel_loop3A_1005, %parallel_loop3A_1006, %parallel_loop3A_1007], %parallel_loop3A_1003 {strides = array<i32>} : memref<2x16x128xf32, #tpu.memory_space<vmem>>, vector<16xf32>,
    } {sc.loop_unroll_factor = 16 : i64, sc.parallel_access}
    %dma_start3A_747 = arith.constant 0 : i32
    %dma_start3A_748 = arith.constant 0 : i32
    %dma_start3A_749 = arith.constant 0 : i32
    %dma_start3A_750 = tpu.memref_slice %arg9[%dma_start3A_747, %dma_start3A_748, %dma_start3A_749] : memref<2x16x128xf32, #tpu.memory_space<vmem>> -> memref<1x16x128xf32, #tpu.memory_space<vmem>>
    %dma_start3A_751 = tpu.memref_squeeze %dma_start3A_750 : memref<1x16x128xf32, #tpu.memory_space<vmem>> -> memref<16x128xf32, #tpu.memory_space<vmem>>
    %dma_start3A_752 = arith.constant 96 : i32
    %dma_start3A_753 = arith.constant 0 : i32
    %dma_start3A_754 = tpu.memref_slice %arg5[%add3A, %dma_start3A_752, %dma_start3A_753] : memref<64x128x128xf32, #tpu.memory_space<hbm>> -> memref<1x16x128xf32, #tpu.memory_space<hbm>>
    %dma_start3A_755 = tpu.memref_squeeze %dma_start3A_754 : memref<1x16x128xf32, #tpu.memory_space<hbm>> -> memref<16x128xf32, #tpu.memory_space<hbm>>
    %dma_start3A_756 = arith.constant 96 : i32
    %dma_start3A_757 = arith.constant 0 : i32
    %dma_start3A_758 = tpu.memref_slice %arg5[%add3A, %dma_start3A_756, %dma_start3A_757] : memref<64x128x128xf32, #tpu.memory_space<hbm>> -> memref<1x16x128xf32, #tpu.memory_space<hbm>>
    %dma_start3A_759 = tpu.memref_squeeze %dma_start3A_758 : memref<1x16x128xf32, #tpu.memory_space<hbm>> -> memref<16x128xf32, #tpu.memory_space<hbm>>
    %dma_start3A_760 = arith.constant 0 : i32
    %dma_start3A_761 = arith.constant 0 : i32
    %dma_start3A_762 = tpu.memref_slice %arg9[%dma_start3A_747, %dma_start3A_760, %dma_start3A_761] : memref<2x16x128xf32, #tpu.memory_space<vmem>> -> memref<1x16x128xf32, #tpu.memory_space<vmem>>
    %dma_start3A_763 = tpu.memref_squeeze %dma_start3A_762 : memref<1x16x128xf32, #tpu.memory_space<vmem>> -> memref<16x128xf32, #tpu.memory_space<vmem>>
    tpu.enqueue_dma source(%dma_start3A_763 : memref<16x128xf32, #tpu.memory_space<vmem>>) target(%dma_start3A_759 : memref<16x128xf32, #tpu.memory_space<hbm>>) target_semaphore(%arg16 : memref<!tpu.dma_semaphore, #tpu.memory_space<semaphore_mem>>)
    %add3A_764 = arith.constant 32 : i32
    %add3A_765 = arith.addi %add3A_764, %add3A : i32
    %dma_start3A_766 = arith.constant 0 : i32
    %dma_start3A_767 = arith.constant 0 : i32
    %dma_start3A_768 = arith.constant 0 : i32
    %dma_start3A_769 = tpu.memref_slice %arg10[%dma_start3A_766, %dma_start3A_767, %dma_start3A_768] : memref<2x16x128xf32, #tpu.memory_space<vmem>> -> memref<1x16x128xf32, #tpu.memory_space<vmem>>
    %dma_start3A_770 = tpu.memref_squeeze %dma_start3A_769 : memref<1x16x128xf32, #tpu.memory_space<vmem>> -> memref<16x128xf32, #tpu.memory_space<vmem>>
    %dma_start3A_771 = arith.constant 96 : i32
    %dma_start3A_772 = arith.constant 0 : i32
    %dma_start3A_773 = tpu.memref_slice %arg5[%add3A_765, %dma_start3A_771, %dma_start3A_772] : memref<64x128x128xf32, #tpu.memory_space<hbm>> -> memref<1x16x128xf32, #tpu.memory_space<hbm>>
    %dma_start3A_774 = tpu.memref_squeeze %dma_start3A_773 : memref<1x16x128xf32, #tpu.memory_space<hbm>> -> memref<16x128xf32, #tpu.memory_space<hbm>>
    %dma_start3A_775 = arith.constant 96 : i32
    %dma_start3A_776 = arith.constant 0 : i32
    %dma_start3A_777 = tpu.memref_slice %arg5[%add3A_765, %dma_start3A_775, %dma_start3A_776] : memref<64x128x128xf32, #tpu.memory_space<hbm>> -> memref<1x16x128xf32, #tpu.memory_space<hbm>>
    %dma_start3A_778 = tpu.memref_squeeze %dma_start3A_777 : memref<1x16x128xf32, #tpu.memory_space<hbm>> -> memref<16x128xf32, #tpu.memory_space<hbm>>
    %dma_start3A_779 = arith.constant 0 : i32
    %dma_start3A_780 = arith.constant 0 : i32
    %dma_start3A_781 = tpu.memref_slice %arg10[%dma_start3A_766, %dma_start3A_779, %dma_start3A_780] : memref<2x16x128xf32, #tpu.memory_space<vmem>> -> memref<1x16x128xf32, #tpu.memory_space<vmem>>
    %dma_start3A_782 = tpu.memref_squeeze %dma_start3A_781 : memref<1x16x128xf32, #tpu.memory_space<vmem>> -> memref<16x128xf32, #tpu.memory_space<vmem>>
    tpu.enqueue_dma source(%dma_start3A_782 : memref<16x128xf32, #tpu.memory_space<vmem>>) target(%dma_start3A_778 : memref<16x128xf32, #tpu.memory_space<hbm>>) target_semaphore(%arg18 : memref<!tpu.dma_semaphore, #tpu.memory_space<semaphore_mem>>)
    %dma_wait3A_783 = arith.constant 1 : i32
    %dma_wait3A_784 = arith.constant 0 : i32
    %dma_wait3A_785 = tpu.memref_slice %arg7[%dma_wait3A_783, %dma_wait3A_784] : memref<2x2048xi32, #tpu.memory_space<vmem>> -> memref<1x2048xi32, #tpu.memory_space<vmem>>
    %dma_wait3A_786 = tpu.memref_squeeze %dma_wait3A_785 : memref<1x2048xi32, #tpu.memory_space<vmem>> -> memref<2048xi32, #tpu.memory_space<vmem>>
    %dma_wait3A_787 = arith.constant 14336 : i32
    %dma_wait3A_788 = tpu.memref_slice %arg3[%dma_wait3A_787] : memref<16384xi32, #tpu.memory_space<hbm>> -> memref<2048xi32, #tpu.memory_space<hbm>>
    %dma_wait3A_789 = arith.constant 0 : i32
    %dma_wait3A_790 = tpu.memref_slice %arg7[%dma_wait3A_783, %dma_wait3A_789] : memref<2x2048xi32, #tpu.memory_space<vmem>> -> memref<1x2048xi32, #tpu.memory_space<vmem>>
    %dma_wait3A_791 = tpu.memref_squeeze %dma_wait3A_790 : memref<1x2048xi32, #tpu.memory_space<vmem>> -> memref<2048xi32, #tpu.memory_space<vmem>>
    %dma_wait3A_792 = arith.constant 14336 : i32
    %dma_wait3A_793 = tpu.memref_slice %arg3[%dma_wait3A_792] : memref<16384xi32, #tpu.memory_space<hbm>> -> memref<2048xi32, #tpu.memory_space<hbm>>
    tpu.wait_dma2 semaphore(%arg13 : memref<!tpu.dma_semaphore, #tpu.memory_space<semaphore_mem>>) src(%dma_wait3A_793 : memref<2048xi32, #tpu.memory_space<hbm>>) dst(%dma_wait3A_791 : memref<2048xi32, #tpu.memory_space<vmem>>)
    %dma_wait3A_794 = arith.constant 1 : i32
    %dma_wait3A_795 = arith.constant 0 : i32
    %dma_wait3A_796 = tpu.memref_slice %arg8[%dma_wait3A_794, %dma_wait3A_795] : memref<2x2048xi32, #tpu.memory_space<vmem>> -> memref<1x2048xi32, #tpu.memory_space<vmem>>
    %dma_wait3A_797 = tpu.memref_squeeze %dma_wait3A_796 : memref<1x2048xi32, #tpu.memory_space<vmem>> -> memref<2048xi32, #tpu.memory_space<vmem>>
    %dma_wait3A_798 = arith.constant 14336 : i32
    %dma_wait3A_799 = tpu.memref_slice %arg4[%dma_wait3A_798] : memref<16384xi32, #tpu.memory_space<hbm>> -> memref<2048xi32, #tpu.memory_space<hbm>>
    %dma_wait3A_800 = arith.constant 0 : i32
    %dma_wait3A_801 = tpu.memref_slice %arg8[%dma_wait3A_794, %dma_wait3A_800] : memref<2x2048xi32, #tpu.memory_space<vmem>> -> memref<1x2048xi32, #tpu.memory_space<vmem>>
    %dma_wait3A_802 = tpu.memref_squeeze %dma_wait3A_801 : memref<1x2048xi32, #tpu.memory_space<vmem>> -> memref<2048xi32, #tpu.memory_space<vmem>>
    %dma_wait3A_803 = arith.constant 14336 : i32
    %dma_wait3A_804 = tpu.memref_slice %arg4[%dma_wait3A_803] : memref<16384xi32, #tpu.memory_space<hbm>> -> memref<2048xi32, #tpu.memory_space<hbm>>
    tpu.wait_dma2 semaphore(%arg15 : memref<!tpu.dma_semaphore, #tpu.memory_space<semaphore_mem>>) src(%dma_wait3A_804 : memref<2048xi32, #tpu.memory_space<hbm>>) dst(%dma_wait3A_802 : memref<2048xi32, #tpu.memory_space<vmem>>)
    %dma_wait3A_805 = arith.constant 1 : i32
    %dma_wait3A_806 = arith.constant 0 : i32
    %dma_wait3A_807 = arith.constant 0 : i32
    %dma_wait3A_808 = tpu.memref_slice %arg9[%dma_wait3A_805, %dma_wait3A_806, %dma_wait3A_807] : memref<2x16x128xf32, #tpu.memory_space<vmem>> -> memref<1x16x128xf32, #tpu.memory_space<vmem>>
    %dma_wait3A_809 = tpu.memref_squeeze %dma_wait3A_808 : memref<1x16x128xf32, #tpu.memory_space<vmem>> -> memref<16x128xf32, #tpu.memory_space<vmem>>
    %dma_wait3A_810 = arith.constant 80 : i32
    %dma_wait3A_811 = arith.constant 0 : i32
    %dma_wait3A_812 = tpu.memref_slice %arg5[%add3A, %dma_wait3A_810, %dma_wait3A_811] : memref<64x128x128xf32, #tpu.memory_space<hbm>> -> memref<1x16x128xf32, #tpu.memory_space<hbm>>
    %dma_wait3A_813 = tpu.memref_squeeze %dma_wait3A_812 : memref<1x16x128xf32, #tpu.memory_space<hbm>> -> memref<16x128xf32, #tpu.memory_space<hbm>>
    %dma_wait3A_814 = arith.constant 80 : i32
    %dma_wait3A_815 = arith.constant 0 : i32
    %dma_wait3A_816 = tpu.memref_slice %arg5[%add3A, %dma_wait3A_814, %dma_wait3A_815] : memref<64x128x128xf32, #tpu.memory_space<hbm>> -> memref<1x16x128xf32, #tpu.memory_space<hbm>>
    %dma_wait3A_817 = tpu.memref_squeeze %dma_wait3A_816 : memref<1x16x128xf32, #tpu.memory_space<hbm>> -> memref<16x128xf32, #tpu.memory_space<hbm>>
    %dma_wait3A_818 = arith.constant 0 : i32
    %dma_wait3A_819 = arith.constant 0 : i32
    %dma_wait3A_820 = tpu.memref_slice %arg9[%dma_wait3A_805, %dma_wait3A_818, %dma_wait3A_819] : memref<2x16x128xf32, #tpu.memory_space<vmem>> -> memref<1x16x128xf32, #tpu.memory_space<vmem>>
    %dma_wait3A_821 = tpu.memref_squeeze %dma_wait3A_820 : memref<1x16x128xf32, #tpu.memory_space<vmem>> -> memref<16x128xf32, #tpu.memory_space<vmem>>
    tpu.wait_dma2 semaphore(%arg17 : memref<!tpu.dma_semaphore, #tpu.memory_space<semaphore_mem>>) src(%dma_wait3A_821 : memref<16x128xf32, #tpu.memory_space<vmem>>) dst(%dma_wait3A_817 : memref<16x128xf32, #tpu.memory_space<hbm>>)
    %dma_wait3A_822 = arith.constant 1 : i32
    %dma_wait3A_823 = arith.constant 0 : i32
    %dma_wait3A_824 = arith.constant 0 : i32
    %dma_wait3A_825 = tpu.memref_slice %arg10[%dma_wait3A_822, %dma_wait3A_823, %dma_wait3A_824] : memref<2x16x128xf32, #tpu.memory_space<vmem>> -> memref<1x16x128xf32, #tpu.memory_space<vmem>>
    %dma_wait3A_826 = tpu.memref_squeeze %dma_wait3A_825 : memref<1x16x128xf32, #tpu.memory_space<vmem>> -> memref<16x128xf32, #tpu.memory_space<vmem>>
    %dma_wait3A_827 = arith.constant 80 : i32
    %dma_wait3A_828 = arith.constant 0 : i32
    %dma_wait3A_829 = tpu.memref_slice %arg5[%add3A_648, %dma_wait3A_827, %dma_wait3A_828] : memref<64x128x128xf32, #tpu.memory_space<hbm>> -> memref<1x16x128xf32, #tpu.memory_space<hbm>>
    %dma_wait3A_830 = tpu.memref_squeeze %dma_wait3A_829 : memref<1x16x128xf32, #tpu.memory_space<hbm>> -> memref<16x128xf32, #tpu.memory_space<hbm>>
    %dma_wait3A_831 = arith.constant 80 : i32
    %dma_wait3A_832 = arith.constant 0 : i32
    %dma_wait3A_833 = tpu.memref_slice %arg5[%add3A_648, %dma_wait3A_831, %dma_wait3A_832] : memref<64x128x128xf32, #tpu.memory_space<hbm>> -> memref<1x16x128xf32, #tpu.memory_space<hbm>>
    %dma_wait3A_834 = tpu.memref_squeeze %dma_wait3A_833 : memref<1x16x128xf32, #tpu.memory_space<hbm>> -> memref<16x128xf32, #tpu.memory_space<hbm>>
    %dma_wait3A_835 = arith.constant 0 : i32
    %dma_wait3A_836 = arith.constant 0 : i32
    %dma_wait3A_837 = tpu.memref_slice %arg10[%dma_wait3A_822, %dma_wait3A_835, %dma_wait3A_836] : memref<2x16x128xf32, #tpu.memory_space<vmem>> -> memref<1x16x128xf32, #tpu.memory_space<vmem>>
    %dma_wait3A_838 = tpu.memref_squeeze %dma_wait3A_837 : memref<1x16x128xf32, #tpu.memory_space<vmem>> -> memref<16x128xf32, #tpu.memory_space<vmem>>
    tpu.wait_dma2 semaphore(%arg19 : memref<!tpu.dma_semaphore, #tpu.memory_space<semaphore_mem>>) src(%dma_wait3A_838 : memref<16x128xf32, #tpu.memory_space<vmem>>) dst(%dma_wait3A_834 : memref<16x128xf32, #tpu.memory_space<hbm>>)
    %parallel_loop3A_839 = arith.constant 0 : i32
    %parallel_loop3A_840 = arith.constant 128 : i32
    %parallel_loop3A_841 = arith.constant 1 : i32
    scf.for %parallel_loop3A_946 = %parallel_loop3A_839 to %parallel_loop3A_840 step %parallel_loop3A_841  : i32 {
      %parallel_loop3A_947 = arith.constant 16 : i32
      %parallel_loop3A_948 = arith.muli %parallel_loop3A_946, %parallel_loop3A_947 : i32
      %parallel_loop3A_949 = arith.constant 128 : i32
      %parallel_loop3A_950 = arith.divsi %parallel_loop3A_948, %parallel_loop3A_949 : i32
      %parallel_loop3A_951 = arith.constant 0 : i32
      %parallel_loop3A_952 = arith.cmpi sgt, %parallel_loop3A_948, %parallel_loop3A_951 : i32
      %parallel_loop3A_953 = arith.extui %parallel_loop3A_952 : i1 to i32
      %parallel_loop3A_954 = arith.constant 0 : i32
      %parallel_loop3A_955 = arith.cmpi slt, %parallel_loop3A_948, %parallel_loop3A_954 : i32
      %parallel_loop3A_956 = arith.extui %parallel_loop3A_955 : i1 to i32
      %parallel_loop3A_957 = arith.subi %parallel_loop3A_953, %parallel_loop3A_956 : i32
      %parallel_loop3A_958 = arith.constant 0 : i32
      %parallel_loop3A_959 = arith.cmpi sgt, %parallel_loop3A_949, %parallel_loop3A_958 : i32
      %parallel_loop3A_960 = arith.extui %parallel_loop3A_959 : i1 to i32
      %parallel_loop3A_961 = arith.constant 0 : i32
      %parallel_loop3A_962 = arith.cmpi slt, %parallel_loop3A_949, %parallel_loop3A_961 : i32
      %parallel_loop3A_963 = arith.extui %parallel_loop3A_962 : i1 to i32
      %parallel_loop3A_964 = arith.subi %parallel_loop3A_960, %parallel_loop3A_963 : i32
      %parallel_loop3A_965 = arith.cmpi ne, %parallel_loop3A_957, %parallel_loop3A_964 : i32
      %parallel_loop3A_966 = arith.remsi %parallel_loop3A_948, %parallel_loop3A_949 : i32
      %parallel_loop3A_967 = arith.constant 0 : i32
      %parallel_loop3A_968 = arith.cmpi ne, %parallel_loop3A_966, %parallel_loop3A_967 : i32
      %parallel_loop3A_969 = arith.andi %parallel_loop3A_965, %parallel_loop3A_968 : i1
      %parallel_loop3A_970 = arith.constant 1 : i32
      %parallel_loop3A_971 = arith.subi %parallel_loop3A_950, %parallel_loop3A_970 : i32
      %parallel_loop3A_972 = arith.select %parallel_loop3A_969, %parallel_loop3A_971, %parallel_loop3A_950 : i32
      %parallel_loop3A_973 = arith.constant 128 : i32
      %parallel_loop3A_974 = arith.constant 0 : i32
      %parallel_loop3A_975 = arith.cmpi eq, %parallel_loop3A_973, %parallel_loop3A_974 : i32
      %parallel_loop3A_976 = arith.constant 1 : i32
      %parallel_loop3A_977 = arith.select %parallel_loop3A_975, %parallel_loop3A_976, %parallel_loop3A_973 : i32
      %parallel_loop3A_978 = arith.remsi %parallel_loop3A_948, %parallel_loop3A_977 : i32
      %parallel_loop3A_979 = arith.constant 0 : i32
      %parallel_loop3A_980 = arith.cmpi ne, %parallel_loop3A_978, %parallel_loop3A_979 : i32
      %parallel_loop3A_981 = arith.constant 0 : i32
      %parallel_loop3A_982 = arith.cmpi slt, %parallel_loop3A_978, %parallel_loop3A_981 : i32
      %parallel_loop3A_983 = arith.constant 0 : i32
      %parallel_loop3A_984 = arith.cmpi slt, %parallel_loop3A_977, %parallel_loop3A_983 : i32
      %parallel_loop3A_985 = arith.xori %parallel_loop3A_982, %parallel_loop3A_984 : i1
      %parallel_loop3A_986 = arith.andi %parallel_loop3A_985, %parallel_loop3A_980 : i1
      %parallel_loop3A_987 = arith.addi %parallel_loop3A_978, %parallel_loop3A_977 : i32
      %parallel_loop3A_988 = arith.select %parallel_loop3A_986, %parallel_loop3A_987, %parallel_loop3A_978 : i32
      %parallel_loop3A_989 = arith.constant 1 : i32
      %parallel_loop3A_990 = arith.index_cast %parallel_loop3A_989 : i32 to index
      %parallel_loop3A_991 = arith.index_cast %parallel_loop3A_948 : i32 to index
      %parallel_loop3A_992 = tpu.vector_load %arg7[%parallel_loop3A_990, %parallel_loop3A_991] {strides = array<i32>} : memref<2x2048xi32, #tpu.memory_space<vmem>>, vector<16xi32>,
      %parallel_loop3A_993 = tpu.vector_load_idx %arg6[%parallel_loop3A_992] : memref<100000xf32, #tpu.memory_space<vmem>>[vector<16xi32>], vector<16xf32>,
      %parallel_loop3A_994 = arith.constant 1 : i32
      %parallel_loop3A_995 = arith.index_cast %parallel_loop3A_994 : i32 to index
      %parallel_loop3A_996 = arith.index_cast %parallel_loop3A_972 : i32 to index
      %parallel_loop3A_997 = arith.index_cast %parallel_loop3A_988 : i32 to index
      %parallel_loop3A_998 = tpu.vector_load %arg9[%parallel_loop3A_995, %parallel_loop3A_996, %parallel_loop3A_997] {strides = array<i32>} : memref<2x16x128xf32, #tpu.memory_space<vmem>>, vector<16xf32>,
      tpu.vector_store %arg9[%parallel_loop3A_995, %parallel_loop3A_996, %parallel_loop3A_997], %parallel_loop3A_993 {strides = array<i32>} : memref<2x16x128xf32, #tpu.memory_space<vmem>>, vector<16xf32>,
      %parallel_loop3A_999 = arith.constant 1 : i32
      %parallel_loop3A_1000 = arith.index_cast %parallel_loop3A_999 : i32 to index
      %parallel_loop3A_1001 = arith.index_cast %parallel_loop3A_948 : i32 to index
      %parallel_loop3A_1002 = tpu.vector_load %arg8[%parallel_loop3A_1000, %parallel_loop3A_1001] {strides = array<i32>} : memref<2x2048xi32, #tpu.memory_space<vmem>>, vector<16xi32>,
      %parallel_loop3A_1003 = tpu.vector_load_idx %arg6[%parallel_loop3A_1002] : memref<100000xf32, #tpu.memory_space<vmem>>[vector<16xi32>], vector<16xf32>,
      %parallel_loop3A_1004 = arith.constant 1 : i32
      %parallel_loop3A_1005 = arith.index_cast %parallel_loop3A_1004 : i32 to index
      %parallel_loop3A_1006 = arith.index_cast %parallel_loop3A_972 : i32 to index
      %parallel_loop3A_1007 = arith.index_cast %parallel_loop3A_988 : i32 to index
      %parallel_loop3A_1008 = tpu.vector_load %arg10[%parallel_loop3A_1005, %parallel_loop3A_1006, %parallel_loop3A_1007] {strides = array<i32>} : memref<2x16x128xf32, #tpu.memory_space<vmem>>, vector<16xf32>,
      tpu.vector_store %arg10[%parallel_loop3A_1005, %parallel_loop3A_1006, %parallel_loop3A_1007], %parallel_loop3A_1003 {strides = array<i32>} : memref<2x16x128xf32, #tpu.memory_space<vmem>>, vector<16xf32>,
    } {sc.loop_unroll_factor = 16 : i64, sc.parallel_access}
    %dma_start3A_842 = arith.constant 1 : i32
    %dma_start3A_843 = arith.constant 0 : i32
    %dma_start3A_844 = arith.constant 0 : i32
    %dma_start3A_845 = tpu.memref_slice %arg9[%dma_start3A_842, %dma_start3A_843, %dma_start3A_844] : memref<2x16x128xf32, #tpu.memory_space<vmem>> -> memref<1x16x128xf32, #tpu.memory_space<vmem>>
    %dma_start3A_846 = tpu.memref_squeeze %dma_start3A_845 : memref<1x16x128xf32, #tpu.memory_space<vmem>> -> memref<16x128xf32, #tpu.memory_space<vmem>>
    %dma_start3A_847 = arith.constant 112 : i32
    %dma_start3A_848 = arith.constant 0 : i32
    %dma_start3A_849 = tpu.memref_slice %arg5[%add3A, %dma_start3A_847, %dma_start3A_848] : memref<64x128x128xf32, #tpu.memory_space<hbm>> -> memref<1x16x128xf32, #tpu.memory_space<hbm>>
    %dma_start3A_850 = tpu.memref_squeeze %dma_start3A_849 : memref<1x16x128xf32, #tpu.memory_space<hbm>> -> memref<16x128xf32, #tpu.memory_space<hbm>>
    %dma_start3A_851 = arith.constant 112 : i32
    %dma_start3A_852 = arith.constant 0 : i32
    %dma_start3A_853 = tpu.memref_slice %arg5[%add3A, %dma_start3A_851, %dma_start3A_852] : memref<64x128x128xf32, #tpu.memory_space<hbm>> -> memref<1x16x128xf32, #tpu.memory_space<hbm>>
    %dma_start3A_854 = tpu.memref_squeeze %dma_start3A_853 : memref<1x16x128xf32, #tpu.memory_space<hbm>> -> memref<16x128xf32, #tpu.memory_space<hbm>>
    %dma_start3A_855 = arith.constant 0 : i32
    %dma_start3A_856 = arith.constant 0 : i32
    %dma_start3A_857 = tpu.memref_slice %arg9[%dma_start3A_842, %dma_start3A_855, %dma_start3A_856] : memref<2x16x128xf32, #tpu.memory_space<vmem>> -> memref<1x16x128xf32, #tpu.memory_space<vmem>>
    %dma_start3A_858 = tpu.memref_squeeze %dma_start3A_857 : memref<1x16x128xf32, #tpu.memory_space<vmem>> -> memref<16x128xf32, #tpu.memory_space<vmem>>
    tpu.enqueue_dma source(%dma_start3A_858 : memref<16x128xf32, #tpu.memory_space<vmem>>) target(%dma_start3A_854 : memref<16x128xf32, #tpu.memory_space<hbm>>) target_semaphore(%arg17 : memref<!tpu.dma_semaphore, #tpu.memory_space<semaphore_mem>>)
    %add3A_859 = arith.constant 32 : i32
    %add3A_860 = arith.addi %add3A_859, %add3A : i32
    %dma_start3A_861 = arith.constant 1 : i32
    %dma_start3A_862 = arith.constant 0 : i32
    %dma_start3A_863 = arith.constant 0 : i32
    %dma_start3A_864 = tpu.memref_slice %arg10[%dma_start3A_861, %dma_start3A_862, %dma_start3A_863] : memref<2x16x128xf32, #tpu.memory_space<vmem>> -> memref<1x16x128xf32, #tpu.memory_space<vmem>>
    %dma_start3A_865 = tpu.memref_squeeze %dma_start3A_864 : memref<1x16x128xf32, #tpu.memory_space<vmem>> -> memref<16x128xf32, #tpu.memory_space<vmem>>
    %dma_start3A_866 = arith.constant 112 : i32
    %dma_start3A_867 = arith.constant 0 : i32
    %dma_start3A_868 = tpu.memref_slice %arg5[%add3A_860, %dma_start3A_866, %dma_start3A_867] : memref<64x128x128xf32, #tpu.memory_space<hbm>> -> memref<1x16x128xf32, #tpu.memory_space<hbm>>
    %dma_start3A_869 = tpu.memref_squeeze %dma_start3A_868 : memref<1x16x128xf32, #tpu.memory_space<hbm>> -> memref<16x128xf32, #tpu.memory_space<hbm>>
    %dma_start3A_870 = arith.constant 112 : i32
    %dma_start3A_871 = arith.constant 0 : i32
    %dma_start3A_872 = tpu.memref_slice %arg5[%add3A_860, %dma_start3A_870, %dma_start3A_871] : memref<64x128x128xf32, #tpu.memory_space<hbm>> -> memref<1x16x128xf32, #tpu.memory_space<hbm>>
    %dma_start3A_873 = tpu.memref_squeeze %dma_start3A_872 : memref<1x16x128xf32, #tpu.memory_space<hbm>> -> memref<16x128xf32, #tpu.memory_space<hbm>>
    %dma_start3A_874 = arith.constant 0 : i32
    %dma_start3A_875 = arith.constant 0 : i32
    %dma_start3A_876 = tpu.memref_slice %arg10[%dma_start3A_861, %dma_start3A_874, %dma_start3A_875] : memref<2x16x128xf32, #tpu.memory_space<vmem>> -> memref<1x16x128xf32, #tpu.memory_space<vmem>>
    %dma_start3A_877 = tpu.memref_squeeze %dma_start3A_876 : memref<1x16x128xf32, #tpu.memory_space<vmem>> -> memref<16x128xf32, #tpu.memory_space<vmem>>
    tpu.enqueue_dma source(%dma_start3A_877 : memref<16x128xf32, #tpu.memory_space<vmem>>) target(%dma_start3A_873 : memref<16x128xf32, #tpu.memory_space<hbm>>) target_semaphore(%arg19 : memref<!tpu.dma_semaphore, #tpu.memory_space<semaphore_mem>>)
    %dma_wait3A_878 = arith.constant 0 : i32
    %dma_wait3A_879 = arith.constant 0 : i32
    %dma_wait3A_880 = arith.constant 0 : i32
    %dma_wait3A_881 = tpu.memref_slice %arg9[%dma_wait3A_878, %dma_wait3A_879, %dma_wait3A_880] : memref<2x16x128xf32, #tpu.memory_space<vmem>> -> memref<1x16x128xf32, #tpu.memory_space<vmem>>
    %dma_wait3A_882 = tpu.memref_squeeze %dma_wait3A_881 : memref<1x16x128xf32, #tpu.memory_space<vmem>> -> memref<16x128xf32, #tpu.memory_space<vmem>>
    %dma_wait3A_883 = arith.constant 96 : i32
    %dma_wait3A_884 = arith.constant 0 : i32
    %dma_wait3A_885 = tpu.memref_slice %arg5[%add3A, %dma_wait3A_883, %dma_wait3A_884] : memref<64x128x128xf32, #tpu.memory_space<hbm>> -> memref<1x16x128xf32, #tpu.memory_space<hbm>>
    %dma_wait3A_886 = tpu.memref_squeeze %dma_wait3A_885 : memref<1x16x128xf32, #tpu.memory_space<hbm>> -> memref<16x128xf32, #tpu.memory_space<hbm>>
    %dma_wait3A_887 = arith.constant 96 : i32
    %dma_wait3A_888 = arith.constant 0 : i32
    %dma_wait3A_889 = tpu.memref_slice %arg5[%add3A, %dma_wait3A_887, %dma_wait3A_888] : memref<64x128x128xf32, #tpu.memory_space<hbm>> -> memref<1x16x128xf32, #tpu.memory_space<hbm>>
    %dma_wait3A_890 = tpu.memref_squeeze %dma_wait3A_889 : memref<1x16x128xf32, #tpu.memory_space<hbm>> -> memref<16x128xf32, #tpu.memory_space<hbm>>
    %dma_wait3A_891 = arith.constant 0 : i32
    %dma_wait3A_892 = arith.constant 0 : i32
    %dma_wait3A_893 = tpu.memref_slice %arg9[%dma_wait3A_878, %dma_wait3A_891, %dma_wait3A_892] : memref<2x16x128xf32, #tpu.memory_space<vmem>> -> memref<1x16x128xf32, #tpu.memory_space<vmem>>
    %dma_wait3A_894 = tpu.memref_squeeze %dma_wait3A_893 : memref<1x16x128xf32, #tpu.memory_space<vmem>> -> memref<16x128xf32, #tpu.memory_space<vmem>>
    tpu.wait_dma2 semaphore(%arg16 : memref<!tpu.dma_semaphore, #tpu.memory_space<semaphore_mem>>) src(%dma_wait3A_894 : memref<16x128xf32, #tpu.memory_space<vmem>>) dst(%dma_wait3A_890 : memref<16x128xf32, #tpu.memory_space<hbm>>)
    %dma_wait3A_895 = arith.constant 0 : i32
    %dma_wait3A_896 = arith.constant 0 : i32
    %dma_wait3A_897 = arith.constant 0 : i32
    %dma_wait3A_898 = tpu.memref_slice %arg10[%dma_wait3A_895, %dma_wait3A_896, %dma_wait3A_897] : memref<2x16x128xf32, #tpu.memory_space<vmem>> -> memref<1x16x128xf32, #tpu.memory_space<vmem>>
    %dma_wait3A_899 = tpu.memref_squeeze %dma_wait3A_898 : memref<1x16x128xf32, #tpu.memory_space<vmem>> -> memref<16x128xf32, #tpu.memory_space<vmem>>
    %dma_wait3A_900 = arith.constant 96 : i32
    %dma_wait3A_901 = arith.constant 0 : i32
    %dma_wait3A_902 = tpu.memref_slice %arg5[%add3A_765, %dma_wait3A_900, %dma_wait3A_901] : memref<64x128x128xf32, #tpu.memory_space<hbm>> -> memref<1x16x128xf32, #tpu.memory_space<hbm>>
    %dma_wait3A_903 = tpu.memref_squeeze %dma_wait3A_902 : memref<1x16x128xf32, #tpu.memory_space<hbm>> -> memref<16x128xf32, #tpu.memory_space<hbm>>
    %dma_wait3A_904 = arith.constant 96 : i32
    %dma_wait3A_905 = arith.constant 0 : i32
    %dma_wait3A_906 = tpu.memref_slice %arg5[%add3A_765, %dma_wait3A_904, %dma_wait3A_905] : memref<64x128x128xf32, #tpu.memory_space<hbm>> -> memref<1x16x128xf32, #tpu.memory_space<hbm>>
    %dma_wait3A_907 = tpu.memref_squeeze %dma_wait3A_906 : memref<1x16x128xf32, #tpu.memory_space<hbm>> -> memref<16x128xf32, #tpu.memory_space<hbm>>
    %dma_wait3A_908 = arith.constant 0 : i32
    %dma_wait3A_909 = arith.constant 0 : i32
    %dma_wait3A_910 = tpu.memref_slice %arg10[%dma_wait3A_895, %dma_wait3A_908, %dma_wait3A_909] : memref<2x16x128xf32, #tpu.memory_space<vmem>> -> memref<1x16x128xf32, #tpu.memory_space<vmem>>
    %dma_wait3A_911 = tpu.memref_squeeze %dma_wait3A_910 : memref<1x16x128xf32, #tpu.memory_space<vmem>> -> memref<16x128xf32, #tpu.memory_space<vmem>>
    tpu.wait_dma2 semaphore(%arg18 : memref<!tpu.dma_semaphore, #tpu.memory_space<semaphore_mem>>) src(%dma_wait3A_911 : memref<16x128xf32, #tpu.memory_space<vmem>>) dst(%dma_wait3A_907 : memref<16x128xf32, #tpu.memory_space<hbm>>)
    %dma_wait3A_912 = arith.constant 1 : i32
    %dma_wait3A_913 = arith.constant 0 : i32
    %dma_wait3A_914 = arith.constant 0 : i32
    %dma_wait3A_915 = tpu.memref_slice %arg9[%dma_wait3A_912, %dma_wait3A_913, %dma_wait3A_914] : memref<2x16x128xf32, #tpu.memory_space<vmem>> -> memref<1x16x128xf32, #tpu.memory_space<vmem>>
    %dma_wait3A_916 = tpu.memref_squeeze %dma_wait3A_915 : memref<1x16x128xf32, #tpu.memory_space<vmem>> -> memref<16x128xf32, #tpu.memory_space<vmem>>
    %dma_wait3A_917 = arith.constant 112 : i32
    %dma_wait3A_918 = arith.constant 0 : i32
    %dma_wait3A_919 = tpu.memref_slice %arg5[%add3A, %dma_wait3A_917, %dma_wait3A_918] : memref<64x128x128xf32, #tpu.memory_space<hbm>> -> memref<1x16x128xf32, #tpu.memory_space<hbm>>
    %dma_wait3A_920 = tpu.memref_squeeze %dma_wait3A_919 : memref<1x16x128xf32, #tpu.memory_space<hbm>> -> memref<16x128xf32, #tpu.memory_space<hbm>>
    %dma_wait3A_921 = arith.constant 112 : i32
    %dma_wait3A_922 = arith.constant 0 : i32
    %dma_wait3A_923 = tpu.memref_slice %arg5[%add3A, %dma_wait3A_921, %dma_wait3A_922] : memref<64x128x128xf32, #tpu.memory_space<hbm>> -> memref<1x16x128xf32, #tpu.memory_space<hbm>>
    %dma_wait3A_924 = tpu.memref_squeeze %dma_wait3A_923 : memref<1x16x128xf32, #tpu.memory_space<hbm>> -> memref<16x128xf32, #tpu.memory_space<hbm>>
    %dma_wait3A_925 = arith.constant 0 : i32
    %dma_wait3A_926 = arith.constant 0 : i32
    %dma_wait3A_927 = tpu.memref_slice %arg9[%dma_wait3A_912, %dma_wait3A_925, %dma_wait3A_926] : memref<2x16x128xf32, #tpu.memory_space<vmem>> -> memref<1x16x128xf32, #tpu.memory_space<vmem>>
    %dma_wait3A_928 = tpu.memref_squeeze %dma_wait3A_927 : memref<1x16x128xf32, #tpu.memory_space<vmem>> -> memref<16x128xf32, #tpu.memory_space<vmem>>
    tpu.wait_dma2 semaphore(%arg17 : memref<!tpu.dma_semaphore, #tpu.memory_space<semaphore_mem>>) src(%dma_wait3A_928 : memref<16x128xf32, #tpu.memory_space<vmem>>) dst(%dma_wait3A_924 : memref<16x128xf32, #tpu.memory_space<hbm>>)
    %dma_wait3A_929 = arith.constant 1 : i32
    %dma_wait3A_930 = arith.constant 0 : i32
    %dma_wait3A_931 = arith.constant 0 : i32
    %dma_wait3A_932 = tpu.memref_slice %arg10[%dma_wait3A_929, %dma_wait3A_930, %dma_wait3A_931] : memref<2x16x128xf32, #tpu.memory_space<vmem>> -> memref<1x16x128xf32, #tpu.memory_space<vmem>>
    %dma_wait3A_933 = tpu.memref_squeeze %dma_wait3A_932 : memref<1x16x128xf32, #tpu.memory_space<vmem>> -> memref<16x128xf32, #tpu.memory_space<vmem>>
    %dma_wait3A_934 = arith.constant 112 : i32
    %dma_wait3A_935 = arith.constant 0 : i32
    %dma_wait3A_936 = tpu.memref_slice %arg5[%add3A_860, %dma_wait3A_934, %dma_wait3A_935] : memref<64x128x128xf32, #tpu.memory_space<hbm>> -> memref<1x16x128xf32, #tpu.memory_space<hbm>>
    %dma_wait3A_937 = tpu.memref_squeeze %dma_wait3A_936 : memref<1x16x128xf32, #tpu.memory_space<hbm>> -> memref<16x128xf32, #tpu.memory_space<hbm>>
    %dma_wait3A_938 = arith.constant 112 : i32
    %dma_wait3A_939 = arith.constant 0 : i32
    %dma_wait3A_940 = tpu.memref_slice %arg5[%add3A_860, %dma_wait3A_938, %dma_wait3A_939] : memref<64x128x128xf32, #tpu.memory_space<hbm>> -> memref<1x16x128xf32, #tpu.memory_space<hbm>>
    %dma_wait3A_941 = tpu.memref_squeeze %dma_wait3A_940 : memref<1x16x128xf32, #tpu.memory_space<hbm>> -> memref<16x128xf32, #tpu.memory_space<hbm>>
    %dma_wait3A_942 = arith.constant 0 : i32
    %dma_wait3A_943 = arith.constant 0 : i32
    %dma_wait3A_944 = tpu.memref_slice %arg10[%dma_wait3A_929, %dma_wait3A_942, %dma_wait3A_943] : memref<2x16x128xf32, #tpu.memory_space<vmem>> -> memref<1x16x128xf32, #tpu.memory_space<vmem>>
    %dma_wait3A_945 = tpu.memref_squeeze %dma_wait3A_944 : memref<1x16x128xf32, #tpu.memory_space<vmem>> -> memref<16x128xf32, #tpu.memory_space<vmem>>
    tpu.wait_dma2 semaphore(%arg19 : memref<!tpu.dma_semaphore, #tpu.memory_space<semaphore_mem>>) src(%dma_wait3A_945 : memref<16x128xf32, #tpu.memory_space<vmem>>) dst(%dma_wait3A_941 : memref<16x128xf32, #tpu.memory_space<hbm>>)
    return
  }
}

#map = affine_map<(d0, d1) -> (0, 0, 0)>
#map1 = affine_map<(d0, d1) -> (0, 0)>
module attributes {stable_mosaic.version = 14 : i64} {
  func.func @sc_xpose(%arg0: i32, %arg1: i32, %arg2: memref<64x128x128xf32, #tpu.memory_space<hbm>>, %arg3: memref<16384x128xf32, #tpu.memory_space<hbm>>, %arg4: memref<64x4x128xf32, #tpu.memory_space<vmem>>, %arg5: memref<512x129xf32, #tpu.memory_space<vmem>>) attributes {dimension_semantics = [#tpu.dimension_semantics<core_parallel>, #tpu.dimension_semantics<subcore_parallel>], iteration_bounds = array<i64: 2, 16>, scalar_prefetch = 0 : i64, scratch_operands = 2 : i64, tpu.core_type = #tpu.core_type<sc_vector_subcore>, window_params = [{transform_indices = #map}, {transform_indices = #map1}]} {
    %mul3A = arith.constant 2 : i32
    %mul3A_0 = arith.muli %arg1, %mul3A : i32
    %add3A = arith.addi %mul3A_0, %arg0 : i32
    %mul3A_1 = arith.constant 512 : i32
    %mul3A_2 = arith.muli %add3A, %mul3A_1 : i32
    %mul3A_3 = arith.constant 4 : i32
    %mul3A_4 = arith.muli %add3A, %mul3A_3 : i32
    "tpu.region"() ({
      %run_scoped3A = tpu.sem_alloc : memref<!tpu.dma_semaphore, #tpu.memory_space<semaphore_mem>>
      %dma_start3A = arith.constant 0 : i32
      %dma_start3A_7 = arith.constant 0 : i32
      %dma_start3A_8 = tpu.memref_slice %arg2[%dma_start3A, %mul3A_4, %dma_start3A_7] : memref<64x128x128xf32, #tpu.memory_space<hbm>> -> memref<64x4x128xf32, #tpu.memory_space<hbm>>
      %dma_start3A_9 = arith.constant 0 : i32
      %dma_start3A_10 = arith.constant 0 : i32
      %dma_start3A_11 = tpu.memref_slice %arg2[%dma_start3A_9, %mul3A_4, %dma_start3A_10] : memref<64x128x128xf32, #tpu.memory_space<hbm>> -> memref<64x4x128xf32, #tpu.memory_space<hbm>>
      tpu.enqueue_dma source(%dma_start3A_11 : memref<64x4x128xf32, #tpu.memory_space<hbm>>) target(%arg4 : memref<64x4x128xf32, #tpu.memory_space<vmem>>) target_semaphore(%run_scoped3A : memref<!tpu.dma_semaphore, #tpu.memory_space<semaphore_mem>>)
      %dma_wait3A = arith.constant 0 : i32
      %dma_wait3A_12 = arith.constant 0 : i32
      %dma_wait3A_13 = tpu.memref_slice %arg2[%dma_wait3A, %mul3A_4, %dma_wait3A_12] : memref<64x128x128xf32, #tpu.memory_space<hbm>> -> memref<64x4x128xf32, #tpu.memory_space<hbm>>
      %dma_wait3A_14 = arith.constant 0 : i32
      %dma_wait3A_15 = arith.constant 0 : i32
      %dma_wait3A_16 = tpu.memref_slice %arg2[%dma_wait3A_14, %mul3A_4, %dma_wait3A_15] : memref<64x128x128xf32, #tpu.memory_space<hbm>> -> memref<64x4x128xf32, #tpu.memory_space<hbm>>
      tpu.wait_dma2 semaphore(%run_scoped3A : memref<!tpu.dma_semaphore, #tpu.memory_space<semaphore_mem>>) src(%dma_wait3A_16 : memref<64x4x128xf32, #tpu.memory_space<hbm>>) dst(%arg4 : memref<64x4x128xf32, #tpu.memory_space<vmem>>)
      tpu.yield
    }) : () -> ()
    %iota3A = tpu.iota {dimensions = array<i32: 0>} : vector<16xi32>
    %parallel_loop3A = arith.constant 0 : i32
    %parallel_loop3A_5 = arith.constant 2048 : i32
    %parallel_loop3A_6 = arith.constant 1 : i32
    scf.for %parallel_loop3A_7 = %parallel_loop3A to %parallel_loop3A_5 step %parallel_loop3A_6  : i32 {
      %parallel_loop3A_8 = arith.constant 64 : i32
      %parallel_loop3A_9 = arith.constant 0 : i32
      %parallel_loop3A_10 = arith.cmpi eq, %parallel_loop3A_8, %parallel_loop3A_9 : i32
      %parallel_loop3A_11 = arith.constant 1 : i32
      %parallel_loop3A_12 = arith.select %parallel_loop3A_10, %parallel_loop3A_11, %parallel_loop3A_8 : i32
      %parallel_loop3A_13 = arith.remsi %parallel_loop3A_7, %parallel_loop3A_12 : i32
      %parallel_loop3A_14 = arith.constant 0 : i32
      %parallel_loop3A_15 = arith.cmpi ne, %parallel_loop3A_13, %parallel_loop3A_14 : i32
      %parallel_loop3A_16 = arith.constant 0 : i32
      %parallel_loop3A_17 = arith.cmpi slt, %parallel_loop3A_13, %parallel_loop3A_16 : i32
      %parallel_loop3A_18 = arith.constant 0 : i32
      %parallel_loop3A_19 = arith.cmpi slt, %parallel_loop3A_12, %parallel_loop3A_18 : i32
      %parallel_loop3A_20 = arith.xori %parallel_loop3A_17, %parallel_loop3A_19 : i1
      %parallel_loop3A_21 = arith.andi %parallel_loop3A_20, %parallel_loop3A_15 : i1
      %parallel_loop3A_22 = arith.addi %parallel_loop3A_13, %parallel_loop3A_12 : i32
      %parallel_loop3A_23 = arith.select %parallel_loop3A_21, %parallel_loop3A_22, %parallel_loop3A_13 : i32
      %parallel_loop3A_24 = arith.constant 64 : i32
      %parallel_loop3A_25 = arith.divsi %parallel_loop3A_7, %parallel_loop3A_24 : i32
      %parallel_loop3A_26 = arith.constant 0 : i32
      %parallel_loop3A_27 = arith.cmpi sgt, %parallel_loop3A_7, %parallel_loop3A_26 : i32
      %parallel_loop3A_28 = arith.extui %parallel_loop3A_27 : i1 to i32
      %parallel_loop3A_29 = arith.constant 0 : i32
      %parallel_loop3A_30 = arith.cmpi slt, %parallel_loop3A_7, %parallel_loop3A_29 : i32
      %parallel_loop3A_31 = arith.extui %parallel_loop3A_30 : i1 to i32
      %parallel_loop3A_32 = arith.subi %parallel_loop3A_28, %parallel_loop3A_31 : i32
      %parallel_loop3A_33 = arith.constant 0 : i32
      %parallel_loop3A_34 = arith.cmpi sgt, %parallel_loop3A_24, %parallel_loop3A_33 : i32
      %parallel_loop3A_35 = arith.extui %parallel_loop3A_34 : i1 to i32
      %parallel_loop3A_36 = arith.constant 0 : i32
      %parallel_loop3A_37 = arith.cmpi slt, %parallel_loop3A_24, %parallel_loop3A_36 : i32
      %parallel_loop3A_38 = arith.extui %parallel_loop3A_37 : i1 to i32
      %parallel_loop3A_39 = arith.subi %parallel_loop3A_35, %parallel_loop3A_38 : i32
      %parallel_loop3A_40 = arith.cmpi ne, %parallel_loop3A_32, %parallel_loop3A_39 : i32
      %parallel_loop3A_41 = arith.remsi %parallel_loop3A_7, %parallel_loop3A_24 : i32
      %parallel_loop3A_42 = arith.constant 0 : i32
      %parallel_loop3A_43 = arith.cmpi ne, %parallel_loop3A_41, %parallel_loop3A_42 : i32
      %parallel_loop3A_44 = arith.andi %parallel_loop3A_40, %parallel_loop3A_43 : i1
      %parallel_loop3A_45 = arith.constant 1 : i32
      %parallel_loop3A_46 = arith.subi %parallel_loop3A_25, %parallel_loop3A_45 : i32
      %parallel_loop3A_47 = arith.select %parallel_loop3A_44, %parallel_loop3A_46, %parallel_loop3A_25 : i32
      %parallel_loop3A_48 = arith.constant 16 : i32
      %parallel_loop3A_49 = arith.muli %parallel_loop3A_47, %parallel_loop3A_48 : i32
      %parallel_loop3A_50 = arith.constant 128 : i32
      %parallel_loop3A_51 = arith.divsi %parallel_loop3A_49, %parallel_loop3A_50 : i32
      %parallel_loop3A_52 = arith.constant 0 : i32
      %parallel_loop3A_53 = arith.cmpi sgt, %parallel_loop3A_49, %parallel_loop3A_52 : i32
      %parallel_loop3A_54 = arith.extui %parallel_loop3A_53 : i1 to i32
      %parallel_loop3A_55 = arith.constant 0 : i32
      %parallel_loop3A_56 = arith.cmpi slt, %parallel_loop3A_49, %parallel_loop3A_55 : i32
      %parallel_loop3A_57 = arith.extui %parallel_loop3A_56 : i1 to i32
      %parallel_loop3A_58 = arith.subi %parallel_loop3A_54, %parallel_loop3A_57 : i32
      %parallel_loop3A_59 = arith.constant 0 : i32
      %parallel_loop3A_60 = arith.cmpi sgt, %parallel_loop3A_50, %parallel_loop3A_59 : i32
      %parallel_loop3A_61 = arith.extui %parallel_loop3A_60 : i1 to i32
      %parallel_loop3A_62 = arith.constant 0 : i32
      %parallel_loop3A_63 = arith.cmpi slt, %parallel_loop3A_50, %parallel_loop3A_62 : i32
      %parallel_loop3A_64 = arith.extui %parallel_loop3A_63 : i1 to i32
      %parallel_loop3A_65 = arith.subi %parallel_loop3A_61, %parallel_loop3A_64 : i32
      %parallel_loop3A_66 = arith.cmpi ne, %parallel_loop3A_58, %parallel_loop3A_65 : i32
      %parallel_loop3A_67 = arith.remsi %parallel_loop3A_49, %parallel_loop3A_50 : i32
      %parallel_loop3A_68 = arith.constant 0 : i32
      %parallel_loop3A_69 = arith.cmpi ne, %parallel_loop3A_67, %parallel_loop3A_68 : i32
      %parallel_loop3A_70 = arith.andi %parallel_loop3A_66, %parallel_loop3A_69 : i1
      %parallel_loop3A_71 = arith.constant 1 : i32
      %parallel_loop3A_72 = arith.subi %parallel_loop3A_51, %parallel_loop3A_71 : i32
      %parallel_loop3A_73 = arith.select %parallel_loop3A_70, %parallel_loop3A_72, %parallel_loop3A_51 : i32
      %parallel_loop3A_74 = arith.constant 128 : i32
      %parallel_loop3A_75 = arith.constant 0 : i32
      %parallel_loop3A_76 = arith.cmpi eq, %parallel_loop3A_74, %parallel_loop3A_75 : i32
      %parallel_loop3A_77 = arith.constant 1 : i32
      %parallel_loop3A_78 = arith.select %parallel_loop3A_76, %parallel_loop3A_77, %parallel_loop3A_74 : i32
      %parallel_loop3A_79 = arith.remsi %parallel_loop3A_49, %parallel_loop3A_78 : i32
      %parallel_loop3A_80 = arith.constant 0 : i32
      %parallel_loop3A_81 = arith.cmpi ne, %parallel_loop3A_79, %parallel_loop3A_80 : i32
      %parallel_loop3A_82 = arith.constant 0 : i32
      %parallel_loop3A_83 = arith.cmpi slt, %parallel_loop3A_79, %parallel_loop3A_82 : i32
      %parallel_loop3A_84 = arith.constant 0 : i32
      %parallel_loop3A_85 = arith.cmpi slt, %parallel_loop3A_78, %parallel_loop3A_84 : i32
      %parallel_loop3A_86 = arith.xori %parallel_loop3A_83, %parallel_loop3A_85 : i1
      %parallel_loop3A_87 = arith.andi %parallel_loop3A_86, %parallel_loop3A_81 : i1
      %parallel_loop3A_88 = arith.addi %parallel_loop3A_79, %parallel_loop3A_78 : i32
      %parallel_loop3A_89 = arith.select %parallel_loop3A_87, %parallel_loop3A_88, %parallel_loop3A_79 : i32
      %parallel_loop3A_90 = arith.index_cast %parallel_loop3A_23 : i32 to index
      %parallel_loop3A_91 = arith.index_cast %parallel_loop3A_73 : i32 to index
      %parallel_loop3A_92 = arith.index_cast %parallel_loop3A_89 : i32 to index
      %parallel_loop3A_93 = tpu.vector_load %arg4[%parallel_loop3A_90, %parallel_loop3A_91, %parallel_loop3A_92] {strides = array<i32>} : memref<64x4x128xf32, #tpu.memory_space<vmem>>, vector<16xf32>,
      %parallel_loop3A_94 = vector.broadcast %parallel_loop3A_49 : i32 to vector<16xi32>
      %parallel_loop3A_95 = arith.addi %parallel_loop3A_94, %iota3A : vector<16xi32>
      %parallel_loop3A_96 = vector.broadcast %parallel_loop3A_23 : i32 to vector<16xi32>
      tpu.vector_store_idx %arg5[%parallel_loop3A_95, %parallel_loop3A_96], %parallel_loop3A_93 : memref<512x129xf32, #tpu.memory_space<vmem>>[vector<16xi32>, vector<16xi32>], vector<16xf32>,
    } {sc.loop_unroll_factor = 8 : i64, sc.parallel_access}
    "tpu.region"() ({
      %run_scoped3A = tpu.sem_alloc : memref<!tpu.dma_semaphore, #tpu.memory_space<semaphore_mem>>
      %dma_start3A = arith.constant 0 : i32
      %dma_start3A_7 = arith.constant 0 : i32
      %dma_start3A_8 = tpu.memref_slice %arg5[%dma_start3A, %dma_start3A_7] : memref<512x129xf32, #tpu.memory_space<vmem>> -> memref<512x128xf32, #tpu.memory_space<vmem>>
      %dma_start3A_9 = arith.constant 0 : i32
      %dma_start3A_10 = tpu.memref_slice %arg3[%mul3A_2, %dma_start3A_9] : memref<16384x128xf32, #tpu.memory_space<hbm>> -> memref<512x128xf32, #tpu.memory_space<hbm>>
      %dma_start3A_11 = arith.constant 0 : i32
      %dma_start3A_12 = tpu.memref_slice %arg3[%mul3A_2, %dma_start3A_11] : memref<16384x128xf32, #tpu.memory_space<hbm>> -> memref<512x128xf32, #tpu.memory_space<hbm>>
      %dma_start3A_13 = arith.constant 0 : i32
      %dma_start3A_14 = arith.constant 0 : i32
      %dma_start3A_15 = tpu.memref_slice %arg5[%dma_start3A_13, %dma_start3A_14] : memref<512x129xf32, #tpu.memory_space<vmem>> -> memref<512x128xf32, #tpu.memory_space<vmem>>
      tpu.enqueue_dma source(%dma_start3A_15 : memref<512x128xf32, #tpu.memory_space<vmem>>) target(%dma_start3A_12 : memref<512x128xf32, #tpu.memory_space<hbm>>) target_semaphore(%run_scoped3A : memref<!tpu.dma_semaphore, #tpu.memory_space<semaphore_mem>>)
      %dma_wait3A = arith.constant 0 : i32
      %dma_wait3A_16 = arith.constant 0 : i32
      %dma_wait3A_17 = tpu.memref_slice %arg5[%dma_wait3A, %dma_wait3A_16] : memref<512x129xf32, #tpu.memory_space<vmem>> -> memref<512x128xf32, #tpu.memory_space<vmem>>
      %dma_wait3A_18 = arith.constant 0 : i32
      %dma_wait3A_19 = tpu.memref_slice %arg3[%mul3A_2, %dma_wait3A_18] : memref<16384x128xf32, #tpu.memory_space<hbm>> -> memref<512x128xf32, #tpu.memory_space<hbm>>
      %dma_wait3A_20 = arith.constant 0 : i32
      %dma_wait3A_21 = tpu.memref_slice %arg3[%mul3A_2, %dma_wait3A_20] : memref<16384x128xf32, #tpu.memory_space<hbm>> -> memref<512x128xf32, #tpu.memory_space<hbm>>
      %dma_wait3A_22 = arith.constant 0 : i32
      %dma_wait3A_23 = arith.constant 0 : i32
      %dma_wait3A_24 = tpu.memref_slice %arg5[%dma_wait3A_22, %dma_wait3A_23] : memref<512x129xf32, #tpu.memory_space<vmem>> -> memref<512x128xf32, #tpu.memory_space<vmem>>
      tpu.wait_dma2 semaphore(%run_scoped3A : memref<!tpu.dma_semaphore, #tpu.memory_space<semaphore_mem>>) src(%dma_wait3A_24 : memref<512x128xf32, #tpu.memory_space<vmem>>) dst(%dma_wait3A_21 : memref<512x128xf32, #tpu.memory_space<hbm>>)
      tpu.yield
    }) : () -> ()
    return
  }
}

module attributes {stable_mosaic.version = 14 : i64} {
  func.func @_mlp_body(%arg0: i32, %arg1: memref<2048x128xf32, #tpu.memory_space<vmem>>, %arg2: memref<2048x42xf32, #tpu.memory_space<vmem>>, %arg3: memref<256x106xf32, #tpu.memory_space<vmem>>, %arg4: memref<1x256xf32, #tpu.memory_space<vmem>>, %arg5: memref<128x256xf32, #tpu.memory_space<vmem>>, %arg6: memref<1x128xf32, #tpu.memory_space<vmem>>, %arg7: memref<64x128xf32, #tpu.memory_space<vmem>>, %arg8: memref<1x64xf32, #tpu.memory_space<vmem>>, %arg9: memref<1x65xf32, #tpu.memory_space<vmem>>, %arg10: memref<1x2048xf32, #tpu.memory_space<vmem>>) attributes {dimension_semantics = [#tpu.dimension_semantics<arbitrary>], iteration_bounds = array<i64: 8>, scalar_prefetch = 0 : i64, scratch_operands = 0 : i64, tpu.core_type = #tpu.core_type<tc>, window_params = [{transform_indices = @transform_0, window_bounds = array<i64: 2048, 128>}, {transform_indices = @transform_1, window_bounds = array<i64: 2048, 42>}, {pipeline_mode = #tpu.pipeline_mode<synchronous>, transform_indices = @transform_2, window_bounds = array<i64: 256, 106>}, {pipeline_mode = #tpu.pipeline_mode<synchronous>, transform_indices = @transform_3, window_bounds = array<i64: 1, 256>}, {pipeline_mode = #tpu.pipeline_mode<synchronous>, transform_indices = @transform_4, window_bounds = array<i64: 128, 256>}, {pipeline_mode = #tpu.pipeline_mode<synchronous>, transform_indices = @transform_5, window_bounds = array<i64: 1, 128>}, {pipeline_mode = #tpu.pipeline_mode<synchronous>, transform_indices = @transform_6, window_bounds = array<i64: 64, 128>}, {pipeline_mode = #tpu.pipeline_mode<synchronous>, transform_indices = @transform_7, window_bounds = array<i64: 1, 64>}, {pipeline_mode = #tpu.pipeline_mode<synchronous>, transform_indices = @transform_8, window_bounds = array<i64: 1, 65>}, {transform_indices = @transform_9, window_bounds = array<i64: 1, 2048>}]} {
    %get3A = arith.constant 0 : index
    %get3A_0 = arith.constant 0 : index
    %get3A_1 = vector.load %arg1[%get3A, %get3A_0] : memref<2048x128xf32, #tpu.memory_space<vmem>>, vector<2048x64xf32>
    %get3A_2 = arith.constant 0 : index
    %get3A_3 = arith.constant 0 : index
    %get3A_4 = vector.load %arg2[%get3A_2, %get3A_3] : memref<2048x42xf32, #tpu.memory_space<vmem>>, vector<2048x42xf32>
    %concatenate3A = tpu.concatenate %get3A_1, %get3A_4 in 1 : vector<2048x64xf32>, vector<2048x42xf32> -> vector<2048x106xf32>
    %get3A_5 = arith.constant 0 : index
    %get3A_6 = arith.constant 0 : index
    %get3A_7 = vector.load %arg3[%get3A_5, %get3A_6] : memref<256x106xf32, #tpu.memory_space<vmem>>, vector<256x106xf32>
    %dot_general3A = arith.constant dense<0.000000e+00> : vector<2048x256xf32>
    %dot_general3A_8 = tpu.matmul %concatenate3A, %get3A_7, %dot_general3A {dimension_numbers = #tpu.dot_dimension_numbers<[1], [1], [0], [0], [0, 0, 1, 0], [], []>, transpose_lhs_hint = false} : vector<2048x106xf32>, vector<256x106xf32>, vector<2048x256xf32> -> vector<2048x256xf32>
    %get3A_9 = arith.constant 0 : index
    %get3A_10 = arith.constant 0 : index
    %get3A_11 = vector.load %arg4[%get3A_9, %get3A_10] : memref<1x256xf32, #tpu.memory_space<vmem>>, vector<1x256xf32>
    %add3A = vector.broadcast %get3A_11 : vector<1x256xf32> to vector<2048x256xf32>
    %add3A_12 = arith.addf %dot_general3A_8, %add3A : vector<2048x256xf32>
    %max3A = arith.constant 0.000000e+00 : f32
    %max3A_13 = vector.broadcast %max3A : f32 to vector<2048x256xf32>
    %max3A_14 = arith.maximumf %add3A_12, %max3A_13 : vector<2048x256xf32>
    %get3A_15 = arith.constant 0 : index
    %get3A_16 = arith.constant 0 : index
    %get3A_17 = vector.load %arg5[%get3A_15, %get3A_16] : memref<128x256xf32, #tpu.memory_space<vmem>>, vector<128x256xf32>
    %dot_general3A_18 = arith.constant dense<0.000000e+00> : vector<2048x128xf32>
    %dot_general3A_19 = tpu.matmul %max3A_14, %get3A_17, %dot_general3A_18 {dimension_numbers = #tpu.dot_dimension_numbers<[1], [1], [0], [0], [0, 0, 1, 0], [], []>, transpose_lhs_hint = false} : vector<2048x256xf32>, vector<128x256xf32>, vector<2048x128xf32> -> vector<2048x128xf32>
    %get3A_20 = arith.constant 0 : index
    %get3A_21 = arith.constant 0 : index
    %get3A_22 = vector.load %arg6[%get3A_20, %get3A_21] : memref<1x128xf32, #tpu.memory_space<vmem>>, vector<1x128xf32>
    %add3A_23 = vector.broadcast %get3A_22 : vector<1x128xf32> to vector<2048x128xf32>
    %add3A_24 = arith.addf %dot_general3A_19, %add3A_23 : vector<2048x128xf32>
    %max3A_25 = arith.constant 0.000000e+00 : f32
    %max3A_26 = vector.broadcast %max3A_25 : f32 to vector<2048x128xf32>
    %max3A_27 = arith.maximumf %add3A_24, %max3A_26 : vector<2048x128xf32>
    %get3A_28 = arith.constant 0 : index
    %get3A_29 = arith.constant 0 : index
    %get3A_30 = vector.load %arg7[%get3A_28, %get3A_29] : memref<64x128xf32, #tpu.memory_space<vmem>>, vector<64x128xf32>
    %dot_general3A_31 = arith.constant dense<0.000000e+00> : vector<2048x64xf32>
    %dot_general3A_32 = tpu.matmul %max3A_27, %get3A_30, %dot_general3A_31 {dimension_numbers = #tpu.dot_dimension_numbers<[1], [1], [0], [0], [0, 0, 1, 0], [], []>, transpose_lhs_hint = false} : vector<2048x128xf32>, vector<64x128xf32>, vector<2048x64xf32> -> vector<2048x64xf32>
    %get3A_33 = arith.constant 0 : index
    %get3A_34 = arith.constant 0 : index
    %get3A_35 = vector.load %arg8[%get3A_33, %get3A_34] : memref<1x64xf32, #tpu.memory_space<vmem>>, vector<1x64xf32>
    %add3A_36 = vector.broadcast %get3A_35 : vector<1x64xf32> to vector<2048x64xf32>
    %add3A_37 = arith.addf %dot_general3A_32, %add3A_36 : vector<2048x64xf32>
    %max3A_38 = arith.constant 0.000000e+00 : f32
    %max3A_39 = vector.broadcast %max3A_38 : f32 to vector<2048x64xf32>
    %max3A_40 = arith.maximumf %add3A_37, %max3A_39 : vector<2048x64xf32>
    %broadcast_in_dim3A = arith.constant 1.000000e+00 : f32
    %broadcast_in_dim3A_41 = vector.broadcast %broadcast_in_dim3A : f32 to vector<2048x1xf32>
    %concatenate3A_42 = tpu.concatenate %max3A_40, %broadcast_in_dim3A_41 in 1 : vector<2048x64xf32>, vector<2048x1xf32> -> vector<2048x65xf32>
    %get3A_43 = arith.constant 0 : index
    %get3A_44 = arith.constant 0 : index
    %get3A_45 = vector.load %arg9[%get3A_43, %get3A_44] : memref<1x65xf32, #tpu.memory_space<vmem>>, vector<1x65xf32>
    %dot_general3A_46 = arith.constant dense<0.000000e+00> : vector<1x2048xf32>
    %dot_general3A_47 = tpu.matmul %get3A_45, %concatenate3A_42, %dot_general3A_46 {dimension_numbers = #tpu.dot_dimension_numbers<[1], [1], [0], [0], [0, 0, 1, 0], [], []>, transpose_lhs_hint = false} : vector<1x65xf32>, vector<2048x65xf32>, vector<1x2048xf32> -> vector<1x2048xf32>
    %logistic3A = arith.negf %dot_general3A_47 : vector<1x2048xf32>
    %logistic3A_48 = math.exp %logistic3A : vector<1x2048xf32>
    %logistic3A_49 = arith.constant 1.000000e+00 : f32
    %logistic3A_50 = vector.broadcast %logistic3A_49 : f32 to vector<1x2048xf32>
    %logistic3A_51 = arith.addf %logistic3A_50, %logistic3A_48 : vector<1x2048xf32>
    %logistic3A_52 = arith.divf %logistic3A_50, %logistic3A_51 : vector<1x2048xf32>
    %swap3A = arith.constant 0 : index
    %swap3A_53 = arith.constant 0 : index
    %swap3A_54 = vector.load %arg10[%swap3A, %swap3A_53] : memref<1x2048xf32, #tpu.memory_space<vmem>>, vector<1x2048xf32>
    tpu.vector_store %arg10[%swap3A, %swap3A_53], %logistic3A_52 {strides = array<i32>} : memref<1x2048xf32, #tpu.memory_space<vmem>>, vector<1x2048xf32>,
    return
  }
  func.func @transform_0(%arg0: i32) -> (i32, i32) {
    %c0_i32 = arith.constant 0 : i32
    %c0_i32_0 = arith.constant 0 : i32
    return %arg0, %c0_i32 : i32, i32
  }
  func.func @transform_1(%arg0: i32) -> (i32, i32) {
    %c0_i32 = arith.constant 0 : i32
    %c0_i32_0 = arith.constant 0 : i32
    return %arg0, %c0_i32 : i32, i32
  }
  func.func @transform_2(%arg0: i32) -> (i32, i32) {
    %c0_i32 = arith.constant 0 : i32
    %c0_i32_0 = arith.constant 0 : i32
    %c0_i32_1 = arith.constant 0 : i32
    return %c0_i32, %c0_i32_0 : i32, i32
  }
  func.func @transform_3(%arg0: i32) -> (i32, i32) {
    %c0_i32 = arith.constant 0 : i32
    %c0_i32_0 = arith.constant 0 : i32
    %c0_i32_1 = arith.constant 0 : i32
    return %c0_i32, %c0_i32_0 : i32, i32
  }
  func.func @transform_4(%arg0: i32) -> (i32, i32) {
    %c0_i32 = arith.constant 0 : i32
    %c0_i32_0 = arith.constant 0 : i32
    %c0_i32_1 = arith.constant 0 : i32
    return %c0_i32, %c0_i32_0 : i32, i32
  }
  func.func @transform_5(%arg0: i32) -> (i32, i32) {
    %c0_i32 = arith.constant 0 : i32
    %c0_i32_0 = arith.constant 0 : i32
    %c0_i32_1 = arith.constant 0 : i32
    return %c0_i32, %c0_i32_0 : i32, i32
  }
  func.func @transform_6(%arg0: i32) -> (i32, i32) {
    %c0_i32 = arith.constant 0 : i32
    %c0_i32_0 = arith.constant 0 : i32
    %c0_i32_1 = arith.constant 0 : i32
    return %c0_i32, %c0_i32_0 : i32, i32
  }
  func.func @transform_7(%arg0: i32) -> (i32, i32) {
    %c0_i32 = arith.constant 0 : i32
    %c0_i32_0 = arith.constant 0 : i32
    %c0_i32_1 = arith.constant 0 : i32
    return %c0_i32, %c0_i32_0 : i32, i32
  }
  func.func @transform_8(%arg0: i32) -> (i32, i32) {
    %c0_i32 = arith.constant 0 : i32
    %c0_i32_0 = arith.constant 0 : i32
    %c0_i32_1 = arith.constant 0 : i32
    return %c0_i32, %c0_i32_0 : i32, i32
  }
  func.func @transform_9(%arg0: i32) -> (i32, i32) {
    %c0_i32 = arith.constant 0 : i32
    %c0_i32_0 = arith.constant 0 : i32
    return %c0_i32, %arg0 : i32, i32
  }
}

</mosaic_0001>

<sc_bundles>
// kernel: kernel.5.cloned.1.call-start
scs
__scs_entry_jumppad:
0x0: {  	(pc) =	sbr.rel $0x88, $3  }
0x1: {  	(tag) =	ssettag $0x0;
	lr =	simm.s32 $0x1  }
0x2: {  	[smem:$0x3F95] =	sst lr;
	_ =	strace $0xD0000000  }
0x3: {  	_ = 	snop  }
0x4: {  	_ = 	snop  }
0x5: {  	_ = 	snop  }
0x6: {  	_ = 	snop  }
0x7: {  	_ = 	snop  }
__scs_overlays_trampoline_lowered:
0x8: {  	[smem:$0x3FA4] =	sst s0  }
0x9: {  	[smem:$0x3FA5] =	sst s1  }
0xa: {  	[smem:$0x3FA6] =	sst s2  }
0xb: {  	[smem:$0x3FA7] =	sst s3  }
0xc: {  	[smem:$0x3FA8] =	sst s4  }
0xd: {  	[smem:$0x3FA9] =	sst s5  }
0xe: {  	[smem:$0x3FAA] =	sst s6  }
0xf: {  	[smem:$0x3FAB] =	sst s7  }
0x10: {  	[smem:$0x3FAC] =	sst s8  }
0x11: {  	[smem:$0x3FAD] =	sst s9;
	s0 =	simm.s32 @!p0 $0x0  }
0x12: {  	s1 =	sld [smem:$0x3F93];
	s0 =	simm.s32 @p0 $0x1  }
0x13: {  	[smem:$0x3FAE] =	sst s0;
	s0 =	simm.s32 @!p1 $0x0  }
0x14: {  	s2 =	sld [smem:$0x3F92];
	s0 =	simm.s32 @p1 $0x1  }
0x15: {  	[smem:$0x3FAF] =	sst s0;
	s0 =	simm.s32 @!p2 $0x0  }
0x16: {  	s3 =	sld [smem:$0x3FDB];
	s0 =	simm.s32 @p2 $0x1  }
0x17: {  	s4 =	simm.s32 $0x1BF5;
	[smem:$0x3FB1] =	sst s0  }
0x18: {  	s0 =	sld [smem:$0x3F94];
	_ =	swait.ge [sflag:s4], $0x0  }
0x19: {  	s7 =	sld [smem:$0x3F95]  }
0x1a: {  	s8 =	sadd.s32 $0xFFFFE003, lr  }
0x1b: {  	s9 =	sadd.s32 $0xFFFFFEF7, lr;
	s5 =	simm.s32 $0xFFFFFFFF;
	p2 =	slt.u32 s8, $0xFFFFF086  }
0x1c: {  	p1 =	slt.u32 s9, $0xF7A;
	s5 =	simm.s32 @!p2 $0x0  }
0x1d: {  	s5 =	simm.s32 @p1 $0x1;
	p0 =	seq.s32 s7, s2  }
0x1e: {  	s7 =	smul.u32 @!p0 $0xF7A, s2;
	p2 =	seq.s32 @!p0 s5, $0x0  }
0x1f: {  	s9 =	smul.u32 $0xF7A, s1;
	s8 =	simm.s32 @!p0 $0x1BF5;
	p2 =	por !p2, p0  }
0x20: {  	[sflag:s8] =	ssyncset.s32 @!p0 $0xFFFFF086;
	s6 =	sadd.s32 @!p0 s3, s7;
	s7 =	simm.s32 @!p0 $0x108  }
0x21: {  	s3 =	sadd.s32 s3, s9;
	s6 =	sadd.s32 @!p0 $0x88, s6;
	s7 =	simm.s32 @p2 $0x1082  }
0x22: {  	[simem:s7], [sflag:s8] =	dma.local @!p0 [hbm:s6], $0xF7A  }
0x23: {  	s9 =	sor.u32 $0xD0000000, s2;
	s6 =	simm.s32 $0x108;
	_ =	swait.ge @!p0 [sflag:s8], $0x0  }
0x24: {  	s3 =	sadd.s32 $0x88, s3;
	s6 =	simm.s32 @!p1 $0x1082;
	[sflag:s4] =	ssyncset.s32 $0xFFFFF086  }
0x25: {  	[simem:s6], [sflag:s4] =	dma.local [hbm:s3], $0xF7A  }
0x26: {  	[smem:$0x3F95] =	sst s1;
	(tag) =	ssettag s2;
	_ =	strace s9  }
0x27: {  	s1 =	sld [smem:$0x3FA5]  }
0x28: {  	s2 =	sld [smem:$0x3FA6]  }
0x29: {  	s4 =	sld [smem:$0x3FA8]  }
0x2a: {  	p0 =	seq.s32 s5, $0x0;
	s5 =	sld [smem:$0x3FA9]  }
0x2b: {  	s6 =	sld [smem:$0x3FAA]  }
0x2c: {  	s7 =	sld [smem:$0x3FAB]  }
0x2d: {  	s3 =	simm.s32 $0x108;
	s8 =	sld [smem:$0x3FAC]  }
0x2e: {  	s3 =	simm.s32 @!p0 $0x1082;
	s9 =	sld [smem:$0x3FAD]  }
0x2f: {  	lr =	sadd.s32 s0, s3;
	s0 =	sld [smem:$0x3FA4]  }
0x30: {  	s3 =	sld [smem:$0x3FA7]  }
0x31: {  	[smem:$0x3FB0] =	sst s10  }
0x32: {  	s10 =	sld [smem:$0x3FAE];
	_ =	sdelay $0x3  }
0x33: {  	p0 =	seq.s32 s10, $0x1;
	s10 =	sld [smem:$0x3FB0];
	_ =	sdelay $0x3  }
0x34: {  	[smem:$0x3FB0] =	sst s10  }
0x35: {  	s10 =	sld [smem:$0x3FAF];
	_ =	sdelay $0x3  }
0x36: {  	p1 =	seq.s32 s10, $0x1;
	s10 =	sld [smem:$0x3FB0];
	_ =	sdelay $0x3  }
0x37: {  	[smem:$0x3FB0] =	sst s10  }
0x38: {  	s10 =	sld [smem:$0x3FB1]  }
0x39: {  	_ = 	snop;
	(pc) =	sbr.ind lr, $3  }
0x3a: {  	_ = 	snop  }
0x3b: {  	_ = 	snop  }
0x3c: {  	p2 =	seq.s32 s10, $0x1;
	s10 =	sld [smem:$0x3FB0]  }
0x3d: {  	_ =	shalt  }
0x3e: {  	_ =	shalt  }
0x3f: {  	_ =	shalt  }
0x40: {  	_ =	shalt  }
0x41: {  	_ =	shalt  }
0x42: {  	_ =	shalt  }
0x43: {  	_ =	shalt  }
0x44: {  	_ =	shalt  }
0x45: {  	_ =	shalt  }
0x46: {  	_ =	shalt  }
0x47: {  	_ =	shalt  }
0x48: {  	_ =	shalt  }
0x49: {  	_ =	shalt  }
0x4a: {  	_ =	shalt  }
0x4b: {  	_ =	shalt  }
0x4c: {  	_ =	shalt  }
0x4d: {  	_ =	shalt  }
0x4e: {  	_ =	shalt  }
0x4f: {  	_ =	shalt  }
0x50: {  	_ =	shalt  }
0x51: {  	_ =	shalt  }
0x52: {  	_ =	shalt  }
0x53: {  	_ =	shalt  }
0x54: {  	_ =	shalt  }
0x55: {  	_ =	shalt  }
0x56: {  	_ =	shalt  }
0x57: {  	_ =	shalt  }
0x58: {  	_ =	shalt  }
0x59: {  	_ =	shalt  }
0x5a: {  	_ =	shalt  }
0x5b: {  	_ =	shalt  }
0x5c: {  	_ =	shalt  }
0x5d: {  	_ =	shalt  }
0x5e: {  	_ =	shalt  }
0x5f: {  	_ =	shalt  }
0x60: {  	_ =	shalt  }
0x61: {  	_ =	shalt  }
0x62: {  	_ =	shalt  }
0x63: {  	_ =	shalt  }
0x64: {  	_ =	shalt  }
0x65: {  	_ =	shalt  }
0x66: {  	_ =	shalt  }
0x67: {  	_ =	shalt  }
0x68: {  	_ =	shalt  }
0x69: {  	_ =	shalt  }
0x6a: {  	_ =	shalt  }
0x6b: {  	_ =	shalt  }
0x6c: {  	_ =	shalt  }
0x6d: {  	_ =	shalt  }
0x6e: {  	_ =	shalt  }
0x6f: {  	_ =	shalt  }
0x70: {  	_ =	shalt  }
0x71: {  	_ =	shalt  }
0x72: {  	_ =	shalt  }
0x73: {  	_ =	shalt  }
0x74: {  	_ =	shalt  }
0x75: {  	_ =	shalt  }
0x76: {  	_ =	shalt  }
0x77: {  	_ =	shalt  }
0x78: {  	_ =	shalt  }
0x79: {  	_ =	shalt  }
0x7a: {  	_ =	shalt  }
0x7b: {  	_ =	shalt  }
0x7c: {  	_ =	shalt  }
0x7d: {  	_ =	shalt  }
0x7e: {  	_ =	shalt  }
0x7f: {  	_ =	shalt  }
0x80: {  	_ =	shalt  }
0x81: {  	_ =	shalt  }
0x82: {  	_ =	shalt  }
0x83: {  	_ =	shalt  }
0x84: {  	_ =	shalt  }
0x85: {  	_ =	shalt  }
0x86: {  	_ =	shalt  }
0x87: {  	_ =	shalt  }
.Lfunc_end0:
.L_simem_size_0:
called_computation_lowered:
.L_overlay_start_0:
0x88: {  	s2 =	sld [smem:$0x3FD9]  }
0x89: {  	s3 =	sld [smem:$0x3FFE];
	_ =	sdelay $0x1  }
0x8a: {  	s1 =	srdreg.scid  }
0x8b: {  	s0 =	sand.u32 $0x1, s1  }
0x8c: {  	s17 =	sshll.u32 s0, $0xA;
	s2 =	sadd.s32 s3, s2  }
0x8d: {  	s2 =	sadd.s32 s2, s17  }
0x8e: {  	[smem:$0x3FBC] =	sst s2  }
0x8f: {  	_ = 	snop  }
0x90: {  	s2 =	sld [smem:$0x3FC9]  }
0x91: {  	s18 =	sld [smem:$0x3FC8]  }
0x92: {  	s4 =	sld [smem:$0x3FC6];
	(tm) =	ssettm $0x1  }
0x93: {  	s5 =	sld [smem:$0x3FFB];
	_ =	sdelay $0x3  }
0x94: {  	_ =	strace s5  }
0x95: {  	s5 =	sld [smem:$0x3FFC];
	_ =	sdelay $0x3  }
0x96: {  	_ =	strace s5  }
0x97: {  	s5 =	sld [smem:$0x3FFD];
	_ =	sdelay $0x3  }
0x98: {  	_ =	strace s5  }
0x99: {  	_ =	strace $0x8FFFFFFF  }
0x9a: {  	s19 =	sld [smem:$0x3FDB];
	_ =	sdelay $0x1  }
0x9b: {  	s6 =	simm.s32 $_scs_section_size  }
0x9c: {  	s7 =	simm.s32 $_size__tile_overlayer_lowered;
	s8 =	simm.s32 $_tile_overlayer_lowered  }
0x9d: {  	s22 =	simm.s32 $0x1BFF;
	s21 =	sshll.u32 s8, $0x1;
	s5 =	sadd.s32 s6, s19  }
0x9e: {  	s9 =	simm.s32 $0x0;
	s20 =	sshll.u32 s7, $0x1;
	s7 =	sadd.s32 s21, s5  }
0x9f: {  	[timem:s9], [sflag:s22] =	dma.local [hbm:s7], s20  }
0xa0: {  	_ =	swait.ge [sflag:s22], s20  }
0xa1: {  	s6 =	ssub.s32 $0x0, s20;
	[sflag:s22] =	ssyncset.done $0x0  }
0xa2: {  	[sflag:s22] =	ssyncadd.s32 s6;
	_ =	sdelay $0x1  }
0xa3: {  	s23 =	simm.s32 $0x1B8B  }
0xa4: {  	_ =	swait.ge [sflag:s23], $0x1  }
0xa5: {  	[sflag:s23] =	ssyncset.done $0x0  }
0xa6: {  	s25 =	simm.s32 $0x1B8E;
	s24 =	sld [smem:$0x3FFE];
	[sflag:s23] =	ssyncadd.s32 $0xFFFFFFFF  }
0xa7: {  	s26 =	simm.s32 $execute0_lowered;
	[smem:$0x3FD2] =	sst s25  }
0xa8: {  	s7 =	sshll.u32 s26, $0x1;
	_ =	strace $0x80000046;
	[dreg:$0x1] =	wrdreg $0xFFFFFFFF  }
0xa9: {  	s28 =	simm.s32 $_size_execute0_lowered;
	s5 =	sadd.s32 s5, s7;
	[dreg:$0x0] =	wrdreg $0x0  }
0xaa: {  	s7 =	sshll.u32 s28, $0x1;
	[dreg:$0x2] =	wrdreg s5  }
0xab: {  	[dreg:$0x3] =	wrdreg s7  }
0xac: {  	[dreg:$0x4] =	wrdreg $0xC0  }
0xad: {  	_ =	task [dreg:s9], $0x5FFFF  }
0xae: {  	[dreg:$0x1] =	wrdreg $0xFFFFFFFF  }
0xaf: {  	[dreg:$0x0] =	wrdreg $0x60  }
0xb0: {  	[dreg:$0x2] =	wrdreg s4  }
0xb1: {  	[dreg:$0x3] =	wrdreg s2  }
0xb2: {  	[dreg:$0x4] =	wrdreg s18  }
0xb3: {  	[dreg:$0x5] =	wrdreg s24  }
0xb4: {  	[dreg:$0x6] =	wrdreg $0x9  }
0xb5: {  	_ =	task.clear_ibuf [dreg:s9], $0x7FFFF;
	_ =	strace $0x90000046  }
0xb6: {  	s29 =	simm.s32 $0x9;
	_ =	strace $0x80000048  }
0xb7: {  	_ =	swait.ge [sflag:s29], $0x1  }
0xb8: {  	[sflag:s29] =	ssyncadd.s32 $0xFFFFFFFF  }
0xb9: {  	_ =	strace $0x90000048  }
0xba: {  	_ =	sfence  }
0xbb: {  	s30 =	sld [smem:$0x0];
	_ =	sdelay $0x2  }
0xbc: {  	s31 =	sshll.u32 s1, $0xD;
	s1 =	sshrl.u32 s1, $0x2  }
0xbd: {  	s3 =	sand.u32 $0x4000, s31;
	s1 =	sadd.s32 s1, s30  }
0xbe: {  	s0 =	sor.u32 s3, s0;
	s1 =	sshll.u32 s1, $0x11  }
0xbf: {  	s0 =	sor.u32 s1, s0  }
0xc0: {  	s0 =	sadd.s32 $0x8F2B, s0  }
0xc1: {  	[sflag:s0] =	ssyncadd.remote.s32 $0x1  }
0xc2: {  	_ =	sfence.sel $0xFFFF  }
0xc3: {  	[dreg:$0x0] =	wrdreg $0xFFFFFFFF;
	(pc) =	sbr.abs _section_cstart, $3  }
0xc4: {  	[dreg:$0x1] =	wrdreg $0xFFFFFFFF  }
0xc5: {  	_ =	task.clear_ibuf [dreg:s9], $0x2FFFF;
	_ =	strace $0x9FFFFFFF  }
0xc6: {  	(tm) =	ssettm $0x7FFFFFFF  }
0xc7: {  	_ =	shalt  }
tec
execute0_lowered:
.L_overlay_start_1:
0x0: {  	(tag) =	ssettag $0x1  }
0x1: {  	s0 =	rddreg [dreg:$0x0]  }
0x2: {  	s1 =	srdreg.scid;
	s9 =	rddreg [dreg:$0x1]  }
0x3: {  	s11 =	rddreg [dreg:$0x2];
	s6 =	stileid.u32  }
0x4: {  	s3 =	rddreg [dreg:$0x3];
	s4 =	simm.s32 $0x0;
	s1 =	sand.u32 $0x1, s1  }
0x5: {  	[smem:$0x7FF] =	sst s4;
	s2 =	sshll.u32 s1, $0x4;
	s1 =	ssub.s32 $0x2, s1  }
0x6: {  	_ =	strace $0x80000047;
	s2 =	sor.u32 s6, s2;
	s25 =	sshrl.u32 s1, $0x1  }
0x7: {  	s5 =	sshrl.u32 s2, $0x3;
	s1 =	ssub.s32 s1, s25;
	s25 =	sadd.s32 $0x20, s9  }
0x8: {  	s2 =	sshll.u32 s2, $0xB;
	s24 =	smax.u32 s1, $0x1;
	[dreg:$0x18] =	wrdreg s25  }
0x9: {  	s2 =	sadd.s32 s2, s3;
	s25 =	sadd.s32 $0x10, s11;
	[dreg:$0x16] =	wrdreg s24  }
0xa: {  	s26 =	sadd.s32 $0x1A00, s2;
	[smem:$0x7EF] =	sst s25  }
0xb: {  	s3 =	sadd.s32 $0x11A00, s2;
	[dreg:$0x6] =	wrdreg s26  }
0xc: {  	s8 =	sadd.s32 $0x11B00, s2;
	[dreg:$0x7] =	wrdreg s3  }
0xd: {  	s12 =	sadd.s32 $0x1C00, s2;
	[dreg:$0x9] =	wrdreg s8  }
0xe: {  	s13 =	sadd.s32 $0x11C00, s2;
	[dreg:$0xa] =	wrdreg s12  }
0xf: {  	s14 =	sadd.s32 $0x1D00, s2;
	[dreg:$0xb] =	wrdreg s13  }
0x10: {  	s15 =	sadd.s32 $0x11D00, s2;
	[dreg:$0xc] =	wrdreg s14  }
0x11: {  	s16 =	sadd.s32 $0x1E00, s2;
	[dreg:$0xd] =	wrdreg s15  }
0x12: {  	s17 =	sadd.s32 $0x11E00, s2;
	[dreg:$0xe] =	wrdreg s16  }
0x13: {  	s18 =	sadd.s32 $0x1F00, s2;
	[dreg:$0xf] =	wrdreg s17  }
0x14: {  	s19 =	sadd.s32 $0x11F00, s2;
	[dreg:$0x10] =	wrdreg s18  }
0x15: {  	s20 =	sadd.s32 $0x2000, s2;
	[dreg:$0x11] =	wrdreg s19  }
0x16: {  	s21 =	sadd.s32 $0x12000, s2;
	[dreg:$0x12] =	wrdreg s20  }
0x17: {  	s22 =	sadd.s32 $0x2100, s2;
	[dreg:$0x13] =	wrdreg s21  }
0x18: {  	s23 =	sadd.s32 $0x12100, s2;
	[dreg:$0x14] =	wrdreg s22  }
0x19: {  	s24 =	sadd.s32 $0xE0, s9;
	[dreg:$0x15] =	wrdreg s23  }
0x1a: {  	s25 =	sadd.s32 $0xF0, s11;
	[smem:$0x7ED] =	sst s24  }
0x1b: {  	s12 =	sadd.s32 $0x10, s9;
	[smem:$0x7FD] =	sst s25  }
0x1c: {  	s13 =	sadd.s32 $0x30, s9;
	[dreg:$0x17] =	wrdreg s12  }
0x1d: {  	s14 =	sadd.s32 $0x40, s9;
	[dreg:$0x19] =	wrdreg s13  }
0x1e: {  	s15 =	sadd.s32 $0x50, s9;
	[dreg:$0x1a] =	wrdreg s14  }
0x1f: {  	s16 =	sadd.s32 $0x60, s9;
	[dreg:$0x1b] =	wrdreg s15  }
0x20: {  	s17 =	sadd.s32 $0x70, s9;
	[dreg:$0x1c] =	wrdreg s16  }
0x21: {  	s7 =	sadd.s32 $0x100, s11;
	s18 =	sadd.s32 $0x80, s9;
	[dreg:$0x1d] =	wrdreg s17  }
0x22: {  	s10 =	sadd.s32 $0x200, s9;
	s19 =	sadd.s32 $0x90, s9;
	[dreg:$0x1e] =	wrdreg s18  }
0x23: {  	s28 =	sadd.s32 $0x300, s9;
	s20 =	sadd.s32 $0xA0, s9;
	[dreg:$0x1f] =	wrdreg s19  }
0x24: {  	s29 =	sadd.s32 $0x300, s11;
	s21 =	sadd.s32 $0xB0, s9;
	[smem:$0x7E9] =	sst s20  }
0x25: {  	s30 =	sadd.s32 $0x400, s9;
	s22 =	sadd.s32 $0xC0, s9;
	[smem:$0x7EA] =	sst s21  }
0x26: {  	s31 =	sadd.s32 $0x400, s11;
	s23 =	sadd.s32 $0xD0, s9;
	[smem:$0x7EB] =	sst s22  }
0x27: {  	s6 =	sshll.u32 s6, $0x7;
	s24 =	sadd.s32 $0xE0, s11;
	[smem:$0x7EC] =	sst s23  }
0x28: {  	s6 =	sand.u32 $0x380, s6;
	s12 =	sadd.s32 $0x20, s11;
	[smem:$0x7FC] =	sst s24  }
0x29: {  	s5 =	smul.u32 $0xC3800, s5;
	s13 =	sadd.s32 $0x30, s11;
	[smem:$0x7F0] =	sst s12  }
0x2a: {  	s1 =	sadd.s32 $0x600, s9;
	s14 =	sadd.s32 $0x40, s11;
	[smem:$0x7F1] =	sst s13  }
0x2b: {  	s5 =	sor.u32 s6, s5;
	s15 =	sadd.s32 $0x50, s11;
	[smem:$0x7F2] =	sst s14  }
0x2c: {  	s6 =	sadd.s32 $0x100, s9;
	s16 =	sadd.s32 $0x60, s11;
	[smem:$0x7F3] =	sst s15  }
0x2d: {  	s26 =	sadd.s32 $0x200, s11;
	s17 =	sadd.s32 $0x70, s11;
	[smem:$0x7F4] =	sst s16  }
0x2e: {  	s3 =	sadd.s32 $0x600, s11;
	s18 =	sadd.s32 $0x80, s11;
	[smem:$0x7F5] =	sst s17  }
0x2f: {  	s8 =	sadd.s32 $0x700, s11;
	s19 =	sadd.s32 $0x90, s11;
	[smem:$0x7F6] =	sst s18  }
0x30: {  	s25 =	simm.s32 $0x9;
	s20 =	sadd.s32 $0xA0, s11;
	[smem:$0x7F7] =	sst s19  }
0x31: {  	s5 =	sshrl.u32 s5, $0x3;
	s21 =	sadd.s32 $0xB0, s11;
	[smem:$0x7F8] =	sst s20  }
0x32: {  	s22 =	sadd.s32 $0xC0, s11;
	s23 =	sadd.s32 $0xD0, s11;
	[smem:$0x7F9] =	sst s21  }
0x33: {  	s24 =	simm.s32 $0x7;
	s0 =	sadd.s32 s0, s5;
	[smem:$0x7FA] =	sst s22  }
0x34: {  	s5 =	sadd.s32 $0x1B00, s2;
	s2 =	sadd.s32 $0x500, s9;
	[smem:$0x7FB] =	sst s23  }
0x35: {  	s22 =	simm.s32 $0x2;
	s23 =	simm.s32 $0x4;
	s14 =	simm.s32 $0x3  }
0x36: {  	s15 =	simm.s32 $0x5;
	s16 =	simm.s32 $0x18800;
	s17 =	simm.s32 $0x19800  }
0x37: {  	s20 =	simm.s32 $0x6;
	s21 =	simm.s32 $0x8;
	[dreg:$0x5] =	wrdreg s0  }
0x38: {  	[dreg:$0x8] =	wrdreg s5;
	s5 =	sadd.s32 $0x700, s9;
	s9 =	sadd.s32 $0xF0, s9  }
0x39: {  	s0 =	sadd.s32 $0x500, s11;
	[smem:$0x7EE] =	sst s9;
	s9 =	simm.s32 $0x0  }
.LBB2_1:
0x3a: {  	s11 =	rddreg [dreg:$0x5]  }
0x3b: {  	s12 =	simm.s32 $0x80;
	s13 =	simm.s32 $0x400;
	s19 =	rddreg [dreg:$0x17]  }
0x3c: {  	[tilespmem:s4], [sflag:$0x1] =	stream.strided.gather [hbm4b:s11+s12], $0x18700, s13, s12, $0x38;
	[tilespmem:$0x1C700] =	vst v63  }
0x3d: {  	s18 =	simm.s32 $0x18700;
	s13 =	rddreg [dreg:$0x1]  }
0x3e: {  	[tilespmem:s18], [sflag:$0x2] =	stream.linear.gather [hbm4b:s13+s4], $0x80, $0x38;
	[tilespmem:$0x1C700] =	vst v63  }
0x3f: {  	s12 =	rddreg [dreg:$0x18]  }
0x40: {  	[tilespmem:s16], [sflag:$0x2] =	stream.linear.gather [hbm4b:s19+s4], $0x80, $0x38;
	[tilespmem:$0x1C700] =	vst v63  }
0x41: {  	s13 =	simm.s32 $0x18900;
	s18 =	rddreg [dreg:$0x19]  }
0x42: {  	[tilespmem:s13], [sflag:$0x2] =	stream.linear.gather [hbm4b:s12+s4], $0x80, $0x38;
	[tilespmem:$0x1C700] =	vst v63  }
0x43: {  	s19 =	simm.s32 $0x18A00;
	s12 =	rddreg [dreg:$0x1a]  }
0x44: {  	[tilespmem:s19], [sflag:$0x2] =	stream.linear.gather [hbm4b:s18+s4], $0x80, $0x38;
	[tilespmem:$0x1C700] =	vst v63  }
0x45: {  	s13 =	simm.s32 $0x18B00;
	s18 =	rddreg [dreg:$0x1b]  }
0x46: {  	[tilespmem:s13], [sflag:$0x2] =	stream.linear.gather [hbm4b:s12+s4], $0x80, $0x38;
	[tilespmem:$0x1C700] =	vst v63  }
0x47: {  	s19 =	simm.s32 $0x18C00;
	s12 =	rddreg [dreg:$0x1c]  }
0x48: {  	[tilespmem:s19], [sflag:$0x2] =	stream.linear.gather [hbm4b:s18+s4], $0x80, $0x38;
	[tilespmem:$0x1C700] =	vst v63  }
0x49: {  	s13 =	simm.s32 $0x18D00;
	s18 =	rddreg [dreg:$0x1d]  }
0x4a: {  	[tilespmem:s13], [sflag:$0x2] =	stream.linear.gather [hbm4b:s12+s4], $0x80, $0x38;
	[tilespmem:$0x1C700] =	vst v63  }
0x4b: {  	s19 =	simm.s32 $0x18E00;
	s12 =	rddreg [dreg:$0x1e]  }
0x4c: {  	[tilespmem:s19], [sflag:$0x2] =	stream.linear.gather [hbm4b:s18+s4], $0x80, $0x38;
	[tilespmem:$0x1C700] =	vst v63  }
0x4d: {  	s13 =	simm.s32 $0x18F00;
	s18 =	rddreg [dreg:$0x1f]  }
0x4e: {  	[tilespmem:s13], [sflag:$0x2] =	stream.linear.gather [hbm4b:s12+s4], $0x80, $0x38;
	[tilespmem:$0x1C700] =	vst v63  }
0x4f: {  	s19 =	simm.s32 $0x19000;
	s12 =	sld [smem:$0x7E9]  }
0x50: {  	[tilespmem:s19], [sflag:$0x2] =	stream.linear.gather [hbm4b:s18+s4], $0x80, $0x38;
	[tilespmem:$0x1C700] =	vst v63  }
0x51: {  	s13 =	simm.s32 $0x19100;
	s18 =	sld [smem:$0x7EA]  }
0x52: {  	[tilespmem:s13], [sflag:$0x2] =	stream.linear.gather [hbm4b:s12+s4], $0x80, $0x38;
	[tilespmem:$0x1C700] =	vst v63  }
0x53: {  	s19 =	simm.s32 $0x19200;
	s12 =	sld [smem:$0x7EB]  }
0x54: {  	[tilespmem:s19], [sflag:$0x2] =	stream.linear.gather [hbm4b:s18+s4], $0x80, $0x38;
	[tilespmem:$0x1C700] =	vst v63  }
0x55: {  	s13 =	simm.s32 $0x19300;
	s18 =	sld [smem:$0x7EC]  }
0x56: {  	[tilespmem:s13], [sflag:$0x2] =	stream.linear.gather [hbm4b:s12+s4], $0x80, $0x38;
	[tilespmem:$0x1C700] =	vst v63  }
0x57: {  	s19 =	simm.s32 $0x19400;
	s12 =	sld [smem:$0x7ED]  }
0x58: {  	[tilespmem:s19], [sflag:$0x2] =	stream.linear.gather [hbm4b:s18+s4], $0x80, $0x38;
	[tilespmem:$0x1C700] =	vst v63  }
0x59: {  	s13 =	simm.s32 $0x19500;
	s18 =	sld [smem:$0x7EE]  }
0x5a: {  	[tilespmem:s13], [sflag:$0x2] =	stream.linear.gather [hbm4b:s12+s4], $0x80, $0x38;
	[tilespmem:$0x1C700] =	vst v63  }
0x5b: {  	s19 =	simm.s32 $0x19600;
	s13 =	rddreg [dreg:$0x2]  }
0x5c: {  	[tilespmem:s19], [sflag:$0x2] =	stream.linear.gather [hbm4b:s18+s4], $0x80, $0x38;
	[tilespmem:$0x1C700] =	vst v63  }
0x5d: {  	s18 =	simm.s32 $0x19700;
	s19 =	sld [smem:$0x7EF]  }
0x5e: {  	[tilespmem:s18], [sflag:$0x4] =	stream.linear.gather [hbm4b:s13+s4], $0x80, $0x38;
	[tilespmem:$0x1C700] =	vst v63  }
0x5f: {  	s12 =	sld [smem:$0x7F0]  }
0x60: {  	[tilespmem:s17], [sflag:$0x4] =	stream.linear.gather [hbm4b:s19+s4], $0x80, $0x38;
	[tilespmem:$0x1C700] =	vst v63  }
0x61: {  	s13 =	simm.s32 $0x19900;
	s18 =	sld [smem:$0x7F1]  }
0x62: {  	[tilespmem:s13], [sflag:$0x4] =	stream.linear.gather [hbm4b:s12+s4], $0x80, $0x38;
	[tilespmem:$0x1C700] =	vst v63  }
0x63: {  	s19 =	simm.s32 $0x19A00;
	s12 =	sld [smem:$0x7F2]  }
0x64: {  	[tilespmem:s19], [sflag:$0x4] =	stream.linear.gather [hbm4b:s18+s4], $0x80, $0x38;
	[tilespmem:$0x1C700] =	vst v63  }
0x65: {  	s13 =	simm.s32 $0x19B00;
	s18 =	sld [smem:$0x7F3]  }
0x66: {  	[tilespmem:s13], [sflag:$0x4] =	stream.linear.gather [hbm4b:s12+s4], $0x80, $0x38;
	[tilespmem:$0x1C700] =	vst v63  }
0x67: {  	s19 =	simm.s32 $0x19C00;
	s12 =	sld [smem:$0x7F4]  }
0x68: {  	[tilespmem:s19], [sflag:$0x4] =	stream.linear.gather [hbm4b:s18+s4], $0x80, $0x38;
	[tilespmem:$0x1C700] =	vst v63  }
0x69: {  	s13 =	simm.s32 $0x19D00;
	s18 =	sld [smem:$0x7F5]  }
0x6a: {  	[tilespmem:s13], [sflag:$0x4] =	stream.linear.gather [hbm4b:s12+s4], $0x80, $0x38;
	[tilespmem:$0x1C700] =	vst v63  }
0x6b: {  	s19 =	simm.s32 $0x19E00;
	s12 =	sld [smem:$0x7F6]  }
0x6c: {  	[tilespmem:s19], [sflag:$0x4] =	stream.linear.gather [hbm4b:s18+s4], $0x80, $0x38;
	[tilespmem:$0x1C700] =	vst v63  }
0x6d: {  	s13 =	simm.s32 $0x19F00;
	s18 =	sld [smem:$0x7F7]  }
0x6e: {  	[tilespmem:s13], [sflag:$0x4] =	stream.linear.gather [hbm4b:s12+s4], $0x80, $0x38;
	[tilespmem:$0x1C700] =	vst v63  }
0x6f: {  	s19 =	simm.s32 $0x1A000;
	s12 =	sld [smem:$0x7F8]  }
0x70: {  	[tilespmem:s19], [sflag:$0x4] =	stream.linear.gather [hbm4b:s18+s4], $0x80, $0x38;
	[tilespmem:$0x1C700] =	vst v63  }
0x71: {  	s13 =	simm.s32 $0x1A100;
	s18 =	sld [smem:$0x7F9]  }
0x72: {  	[tilespmem:s13], [sflag:$0x4] =	stream.linear.gather [hbm4b:s12+s4], $0x80, $0x38;
	[tilespmem:$0x1C700] =	vst v63  }
0x73: {  	s19 =	simm.s32 $0x1A200;
	s12 =	sld [smem:$0x7FA]  }
0x74: {  	[tilespmem:s19], [sflag:$0x4] =	stream.linear.gather [hbm4b:s18+s4], $0x80, $0x38;
	[tilespmem:$0x1C700] =	vst v63  }
0x75: {  	s13 =	simm.s32 $0x1A300;
	s18 =	sld [smem:$0x7FB]  }
0x76: {  	[tilespmem:s13], [sflag:$0x4] =	stream.linear.gather [hbm4b:s12+s4], $0x80, $0x38;
	[tilespmem:$0x1C700] =	vst v63  }
0x77: {  	s19 =	simm.s32 $0x1A400;
	s12 =	sld [smem:$0x7FC]  }
0x78: {  	[tilespmem:s19], [sflag:$0x4] =	stream.linear.gather [hbm4b:s18+s4], $0x80, $0x38;
	[tilespmem:$0x1C700] =	vst v63  }
0x79: {  	s13 =	simm.s32 $0x1A500;
	s18 =	sld [smem:$0x7FD]  }
0x7a: {  	[tilespmem:s13], [sflag:$0x4] =	stream.linear.gather [hbm4b:s12+s4], $0x80, $0x38;
	[tilespmem:$0x1C700] =	vst v63  }
0x7b: {  	s19 =	simm.s32 $0x1A600;
	s12 =	simm.s32 $0x1  }
0x7c: {  	[tilespmem:s19], [sflag:$0x4] =	stream.linear.gather [hbm4b:s18+s4], $0x80, $0x38;
	[tilespmem:$0x1C700] =	vst v63  }
0x7d: {  	_ =	swait.ge [sflag:s12], $0x18700  }
0x7e: {  	[sflag:s12] =	ssyncset.done $0x0  }
0x7f: {  	[sflag:s12] =	ssyncadd.s32 $0xFFFE7900  }
0x80: {  	_ =	swait.ge [sflag:s22], $0x800  }
0x81: {  	[sflag:s22] =	ssyncset.done $0x0  }
0x82: {  	[sflag:s22] =	ssyncadd.s32 $0xFFFFF800  }
0x83: {  	_ =	swait.ge [sflag:s23], $0x800  }
0x84: {  	[sflag:s23] =	ssyncset.done $0x0  }
0x85: {  	s13 =	simm.s32 $0x18780;
	[sflag:s23] =	ssyncadd.s32 $0xFFFFF800  }
0x86: {  	[tilespmem:s13], [sflag:$0x3] =	stream.linear.gather [hbm4b:s6+s4], $0x80, $0x38;
	[tilespmem:$0x1C700] =	vst v63  }
0x87: {  	s18 =	sadd.s32 $0x10, s6;
	s19 =	simm.s32 $0x18880  }
0x88: {  	[tilespmem:s19], [sflag:$0x3] =	stream.linear.gather [hbm4b:s18+s4], $0x80, $0x38;
	[tilespmem:$0x1C700] =	vst v63  }
0x89: {  	s12 =	sadd.s32 $0x20, s6;
	s13 =	simm.s32 $0x18980  }
0x8a: {  	[tilespmem:s13], [sflag:$0x3] =	stream.linear.gather [hbm4b:s12+s4], $0x80, $0x38;
	[tilespmem:$0x1C700] =	vst v63  }
0x8b: {  	s18 =	sadd.s32 $0x30, s6;
	s19 =	simm.s32 $0x18A80  }
0x8c: {  	[tilespmem:s19], [sflag:$0x3] =	stream.linear.gather [hbm4b:s18+s4], $0x80, $0x38;
	[tilespmem:$0x1C700] =	vst v63  }
0x8d: {  	s12 =	sadd.s32 $0x40, s6;
	s13 =	simm.s32 $0x18B80  }
0x8e: {  	[tilespmem:s13], [sflag:$0x3] =	stream.linear.gather [hbm4b:s12+s4], $0x80, $0x38;
	[tilespmem:$0x1C700] =	vst v63  }
0x8f: {  	s18 =	sadd.s32 $0x50, s6;
	s19 =	simm.s32 $0x18C80  }
0x90: {  	[tilespmem:s19], [sflag:$0x3] =	stream.linear.gather [hbm4b:s18+s4], $0x80, $0x38;
	[tilespmem:$0x1C700] =	vst v63  }
0x91: {  	s12 =	sadd.s32 $0x60, s6;
	s13 =	simm.s32 $0x18D80  }
0x92: {  	[tilespmem:s13], [sflag:$0x3] =	stream.linear.gather [hbm4b:s12+s4], $0x80, $0x38;
	[tilespmem:$0x1C700] =	vst v63  }
0x93: {  	s18 =	sadd.s32 $0x70, s6;
	s19 =	simm.s32 $0x18E80  }
0x94: {  	[tilespmem:s19], [sflag:$0x3] =	stream.linear.gather [hbm4b:s18+s4], $0x80, $0x38;
	[tilespmem:$0x1C700] =	vst v63  }
0x95: {  	s12 =	sadd.s32 $0x80, s6;
	s13 =	simm.s32 $0x18F80  }
0x96: {  	[tilespmem:s13], [sflag:$0x3] =	stream.linear.gather [hbm4b:s12+s4], $0x80, $0x38;
	[tilespmem:$0x1C700] =	vst v63  }
0x97: {  	s18 =	sadd.s32 $0x90, s6;
	s19 =	simm.s32 $0x19080  }
0x98: {  	[tilespmem:s19], [sflag:$0x3] =	stream.linear.gather [hbm4b:s18+s4], $0x80, $0x38;
	[tilespmem:$0x1C700] =	vst v63  }
0x99: {  	s12 =	sadd.s32 $0xA0, s6;
	s13 =	simm.s32 $0x19180  }
0x9a: {  	[tilespmem:s13], [sflag:$0x3] =	stream.linear.gather [hbm4b:s12+s4], $0x80, $0x38;
	[tilespmem:$0x1C700] =	vst v63  }
0x9b: {  	s18 =	sadd.s32 $0xB0, s6;
	s19 =	simm.s32 $0x19280  }
0x9c: {  	[tilespmem:s19], [sflag:$0x3] =	stream.linear.gather [hbm4b:s18+s4], $0x80, $0x38;
	[tilespmem:$0x1C700] =	vst v63  }
0x9d: {  	s12 =	sadd.s32 $0xC0, s6;
	s13 =	simm.s32 $0x19380  }
0x9e: {  	[tilespmem:s13], [sflag:$0x3] =	stream.linear.gather [hbm4b:s12+s4], $0x80, $0x38;
	[tilespmem:$0x1C700] =	vst v63  }
0x9f: {  	s18 =	sadd.s32 $0xD0, s6;
	s19 =	simm.s32 $0x19480  }
0xa0: {  	[tilespmem:s19], [sflag:$0x3] =	stream.linear.gather [hbm4b:s18+s4], $0x80, $0x38;
	[tilespmem:$0x1C700] =	vst v63  }
0xa1: {  	s12 =	sadd.s32 $0xE0, s6;
	s13 =	simm.s32 $0x19580  }
0xa2: {  	[tilespmem:s13], [sflag:$0x3] =	stream.linear.gather [hbm4b:s12+s4], $0x80, $0x38;
	[tilespmem:$0x1C700] =	vst v63  }
0xa3: {  	s18 =	sadd.s32 $0xF0, s6;
	s19 =	simm.s32 $0x19680  }
0xa4: {  	[tilespmem:s19], [sflag:$0x3] =	stream.linear.gather [hbm4b:s18+s4], $0x80, $0x38;
	[tilespmem:$0x1C700] =	vst v63  }
0xa5: {  	s13 =	simm.s32 $0x19780  }
0xa6: {  	[tilespmem:s13], [sflag:$0x5] =	stream.linear.gather [hbm4b:s7+s4], $0x80, $0x38;
	[tilespmem:$0x1C700] =	vst v63  }
0xa7: {  	s18 =	sadd.s32 $0x10, s7;
	s19 =	simm.s32 $0x19880  }
0xa8: {  	[tilespmem:s19], [sflag:$0x5] =	stream.linear.gather [hbm4b:s18+s4], $0x80, $0x38;
	[tilespmem:$0x1C700] =	vst v63  }
0xa9: {  	s12 =	sadd.s32 $0x20, s7;
	s13 =	simm.s32 $0x19980  }
0xaa: {  	[tilespmem:s13], [sflag:$0x5] =	stream.linear.gather [hbm4b:s12+s4], $0x80, $0x38;
	[tilespmem:$0x1C700] =	vst v63  }
0xab: {  	s18 =	sadd.s32 $0x30, s7;
	s19 =	simm.s32 $0x19A80  }
0xac: {  	[tilespmem:s19], [sflag:$0x5] =	stream.linear.gather [hbm4b:s18+s4], $0x80, $0x38;
	[tilespmem:$0x1C700] =	vst v63  }
0xad: {  	s12 =	sadd.s32 $0x40, s7;
	s13 =	simm.s32 $0x19B80  }
0xae: {  	[tilespmem:s13], [sflag:$0x5] =	stream.linear.gather [hbm4b:s12+s4], $0x80, $0x38;
	[tilespmem:$0x1C700] =	vst v63  }
0xaf: {  	s18 =	sadd.s32 $0x50, s7;
	s19 =	simm.s32 $0x19C80  }
0xb0: {  	[tilespmem:s19], [sflag:$0x5] =	stream.linear.gather [hbm4b:s18+s4], $0x80, $0x38;
	[tilespmem:$0x1C700] =	vst v63  }
0xb1: {  	s12 =	sadd.s32 $0x60, s7;
	s13 =	simm.s32 $0x19D80  }
0xb2: {  	[tilespmem:s13], [sflag:$0x5] =	stream.linear.gather [hbm4b:s12+s4], $0x80, $0x38;
	[tilespmem:$0x1C700] =	vst v63  }
0xb3: {  	s18 =	sadd.s32 $0x70, s7;
	s19 =	simm.s32 $0x19E80  }
0xb4: {  	[tilespmem:s19], [sflag:$0x5] =	stream.linear.gather [hbm4b:s18+s4], $0x80, $0x38;
	[tilespmem:$0x1C700] =	vst v63  }
0xb5: {  	s12 =	sadd.s32 $0x80, s7;
	s13 =	simm.s32 $0x19F80  }
0xb6: {  	[tilespmem:s13], [sflag:$0x5] =	stream.linear.gather [hbm4b:s12+s4], $0x80, $0x38;
	[tilespmem:$0x1C700] =	vst v63  }
0xb7: {  	s18 =	sadd.s32 $0x90, s7;
	s19 =	simm.s32 $0x1A080  }
0xb8: {  	[tilespmem:s19], [sflag:$0x5] =	stream.linear.gather [hbm4b:s18+s4], $0x80, $0x38;
	[tilespmem:$0x1C700] =	vst v63  }
0xb9: {  	s12 =	sadd.s32 $0xA0, s7;
	s13 =	simm.s32 $0x1A180  }
0xba: {  	[tilespmem:s13], [sflag:$0x5] =	stream.linear.gather [hbm4b:s12+s4], $0x80, $0x38;
	[tilespmem:$0x1C700] =	vst v63  }
0xbb: {  	s18 =	sadd.s32 $0xB0, s7;
	s19 =	simm.s32 $0x1A280  }
0xbc: {  	[tilespmem:s19], [sflag:$0x5] =	stream.linear.gather [hbm4b:s18+s4], $0x80, $0x38;
	[tilespmem:$0x1C700] =	vst v63  }
0xbd: {  	s12 =	sadd.s32 $0xC0, s7;
	s13 =	simm.s32 $0x1A380  }
0xbe: {  	[tilespmem:s13], [sflag:$0x5] =	stream.linear.gather [hbm4b:s12+s4], $0x80, $0x38;
	[tilespmem:$0x1C700] =	vst v63  }
0xbf: {  	s18 =	sadd.s32 $0xD0, s7;
	s19 =	simm.s32 $0x1A480  }
0xc0: {  	[tilespmem:s19], [sflag:$0x5] =	stream.linear.gather [hbm4b:s18+s4], $0x80, $0x38;
	[tilespmem:$0x1C700] =	vst v63  }
0xc1: {  	s12 =	sadd.s32 $0xE0, s7;
	s13 =	simm.s32 $0x1A580  }
0xc2: {  	[tilespmem:s13], [sflag:$0x5] =	stream.linear.gather [hbm4b:s12+s4], $0x80, $0x38;
	[tilespmem:$0x1C700] =	vst v63  }
0xc3: {  	s18 =	sadd.s32 $0xF0, s7;
	s19 =	simm.s32 $0x1A680  }
0xc4: {  	[tilespmem:s19], [sflag:$0x5] =	stream.linear.gather [hbm4b:s18+s4], $0x80, $0x38;
	[tilespmem:$0x1C700] =	vst v63  }
0xc5: {  	v0 =	vld [tilespmem:s16+$0x70]  }
0xc6: {  	v1 =	vld [tilespmem:s16+$0xFFFFFF10]  }
0xc7: {  	v2 =	vld [tilespmem:s16+$0xFFFFFF20]  }
0xc8: {  	v3 =	vld [tilespmem:s16+$0xFFFFFF30]  }
0xc9: {  	v4 =	vld [tilespmem:s16+$0xFFFFFF40]  }
0xca: {  	v5 =	vld [tilespmem:s16+$0xFFFFFF50]  }
0xcb: {  	v6 =	vld [tilespmem:s16+$0xFFFFFF60]  }
0xcc: {  	v7 =	vld [tilespmem:s16+$0xFFFFFF70]  }
0xcd: {  	v8 =	vld [tilespmem:s16+$0x0]  }
0xce: {  	v9 =	vld [tilespmem:s16+$0x10]  }
0xcf: {  	v10 =	vld [tilespmem:s16+$0x20]  }
0xd0: {  	v11 =	vld [tilespmem:s16+$0x30]  }
0xd1: {  	v12 =	vld [tilespmem:s16+$0x40]  }
0xd2: {  	v13 =	vld [tilespmem:s16+$0x50]  }
0xd3: {  	v14 =	vld [tilespmem:s16+$0x60]  }
0xd4: {  	v15 =	vld [tilespmem:s16+$0xFFFFFF00]  }
0xd5: {  	v0 =	vld.idx.msk [tilespmem:v0+s4+$0x0], $0xffff  }
0xd6: {  	v1 =	vld.idx.msk [tilespmem:v1+s4+$0x0], $0xffff  }
0xd7: {  	v2 =	vld.idx.msk [tilespmem:v2+s4+$0x0], $0xffff  }
0xd8: {  	v3 =	vld.idx.msk [tilespmem:v3+s4+$0x0], $0xffff  }
0xd9: {  	v4 =	vld.idx.msk [tilespmem:v4+s4+$0x0], $0xffff  }
0xda: {  	v5 =	vld.idx.msk [tilespmem:v5+s4+$0x0], $0xffff  }
0xdb: {  	v6 =	vld.idx.msk [tilespmem:v6+s4+$0x0], $0xffff  }
0xdc: {  	v15 =	vld.idx.msk [tilespmem:v15+s4+$0x0], $0xffff  }
0xdd: {  	v7 =	vld.idx.msk [tilespmem:v7+s4+$0x0], $0xffff  }
0xde: {  	v8 =	vld.idx.msk [tilespmem:v8+s4+$0x0], $0xffff  }
0xdf: {  	v9 =	vld.idx.msk [tilespmem:v9+s4+$0x0], $0xffff  }
0xe0: {  	v10 =	vld.idx.msk [tilespmem:v10+s4+$0x0], $0xffff  }
0xe1: {  	v11 =	vld.idx.msk [tilespmem:v11+s4+$0x0], $0xffff  }
0xe2: {  	v12 =	vld.idx.msk [tilespmem:v12+s4+$0x0], $0xffff  }
0xe3: {  	s11 =	simm.s32 $0x1A780;
	v13 =	vld.idx.msk [tilespmem:v13+s4+$0x0], $0xffff  }
0xe4: {  	v14 =	vld.idx.msk [tilespmem:v14+s4+$0x0], $0xffff;
	[tilespmem:s11+$0x70] =	vst v0  }
0xe5: {  	[tilespmem:s11+$0xFFFFFF80] =	vst v15;
	v0 =	vld [tilespmem:s17+$0x70]  }
0xe6: {  	[tilespmem:s11+$0xFFFFFF90] =	vst v1;
	v1 =	vld [tilespmem:s17+$0xFFFFFF00]  }
0xe7: {  	[tilespmem:s11+$0xFFFFFFA0] =	vst v2;
	v2 =	vld [tilespmem:s17+$0xFFFFFF10]  }
0xe8: {  	[tilespmem:s11+$0xFFFFFFB0] =	vst v3;
	v3 =	vld [tilespmem:s17+$0xFFFFFF20]  }
0xe9: {  	[tilespmem:s11+$0xFFFFFFC0] =	vst v4;
	v4 =	vld [tilespmem:s17+$0xFFFFFF30]  }
0xea: {  	[tilespmem:s11+$0xFFFFFFD0] =	vst v5;
	v5 =	vld [tilespmem:s17+$0xFFFFFF40]  }
0xeb: {  	[tilespmem:s11+$0xFFFFFFE0] =	vst v6;
	v6 =	vld [tilespmem:s17+$0xFFFFFF50]  }
0xec: {  	[tilespmem:s11+$0xFFFFFFF0] =	vst v7;
	v7 =	vld [tilespmem:s17+$0xFFFFFF60]  }
0xed: {  	[tilespmem:s11+$0x0] =	vst v8;
	v56 =	vld [tilespmem:s17+$0xFFFFFF70]  }
0xee: {  	[tilespmem:s11+$0x10] =	vst v9;
	v57 =	vld [tilespmem:s17+$0x0]  }
0xef: {  	[tilespmem:s11+$0x20] =	vst v10;
	v58 =	vld [tilespmem:s17+$0x10]  }
0xf0: {  	[tilespmem:s11+$0x30] =	vst v11;
	v59 =	vld [tilespmem:s17+$0x20]  }
0xf1: {  	[tilespmem:s11+$0x40] =	vst v12;
	v60 =	vld [tilespmem:s17+$0x30]  }
0xf2: {  	[tilespmem:s11+$0x50] =	vst v13;
	v61 =	vld [tilespmem:s17+$0x40]  }
0xf3: {  	[tilespmem:s11+$0x60] =	vst v14;
	v62 =	vld [tilespmem:s17+$0x50]  }
0xf4: {  	v63 =	vld [tilespmem:s17+$0x60]  }
0xf5: {  	v0 =	vld.idx.msk [tilespmem:v0+s4+$0x0], $0xffff  }
0xf6: {  	v1 =	vld.idx.msk [tilespmem:v1+s4+$0x0], $0xffff  }
0xf7: {  	v2 =	vld.idx.msk [tilespmem:v2+s4+$0x0], $0xffff  }
0xf8: {  	v3 =	vld.idx.msk [tilespmem:v3+s4+$0x0], $0xffff  }
0xf9: {  	v4 =	vld.idx.msk [tilespmem:v4+s4+$0x0], $0xffff  }
0xfa: {  	s12 =	simm.s32 $0x1B780;
	v5 =	vld.idx.msk [tilespmem:v5+s4+$0x0], $0xffff  }
0xfb: {  	v6 =	vld.idx.msk [tilespmem:v6+s4+$0x0], $0xffff;
	[tilespmem:s12+$0x70] =	vst v0  }
0xfc: {  	v7 =	vld.idx.msk [tilespmem:v7+s4+$0x0], $0xffff;
	[tilespmem:s12+$0xFFFFFF80] =	vst v1  }
0xfd: {  	v8 =	vld.idx.msk [tilespmem:v56+s4+$0x0], $0xffff;
	[tilespmem:s12+$0xFFFFFF90] =	vst v2  }
0xfe: {  	v9 =	vld.idx.msk [tilespmem:v57+s4+$0x0], $0xffff;
	[tilespmem:s12+$0xFFFFFFA0] =	vst v3  }
0xff: {  	[tilespmem:s12+$0xFFFFFFB0] =	vst v4;
	v0 =	vld.idx.msk [tilespmem:v58+s4+$0x0], $0xffff  }
0x100: {  	[tilespmem:s12+$0xFFFFFFC0] =	vst v5;
	v1 =	vld.idx.msk [tilespmem:v59+s4+$0x0], $0xffff  }
0x101: {  	[tilespmem:s12+$0xFFFFFFD0] =	vst v6;
	v2 =	vld.idx.msk [tilespmem:v60+s4+$0x0], $0xffff  }
0x102: {  	[tilespmem:s12+$0xFFFFFFE0] =	vst v7;
	v3 =	vld.idx.msk [tilespmem:v61+s4+$0x0], $0xffff  }
0x103: {  	[tilespmem:s12+$0xFFFFFFF0] =	vst v8;
	v4 =	vld.idx.msk [tilespmem:v62+s4+$0x0], $0xffff  }
0x104: {  	s13 =	simm.s32 $0x0;
	s18 =	simm.s32 $0x18A00;
	s19 =	simm.s32 $0x19800;
	[tilespmem:s12+$0x0] =	vst v9;
	v5 =	vld.idx.msk [tilespmem:v63+s4+$0x0], $0xffff  }
.LBB2_2:
0x105: {  	v6 =	vld [tilespmem:s18+$0x70];
	s13 =	sadd.s32 $0x10, s13;
	[tilespmem:s12+$0x10] =	vst v0  }
0x106: {  	v0 =	vld [tilespmem:s18+$0xFFFFFF10];
	p0 =	slt.u32 s13, $0x70;
	[tilespmem:s12+$0x20] =	vst v1  }
0x107: {  	v1 =	vld [tilespmem:s18+$0xFFFFFF20];
	[tilespmem:s12+$0x30] =	vst v2  }
0x108: {  	v2 =	vld [tilespmem:s18+$0xFFFFFF30];
	[tilespmem:s12+$0x40] =	vst v3  }
0x109: {  	v3 =	vld [tilespmem:s18+$0xFFFFFF40];
	[tilespmem:s12+$0x50] =	vst v4  }
0x10a: {  	v4 =	vld [tilespmem:s18+$0xFFFFFF50];
	[tilespmem:s12+$0x60] =	vst v5  }
0x10b: {  	v5 =	vld [tilespmem:s18+$0xFFFFFF60]  }
0x10c: {  	v7 =	vld [tilespmem:s18+$0xFFFFFF70]  }
0x10d: {  	v6 =	vld.idx.msk [tilespmem:v6+s4+$0x0], $0xffff  }
0x10e: {  	v8 =	vld [tilespmem:s18+$0x0]  }
0x10f: {  	v9 =	vld [tilespmem:s18+$0x10]  }
0x110: {  	v10 =	vld [tilespmem:s18+$0x20]  }
0x111: {  	v11 =	vld [tilespmem:s18+$0x30]  }
0x112: {  	s11 =	sadd.s32 $0x100, s11;
	v12 =	vld [tilespmem:s18+$0x40]  }
0x113: {  	s19 =	sadd.s32 $0x200, s19;
	v13 =	vld [tilespmem:s18+$0x50];
	[tilespmem:s11+$0x70] =	vst v6  }
0x114: {  	v6 =	vld [tilespmem:s19+$0x70]  }
0x115: {  	v14 =	vld [tilespmem:s18+$0x60]  }
0x116: {  	v15 =	vld [tilespmem:s18+$0xFFFFFF00]  }
0x117: {  	v0 =	vld.idx.msk [tilespmem:v0+s4+$0x0], $0xffff  }
0x118: {  	v1 =	vld.idx.msk [tilespmem:v1+s4+$0x0], $0xffff  }
0x119: {  	v2 =	vld.idx.msk [tilespmem:v2+s4+$0x0], $0xffff  }
0x11a: {  	v3 =	vld.idx.msk [tilespmem:v3+s4+$0x0], $0xffff  }
0x11b: {  	v4 =	vld.idx.msk [tilespmem:v4+s4+$0x0], $0xffff  }
0x11c: {  	v6 =	vld.idx.msk [tilespmem:v6+s4+$0x0], $0xffff  }
0x11d: {  	[tilespmem:s11+$0xFFFFFF90] =	vst v0;
	v0 =	vld.idx.msk [tilespmem:v5+s4+$0x0], $0xffff  }
0x11e: {  	v5 =	vld.idx.msk [tilespmem:v15+s4+$0x0], $0xffff;
	[tilespmem:s11+$0xFFFFFFA0] =	vst v1  }
0x11f: {  	[tilespmem:s11+$0xFFFFFFB0] =	vst v2;
	v1 =	vld.idx.msk [tilespmem:v7+s4+$0x0], $0xffff  }
0x120: {  	[tilespmem:s11+$0xFFFFFFC0] =	vst v3;
	v2 =	vld.idx.msk [tilespmem:v8+s4+$0x0], $0xffff  }
0x121: {  	s12 =	sadd.s32 $0x100, s12;
	[tilespmem:s11+$0xFFFFFFD0] =	vst v4;
	v3 =	vld.idx.msk [tilespmem:v9+s4+$0x0], $0xffff  }
0x122: {  	v4 =	vld.idx.msk [tilespmem:v10+s4+$0x0], $0xffff;
	[tilespmem:s12+$0x70] =	vst v6  }
0x123: {  	[tilespmem:s11+$0xFFFFFFE0] =	vst v0;
	v0 =	vld.idx.msk [tilespmem:v11+s4+$0x0], $0xffff  }
0x124: {  	[tilespmem:s11+$0xFFFFFF80] =	vst v5;
	v5 =	vld.idx.msk [tilespmem:v12+s4+$0x0], $0xffff  }
0x125: {  	[tilespmem:s11+$0xFFFFFFF0] =	vst v1;
	v1 =	vld.idx.msk [tilespmem:v13+s4+$0x0], $0xffff  }
0x126: {  	[tilespmem:s11+$0x0] =	vst v2;
	v2 =	vld.idx.msk [tilespmem:v14+s4+$0x0], $0xffff  }
0x127: {  	v6 =	vld [tilespmem:s19+$0xFFFFFF00];
	[tilespmem:s11+$0x10] =	vst v3  }
0x128: {  	v3 =	vld [tilespmem:s19+$0xFFFFFF10];
	[tilespmem:s11+$0x20] =	vst v4  }
0x129: {  	v4 =	vld [tilespmem:s19+$0xFFFFFF20];
	[tilespmem:s11+$0x30] =	vst v0  }
0x12a: {  	v0 =	vld [tilespmem:s19+$0xFFFFFF30];
	[tilespmem:s11+$0x40] =	vst v5  }
0x12b: {  	v5 =	vld [tilespmem:s19+$0xFFFFFF40];
	[tilespmem:s11+$0x50] =	vst v1  }
0x12c: {  	v1 =	vld [tilespmem:s19+$0xFFFFFF50];
	[tilespmem:s11+$0x60] =	vst v2  }
0x12d: {  	v2 =	vld [tilespmem:s19+$0xFFFFFF60]  }
0x12e: {  	v7 =	vld [tilespmem:s19+$0xFFFFFF70]  }
0x12f: {  	v8 =	vld [tilespmem:s19+$0x0]  }
0x130: {  	v9 =	vld [tilespmem:s19+$0x10]  }
0x131: {  	v10 =	vld [tilespmem:s19+$0x20]  }
0x132: {  	v11 =	vld [tilespmem:s19+$0x30]  }
0x133: {  	v12 =	vld [tilespmem:s19+$0x40]  }
0x134: {  	v13 =	vld [tilespmem:s19+$0x50]  }
0x135: {  	v14 =	vld [tilespmem:s19+$0x60]  }
0x136: {  	v6 =	vld.idx.msk [tilespmem:v6+s4+$0x0], $0xffff  }
0x137: {  	v3 =	vld.idx.msk [tilespmem:v3+s4+$0x0], $0xffff  }
0x138: {  	v4 =	vld.idx.msk [tilespmem:v4+s4+$0x0], $0xffff  }
0x139: {  	v0 =	vld.idx.msk [tilespmem:v0+s4+$0x0], $0xffff  }
0x13a: {  	v5 =	vld.idx.msk [tilespmem:v5+s4+$0x0], $0xffff  }
0x13b: {  	v15 =	vld.idx.msk [tilespmem:v1+s4+$0x0], $0xffff  }
0x13c: {  	[tilespmem:s12+$0xFFFFFF80] =	vst v6;
	v6 =	vld.idx.msk [tilespmem:v2+s4+$0x0], $0xffff  }
0x13d: {  	[tilespmem:s12+$0xFFFFFF90] =	vst v3;
	v7 =	vld.idx.msk [tilespmem:v7+s4+$0x0], $0xffff  }
0x13e: {  	[tilespmem:s12+$0xFFFFFFA0] =	vst v4;
	v8 =	vld.idx.msk [tilespmem:v8+s4+$0x0], $0xffff  }
0x13f: {  	[tilespmem:s12+$0xFFFFFFB0] =	vst v0;
	v0 =	vld.idx.msk [tilespmem:v9+s4+$0x0], $0xffff  }
.Ltmp0:
0x140: {  	[tilespmem:s12+$0xFFFFFFC0] =	vst v5;
	v1 =	vld.idx.msk [tilespmem:v10+s4+$0x0], $0xffff;
	(pc) =	sbr.rel @p0 .LBB2_2-.Ltmp0, $4  }
0x141: {  	[tilespmem:s12+$0xFFFFFFD0] =	vst v15;
	v2 =	vld.idx.msk [tilespmem:v11+s4+$0x0], $0xffff  }
0x142: {  	[tilespmem:s12+$0xFFFFFFE0] =	vst v6;
	v3 =	vld.idx.msk [tilespmem:v12+s4+$0x0], $0xffff  }
0x143: {  	[tilespmem:s12+$0xFFFFFFF0] =	vst v7;
	v4 =	vld.idx.msk [tilespmem:v13+s4+$0x0], $0xffff  }
0x144: {  	s18 =	sadd.s32 $0x200, s18;
	[tilespmem:s12+$0x0] =	vst v8;
	v5 =	vld.idx.msk [tilespmem:v14+s4+$0x0], $0xffff  }
0x145: {  	[tilespmem:s12+$0x10] =	vst v0  }
0x146: {  	[tilespmem:s12+$0x20] =	vst v1  }
0x147: {  	[tilespmem:s12+$0x30] =	vst v2  }
0x148: {  	[tilespmem:s12+$0x40] =	vst v3  }
0x149: {  	[tilespmem:s12+$0x50] =	vst v4  }
0x14a: {  	[tilespmem:s12+$0x60] =	vst v5  }
0x14b: {  	s13 =	simm.s32 $0x1A700;
	s11 =	rddreg [dreg:$0x6]  }
0x14c: {  	[hbm4b:s11+s4] =	stream.linear.scatter [tilespmem:s13], [sflag:$0x6], $0x800, $0x38;
	[tilespmem:$0x1C700] =	vst v63  }
0x14d: {  	s19 =	simm.s32 $0x1B700;
	s18 =	rddreg [dreg:$0x7]  }
0x14e: {  	[hbm4b:s18+s4] =	stream.linear.scatter [tilespmem:s19], [sflag:$0x8], $0x800, $0x38;
	[tilespmem:$0x1C700] =	vst v63  }
0x14f: {  	_ =	swait.ge [sflag:s14], $0x800  }
0x150: {  	[sflag:s14] =	ssyncset.done $0x0  }
0x151: {  	[sflag:s14] =	ssyncadd.s32 $0xFFFFF800  }
0x152: {  	_ =	swait.ge [sflag:s15], $0x800  }
0x153: {  	[sflag:s15] =	ssyncset.done $0x0  }
0x154: {  	s12 =	simm.s32 $0x18700;
	[sflag:s15] =	ssyncadd.s32 $0xFFFFF800  }
0x155: {  	[tilespmem:s12], [sflag:$0x2] =	stream.linear.gather [hbm4b:s10+s4], $0x80, $0x38;
	[tilespmem:$0x1C700] =	vst v63  }
0x156: {  	s13 =	sadd.s32 $0x10, s10  }
0x157: {  	[tilespmem:s16], [sflag:$0x2] =	stream.linear.gather [hbm4b:s13+s4], $0x80, $0x38;
	[tilespmem:$0x1C700] =	vst v63  }
0x158: {  	s18 =	sadd.s32 $0x20, s10;
	s19 =	simm.s32 $0x18900  }
0x159: {  	[tilespmem:s19], [sflag:$0x2] =	stream.linear.gather [hbm4b:s18+s4], $0x80, $0x38;
	[tilespmem:$0x1C700] =	vst v63  }
0x15a: {  	s12 =	sadd.s32 $0x30, s10;
	s13 =	simm.s32 $0x18A00  }
0x15b: {  	[tilespmem:s13], [sflag:$0x2] =	stream.linear.gather [hbm4b:s12+s4], $0x80, $0x38;
	[tilespmem:$0x1C700] =	vst v63  }
0x15c: {  	s18 =	sadd.s32 $0x40, s10;
	s19 =	simm.s32 $0x18B00  }
0x15d: {  	[tilespmem:s19], [sflag:$0x2] =	stream.linear.gather [hbm4b:s18+s4], $0x80, $0x38;
	[tilespmem:$0x1C700] =	vst v63  }
0x15e: {  	s12 =	sadd.s32 $0x50, s10;
	s13 =	simm.s32 $0x18C00  }
0x15f: {  	[tilespmem:s13], [sflag:$0x2] =	stream.linear.gather [hbm4b:s12+s4], $0x80, $0x38;
	[tilespmem:$0x1C700] =	vst v63  }
0x160: {  	s18 =	sadd.s32 $0x60, s10;
	s19 =	simm.s32 $0x18D00  }
0x161: {  	[tilespmem:s19], [sflag:$0x2] =	stream.linear.gather [hbm4b:s18+s4], $0x80, $0x38;
	[tilespmem:$0x1C700] =	vst v63  }
0x162: {  	s12 =	sadd.s32 $0x70, s10;
	s13 =	simm.s32 $0x18E00  }
0x163: {  	[tilespmem:s13], [sflag:$0x2] =	stream.linear.gather [hbm4b:s12+s4], $0x80, $0x38;
	[tilespmem:$0x1C700] =	vst v63  }
0x164: {  	s18 =	sadd.s32 $0x80, s10;
	s19 =	simm.s32 $0x18F00  }
0x165: {  	[tilespmem:s19], [sflag:$0x2] =	stream.linear.gather [hbm4b:s18+s4], $0x80, $0x38;
	[tilespmem:$0x1C700] =	vst v63  }
0x166: {  	s12 =	sadd.s32 $0x90, s10;
	s13 =	simm.s32 $0x19000  }
0x167: {  	[tilespmem:s13], [sflag:$0x2] =	stream.linear.gather [hbm4b:s12+s4], $0x80, $0x38;
	[tilespmem:$0x1C700] =	vst v63  }
0x168: {  	s18 =	sadd.s32 $0xA0, s10;
	s19 =	simm.s32 $0x19100  }
0x169: {  	[tilespmem:s19], [sflag:$0x2] =	stream.linear.gather [hbm4b:s18+s4], $0x80, $0x38;
	[tilespmem:$0x1C700] =	vst v63  }
0x16a: {  	s12 =	sadd.s32 $0xB0, s10;
	s13 =	simm.s32 $0x19200  }
0x16b: {  	[tilespmem:s13], [sflag:$0x2] =	stream.linear.gather [hbm4b:s12+s4], $0x80, $0x38;
	[tilespmem:$0x1C700] =	vst v63  }
0x16c: {  	s18 =	sadd.s32 $0xC0, s10;
	s19 =	simm.s32 $0x19300  }
0x16d: {  	[tilespmem:s19], [sflag:$0x2] =	stream.linear.gather [hbm4b:s18+s4], $0x80, $0x38;
	[tilespmem:$0x1C700] =	vst v63  }
0x16e: {  	s12 =	sadd.s32 $0xD0, s10;
	s13 =	simm.s32 $0x19400  }
0x16f: {  	[tilespmem:s13], [sflag:$0x2] =	stream.linear.gather [hbm4b:s12+s4], $0x80, $0x38;
	[tilespmem:$0x1C700] =	vst v63  }
0x170: {  	s18 =	sadd.s32 $0xE0, s10;
	s19 =	simm.s32 $0x19500  }
0x171: {  	[tilespmem:s19], [sflag:$0x2] =	stream.linear.gather [hbm4b:s18+s4], $0x80, $0x38;
	[tilespmem:$0x1C700] =	vst v63  }
0x172: {  	s12 =	sadd.s32 $0xF0, s10;
	s13 =	simm.s32 $0x19600  }
0x173: {  	[tilespmem:s13], [sflag:$0x2] =	stream.linear.gather [hbm4b:s12+s4], $0x80, $0x38;
	[tilespmem:$0x1C700] =	vst v63  }
0x174: {  	s18 =	simm.s32 $0x19700  }
0x175: {  	[tilespmem:s18], [sflag:$0x4] =	stream.linear.gather [hbm4b:s26+s4], $0x80, $0x38;
	[tilespmem:$0x1C700] =	vst v63  }
0x176: {  	s19 =	sadd.s32 $0x10, s26  }
0x177: {  	[tilespmem:s17], [sflag:$0x4] =	stream.linear.gather [hbm4b:s19+s4], $0x80, $0x38;
	[tilespmem:$0x1C700] =	vst v63  }
0x178: {  	s12 =	sadd.s32 $0x20, s26;
	s13 =	simm.s32 $0x19900  }
0x179: {  	[tilespmem:s13], [sflag:$0x4] =	stream.linear.gather [hbm4b:s12+s4], $0x80, $0x38;
	[tilespmem:$0x1C700] =	vst v63  }
0x17a: {  	s18 =	sadd.s32 $0x30, s26;
	s19 =	simm.s32 $0x19A00  }
0x17b: {  	[tilespmem:s19], [sflag:$0x4] =	stream.linear.gather [hbm4b:s18+s4], $0x80, $0x38;
	[tilespmem:$0x1C700] =	vst v63  }
0x17c: {  	s12 =	sadd.s32 $0x40, s26;
	s13 =	simm.s32 $0x19B00  }
0x17d: {  	[tilespmem:s13], [sflag:$0x4] =	stream.linear.gather [hbm4b:s12+s4], $0x80, $0x38;
	[tilespmem:$0x1C700] =	vst v63  }
0x17e: {  	s18 =	sadd.s32 $0x50, s26;
	s19 =	simm.s32 $0x19C00  }
0x17f: {  	[tilespmem:s19], [sflag:$0x4] =	stream.linear.gather [hbm4b:s18+s4], $0x80, $0x38;
	[tilespmem:$0x1C700] =	vst v63  }
0x180: {  	s12 =	sadd.s32 $0x60, s26;
	s13 =	simm.s32 $0x19D00  }
0x181: {  	[tilespmem:s13], [sflag:$0x4] =	stream.linear.gather [hbm4b:s12+s4], $0x80, $0x38;
	[tilespmem:$0x1C700] =	vst v63  }
0x182: {  	s18 =	sadd.s32 $0x70, s26;
	s19 =	simm.s32 $0x19E00  }
0x183: {  	[tilespmem:s19], [sflag:$0x4] =	stream.linear.gather [hbm4b:s18+s4], $0x80, $0x38;
	[tilespmem:$0x1C700] =	vst v63  }
0x184: {  	s12 =	sadd.s32 $0x80, s26;
	s13 =	simm.s32 $0x19F00  }
0x185: {  	[tilespmem:s13], [sflag:$0x4] =	stream.linear.gather [hbm4b:s12+s4], $0x80, $0x38;
	[tilespmem:$0x1C700] =	vst v63  }
0x186: {  	s18 =	sadd.s32 $0x90, s26;
	s19 =	simm.s32 $0x1A000  }
0x187: {  	[tilespmem:s19], [sflag:$0x4] =	stream.linear.gather [hbm4b:s18+s4], $0x80, $0x38;
	[tilespmem:$0x1C700] =	vst v63  }
0x188: {  	s12 =	sadd.s32 $0xA0, s26;
	s13 =	simm.s32 $0x1A100  }
0x189: {  	[tilespmem:s13], [sflag:$0x4] =	stream.linear.gather [hbm4b:s12+s4], $0x80, $0x38;
	[tilespmem:$0x1C700] =	vst v63  }
0x18a: {  	s18 =	sadd.s32 $0xB0, s26;
	s19 =	simm.s32 $0x1A200  }
0x18b: {  	[tilespmem:s19], [sflag:$0x4] =	stream.linear.gather [hbm4b:s18+s4], $0x80, $0x38;
	[tilespmem:$0x1C700] =	vst v63  }
0x18c: {  	s12 =	sadd.s32 $0xC0, s26;
	s13 =	simm.s32 $0x1A300  }
0x18d: {  	[tilespmem:s13], [sflag:$0x4] =	stream.linear.gather [hbm4b:s12+s4], $0x80, $0x38;
	[tilespmem:$0x1C700] =	vst v63  }
0x18e: {  	s18 =	sadd.s32 $0xD0, s26;
	s19 =	simm.s32 $0x1A400  }
0x18f: {  	[tilespmem:s19], [sflag:$0x4] =	stream.linear.gather [hbm4b:s18+s4], $0x80, $0x38;
	[tilespmem:$0x1C700] =	vst v63  }
0x190: {  	s12 =	sadd.s32 $0xE0, s26;
	s13 =	simm.s32 $0x1A500  }
0x191: {  	[tilespmem:s13], [sflag:$0x4] =	stream.linear.gather [hbm4b:s12+s4], $0x80, $0x38;
	[tilespmem:$0x1C700] =	vst v63  }
0x192: {  	s18 =	sadd.s32 $0xF0, s26;
	s19 =	simm.s32 $0x1A600;
	s13 =	simm.s32 $0x18880  }
0x193: {  	[tilespmem:s19], [sflag:$0x4] =	stream.linear.gather [hbm4b:s18+s4], $0x80, $0x38;
	[tilespmem:$0x1C700] =	vst v63  }
0x194: {  	v0 =	vld [tilespmem:s13+$0x70]  }
0x195: {  	v1 =	vld [tilespmem:s13+$0xFFFFFF10]  }
0x196: {  	v2 =	vld [tilespmem:s13+$0xFFFFFF20]  }
0x197: {  	v3 =	vld [tilespmem:s13+$0xFFFFFF30]  }
0x198: {  	v4 =	vld [tilespmem:s13+$0xFFFFFF40]  }
0x199: {  	v5 =	vld [tilespmem:s13+$0xFFFFFF50]  }
0x19a: {  	v6 =	vld [tilespmem:s13+$0xFFFFFF60]  }
0x19b: {  	v7 =	vld [tilespmem:s13+$0xFFFFFF70]  }
0x19c: {  	v8 =	vld [tilespmem:s13+$0x0]  }
0x19d: {  	v9 =	vld [tilespmem:s13+$0x10]  }
0x19e: {  	v10 =	vld [tilespmem:s13+$0x20]  }
0x19f: {  	v11 =	vld [tilespmem:s13+$0x30]  }
0x1a0: {  	v12 =	vld [tilespmem:s13+$0x40]  }
0x1a1: {  	v13 =	vld [tilespmem:s13+$0x50]  }
0x1a2: {  	v14 =	vld [tilespmem:s13+$0x60]  }
0x1a3: {  	v15 =	vld [tilespmem:s13+$0xFFFFFF00]  }
0x1a4: {  	v0 =	vld.idx.msk [tilespmem:v0+s4+$0x0], $0xffff  }
0x1a5: {  	v1 =	vld.idx.msk [tilespmem:v1+s4+$0x0], $0xffff  }
0x1a6: {  	v2 =	vld.idx.msk [tilespmem:v2+s4+$0x0], $0xffff  }
0x1a7: {  	v3 =	vld.idx.msk [tilespmem:v3+s4+$0x0], $0xffff  }
0x1a8: {  	v4 =	vld.idx.msk [tilespmem:v4+s4+$0x0], $0xffff  }
0x1a9: {  	v5 =	vld.idx.msk [tilespmem:v5+s4+$0x0], $0xffff  }
0x1aa: {  	v6 =	vld.idx.msk [tilespmem:v6+s4+$0x0], $0xffff  }
0x1ab: {  	v15 =	vld.idx.msk [tilespmem:v15+s4+$0x0], $0xffff  }
0x1ac: {  	v7 =	vld.idx.msk [tilespmem:v7+s4+$0x0], $0xffff  }
0x1ad: {  	v8 =	vld.idx.msk [tilespmem:v8+s4+$0x0], $0xffff  }
0x1ae: {  	v9 =	vld.idx.msk [tilespmem:v9+s4+$0x0], $0xffff  }
0x1af: {  	v10 =	vld.idx.msk [tilespmem:v10+s4+$0x0], $0xffff  }
0x1b0: {  	v11 =	vld.idx.msk [tilespmem:v11+s4+$0x0], $0xffff  }
0x1b1: {  	v12 =	vld.idx.msk [tilespmem:v12+s4+$0x0], $0xffff  }
0x1b2: {  	s11 =	simm.s32 $0x1AFF0;
	v13 =	vld.idx.msk [tilespmem:v13+s4+$0x0], $0xffff  }
0x1b3: {  	s12 =	simm.s32 $0x19880;
	v14 =	vld.idx.msk [tilespmem:v14+s4+$0x0], $0xffff;
	[tilespmem:s11+$0x0] =	vst v0  }
0x1b4: {  	[tilespmem:s11+$0xFFFFFF10] =	vst v15;
	v0 =	vld [tilespmem:s12+$0x70]  }
0x1b5: {  	[tilespmem:s11+$0xFFFFFF20] =	vst v1;
	v1 =	vld [tilespmem:s12+$0xFFFFFF00]  }
0x1b6: {  	[tilespmem:s11+$0xFFFFFF30] =	vst v2;
	v2 =	vld [tilespmem:s12+$0xFFFFFF10]  }
0x1b7: {  	[tilespmem:s11+$0xFFFFFF40] =	vst v3;
	v3 =	vld [tilespmem:s12+$0xFFFFFF20]  }
0x1b8: {  	[tilespmem:s11+$0xFFFFFF50] =	vst v4;
	v4 =	vld [tilespmem:s12+$0xFFFFFF30]  }
0x1b9: {  	[tilespmem:s11+$0xFFFFFF60] =	vst v5;
	v5 =	vld [tilespmem:s12+$0xFFFFFF40]  }
0x1ba: {  	[tilespmem:s11+$0xFFFFFF70] =	vst v6;
	v6 =	vld [tilespmem:s12+$0xFFFFFF50]  }
0x1bb: {  	[tilespmem:s11+$0xFFFFFF80] =	vst v7;
	v7 =	vld [tilespmem:s12+$0xFFFFFF60]  }
0x1bc: {  	[tilespmem:s11+$0xFFFFFF90] =	vst v8;
	v56 =	vld [tilespmem:s12+$0xFFFFFF70]  }
0x1bd: {  	[tilespmem:s11+$0xFFFFFFA0] =	vst v9;
	v57 =	vld [tilespmem:s12+$0x0]  }
0x1be: {  	[tilespmem:s11+$0xFFFFFFB0] =	vst v10;
	v58 =	vld [tilespmem:s12+$0x10]  }
0x1bf: {  	[tilespmem:s11+$0xFFFFFFC0] =	vst v11;
	v59 =	vld [tilespmem:s12+$0x20]  }
0x1c0: {  	[tilespmem:s11+$0xFFFFFFD0] =	vst v12;
	v60 =	vld [tilespmem:s12+$0x30]  }
0x1c1: {  	[tilespmem:s11+$0xFFFFFFE0] =	vst v13;
	v61 =	vld [tilespmem:s12+$0x40]  }
0x1c2: {  	[tilespmem:s11+$0xFFFFFFF0] =	vst v14;
	v62 =	vld [tilespmem:s12+$0x50]  }
0x1c3: {  	v63 =	vld [tilespmem:s12+$0x60]  }
0x1c4: {  	v0 =	vld.idx.msk [tilespmem:v0+s4+$0x0], $0xffff  }
0x1c5: {  	v1 =	vld.idx.msk [tilespmem:v1+s4+$0x0], $0xffff  }
0x1c6: {  	v2 =	vld.idx.msk [tilespmem:v2+s4+$0x0], $0xffff  }
0x1c7: {  	v3 =	vld.idx.msk [tilespmem:v3+s4+$0x0], $0xffff  }
0x1c8: {  	v4 =	vld.idx.msk [tilespmem:v4+s4+$0x0], $0xffff  }
0x1c9: {  	s13 =	simm.s32 $0x1BFF0;
	v5 =	vld.idx.msk [tilespmem:v5+s4+$0x0], $0xffff  }
0x1ca: {  	v6 =	vld.idx.msk [tilespmem:v6+s4+$0x0], $0xffff;
	[tilespmem:s13+$0x0] =	vst v0  }
0x1cb: {  	v7 =	vld.idx.msk [tilespmem:v7+s4+$0x0], $0xffff;
	[tilespmem:s13+$0xFFFFFF10] =	vst v1  }
0x1cc: {  	v8 =	vld.idx.msk [tilespmem:v56+s4+$0x0], $0xffff;
	[tilespmem:s13+$0xFFFFFF20] =	vst v2  }
0x1cd: {  	v9 =	vld.idx.msk [tilespmem:v57+s4+$0x0], $0xffff;
	[tilespmem:s13+$0xFFFFFF30] =	vst v3  }
0x1ce: {  	[tilespmem:s13+$0xFFFFFF40] =	vst v4;
	v0 =	vld.idx.msk [tilespmem:v58+s4+$0x0], $0xffff  }
0x1cf: {  	[tilespmem:s13+$0xFFFFFF50] =	vst v5;
	v1 =	vld.idx.msk [tilespmem:v59+s4+$0x0], $0xffff  }
0x1d0: {  	[tilespmem:s13+$0xFFFFFF60] =	vst v6;
	v2 =	vld.idx.msk [tilespmem:v60+s4+$0x0], $0xffff  }
0x1d1: {  	[tilespmem:s13+$0xFFFFFF70] =	vst v7;
	v3 =	vld.idx.msk [tilespmem:v61+s4+$0x0], $0xffff  }
0x1d2: {  	[tilespmem:s13+$0xFFFFFF80] =	vst v8;
	v4 =	vld.idx.msk [tilespmem:v62+s4+$0x0], $0xffff  }
0x1d3: {  	s18 =	simm.s32 $0x0;
	s19 =	simm.s32 $0x18A80;
	[tilespmem:s13+$0xFFFFFF90] =	vst v9;
	v5 =	vld.idx.msk [tilespmem:v63+s4+$0x0], $0xffff  }
.LBB2_4:
0x1d4: {  	v6 =	vld [tilespmem:s19+$0x70];
	s18 =	sadd.s32 $0x10, s18;
	[tilespmem:s13+$0xFFFFFFA0] =	vst v0  }
0x1d5: {  	v0 =	vld [tilespmem:s19+$0xFFFFFF10];
	p0 =	slt.u32 s18, $0x70;
	[tilespmem:s13+$0xFFFFFFB0] =	vst v1  }
0x1d6: {  	v1 =	vld [tilespmem:s19+$0xFFFFFF20];
	[tilespmem:s13+$0xFFFFFFC0] =	vst v2  }
0x1d7: {  	v2 =	vld [tilespmem:s19+$0xFFFFFF30];
	[tilespmem:s13+$0xFFFFFFD0] =	vst v3  }
0x1d8: {  	v3 =	vld [tilespmem:s19+$0xFFFFFF40];
	[tilespmem:s13+$0xFFFFFFE0] =	vst v4  }
0x1d9: {  	v4 =	vld [tilespmem:s19+$0xFFFFFF50];
	[tilespmem:s13+$0xFFFFFFF0] =	vst v5  }
0x1da: {  	v5 =	vld [tilespmem:s19+$0xFFFFFF60]  }
0x1db: {  	v7 =	vld [tilespmem:s19+$0xFFFFFF70]  }
0x1dc: {  	v6 =	vld.idx.msk [tilespmem:v6+s4+$0x0], $0xffff  }
0x1dd: {  	v8 =	vld [tilespmem:s19+$0x0]  }
0x1de: {  	v9 =	vld [tilespmem:s19+$0x10]  }
0x1df: {  	v10 =	vld [tilespmem:s19+$0x20]  }
0x1e0: {  	v11 =	vld [tilespmem:s19+$0x30]  }
0x1e1: {  	s11 =	sadd.s32 $0x100, s11;
	v12 =	vld [tilespmem:s19+$0x40]  }
0x1e2: {  	s12 =	sadd.s32 $0x200, s12;
	v13 =	vld [tilespmem:s19+$0x50];
	[tilespmem:s11+$0x0] =	vst v6  }
0x1e3: {  	v6 =	vld [tilespmem:s12+$0x70]  }
0x1e4: {  	v14 =	vld [tilespmem:s19+$0x60]  }
0x1e5: {  	v15 =	vld [tilespmem:s19+$0xFFFFFF00]  }
0x1e6: {  	v0 =	vld.idx.msk [tilespmem:v0+s4+$0x0], $0xffff  }
0x1e7: {  	v1 =	vld.idx.msk [tilespmem:v1+s4+$0x0], $0xffff  }
0x1e8: {  	v2 =	vld.idx.msk [tilespmem:v2+s4+$0x0], $0xffff  }
0x1e9: {  	v3 =	vld.idx.msk [tilespmem:v3+s4+$0x0], $0xffff  }
0x1ea: {  	v4 =	vld.idx.msk [tilespmem:v4+s4+$0x0], $0xffff  }
0x1eb: {  	v6 =	vld.idx.msk [tilespmem:v6+s4+$0x0], $0xffff  }
0x1ec: {  	[tilespmem:s11+$0xFFFFFF20] =	vst v0;
	v0 =	vld.idx.msk [tilespmem:v5+s4+$0x0], $0xffff  }
0x1ed: {  	v5 =	vld.idx.msk [tilespmem:v15+s4+$0x0], $0xffff;
	[tilespmem:s11+$0xFFFFFF30] =	vst v1  }
0x1ee: {  	[tilespmem:s11+$0xFFFFFF40] =	vst v2;
	v1 =	vld.idx.msk [tilespmem:v7+s4+$0x0], $0xffff  }
0x1ef: {  	[tilespmem:s11+$0xFFFFFF50] =	vst v3;
	v2 =	vld.idx.msk [tilespmem:v8+s4+$0x0], $0xffff  }
0x1f0: {  	s13 =	sadd.s32 $0x100, s13;
	[tilespmem:s11+$0xFFFFFF60] =	vst v4;
	v3 =	vld.idx.msk [tilespmem:v9+s4+$0x0], $0xffff  }
0x1f1: {  	v4 =	vld.idx.msk [tilespmem:v10+s4+$0x0], $0xffff;
	[tilespmem:s13+$0x0] =	vst v6  }
0x1f2: {  	[tilespmem:s11+$0xFFFFFF70] =	vst v0;
	v0 =	vld.idx.msk [tilespmem:v11+s4+$0x0], $0xffff  }
0x1f3: {  	[tilespmem:s11+$0xFFFFFF10] =	vst v5;
	v5 =	vld.idx.msk [tilespmem:v12+s4+$0x0], $0xffff  }
0x1f4: {  	[tilespmem:s11+$0xFFFFFF80] =	vst v1;
	v1 =	vld.idx.msk [tilespmem:v13+s4+$0x0], $0xffff  }
0x1f5: {  	[tilespmem:s11+$0xFFFFFF90] =	vst v2;
	v2 =	vld.idx.msk [tilespmem:v14+s4+$0x0], $0xffff  }
0x1f6: {  	v6 =	vld [tilespmem:s12+$0xFFFFFF00];
	[tilespmem:s11+$0xFFFFFFA0] =	vst v3  }
0x1f7: {  	v3 =	vld [tilespmem:s12+$0xFFFFFF10];
	[tilespmem:s11+$0xFFFFFFB0] =	vst v4  }
0x1f8: {  	v4 =	vld [tilespmem:s12+$0xFFFFFF20];
	[tilespmem:s11+$0xFFFFFFC0] =	vst v0  }
0x1f9: {  	v0 =	vld [tilespmem:s12+$0xFFFFFF30];
	[tilespmem:s11+$0xFFFFFFD0] =	vst v5  }
0x1fa: {  	v5 =	vld [tilespmem:s12+$0xFFFFFF40];
	[tilespmem:s11+$0xFFFFFFE0] =	vst v1  }
0x1fb: {  	v1 =	vld [tilespmem:s12+$0xFFFFFF50];
	[tilespmem:s11+$0xFFFFFFF0] =	vst v2  }
0x1fc: {  	v2 =	vld [tilespmem:s12+$0xFFFFFF60]  }
0x1fd: {  	v7 =	vld [tilespmem:s12+$0xFFFFFF70]  }
0x1fe: {  	v8 =	vld [tilespmem:s12+$0x0]  }
0x1ff: {  	v9 =	vld [tilespmem:s12+$0x10]  }
0x200: {  	v10 =	vld [tilespmem:s12+$0x20]  }
0x201: {  	v11 =	vld [tilespmem:s12+$0x30]  }
0x202: {  	v12 =	vld [tilespmem:s12+$0x40]  }
0x203: {  	v13 =	vld [tilespmem:s12+$0x50]  }
0x204: {  	v14 =	vld [tilespmem:s12+$0x60]  }
0x205: {  	v6 =	vld.idx.msk [tilespmem:v6+s4+$0x0], $0xffff  }
0x206: {  	v3 =	vld.idx.msk [tilespmem:v3+s4+$0x0], $0xffff  }
0x207: {  	v4 =	vld.idx.msk [tilespmem:v4+s4+$0x0], $0xffff  }
0x208: {  	v0 =	vld.idx.msk [tilespmem:v0+s4+$0x0], $0xffff  }
0x209: {  	v5 =	vld.idx.msk [tilespmem:v5+s4+$0x0], $0xffff  }
0x20a: {  	v15 =	vld.idx.msk [tilespmem:v1+s4+$0x0], $0xffff  }
0x20b: {  	[tilespmem:s13+$0xFFFFFF10] =	vst v6;
	v6 =	vld.idx.msk [tilespmem:v2+s4+$0x0], $0xffff  }
0x20c: {  	[tilespmem:s13+$0xFFFFFF20] =	vst v3;
	v7 =	vld.idx.msk [tilespmem:v7+s4+$0x0], $0xffff  }
0x20d: {  	[tilespmem:s13+$0xFFFFFF30] =	vst v4;
	v8 =	vld.idx.msk [tilespmem:v8+s4+$0x0], $0xffff  }
0x20e: {  	[tilespmem:s13+$0xFFFFFF40] =	vst v0;
	v0 =	vld.idx.msk [tilespmem:v9+s4+$0x0], $0xffff  }
.Ltmp1:
0x20f: {  	[tilespmem:s13+$0xFFFFFF50] =	vst v5;
	v1 =	vld.idx.msk [tilespmem:v10+s4+$0x0], $0xffff;
	(pc) =	sbr.rel @p0 .LBB2_4-.Ltmp1, $4  }
0x210: {  	[tilespmem:s13+$0xFFFFFF60] =	vst v15;
	v2 =	vld.idx.msk [tilespmem:v11+s4+$0x0], $0xffff  }
0x211: {  	[tilespmem:s13+$0xFFFFFF70] =	vst v6;
	v3 =	vld.idx.msk [tilespmem:v12+s4+$0x0], $0xffff  }
0x212: {  	[tilespmem:s13+$0xFFFFFF80] =	vst v7;
	v4 =	vld.idx.msk [tilespmem:v13+s4+$0x0], $0xffff  }
0x213: {  	s19 =	sadd.s32 $0x200, s19;
	[tilespmem:s13+$0xFFFFFF90] =	vst v8;
	v5 =	vld.idx.msk [tilespmem:v14+s4+$0x0], $0xffff  }
0x214: {  	[tilespmem:s13+$0xFFFFFFA0] =	vst v0  }
0x215: {  	[tilespmem:s13+$0xFFFFFFB0] =	vst v1  }
0x216: {  	[tilespmem:s13+$0xFFFFFFC0] =	vst v2  }
0x217: {  	[tilespmem:s13+$0xFFFFFFD0] =	vst v3  }
0x218: {  	[tilespmem:s13+$0xFFFFFFE0] =	vst v4  }
0x219: {  	[tilespmem:s13+$0xFFFFFFF0] =	vst v5  }
0x21a: {  	s12 =	simm.s32 $0x1AF00;
	s11 =	rddreg [dreg:$0x8]  }
0x21b: {  	[hbm4b:s11+s4] =	stream.linear.scatter [tilespmem:s12], [sflag:$0x7], $0x800, $0x38;
	[tilespmem:$0x1C700] =	vst v63  }
0x21c: {  	s18 =	simm.s32 $0x1BF00;
	s13 =	rddreg [dreg:$0x9]  }
0x21d: {  	[hbm4b:s13+s4] =	stream.linear.scatter [tilespmem:s18], [sflag:$0x9], $0x800, $0x38;
	[tilespmem:$0x1C700] =	vst v63  }
0x21e: {  	_ =	swait.ge [sflag:s22], $0x800  }
0x21f: {  	[sflag:s22] =	ssyncset.done $0x0  }
0x220: {  	[sflag:s22] =	ssyncadd.s32 $0xFFFFF800  }
0x221: {  	_ =	swait.ge [sflag:s23], $0x800  }
0x222: {  	[sflag:s23] =	ssyncset.done $0x0  }
0x223: {  	s19 =	simm.s32 $0x18780;
	[sflag:s23] =	ssyncadd.s32 $0xFFFFF800  }
0x224: {  	[tilespmem:s19], [sflag:$0x3] =	stream.linear.gather [hbm4b:s28+s4], $0x80, $0x38;
	[tilespmem:$0x1C700] =	vst v63  }
0x225: {  	s12 =	sadd.s32 $0x10, s28;
	s13 =	simm.s32 $0x18880  }
0x226: {  	[tilespmem:s13], [sflag:$0x3] =	stream.linear.gather [hbm4b:s12+s4], $0x80, $0x38;
	[tilespmem:$0x1C700] =	vst v63  }
0x227: {  	s18 =	sadd.s32 $0x20, s28;
	s19 =	simm.s32 $0x18980  }
0x228: {  	[tilespmem:s19], [sflag:$0x3] =	stream.linear.gather [hbm4b:s18+s4], $0x80, $0x38;
	[tilespmem:$0x1C700] =	vst v63  }
0x229: {  	s12 =	sadd.s32 $0x30, s28;
	s13 =	simm.s32 $0x18A80  }
0x22a: {  	[tilespmem:s13], [sflag:$0x3] =	stream.linear.gather [hbm4b:s12+s4], $0x80, $0x38;
	[tilespmem:$0x1C700] =	vst v63  }
0x22b: {  	s18 =	sadd.s32 $0x40, s28;
	s19 =	simm.s32 $0x18B80  }
0x22c: {  	[tilespmem:s19], [sflag:$0x3] =	stream.linear.gather [hbm4b:s18+s4], $0x80, $0x38;
	[tilespmem:$0x1C700] =	vst v63  }
0x22d: {  	s12 =	sadd.s32 $0x50, s28;
	s13 =	simm.s32 $0x18C80  }
0x22e: {  	[tilespmem:s13], [sflag:$0x3] =	stream.linear.gather [hbm4b:s12+s4], $0x80, $0x38;
	[tilespmem:$0x1C700] =	vst v63  }
0x22f: {  	s18 =	sadd.s32 $0x60, s28;
	s19 =	simm.s32 $0x18D80  }
0x230: {  	[tilespmem:s19], [sflag:$0x3] =	stream.linear.gather [hbm4b:s18+s4], $0x80, $0x38;
	[tilespmem:$0x1C700] =	vst v63  }
0x231: {  	s12 =	sadd.s32 $0x70, s28;
	s13 =	simm.s32 $0x18E80  }
0x232: {  	[tilespmem:s13], [sflag:$0x3] =	stream.linear.gather [hbm4b:s12+s4], $0x80, $0x38;
	[tilespmem:$0x1C700] =	vst v63  }
0x233: {  	s18 =	sadd.s32 $0x80, s28;
	s19 =	simm.s32 $0x18F80  }
0x234: {  	[tilespmem:s19], [sflag:$0x3] =	stream.linear.gather [hbm4b:s18+s4], $0x80, $0x38;
	[tilespmem:$0x1C700] =	vst v63  }
0x235: {  	s12 =	sadd.s32 $0x90, s28;
	s13 =	simm.s32 $0x19080  }
0x236: {  	[tilespmem:s13], [sflag:$0x3] =	stream.linear.gather [hbm4b:s12+s4], $0x80, $0x38;
	[tilespmem:$0x1C700] =	vst v63  }
0x237: {  	s18 =	sadd.s32 $0xA0, s28;
	s19 =	simm.s32 $0x19180  }
0x238: {  	[tilespmem:s19], [sflag:$0x3] =	stream.linear.gather [hbm4b:s18+s4], $0x80, $0x38;
	[tilespmem:$0x1C700] =	vst v63  }
0x239: {  	s12 =	sadd.s32 $0xB0, s28;
	s13 =	simm.s32 $0x19280  }
0x23a: {  	[tilespmem:s13], [sflag:$0x3] =	stream.linear.gather [hbm4b:s12+s4], $0x80, $0x38;
	[tilespmem:$0x1C700] =	vst v63  }
0x23b: {  	s18 =	sadd.s32 $0xC0, s28;
	s19 =	simm.s32 $0x19380  }
0x23c: {  	[tilespmem:s19], [sflag:$0x3] =	stream.linear.gather [hbm4b:s18+s4], $0x80, $0x38;
	[tilespmem:$0x1C700] =	vst v63  }
0x23d: {  	s12 =	sadd.s32 $0xD0, s28;
	s13 =	simm.s32 $0x19480  }
0x23e: {  	[tilespmem:s13], [sflag:$0x3] =	stream.linear.gather [hbm4b:s12+s4], $0x80, $0x38;
	[tilespmem:$0x1C700] =	vst v63  }
0x23f: {  	s18 =	sadd.s32 $0xE0, s28;
	s19 =	simm.s32 $0x19580  }
0x240: {  	[tilespmem:s19], [sflag:$0x3] =	stream.linear.gather [hbm4b:s18+s4], $0x80, $0x38;
	[tilespmem:$0x1C700] =	vst v63  }
0x241: {  	s13 =	sadd.s32 $0xF0, s28;
	s18 =	simm.s32 $0x19680  }
0x242: {  	[tilespmem:s18], [sflag:$0x3] =	stream.linear.gather [hbm4b:s13+s4], $0x80, $0x38;
	[tilespmem:$0x1C700] =	vst v63  }
0x243: {  	s19 =	simm.s32 $0x19780  }
0x244: {  	[tilespmem:s19], [sflag:$0x5] =	stream.linear.gather [hbm4b:s29+s4], $0x80, $0x38;
	[tilespmem:$0x1C700] =	vst v63  }
0x245: {  	s12 =	sadd.s32 $0x10, s29;
	s13 =	simm.s32 $0x19880  }
0x246: {  	[tilespmem:s13], [sflag:$0x5] =	stream.linear.gather [hbm4b:s12+s4], $0x80, $0x38;
	[tilespmem:$0x1C700] =	vst v63  }
0x247: {  	s18 =	sadd.s32 $0x20, s29;
	s19 =	simm.s32 $0x19980  }
0x248: {  	[tilespmem:s19], [sflag:$0x5] =	stream.linear.gather [hbm4b:s18+s4], $0x80, $0x38;
	[tilespmem:$0x1C700] =	vst v63  }
0x249: {  	s12 =	sadd.s32 $0x30, s29;
	s13 =	simm.s32 $0x19A80  }
0x24a: {  	[tilespmem:s13], [sflag:$0x5] =	stream.linear.gather [hbm4b:s12+s4], $0x80, $0x38;
	[tilespmem:$0x1C700] =	vst v63  }
0x24b: {  	s18 =	sadd.s32 $0x40, s29;
	s19 =	simm.s32 $0x19B80  }
0x24c: {  	[tilespmem:s19], [sflag:$0x5] =	stream.linear.gather [hbm4b:s18+s4], $0x80, $0x38;
	[tilespmem:$0x1C700] =	vst v63  }
0x24d: {  	s12 =	sadd.s32 $0x50, s29;
	s13 =	simm.s32 $0x19C80  }
0x24e: {  	[tilespmem:s13], [sflag:$0x5] =	stream.linear.gather [hbm4b:s12+s4], $0x80, $0x38;
	[tilespmem:$0x1C700] =	vst v63  }
0x24f: {  	s18 =	sadd.s32 $0x60, s29;
	s19 =	simm.s32 $0x19D80  }
0x250: {  	[tilespmem:s19], [sflag:$0x5] =	stream.linear.gather [hbm4b:s18+s4], $0x80, $0x38;
	[tilespmem:$0x1C700] =	vst v63  }
0x251: {  	s12 =	sadd.s32 $0x70, s29;
	s13 =	simm.s32 $0x19E80  }
0x252: {  	[tilespmem:s13], [sflag:$0x5] =	stream.linear.gather [hbm4b:s12+s4], $0x80, $0x38;
	[tilespmem:$0x1C700] =	vst v63  }
0x253: {  	s18 =	sadd.s32 $0x80, s29;
	s19 =	simm.s32 $0x19F80  }
0x254: {  	[tilespmem:s19], [sflag:$0x5] =	stream.linear.gather [hbm4b:s18+s4], $0x80, $0x38;
	[tilespmem:$0x1C700] =	vst v63  }
0x255: {  	s12 =	sadd.s32 $0x90, s29;
	s13 =	simm.s32 $0x1A080  }
0x256: {  	[tilespmem:s13], [sflag:$0x5] =	stream.linear.gather [hbm4b:s12+s4], $0x80, $0x38;
	[tilespmem:$0x1C700] =	vst v63  }
0x257: {  	s18 =	sadd.s32 $0xA0, s29;
	s19 =	simm.s32 $0x1A180  }
0x258: {  	[tilespmem:s19], [sflag:$0x5] =	stream.linear.gather [hbm4b:s18+s4], $0x80, $0x38;
	[tilespmem:$0x1C700] =	vst v63  }
0x259: {  	s12 =	sadd.s32 $0xB0, s29;
	s13 =	simm.s32 $0x1A280  }
0x25a: {  	[tilespmem:s13], [sflag:$0x5] =	stream.linear.gather [hbm4b:s12+s4], $0x80, $0x38;
	[tilespmem:$0x1C700] =	vst v63  }
0x25b: {  	s18 =	sadd.s32 $0xC0, s29;
	s19 =	simm.s32 $0x1A380  }
0x25c: {  	[tilespmem:s19], [sflag:$0x5] =	stream.linear.gather [hbm4b:s18+s4], $0x80, $0x38;
	[tilespmem:$0x1C700] =	vst v63  }
0x25d: {  	s12 =	sadd.s32 $0xD0, s29;
	s13 =	simm.s32 $0x1A480  }
0x25e: {  	[tilespmem:s13], [sflag:$0x5] =	stream.linear.gather [hbm4b:s12+s4], $0x80, $0x38;
	[tilespmem:$0x1C700] =	vst v63  }
0x25f: {  	s18 =	sadd.s32 $0xE0, s29;
	s19 =	simm.s32 $0x1A580  }
0x260: {  	[tilespmem:s19], [sflag:$0x5] =	stream.linear.gather [hbm4b:s18+s4], $0x80, $0x38;
	[tilespmem:$0x1C700] =	vst v63  }
0x261: {  	s13 =	sadd.s32 $0xF0, s29;
	s18 =	simm.s32 $0x1A680  }
0x262: {  	[tilespmem:s18], [sflag:$0x5] =	stream.linear.gather [hbm4b:s13+s4], $0x80, $0x38;
	[tilespmem:$0x1C700] =	vst v63  }
0x263: {  	_ =	swait.ge [sflag:s20], $0x800  }
0x264: {  	[sflag:s20] =	ssyncset.done $0x0  }
0x265: {  	[sflag:s20] =	ssyncadd.s32 $0xFFFFF800  }
0x266: {  	_ =	swait.ge [sflag:s21], $0x800  }
0x267: {  	[sflag:s21] =	ssyncset.done $0x0  }
0x268: {  	s19 =	simm.s32 $0x18800;
	[sflag:s21] =	ssyncadd.s32 $0xFFFFF800  }
0x269: {  	v0 =	vld [tilespmem:s19+$0x70]  }
0x26a: {  	v1 =	vld [tilespmem:s19+$0xFFFFFF10]  }
0x26b: {  	v2 =	vld [tilespmem:s19+$0xFFFFFF20]  }
0x26c: {  	v3 =	vld [tilespmem:s19+$0xFFFFFF30]  }
0x26d: {  	v4 =	vld [tilespmem:s19+$0xFFFFFF40]  }
0x26e: {  	v5 =	vld [tilespmem:s19+$0xFFFFFF50]  }
0x26f: {  	v6 =	vld [tilespmem:s19+$0xFFFFFF60]  }
0x270: {  	v7 =	vld [tilespmem:s19+$0xFFFFFF70]  }
0x271: {  	v8 =	vld [tilespmem:s19+$0x0]  }
0x272: {  	v9 =	vld [tilespmem:s19+$0x10]  }
0x273: {  	v10 =	vld [tilespmem:s19+$0x20]  }
0x274: {  	v11 =	vld [tilespmem:s19+$0x30]  }
0x275: {  	v12 =	vld [tilespmem:s19+$0x40]  }
0x276: {  	v13 =	vld [tilespmem:s19+$0x50]  }
0x277: {  	v14 =	vld [tilespmem:s19+$0x60]  }
0x278: {  	v15 =	vld [tilespmem:s19+$0xFFFFFF00]  }
0x279: {  	v0 =	vld.idx.msk [tilespmem:v0+s4+$0x0], $0xffff  }
0x27a: {  	v1 =	vld.idx.msk [tilespmem:v1+s4+$0x0], $0xffff  }
0x27b: {  	v2 =	vld.idx.msk [tilespmem:v2+s4+$0x0], $0xffff  }
0x27c: {  	v3 =	vld.idx.msk [tilespmem:v3+s4+$0x0], $0xffff  }
0x27d: {  	v4 =	vld.idx.msk [tilespmem:v4+s4+$0x0], $0xffff  }
0x27e: {  	v5 =	vld.idx.msk [tilespmem:v5+s4+$0x0], $0xffff  }
0x27f: {  	v6 =	vld.idx.msk [tilespmem:v6+s4+$0x0], $0xffff  }
0x280: {  	v15 =	vld.idx.msk [tilespmem:v15+s4+$0x0], $0xffff  }
0x281: {  	v7 =	vld.idx.msk [tilespmem:v7+s4+$0x0], $0xffff  }
0x282: {  	v8 =	vld.idx.msk [tilespmem:v8+s4+$0x0], $0xffff  }
0x283: {  	v9 =	vld.idx.msk [tilespmem:v9+s4+$0x0], $0xffff  }
0x284: {  	v10 =	vld.idx.msk [tilespmem:v10+s4+$0x0], $0xffff  }
0x285: {  	v11 =	vld.idx.msk [tilespmem:v11+s4+$0x0], $0xffff  }
0x286: {  	v12 =	vld.idx.msk [tilespmem:v12+s4+$0x0], $0xffff  }
0x287: {  	s11 =	simm.s32 $0x1A780;
	v13 =	vld.idx.msk [tilespmem:v13+s4+$0x0], $0xffff  }
0x288: {  	s12 =	simm.s32 $0x19800;
	v14 =	vld.idx.msk [tilespmem:v14+s4+$0x0], $0xffff;
	[tilespmem:s11+$0x70] =	vst v0  }
0x289: {  	[tilespmem:s11+$0xFFFFFF80] =	vst v15;
	v0 =	vld [tilespmem:s12+$0x70]  }
0x28a: {  	[tilespmem:s11+$0xFFFFFF90] =	vst v1;
	v1 =	vld [tilespmem:s12+$0xFFFFFF00]  }
0x28b: {  	[tilespmem:s11+$0xFFFFFFA0] =	vst v2;
	v2 =	vld [tilespmem:s12+$0xFFFFFF10]  }
0x28c: {  	[tilespmem:s11+$0xFFFFFFB0] =	vst v3;
	v3 =	vld [tilespmem:s12+$0xFFFFFF20]  }
0x28d: {  	[tilespmem:s11+$0xFFFFFFC0] =	vst v4;
	v4 =	vld [tilespmem:s12+$0xFFFFFF30]  }
0x28e: {  	[tilespmem:s11+$0xFFFFFFD0] =	vst v5;
	v5 =	vld [tilespmem:s12+$0xFFFFFF40]  }
0x28f: {  	[tilespmem:s11+$0xFFFFFFE0] =	vst v6;
	v6 =	vld [tilespmem:s12+$0xFFFFFF50]  }
0x290: {  	[tilespmem:s11+$0xFFFFFFF0] =	vst v7;
	v7 =	vld [tilespmem:s12+$0xFFFFFF60]  }
0x291: {  	[tilespmem:s11+$0x0] =	vst v8;
	v56 =	vld [tilespmem:s12+$0xFFFFFF70]  }
0x292: {  	[tilespmem:s11+$0x10] =	vst v9;
	v57 =	vld [tilespmem:s12+$0x0]  }
0x293: {  	[tilespmem:s11+$0x20] =	vst v10;
	v58 =	vld [tilespmem:s12+$0x10]  }
0x294: {  	[tilespmem:s11+$0x30] =	vst v11;
	v59 =	vld [tilespmem:s12+$0x20]  }
0x295: {  	[tilespmem:s11+$0x40] =	vst v12;
	v60 =	vld [tilespmem:s12+$0x30]  }
0x296: {  	[tilespmem:s11+$0x50] =	vst v13;
	v61 =	vld [tilespmem:s12+$0x40]  }
0x297: {  	[tilespmem:s11+$0x60] =	vst v14;
	v62 =	vld [tilespmem:s12+$0x50]  }
0x298: {  	v63 =	vld [tilespmem:s12+$0x60]  }
0x299: {  	v0 =	vld.idx.msk [tilespmem:v0+s4+$0x0], $0xffff  }
0x29a: {  	v1 =	vld.idx.msk [tilespmem:v1+s4+$0x0], $0xffff  }
0x29b: {  	v2 =	vld.idx.msk [tilespmem:v2+s4+$0x0], $0xffff  }
0x29c: {  	v3 =	vld.idx.msk [tilespmem:v3+s4+$0x0], $0xffff  }
0x29d: {  	v4 =	vld.idx.msk [tilespmem:v4+s4+$0x0], $0xffff  }
0x29e: {  	s13 =	simm.s32 $0x1B780;
	v5 =	vld.idx.msk [tilespmem:v5+s4+$0x0], $0xffff  }
0x29f: {  	v6 =	vld.idx.msk [tilespmem:v6+s4+$0x0], $0xffff;
	[tilespmem:s13+$0x70] =	vst v0  }
0x2a0: {  	v7 =	vld.idx.msk [tilespmem:v7+s4+$0x0], $0xffff;
	[tilespmem:s13+$0xFFFFFF80] =	vst v1  }
0x2a1: {  	v8 =	vld.idx.msk [tilespmem:v56+s4+$0x0], $0xffff;
	[tilespmem:s13+$0xFFFFFF90] =	vst v2  }
0x2a2: {  	v9 =	vld.idx.msk [tilespmem:v57+s4+$0x0], $0xffff;
	[tilespmem:s13+$0xFFFFFFA0] =	vst v3  }
0x2a3: {  	[tilespmem:s13+$0xFFFFFFB0] =	vst v4;
	v0 =	vld.idx.msk [tilespmem:v58+s4+$0x0], $0xffff  }
0x2a4: {  	[tilespmem:s13+$0xFFFFFFC0] =	vst v5;
	v1 =	vld.idx.msk [tilespmem:v59+s4+$0x0], $0xffff  }
0x2a5: {  	[tilespmem:s13+$0xFFFFFFD0] =	vst v6;
	v2 =	vld.idx.msk [tilespmem:v60+s4+$0x0], $0xffff  }
0x2a6: {  	[tilespmem:s13+$0xFFFFFFE0] =	vst v7;
	v3 =	vld.idx.msk [tilespmem:v61+s4+$0x0], $0xffff  }
0x2a7: {  	[tilespmem:s13+$0xFFFFFFF0] =	vst v8;
	v4 =	vld.idx.msk [tilespmem:v62+s4+$0x0], $0xffff  }
0x2a8: {  	s18 =	simm.s32 $0x0;
	s19 =	simm.s32 $0x18A00;
	[tilespmem:s13+$0x0] =	vst v9;
	v5 =	vld.idx.msk [tilespmem:v63+s4+$0x0], $0xffff  }
.LBB2_6:
0x2a9: {  	v6 =	vld [tilespmem:s19+$0x70];
	s18 =	sadd.s32 $0x10, s18;
	[tilespmem:s13+$0x10] =	vst v0  }
0x2aa: {  	v0 =	vld [tilespmem:s19+$0xFFFFFF10];
	p0 =	slt.u32 s18, $0x70;
	[tilespmem:s13+$0x20] =	vst v1  }
0x2ab: {  	v1 =	vld [tilespmem:s19+$0xFFFFFF20];
	[tilespmem:s13+$0x30] =	vst v2  }
0x2ac: {  	v2 =	vld [tilespmem:s19+$0xFFFFFF30];
	[tilespmem:s13+$0x40] =	vst v3  }
0x2ad: {  	v3 =	vld [tilespmem:s19+$0xFFFFFF40];
	[tilespmem:s13+$0x50] =	vst v4  }
0x2ae: {  	v4 =	vld [tilespmem:s19+$0xFFFFFF50];
	[tilespmem:s13+$0x60] =	vst v5  }
0x2af: {  	v5 =	vld [tilespmem:s19+$0xFFFFFF60]  }
0x2b0: {  	v7 =	vld [tilespmem:s19+$0xFFFFFF70]  }
0x2b1: {  	v6 =	vld.idx.msk [tilespmem:v6+s4+$0x0], $0xffff  }
0x2b2: {  	v8 =	vld [tilespmem:s19+$0x0]  }
0x2b3: {  	v9 =	vld [tilespmem:s19+$0x10]  }
0x2b4: {  	v10 =	vld [tilespmem:s19+$0x20]  }
0x2b5: {  	v11 =	vld [tilespmem:s19+$0x30]  }
0x2b6: {  	s11 =	sadd.s32 $0x100, s11;
	v12 =	vld [tilespmem:s19+$0x40]  }
0x2b7: {  	s12 =	sadd.s32 $0x200, s12;
	v13 =	vld [tilespmem:s19+$0x50];
	[tilespmem:s11+$0x70] =	vst v6  }
0x2b8: {  	v6 =	vld [tilespmem:s12+$0x70]  }
0x2b9: {  	v14 =	vld [tilespmem:s19+$0x60]  }
0x2ba: {  	v15 =	vld [tilespmem:s19+$0xFFFFFF00]  }
0x2bb: {  	v0 =	vld.idx.msk [tilespmem:v0+s4+$0x0], $0xffff  }
0x2bc: {  	v1 =	vld.idx.msk [tilespmem:v1+s4+$0x0], $0xffff  }
0x2bd: {  	v2 =	vld.idx.msk [tilespmem:v2+s4+$0x0], $0xffff  }
0x2be: {  	v3 =	vld.idx.msk [tilespmem:v3+s4+$0x0], $0xffff  }
0x2bf: {  	v4 =	vld.idx.msk [tilespmem:v4+s4+$0x0], $0xffff  }
0x2c0: {  	v6 =	vld.idx.msk [tilespmem:v6+s4+$0x0], $0xffff  }
0x2c1: {  	[tilespmem:s11+$0xFFFFFF90] =	vst v0;
	v0 =	vld.idx.msk [tilespmem:v5+s4+$0x0], $0xffff  }
0x2c2: {  	v5 =	vld.idx.msk [tilespmem:v15+s4+$0x0], $0xffff;
	[tilespmem:s11+$0xFFFFFFA0] =	vst v1  }
0x2c3: {  	[tilespmem:s11+$0xFFFFFFB0] =	vst v2;
	v1 =	vld.idx.msk [tilespmem:v7+s4+$0x0], $0xffff  }
0x2c4: {  	[tilespmem:s11+$0xFFFFFFC0] =	vst v3;
	v2 =	vld.idx.msk [tilespmem:v8+s4+$0x0], $0xffff  }
0x2c5: {  	s13 =	sadd.s32 $0x100, s13;
	[tilespmem:s11+$0xFFFFFFD0] =	vst v4;
	v3 =	vld.idx.msk [tilespmem:v9+s4+$0x0], $0xffff  }
0x2c6: {  	v4 =	vld.idx.msk [tilespmem:v10+s4+$0x0], $0xffff;
	[tilespmem:s13+$0x70] =	vst v6  }
0x2c7: {  	[tilespmem:s11+$0xFFFFFFE0] =	vst v0;
	v0 =	vld.idx.msk [tilespmem:v11+s4+$0x0], $0xffff  }
0x2c8: {  	[tilespmem:s11+$0xFFFFFF80] =	vst v5;
	v5 =	vld.idx.msk [tilespmem:v12+s4+$0x0], $0xffff  }
0x2c9: {  	[tilespmem:s11+$0xFFFFFFF0] =	vst v1;
	v1 =	vld.idx.msk [tilespmem:v13+s4+$0x0], $0xffff  }
0x2ca: {  	[tilespmem:s11+$0x0] =	vst v2;
	v2 =	vld.idx.msk [tilespmem:v14+s4+$0x0], $0xffff  }
0x2cb: {  	v6 =	vld [tilespmem:s12+$0xFFFFFF00];
	[tilespmem:s11+$0x10] =	vst v3  }
0x2cc: {  	v3 =	vld [tilespmem:s12+$0xFFFFFF10];
	[tilespmem:s11+$0x20] =	vst v4  }
0x2cd: {  	v4 =	vld [tilespmem:s12+$0xFFFFFF20];
	[tilespmem:s11+$0x30] =	vst v0  }
0x2ce: {  	v0 =	vld [tilespmem:s12+$0xFFFFFF30];
	[tilespmem:s11+$0x40] =	vst v5  }
0x2cf: {  	v5 =	vld [tilespmem:s12+$0xFFFFFF40];
	[tilespmem:s11+$0x50] =	vst v1  }
0x2d0: {  	v1 =	vld [tilespmem:s12+$0xFFFFFF50];
	[tilespmem:s11+$0x60] =	vst v2  }
0x2d1: {  	v2 =	vld [tilespmem:s12+$0xFFFFFF60]  }
0x2d2: {  	v7 =	vld [tilespmem:s12+$0xFFFFFF70]  }
0x2d3: {  	v8 =	vld [tilespmem:s12+$0x0]  }
0x2d4: {  	v9 =	vld [tilespmem:s12+$0x10]  }
0x2d5: {  	v10 =	vld [tilespmem:s12+$0x20]  }
0x2d6: {  	v11 =	vld [tilespmem:s12+$0x30]  }
0x2d7: {  	v12 =	vld [tilespmem:s12+$0x40]  }
0x2d8: {  	v13 =	vld [tilespmem:s12+$0x50]  }
0x2d9: {  	v14 =	vld [tilespmem:s12+$0x60]  }
0x2da: {  	v6 =	vld.idx.msk [tilespmem:v6+s4+$0x0], $0xffff  }
0x2db: {  	v3 =	vld.idx.msk [tilespmem:v3+s4+$0x0], $0xffff  }
0x2dc: {  	v4 =	vld.idx.msk [tilespmem:v4+s4+$0x0], $0xffff  }
0x2dd: {  	v0 =	vld.idx.msk [tilespmem:v0+s4+$0x0], $0xffff  }
0x2de: {  	v5 =	vld.idx.msk [tilespmem:v5+s4+$0x0], $0xffff  }
0x2df: {  	v15 =	vld.idx.msk [tilespmem:v1+s4+$0x0], $0xffff  }
0x2e0: {  	[tilespmem:s13+$0xFFFFFF80] =	vst v6;
	v6 =	vld.idx.msk [tilespmem:v2+s4+$0x0], $0xffff  }
0x2e1: {  	[tilespmem:s13+$0xFFFFFF90] =	vst v3;
	v7 =	vld.idx.msk [tilespmem:v7+s4+$0x0], $0xffff  }
0x2e2: {  	[tilespmem:s13+$0xFFFFFFA0] =	vst v4;
	v8 =	vld.idx.msk [tilespmem:v8+s4+$0x0], $0xffff  }
0x2e3: {  	[tilespmem:s13+$0xFFFFFFB0] =	vst v0;
	v0 =	vld.idx.msk [tilespmem:v9+s4+$0x0], $0xffff  }
.Ltmp2:
0x2e4: {  	[tilespmem:s13+$0xFFFFFFC0] =	vst v5;
	v1 =	vld.idx.msk [tilespmem:v10+s4+$0x0], $0xffff;
	(pc) =	sbr.rel @p0 .LBB2_6-.Ltmp2, $4  }
0x2e5: {  	[tilespmem:s13+$0xFFFFFFD0] =	vst v15;
	v2 =	vld.idx.msk [tilespmem:v11+s4+$0x0], $0xffff  }
0x2e6: {  	[tilespmem:s13+$0xFFFFFFE0] =	vst v6;
	v3 =	vld.idx.msk [tilespmem:v12+s4+$0x0], $0xffff  }
0x2e7: {  	[tilespmem:s13+$0xFFFFFFF0] =	vst v7;
	v4 =	vld.idx.msk [tilespmem:v13+s4+$0x0], $0xffff  }
0x2e8: {  	s19 =	sadd.s32 $0x200, s19;
	[tilespmem:s13+$0x0] =	vst v8;
	v5 =	vld.idx.msk [tilespmem:v14+s4+$0x0], $0xffff  }
0x2e9: {  	[tilespmem:s13+$0x10] =	vst v0  }
0x2ea: {  	[tilespmem:s13+$0x20] =	vst v1  }
0x2eb: {  	[tilespmem:s13+$0x30] =	vst v2  }
0x2ec: {  	[tilespmem:s13+$0x40] =	vst v3  }
0x2ed: {  	[tilespmem:s13+$0x50] =	vst v4  }
0x2ee: {  	[tilespmem:s13+$0x60] =	vst v5  }
0x2ef: {  	s12 =	simm.s32 $0x1A700;
	s11 =	rddreg [dreg:$0xa]  }
0x2f0: {  	[hbm4b:s11+s4] =	stream.linear.scatter [tilespmem:s12], [sflag:$0x6], $0x800, $0x38;
	[tilespmem:$0x1C700] =	vst v63  }
0x2f1: {  	s13 =	simm.s32 $0x1B700;
	s12 =	rddreg [dreg:$0xb]  }
0x2f2: {  	[hbm4b:s12+s4] =	stream.linear.scatter [tilespmem:s13], [sflag:$0x8], $0x800, $0x38;
	[tilespmem:$0x1C700] =	vst v63  }
0x2f3: {  	_ =	swait.ge [sflag:s14], $0x800  }
0x2f4: {  	[sflag:s14] =	ssyncset.done $0x0  }
0x2f5: {  	[sflag:s14] =	ssyncadd.s32 $0xFFFFF800  }
0x2f6: {  	_ =	swait.ge [sflag:s15], $0x800  }
0x2f7: {  	[sflag:s15] =	ssyncset.done $0x0  }
0x2f8: {  	s18 =	simm.s32 $0x18700;
	[sflag:s15] =	ssyncadd.s32 $0xFFFFF800  }
0x2f9: {  	[tilespmem:s18], [sflag:$0x2] =	stream.linear.gather [hbm4b:s30+s4], $0x80, $0x38;
	[tilespmem:$0x1C700] =	vst v63  }
0x2fa: {  	s19 =	sadd.s32 $0x10, s30  }
0x2fb: {  	[tilespmem:s16], [sflag:$0x2] =	stream.linear.gather [hbm4b:s19+s4], $0x80, $0x38;
	[tilespmem:$0x1C700] =	vst v63  }
0x2fc: {  	s12 =	sadd.s32 $0x20, s30;
	s13 =	simm.s32 $0x18900  }
0x2fd: {  	[tilespmem:s13], [sflag:$0x2] =	stream.linear.gather [hbm4b:s12+s4], $0x80, $0x38;
	[tilespmem:$0x1C700] =	vst v63  }
0x2fe: {  	s18 =	sadd.s32 $0x30, s30;
	s19 =	simm.s32 $0x18A00  }
0x2ff: {  	[tilespmem:s19], [sflag:$0x2] =	stream.linear.gather [hbm4b:s18+s4], $0x80, $0x38;
	[tilespmem:$0x1C700] =	vst v63  }
0x300: {  	s12 =	sadd.s32 $0x40, s30;
	s13 =	simm.s32 $0x18B00  }
0x301: {  	[tilespmem:s13], [sflag:$0x2] =	stream.linear.gather [hbm4b:s12+s4], $0x80, $0x38;
	[tilespmem:$0x1C700] =	vst v63  }
0x302: {  	s18 =	sadd.s32 $0x50, s30;
	s19 =	simm.s32 $0x18C00  }
0x303: {  	[tilespmem:s19], [sflag:$0x2] =	stream.linear.gather [hbm4b:s18+s4], $0x80, $0x38;
	[tilespmem:$0x1C700] =	vst v63  }
0x304: {  	s12 =	sadd.s32 $0x60, s30;
	s13 =	simm.s32 $0x18D00  }
0x305: {  	[tilespmem:s13], [sflag:$0x2] =	stream.linear.gather [hbm4b:s12+s4], $0x80, $0x38;
	[tilespmem:$0x1C700] =	vst v63  }
0x306: {  	s18 =	sadd.s32 $0x70, s30;
	s19 =	simm.s32 $0x18E00  }
0x307: {  	[tilespmem:s19], [sflag:$0x2] =	stream.linear.gather [hbm4b:s18+s4], $0x80, $0x38;
	[tilespmem:$0x1C700] =	vst v63  }
0x308: {  	s12 =	sadd.s32 $0x80, s30;
	s13 =	simm.s32 $0x18F00  }
0x309: {  	[tilespmem:s13], [sflag:$0x2] =	stream.linear.gather [hbm4b:s12+s4], $0x80, $0x38;
	[tilespmem:$0x1C700] =	vst v63  }
0x30a: {  	s18 =	sadd.s32 $0x90, s30;
	s19 =	simm.s32 $0x19000  }
0x30b: {  	[tilespmem:s19], [sflag:$0x2] =	stream.linear.gather [hbm4b:s18+s4], $0x80, $0x38;
	[tilespmem:$0x1C700] =	vst v63  }
0x30c: {  	s12 =	sadd.s32 $0xA0, s30;
	s13 =	simm.s32 $0x19100  }
0x30d: {  	[tilespmem:s13], [sflag:$0x2] =	stream.linear.gather [hbm4b:s12+s4], $0x80, $0x38;
	[tilespmem:$0x1C700] =	vst v63  }
0x30e: {  	s18 =	sadd.s32 $0xB0, s30;
	s19 =	simm.s32 $0x19200  }
0x30f: {  	[tilespmem:s19], [sflag:$0x2] =	stream.linear.gather [hbm4b:s18+s4], $0x80, $0x38;
	[tilespmem:$0x1C700] =	vst v63  }
0x310: {  	s12 =	sadd.s32 $0xC0, s30;
	s13 =	simm.s32 $0x19300  }
0x311: {  	[tilespmem:s13], [sflag:$0x2] =	stream.linear.gather [hbm4b:s12+s4], $0x80, $0x38;
	[tilespmem:$0x1C700] =	vst v63  }
0x312: {  	s18 =	sadd.s32 $0xD0, s30;
	s19 =	simm.s32 $0x19400  }
0x313: {  	[tilespmem:s19], [sflag:$0x2] =	stream.linear.gather [hbm4b:s18+s4], $0x80, $0x38;
	[tilespmem:$0x1C700] =	vst v63  }
0x314: {  	s12 =	sadd.s32 $0xE0, s30;
	s13 =	simm.s32 $0x19500  }
0x315: {  	[tilespmem:s13], [sflag:$0x2] =	stream.linear.gather [hbm4b:s12+s4], $0x80, $0x38;
	[tilespmem:$0x1C700] =	vst v63  }
0x316: {  	s18 =	sadd.s32 $0xF0, s30;
	s19 =	simm.s32 $0x19600  }
0x317: {  	[tilespmem:s19], [sflag:$0x2] =	stream.linear.gather [hbm4b:s18+s4], $0x80, $0x38;
	[tilespmem:$0x1C700] =	vst v63  }
0x318: {  	s12 =	simm.s32 $0x19700  }
0x319: {  	[tilespmem:s12], [sflag:$0x4] =	stream.linear.gather [hbm4b:s31+s4], $0x80, $0x38;
	[tilespmem:$0x1C700] =	vst v63  }
0x31a: {  	s13 =	sadd.s32 $0x10, s31  }
0x31b: {  	[tilespmem:s17], [sflag:$0x4] =	stream.linear.gather [hbm4b:s13+s4], $0x80, $0x38;
	[tilespmem:$0x1C700] =	vst v63  }
0x31c: {  	s18 =	sadd.s32 $0x20, s31;
	s19 =	simm.s32 $0x19900  }
0x31d: {  	[tilespmem:s19], [sflag:$0x4] =	stream.linear.gather [hbm4b:s18+s4], $0x80, $0x38;
	[tilespmem:$0x1C700] =	vst v63  }
0x31e: {  	s12 =	sadd.s32 $0x30, s31;
	s13 =	simm.s32 $0x19A00  }
0x31f: {  	[tilespmem:s13], [sflag:$0x4] =	stream.linear.gather [hbm4b:s12+s4], $0x80, $0x38;
	[tilespmem:$0x1C700] =	vst v63  }
0x320: {  	s18 =	sadd.s32 $0x40, s31;
	s19 =	simm.s32 $0x19B00  }
0x321: {  	[tilespmem:s19], [sflag:$0x4] =	stream.linear.gather [hbm4b:s18+s4], $0x80, $0x38;
	[tilespmem:$0x1C700] =	vst v63  }
0x322: {  	s12 =	sadd.s32 $0x50, s31;
	s13 =	simm.s32 $0x19C00  }
0x323: {  	[tilespmem:s13], [sflag:$0x4] =	stream.linear.gather [hbm4b:s12+s4], $0x80, $0x38;
	[tilespmem:$0x1C700] =	vst v63  }
0x324: {  	s18 =	sadd.s32 $0x60, s31;
	s19 =	simm.s32 $0x19D00  }
0x325: {  	[tilespmem:s19], [sflag:$0x4] =	stream.linear.gather [hbm4b:s18+s4], $0x80, $0x38;
	[tilespmem:$0x1C700] =	vst v63  }
0x326: {  	s12 =	sadd.s32 $0x70, s31;
	s13 =	simm.s32 $0x19E00  }
0x327: {  	[tilespmem:s13], [sflag:$0x4] =	stream.linear.gather [hbm4b:s12+s4], $0x80, $0x38;
	[tilespmem:$0x1C700] =	vst v63  }
0x328: {  	s18 =	sadd.s32 $0x80, s31;
	s19 =	simm.s32 $0x19F00  }
0x329: {  	[tilespmem:s19], [sflag:$0x4] =	stream.linear.gather [hbm4b:s18+s4], $0x80, $0x38;
	[tilespmem:$0x1C700] =	vst v63  }
0x32a: {  	s12 =	sadd.s32 $0x90, s31;
	s13 =	simm.s32 $0x1A000  }
0x32b: {  	[tilespmem:s13], [sflag:$0x4] =	stream.linear.gather [hbm4b:s12+s4], $0x80, $0x38;
	[tilespmem:$0x1C700] =	vst v63  }
0x32c: {  	s18 =	sadd.s32 $0xA0, s31;
	s19 =	simm.s32 $0x1A100  }
0x32d: {  	[tilespmem:s19], [sflag:$0x4] =	stream.linear.gather [hbm4b:s18+s4], $0x80, $0x38;
	[tilespmem:$0x1C700] =	vst v63  }
0x32e: {  	s12 =	sadd.s32 $0xB0, s31;
	s13 =	simm.s32 $0x1A200  }
0x32f: {  	[tilespmem:s13], [sflag:$0x4] =	stream.linear.gather [hbm4b:s12+s4], $0x80, $0x38;
	[tilespmem:$0x1C700] =	vst v63  }
0x330: {  	s18 =	sadd.s32 $0xC0, s31;
	s19 =	simm.s32 $0x1A300  }
0x331: {  	[tilespmem:s19], [sflag:$0x4] =	stream.linear.gather [hbm4b:s18+s4], $0x80, $0x38;
	[tilespmem:$0x1C700] =	vst v63  }
0x332: {  	s12 =	sadd.s32 $0xD0, s31;
	s13 =	simm.s32 $0x1A400  }
0x333: {  	[tilespmem:s13], [sflag:$0x4] =	stream.linear.gather [hbm4b:s12+s4], $0x80, $0x38;
	[tilespmem:$0x1C700] =	vst v63  }
0x334: {  	s18 =	sadd.s32 $0xE0, s31;
	s19 =	simm.s32 $0x1A500  }
0x335: {  	[tilespmem:s19], [sflag:$0x4] =	stream.linear.gather [hbm4b:s18+s4], $0x80, $0x38;
	[tilespmem:$0x1C700] =	vst v63  }
0x336: {  	s13 =	sadd.s32 $0xF0, s31;
	s18 =	simm.s32 $0x1A600  }
0x337: {  	[tilespmem:s18], [sflag:$0x4] =	stream.linear.gather [hbm4b:s13+s4], $0x80, $0x38;
	[tilespmem:$0x1C700] =	vst v63  }
0x338: {  	_ =	swait.ge [sflag:s24], $0x800  }
0x339: {  	[sflag:s24] =	ssyncset.done $0x0  }
0x33a: {  	[sflag:s24] =	ssyncadd.s32 $0xFFFFF800  }
0x33b: {  	_ =	swait.ge [sflag:s25], $0x800  }
0x33c: {  	[sflag:s25] =	ssyncset.done $0x0  }
0x33d: {  	s19 =	simm.s32 $0x18880;
	[sflag:s25] =	ssyncadd.s32 $0xFFFFF800  }
0x33e: {  	v0 =	vld [tilespmem:s19+$0x70]  }
0x33f: {  	v1 =	vld [tilespmem:s19+$0xFFFFFF10]  }
0x340: {  	v2 =	vld [tilespmem:s19+$0xFFFFFF20]  }
0x341: {  	v3 =	vld [tilespmem:s19+$0xFFFFFF30]  }
0x342: {  	v4 =	vld [tilespmem:s19+$0xFFFFFF40]  }
0x343: {  	v5 =	vld [tilespmem:s19+$0xFFFFFF50]  }
0x344: {  	v6 =	vld [tilespmem:s19+$0xFFFFFF60]  }
0x345: {  	v7 =	vld [tilespmem:s19+$0xFFFFFF70]  }
0x346: {  	v8 =	vld [tilespmem:s19+$0x0]  }
0x347: {  	v9 =	vld [tilespmem:s19+$0x10]  }
0x348: {  	v10 =	vld [tilespmem:s19+$0x20]  }
0x349: {  	v11 =	vld [tilespmem:s19+$0x30]  }
0x34a: {  	v12 =	vld [tilespmem:s19+$0x40]  }
0x34b: {  	v13 =	vld [tilespmem:s19+$0x50]  }
0x34c: {  	v14 =	vld [tilespmem:s19+$0x60]  }
0x34d: {  	v15 =	vld [tilespmem:s19+$0xFFFFFF00]  }
0x34e: {  	v0 =	vld.idx.msk [tilespmem:v0+s4+$0x0], $0xffff  }
0x34f: {  	v1 =	vld.idx.msk [tilespmem:v1+s4+$0x0], $0xffff  }
0x350: {  	v2 =	vld.idx.msk [tilespmem:v2+s4+$0x0], $0xffff  }
0x351: {  	v3 =	vld.idx.msk [tilespmem:v3+s4+$0x0], $0xffff  }
0x352: {  	v4 =	vld.idx.msk [tilespmem:v4+s4+$0x0], $0xffff  }
0x353: {  	v5 =	vld.idx.msk [tilespmem:v5+s4+$0x0], $0xffff  }
0x354: {  	v6 =	vld.idx.msk [tilespmem:v6+s4+$0x0], $0xffff  }
0x355: {  	v15 =	vld.idx.msk [tilespmem:v15+s4+$0x0], $0xffff  }
0x356: {  	v7 =	vld.idx.msk [tilespmem:v7+s4+$0x0], $0xffff  }
0x357: {  	v8 =	vld.idx.msk [tilespmem:v8+s4+$0x0], $0xffff  }
0x358: {  	v9 =	vld.idx.msk [tilespmem:v9+s4+$0x0], $0xffff  }
0x359: {  	v10 =	vld.idx.msk [tilespmem:v10+s4+$0x0], $0xffff  }
0x35a: {  	v11 =	vld.idx.msk [tilespmem:v11+s4+$0x0], $0xffff  }
0x35b: {  	v12 =	vld.idx.msk [tilespmem:v12+s4+$0x0], $0xffff  }
0x35c: {  	s11 =	simm.s32 $0x1AFF0;
	v13 =	vld.idx.msk [tilespmem:v13+s4+$0x0], $0xffff  }
0x35d: {  	s12 =	simm.s32 $0x19880;
	v14 =	vld.idx.msk [tilespmem:v14+s4+$0x0], $0xffff;
	[tilespmem:s11+$0x0] =	vst v0  }
0x35e: {  	[tilespmem:s11+$0xFFFFFF10] =	vst v15;
	v0 =	vld [tilespmem:s12+$0x70]  }
0x35f: {  	[tilespmem:s11+$0xFFFFFF20] =	vst v1;
	v1 =	vld [tilespmem:s12+$0xFFFFFF00]  }
0x360: {  	[tilespmem:s11+$0xFFFFFF30] =	vst v2;
	v2 =	vld [tilespmem:s12+$0xFFFFFF10]  }
0x361: {  	[tilespmem:s11+$0xFFFFFF40] =	vst v3;
	v3 =	vld [tilespmem:s12+$0xFFFFFF20]  }
0x362: {  	[tilespmem:s11+$0xFFFFFF50] =	vst v4;
	v4 =	vld [tilespmem:s12+$0xFFFFFF30]  }
0x363: {  	[tilespmem:s11+$0xFFFFFF60] =	vst v5;
	v5 =	vld [tilespmem:s12+$0xFFFFFF40]  }
0x364: {  	[tilespmem:s11+$0xFFFFFF70] =	vst v6;
	v6 =	vld [tilespmem:s12+$0xFFFFFF50]  }
0x365: {  	[tilespmem:s11+$0xFFFFFF80] =	vst v7;
	v7 =	vld [tilespmem:s12+$0xFFFFFF60]  }
0x366: {  	[tilespmem:s11+$0xFFFFFF90] =	vst v8;
	v56 =	vld [tilespmem:s12+$0xFFFFFF70]  }
0x367: {  	[tilespmem:s11+$0xFFFFFFA0] =	vst v9;
	v57 =	vld [tilespmem:s12+$0x0]  }
0x368: {  	[tilespmem:s11+$0xFFFFFFB0] =	vst v10;
	v58 =	vld [tilespmem:s12+$0x10]  }
0x369: {  	[tilespmem:s11+$0xFFFFFFC0] =	vst v11;
	v59 =	vld [tilespmem:s12+$0x20]  }
0x36a: {  	[tilespmem:s11+$0xFFFFFFD0] =	vst v12;
	v60 =	vld [tilespmem:s12+$0x30]  }
0x36b: {  	[tilespmem:s11+$0xFFFFFFE0] =	vst v13;
	v61 =	vld [tilespmem:s12+$0x40]  }
0x36c: {  	[tilespmem:s11+$0xFFFFFFF0] =	vst v14;
	v62 =	vld [tilespmem:s12+$0x50]  }
0x36d: {  	v63 =	vld [tilespmem:s12+$0x60]  }
0x36e: {  	v0 =	vld.idx.msk [tilespmem:v0+s4+$0x0], $0xffff  }
0x36f: {  	v1 =	vld.idx.msk [tilespmem:v1+s4+$0x0], $0xffff  }
0x370: {  	v2 =	vld.idx.msk [tilespmem:v2+s4+$0x0], $0xffff  }
0x371: {  	v3 =	vld.idx.msk [tilespmem:v3+s4+$0x0], $0xffff  }
0x372: {  	v4 =	vld.idx.msk [tilespmem:v4+s4+$0x0], $0xffff  }
0x373: {  	s13 =	simm.s32 $0x1BFF0;
	v5 =	vld.idx.msk [tilespmem:v5+s4+$0x0], $0xffff  }
0x374: {  	v6 =	vld.idx.msk [tilespmem:v6+s4+$0x0], $0xffff;
	[tilespmem:s13+$0x0] =	vst v0  }
0x375: {  	v7 =	vld.idx.msk [tilespmem:v7+s4+$0x0], $0xffff;
	[tilespmem:s13+$0xFFFFFF10] =	vst v1  }
0x376: {  	v8 =	vld.idx.msk [tilespmem:v56+s4+$0x0], $0xffff;
	[tilespmem:s13+$0xFFFFFF20] =	vst v2  }
0x377: {  	v9 =	vld.idx.msk [tilespmem:v57+s4+$0x0], $0xffff;
	[tilespmem:s13+$0xFFFFFF30] =	vst v3  }
0x378: {  	[tilespmem:s13+$0xFFFFFF40] =	vst v4;
	v0 =	vld.idx.msk [tilespmem:v58+s4+$0x0], $0xffff  }
0x379: {  	[tilespmem:s13+$0xFFFFFF50] =	vst v5;
	v1 =	vld.idx.msk [tilespmem:v59+s4+$0x0], $0xffff  }
0x37a: {  	[tilespmem:s13+$0xFFFFFF60] =	vst v6;
	v2 =	vld.idx.msk [tilespmem:v60+s4+$0x0], $0xffff  }
0x37b: {  	[tilespmem:s13+$0xFFFFFF70] =	vst v7;
	v3 =	vld.idx.msk [tilespmem:v61+s4+$0x0], $0xffff  }
0x37c: {  	[tilespmem:s13+$0xFFFFFF80] =	vst v8;
	v4 =	vld.idx.msk [tilespmem:v62+s4+$0x0], $0xffff  }
0x37d: {  	s18 =	simm.s32 $0x0;
	s19 =	simm.s32 $0x18A80;
	[tilespmem:s13+$0xFFFFFF90] =	vst v9;
	v5 =	vld.idx.msk [tilespmem:v63+s4+$0x0], $0xffff  }
.LBB2_8:
0x37e: {  	v6 =	vld [tilespmem:s19+$0x70];
	s18 =	sadd.s32 $0x10, s18;
	[tilespmem:s13+$0xFFFFFFA0] =	vst v0  }
0x37f: {  	v0 =	vld [tilespmem:s19+$0xFFFFFF10];
	p0 =	slt.u32 s18, $0x70;
	[tilespmem:s13+$0xFFFFFFB0] =	vst v1  }
0x380: {  	v1 =	vld [tilespmem:s19+$0xFFFFFF20];
	[tilespmem:s13+$0xFFFFFFC0] =	vst v2  }
0x381: {  	v2 =	vld [tilespmem:s19+$0xFFFFFF30];
	[tilespmem:s13+$0xFFFFFFD0] =	vst v3  }
0x382: {  	v3 =	vld [tilespmem:s19+$0xFFFFFF40];
	[tilespmem:s13+$0xFFFFFFE0] =	vst v4  }
0x383: {  	v4 =	vld [tilespmem:s19+$0xFFFFFF50];
	[tilespmem:s13+$0xFFFFFFF0] =	vst v5  }
0x384: {  	v5 =	vld [tilespmem:s19+$0xFFFFFF60]  }
0x385: {  	v7 =	vld [tilespmem:s19+$0xFFFFFF70]  }
0x386: {  	v6 =	vld.idx.msk [tilespmem:v6+s4+$0x0], $0xffff  }
0x387: {  	v8 =	vld [tilespmem:s19+$0x0]  }
0x388: {  	v9 =	vld [tilespmem:s19+$0x10]  }
0x389: {  	v10 =	vld [tilespmem:s19+$0x20]  }
0x38a: {  	v11 =	vld [tilespmem:s19+$0x30]  }
0x38b: {  	s11 =	sadd.s32 $0x100, s11;
	v12 =	vld [tilespmem:s19+$0x40]  }
0x38c: {  	s12 =	sadd.s32 $0x200, s12;
	v13 =	vld [tilespmem:s19+$0x50];
	[tilespmem:s11+$0x0] =	vst v6  }
0x38d: {  	v6 =	vld [tilespmem:s12+$0x70]  }
0x38e: {  	v14 =	vld [tilespmem:s19+$0x60]  }
0x38f: {  	v15 =	vld [tilespmem:s19+$0xFFFFFF00]  }
0x390: {  	v0 =	vld.idx.msk [tilespmem:v0+s4+$0x0], $0xffff  }
0x391: {  	v1 =	vld.idx.msk [tilespmem:v1+s4+$0x0], $0xffff  }
0x392: {  	v2 =	vld.idx.msk [tilespmem:v2+s4+$0x0], $0xffff  }
0x393: {  	v3 =	vld.idx.msk [tilespmem:v3+s4+$0x0], $0xffff  }
0x394: {  	v4 =	vld.idx.msk [tilespmem:v4+s4+$0x0], $0xffff  }
0x395: {  	v6 =	vld.idx.msk [tilespmem:v6+s4+$0x0], $0xffff  }
0x396: {  	[tilespmem:s11+$0xFFFFFF20] =	vst v0;
	v0 =	vld.idx.msk [tilespmem:v5+s4+$0x0], $0xffff  }
0x397: {  	v5 =	vld.idx.msk [tilespmem:v15+s4+$0x0], $0xffff;
	[tilespmem:s11+$0xFFFFFF30] =	vst v1  }
0x398: {  	[tilespmem:s11+$0xFFFFFF40] =	vst v2;
	v1 =	vld.idx.msk [tilespmem:v7+s4+$0x0], $0xffff  }
0x399: {  	[tilespmem:s11+$0xFFFFFF50] =	vst v3;
	v2 =	vld.idx.msk [tilespmem:v8+s4+$0x0], $0xffff  }
0x39a: {  	s13 =	sadd.s32 $0x100, s13;
	[tilespmem:s11+$0xFFFFFF60] =	vst v4;
	v3 =	vld.idx.msk [tilespmem:v9+s4+$0x0], $0xffff  }
0x39b: {  	v4 =	vld.idx.msk [tilespmem:v10+s4+$0x0], $0xffff;
	[tilespmem:s13+$0x0] =	vst v6  }
0x39c: {  	[tilespmem:s11+$0xFFFFFF70] =	vst v0;
	v0 =	vld.idx.msk [tilespmem:v11+s4+$0x0], $0xffff  }
0x39d: {  	[tilespmem:s11+$0xFFFFFF10] =	vst v5;
	v5 =	vld.idx.msk [tilespmem:v12+s4+$0x0], $0xffff  }
0x39e: {  	[tilespmem:s11+$0xFFFFFF80] =	vst v1;
	v1 =	vld.idx.msk [tilespmem:v13+s4+$0x0], $0xffff  }
0x39f: {  	[tilespmem:s11+$0xFFFFFF90] =	vst v2;
	v2 =	vld.idx.msk [tilespmem:v14+s4+$0x0], $0xffff  }
0x3a0: {  	v6 =	vld [tilespmem:s12+$0xFFFFFF00];
	[tilespmem:s11+$0xFFFFFFA0] =	vst v3  }
0x3a1: {  	v3 =	vld [tilespmem:s12+$0xFFFFFF10];
	[tilespmem:s11+$0xFFFFFFB0] =	vst v4  }
0x3a2: {  	v4 =	vld [tilespmem:s12+$0xFFFFFF20];
	[tilespmem:s11+$0xFFFFFFC0] =	vst v0  }
0x3a3: {  	v0 =	vld [tilespmem:s12+$0xFFFFFF30];
	[tilespmem:s11+$0xFFFFFFD0] =	vst v5  }
0x3a4: {  	v5 =	vld [tilespmem:s12+$0xFFFFFF40];
	[tilespmem:s11+$0xFFFFFFE0] =	vst v1  }
0x3a5: {  	v1 =	vld [tilespmem:s12+$0xFFFFFF50];
	[tilespmem:s11+$0xFFFFFFF0] =	vst v2  }
0x3a6: {  	v2 =	vld [tilespmem:s12+$0xFFFFFF60]  }
0x3a7: {  	v7 =	vld [tilespmem:s12+$0xFFFFFF70]  }
0x3a8: {  	v8 =	vld [tilespmem:s12+$0x0]  }
0x3a9: {  	v9 =	vld [tilespmem:s12+$0x10]  }
0x3aa: {  	v10 =	vld [tilespmem:s12+$0x20]  }
0x3ab: {  	v11 =	vld [tilespmem:s12+$0x30]  }
0x3ac: {  	v12 =	vld [tilespmem:s12+$0x40]  }
0x3ad: {  	v13 =	vld [tilespmem:s12+$0x50]  }
0x3ae: {  	v14 =	vld [tilespmem:s12+$0x60]  }
0x3af: {  	v6 =	vld.idx.msk [tilespmem:v6+s4+$0x0], $0xffff  }
0x3b0: {  	v3 =	vld.idx.msk [tilespmem:v3+s4+$0x0], $0xffff  }
0x3b1: {  	v4 =	vld.idx.msk [tilespmem:v4+s4+$0x0], $0xffff  }
0x3b2: {  	v0 =	vld.idx.msk [tilespmem:v0+s4+$0x0], $0xffff  }
0x3b3: {  	v5 =	vld.idx.msk [tilespmem:v5+s4+$0x0], $0xffff  }
0x3b4: {  	v15 =	vld.idx.msk [tilespmem:v1+s4+$0x0], $0xffff  }
0x3b5: {  	[tilespmem:s13+$0xFFFFFF10] =	vst v6;
	v6 =	vld.idx.msk [tilespmem:v2+s4+$0x0], $0xffff  }
0x3b6: {  	[tilespmem:s13+$0xFFFFFF20] =	vst v3;
	v7 =	vld.idx.msk [tilespmem:v7+s4+$0x0], $0xffff  }
0x3b7: {  	[tilespmem:s13+$0xFFFFFF30] =	vst v4;
	v8 =	vld.idx.msk [tilespmem:v8+s4+$0x0], $0xffff  }
0x3b8: {  	[tilespmem:s13+$0xFFFFFF40] =	vst v0;
	v0 =	vld.idx.msk [tilespmem:v9+s4+$0x0], $0xffff  }
.Ltmp3:
0x3b9: {  	[tilespmem:s13+$0xFFFFFF50] =	vst v5;
	v1 =	vld.idx.msk [tilespmem:v10+s4+$0x0], $0xffff;
	(pc) =	sbr.rel @p0 .LBB2_8-.Ltmp3, $4  }
0x3ba: {  	[tilespmem:s13+$0xFFFFFF60] =	vst v15;
	v2 =	vld.idx.msk [tilespmem:v11+s4+$0x0], $0xffff  }
0x3bb: {  	[tilespmem:s13+$0xFFFFFF70] =	vst v6;
	v3 =	vld.idx.msk [tilespmem:v12+s4+$0x0], $0xffff  }
0x3bc: {  	[tilespmem:s13+$0xFFFFFF80] =	vst v7;
	v4 =	vld.idx.msk [tilespmem:v13+s4+$0x0], $0xffff  }
0x3bd: {  	s19 =	sadd.s32 $0x200, s19;
	[tilespmem:s13+$0xFFFFFF90] =	vst v8;
	v5 =	vld.idx.msk [tilespmem:v14+s4+$0x0], $0xffff  }
0x3be: {  	[tilespmem:s13+$0xFFFFFFA0] =	vst v0  }
0x3bf: {  	[tilespmem:s13+$0xFFFFFFB0] =	vst v1  }
0x3c0: {  	[tilespmem:s13+$0xFFFFFFC0] =	vst v2  }
0x3c1: {  	[tilespmem:s13+$0xFFFFFFD0] =	vst v3  }
0x3c2: {  	[tilespmem:s13+$0xFFFFFFE0] =	vst v4  }
0x3c3: {  	[tilespmem:s13+$0xFFFFFFF0] =	vst v5  }
0x3c4: {  	s12 =	simm.s32 $0x1AF00;
	s11 =	rddreg [dreg:$0xc]  }
0x3c5: {  	[hbm4b:s11+s4] =	stream.linear.scatter [tilespmem:s12], [sflag:$0x7], $0x800, $0x38;
	[tilespmem:$0x1C700] =	vst v63  }
0x3c6: {  	s18 =	simm.s32 $0x1BF00;
	s13 =	rddreg [dreg:$0xd]  }
0x3c7: {  	[hbm4b:s13+s4] =	stream.linear.scatter [tilespmem:s18], [sflag:$0x9], $0x800, $0x38;
	[tilespmem:$0x1C700] =	vst v63  }
0x3c8: {  	_ =	swait.ge [sflag:s22], $0x800  }
0x3c9: {  	[sflag:s22] =	ssyncset.done $0x0  }
0x3ca: {  	[sflag:s22] =	ssyncadd.s32 $0xFFFFF800  }
0x3cb: {  	_ =	swait.ge [sflag:s23], $0x800  }
0x3cc: {  	[sflag:s23] =	ssyncset.done $0x0  }
0x3cd: {  	s19 =	simm.s32 $0x18780;
	[sflag:s23] =	ssyncadd.s32 $0xFFFFF800  }
0x3ce: {  	[tilespmem:s19], [sflag:$0x3] =	stream.linear.gather [hbm4b:s2+s4], $0x80, $0x38;
	[tilespmem:$0x1C700] =	vst v63  }
0x3cf: {  	s12 =	sadd.s32 $0x10, s2;
	s13 =	simm.s32 $0x18880  }
0x3d0: {  	[tilespmem:s13], [sflag:$0x3] =	stream.linear.gather [hbm4b:s12+s4], $0x80, $0x38;
	[tilespmem:$0x1C700] =	vst v63  }
0x3d1: {  	s18 =	sadd.s32 $0x20, s2;
	s19 =	simm.s32 $0x18980  }
0x3d2: {  	[tilespmem:s19], [sflag:$0x3] =	stream.linear.gather [hbm4b:s18+s4], $0x80, $0x38;
	[tilespmem:$0x1C700] =	vst v63  }
0x3d3: {  	s12 =	sadd.s32 $0x30, s2;
	s13 =	simm.s32 $0x18A80  }
0x3d4: {  	[tilespmem:s13], [sflag:$0x3] =	stream.linear.gather [hbm4b:s12+s4], $0x80, $0x38;
	[tilespmem:$0x1C700] =	vst v63  }
0x3d5: {  	s18 =	sadd.s32 $0x40, s2;
	s19 =	simm.s32 $0x18B80  }
0x3d6: {  	[tilespmem:s19], [sflag:$0x3] =	stream.linear.gather [hbm4b:s18+s4], $0x80, $0x38;
	[tilespmem:$0x1C700] =	vst v63  }
0x3d7: {  	s12 =	sadd.s32 $0x50, s2;
	s13 =	simm.s32 $0x18C80  }
0x3d8: {  	[tilespmem:s13], [sflag:$0x3] =	stream.linear.gather [hbm4b:s12+s4], $0x80, $0x38;
	[tilespmem:$0x1C700] =	vst v63  }
0x3d9: {  	s18 =	sadd.s32 $0x60, s2;
	s19 =	simm.s32 $0x18D80  }
0x3da: {  	[tilespmem:s19], [sflag:$0x3] =	stream.linear.gather [hbm4b:s18+s4], $0x80, $0x38;
	[tilespmem:$0x1C700] =	vst v63  }
0x3db: {  	s12 =	sadd.s32 $0x70, s2;
	s13 =	simm.s32 $0x18E80  }
0x3dc: {  	[tilespmem:s13], [sflag:$0x3] =	stream.linear.gather [hbm4b:s12+s4], $0x80, $0x38;
	[tilespmem:$0x1C700] =	vst v63  }
0x3dd: {  	s18 =	sadd.s32 $0x80, s2;
	s19 =	simm.s32 $0x18F80  }
0x3de: {  	[tilespmem:s19], [sflag:$0x3] =	stream.linear.gather [hbm4b:s18+s4], $0x80, $0x38;
	[tilespmem:$0x1C700] =	vst v63  }
0x3df: {  	s12 =	sadd.s32 $0x90, s2;
	s13 =	simm.s32 $0x19080  }
0x3e0: {  	[tilespmem:s13], [sflag:$0x3] =	stream.linear.gather [hbm4b:s12+s4], $0x80, $0x38;
	[tilespmem:$0x1C700] =	vst v63  }
0x3e1: {  	s18 =	sadd.s32 $0xA0, s2;
	s19 =	simm.s32 $0x19180  }
0x3e2: {  	[tilespmem:s19], [sflag:$0x3] =	stream.linear.gather [hbm4b:s18+s4], $0x80, $0x38;
	[tilespmem:$0x1C700] =	vst v63  }
0x3e3: {  	s12 =	sadd.s32 $0xB0, s2;
	s13 =	simm.s32 $0x19280  }
0x3e4: {  	[tilespmem:s13], [sflag:$0x3] =	stream.linear.gather [hbm4b:s12+s4], $0x80, $0x38;
	[tilespmem:$0x1C700] =	vst v63  }
0x3e5: {  	s18 =	sadd.s32 $0xC0, s2;
	s19 =	simm.s32 $0x19380  }
0x3e6: {  	[tilespmem:s19], [sflag:$0x3] =	stream.linear.gather [hbm4b:s18+s4], $0x80, $0x38;
	[tilespmem:$0x1C700] =	vst v63  }
0x3e7: {  	s12 =	sadd.s32 $0xD0, s2;
	s13 =	simm.s32 $0x19480  }
0x3e8: {  	[tilespmem:s13], [sflag:$0x3] =	stream.linear.gather [hbm4b:s12+s4], $0x80, $0x38;
	[tilespmem:$0x1C700] =	vst v63  }
0x3e9: {  	s18 =	sadd.s32 $0xE0, s2;
	s19 =	simm.s32 $0x19580  }
0x3ea: {  	[tilespmem:s19], [sflag:$0x3] =	stream.linear.gather [hbm4b:s18+s4], $0x80, $0x38;
	[tilespmem:$0x1C700] =	vst v63  }
0x3eb: {  	s13 =	sadd.s32 $0xF0, s2;
	s18 =	simm.s32 $0x19680  }
0x3ec: {  	[tilespmem:s18], [sflag:$0x3] =	stream.linear.gather [hbm4b:s13+s4], $0x80, $0x38;
	[tilespmem:$0x1C700] =	vst v63  }
0x3ed: {  	s19 =	simm.s32 $0x19780  }
0x3ee: {  	[tilespmem:s19], [sflag:$0x5] =	stream.linear.gather [hbm4b:s0+s4], $0x80, $0x38;
	[tilespmem:$0x1C700] =	vst v63  }
0x3ef: {  	s12 =	sadd.s32 $0x10, s0;
	s13 =	simm.s32 $0x19880  }
0x3f0: {  	[tilespmem:s13], [sflag:$0x5] =	stream.linear.gather [hbm4b:s12+s4], $0x80, $0x38;
	[tilespmem:$0x1C700] =	vst v63  }
0x3f1: {  	s18 =	sadd.s32 $0x20, s0;
	s19 =	simm.s32 $0x19980  }
0x3f2: {  	[tilespmem:s19], [sflag:$0x5] =	stream.linear.gather [hbm4b:s18+s4], $0x80, $0x38;
	[tilespmem:$0x1C700] =	vst v63  }
0x3f3: {  	s12 =	sadd.s32 $0x30, s0;
	s13 =	simm.s32 $0x19A80  }
0x3f4: {  	[tilespmem:s13], [sflag:$0x5] =	stream.linear.gather [hbm4b:s12+s4], $0x80, $0x38;
	[tilespmem:$0x1C700] =	vst v63  }
0x3f5: {  	s18 =	sadd.s32 $0x40, s0;
	s19 =	simm.s32 $0x19B80  }
0x3f6: {  	[tilespmem:s19], [sflag:$0x5] =	stream.linear.gather [hbm4b:s18+s4], $0x80, $0x38;
	[tilespmem:$0x1C700] =	vst v63  }
0x3f7: {  	s12 =	sadd.s32 $0x50, s0;
	s13 =	simm.s32 $0x19C80  }
0x3f8: {  	[tilespmem:s13], [sflag:$0x5] =	stream.linear.gather [hbm4b:s12+s4], $0x80, $0x38;
	[tilespmem:$0x1C700] =	vst v63  }
0x3f9: {  	s18 =	sadd.s32 $0x60, s0;
	s19 =	simm.s32 $0x19D80  }
0x3fa: {  	[tilespmem:s19], [sflag:$0x5] =	stream.linear.gather [hbm4b:s18+s4], $0x80, $0x38;
	[tilespmem:$0x1C700] =	vst v63  }
0x3fb: {  	s12 =	sadd.s32 $0x70, s0;
	s13 =	simm.s32 $0x19E80  }
0x3fc: {  	[tilespmem:s13], [sflag:$0x5] =	stream.linear.gather [hbm4b:s12+s4], $0x80, $0x38;
	[tilespmem:$0x1C700] =	vst v63  }
0x3fd: {  	s18 =	sadd.s32 $0x80, s0;
	s19 =	simm.s32 $0x19F80  }
0x3fe: {  	[tilespmem:s19], [sflag:$0x5] =	stream.linear.gather [hbm4b:s18+s4], $0x80, $0x38;
	[tilespmem:$0x1C700] =	vst v63  }
0x3ff: {  	s12 =	sadd.s32 $0x90, s0;
	s13 =	simm.s32 $0x1A080  }
0x400: {  	[tilespmem:s13], [sflag:$0x5] =	stream.linear.gather [hbm4b:s12+s4], $0x80, $0x38;
	[tilespmem:$0x1C700] =	vst v63  }
0x401: {  	s18 =	sadd.s32 $0xA0, s0;
	s19 =	simm.s32 $0x1A180  }
0x402: {  	[tilespmem:s19], [sflag:$0x5] =	stream.linear.gather [hbm4b:s18+s4], $0x80, $0x38;
	[tilespmem:$0x1C700] =	vst v63  }
0x403: {  	s12 =	sadd.s32 $0xB0, s0;
	s13 =	simm.s32 $0x1A280  }
0x404: {  	[tilespmem:s13], [sflag:$0x5] =	stream.linear.gather [hbm4b:s12+s4], $0x80, $0x38;
	[tilespmem:$0x1C700] =	vst v63  }
0x405: {  	s18 =	sadd.s32 $0xC0, s0;
	s19 =	simm.s32 $0x1A380  }
0x406: {  	[tilespmem:s19], [sflag:$0x5] =	stream.linear.gather [hbm4b:s18+s4], $0x80, $0x38;
	[tilespmem:$0x1C700] =	vst v63  }
0x407: {  	s12 =	sadd.s32 $0xD0, s0;
	s13 =	simm.s32 $0x1A480  }
0x408: {  	[tilespmem:s13], [sflag:$0x5] =	stream.linear.gather [hbm4b:s12+s4], $0x80, $0x38;
	[tilespmem:$0x1C700] =	vst v63  }
0x409: {  	s18 =	sadd.s32 $0xE0, s0;
	s19 =	simm.s32 $0x1A580  }
0x40a: {  	[tilespmem:s19], [sflag:$0x5] =	stream.linear.gather [hbm4b:s18+s4], $0x80, $0x38;
	[tilespmem:$0x1C700] =	vst v63  }
0x40b: {  	s13 =	sadd.s32 $0xF0, s0;
	s18 =	simm.s32 $0x1A680  }
0x40c: {  	[tilespmem:s18], [sflag:$0x5] =	stream.linear.gather [hbm4b:s13+s4], $0x80, $0x38;
	[tilespmem:$0x1C700] =	vst v63  }
0x40d: {  	_ =	swait.ge [sflag:s20], $0x800  }
0x40e: {  	[sflag:s20] =	ssyncset.done $0x0  }
0x40f: {  	[sflag:s20] =	ssyncadd.s32 $0xFFFFF800  }
0x410: {  	_ =	swait.ge [sflag:s21], $0x800  }
0x411: {  	[sflag:s21] =	ssyncset.done $0x0  }
0x412: {  	s19 =	simm.s32 $0x18800;
	[sflag:s21] =	ssyncadd.s32 $0xFFFFF800  }
0x413: {  	v0 =	vld [tilespmem:s19+$0x70]  }
0x414: {  	v1 =	vld [tilespmem:s19+$0xFFFFFF10]  }
0x415: {  	v2 =	vld [tilespmem:s19+$0xFFFFFF20]  }
0x416: {  	v3 =	vld [tilespmem:s19+$0xFFFFFF30]  }
0x417: {  	v4 =	vld [tilespmem:s19+$0xFFFFFF40]  }
0x418: {  	v5 =	vld [tilespmem:s19+$0xFFFFFF50]  }
0x419: {  	v6 =	vld [tilespmem:s19+$0xFFFFFF60]  }
0x41a: {  	v7 =	vld [tilespmem:s19+$0xFFFFFF70]  }
0x41b: {  	v8 =	vld [tilespmem:s19+$0x0]  }
0x41c: {  	v9 =	vld [tilespmem:s19+$0x10]  }
0x41d: {  	v10 =	vld [tilespmem:s19+$0x20]  }
0x41e: {  	v11 =	vld [tilespmem:s19+$0x30]  }
0x41f: {  	v12 =	vld [tilespmem:s19+$0x40]  }
0x420: {  	v13 =	vld [tilespmem:s19+$0x50]  }
0x421: {  	v14 =	vld [tilespmem:s19+$0x60]  }
0x422: {  	v15 =	vld [tilespmem:s19+$0xFFFFFF00]  }
0x423: {  	v0 =	vld.idx.msk [tilespmem:v0+s4+$0x0], $0xffff  }
0x424: {  	v1 =	vld.idx.msk [tilespmem:v1+s4+$0x0], $0xffff  }
0x425: {  	v2 =	vld.idx.msk [tilespmem:v2+s4+$0x0], $0xffff  }
0x426: {  	v3 =	vld.idx.msk [tilespmem:v3+s4+$0x0], $0xffff  }
0x427: {  	v4 =	vld.idx.msk [tilespmem:v4+s4+$0x0], $0xffff  }
0x428: {  	v5 =	vld.idx.msk [tilespmem:v5+s4+$0x0], $0xffff  }
0x429: {  	v6 =	vld.idx.msk [tilespmem:v6+s4+$0x0], $0xffff  }
0x42a: {  	v15 =	vld.idx.msk [tilespmem:v15+s4+$0x0], $0xffff  }
0x42b: {  	v7 =	vld.idx.msk [tilespmem:v7+s4+$0x0], $0xffff  }
0x42c: {  	v8 =	vld.idx.msk [tilespmem:v8+s4+$0x0], $0xffff  }
0x42d: {  	v9 =	vld.idx.msk [tilespmem:v9+s4+$0x0], $0xffff  }
0x42e: {  	v10 =	vld.idx.msk [tilespmem:v10+s4+$0x0], $0xffff  }
0x42f: {  	v11 =	vld.idx.msk [tilespmem:v11+s4+$0x0], $0xffff  }
0x430: {  	v12 =	vld.idx.msk [tilespmem:v12+s4+$0x0], $0xffff  }
0x431: {  	s11 =	simm.s32 $0x1A780;
	v13 =	vld.idx.msk [tilespmem:v13+s4+$0x0], $0xffff  }
0x432: {  	s12 =	simm.s32 $0x19800;
	v14 =	vld.idx.msk [tilespmem:v14+s4+$0x0], $0xffff;
	[tilespmem:s11+$0x70] =	vst v0  }
0x433: {  	[tilespmem:s11+$0xFFFFFF80] =	vst v15;
	v0 =	vld [tilespmem:s12+$0x70]  }
0x434: {  	[tilespmem:s11+$0xFFFFFF90] =	vst v1;
	v1 =	vld [tilespmem:s12+$0xFFFFFF00]  }
0x435: {  	[tilespmem:s11+$0xFFFFFFA0] =	vst v2;
	v2 =	vld [tilespmem:s12+$0xFFFFFF10]  }
0x436: {  	[tilespmem:s11+$0xFFFFFFB0] =	vst v3;
	v3 =	vld [tilespmem:s12+$0xFFFFFF20]  }
0x437: {  	[tilespmem:s11+$0xFFFFFFC0] =	vst v4;
	v4 =	vld [tilespmem:s12+$0xFFFFFF30]  }
0x438: {  	[tilespmem:s11+$0xFFFFFFD0] =	vst v5;
	v5 =	vld [tilespmem:s12+$0xFFFFFF40]  }
0x439: {  	[tilespmem:s11+$0xFFFFFFE0] =	vst v6;
	v6 =	vld [tilespmem:s12+$0xFFFFFF50]  }
0x43a: {  	[tilespmem:s11+$0xFFFFFFF0] =	vst v7;
	v7 =	vld [tilespmem:s12+$0xFFFFFF60]  }
0x43b: {  	[tilespmem:s11+$0x0] =	vst v8;
	v56 =	vld [tilespmem:s12+$0xFFFFFF70]  }
0x43c: {  	[tilespmem:s11+$0x10] =	vst v9;
	v57 =	vld [tilespmem:s12+$0x0]  }
0x43d: {  	[tilespmem:s11+$0x20] =	vst v10;
	v58 =	vld [tilespmem:s12+$0x10]  }
0x43e: {  	[tilespmem:s11+$0x30] =	vst v11;
	v59 =	vld [tilespmem:s12+$0x20]  }
0x43f: {  	[tilespmem:s11+$0x40] =	vst v12;
	v60 =	vld [tilespmem:s12+$0x30]  }
0x440: {  	[tilespmem:s11+$0x50] =	vst v13;
	v61 =	vld [tilespmem:s12+$0x40]  }
0x441: {  	[tilespmem:s11+$0x60] =	vst v14;
	v62 =	vld [tilespmem:s12+$0x50]  }
0x442: {  	v63 =	vld [tilespmem:s12+$0x60]  }
0x443: {  	v0 =	vld.idx.msk [tilespmem:v0+s4+$0x0], $0xffff  }
0x444: {  	v1 =	vld.idx.msk [tilespmem:v1+s4+$0x0], $0xffff  }
0x445: {  	v2 =	vld.idx.msk [tilespmem:v2+s4+$0x0], $0xffff  }
0x446: {  	v3 =	vld.idx.msk [tilespmem:v3+s4+$0x0], $0xffff  }
0x447: {  	v4 =	vld.idx.msk [tilespmem:v4+s4+$0x0], $0xffff  }
0x448: {  	s13 =	simm.s32 $0x1B780;
	v5 =	vld.idx.msk [tilespmem:v5+s4+$0x0], $0xffff  }
0x449: {  	v6 =	vld.idx.msk [tilespmem:v6+s4+$0x0], $0xffff;
	[tilespmem:s13+$0x70] =	vst v0  }
0x44a: {  	v7 =	vld.idx.msk [tilespmem:v7+s4+$0x0], $0xffff;
	[tilespmem:s13+$0xFFFFFF80] =	vst v1  }
0x44b: {  	v8 =	vld.idx.msk [tilespmem:v56+s4+$0x0], $0xffff;
	[tilespmem:s13+$0xFFFFFF90] =	vst v2  }
0x44c: {  	v9 =	vld.idx.msk [tilespmem:v57+s4+$0x0], $0xffff;
	[tilespmem:s13+$0xFFFFFFA0] =	vst v3  }
0x44d: {  	[tilespmem:s13+$0xFFFFFFB0] =	vst v4;
	v0 =	vld.idx.msk [tilespmem:v58+s4+$0x0], $0xffff  }
0x44e: {  	[tilespmem:s13+$0xFFFFFFC0] =	vst v5;
	v1 =	vld.idx.msk [tilespmem:v59+s4+$0x0], $0xffff  }
0x44f: {  	[tilespmem:s13+$0xFFFFFFD0] =	vst v6;
	v2 =	vld.idx.msk [tilespmem:v60+s4+$0x0], $0xffff  }
0x450: {  	[tilespmem:s13+$0xFFFFFFE0] =	vst v7;
	v3 =	vld.idx.msk [tilespmem:v61+s4+$0x0], $0xffff  }
0x451: {  	[tilespmem:s13+$0xFFFFFFF0] =	vst v8;
	v4 =	vld.idx.msk [tilespmem:v62+s4+$0x0], $0xffff  }
0x452: {  	s18 =	simm.s32 $0x0;
	s19 =	simm.s32 $0x18A00;
	[tilespmem:s13+$0x0] =	vst v9;
	v5 =	vld.idx.msk [tilespmem:v63+s4+$0x0], $0xffff  }
.LBB2_10:
0x453: {  	v6 =	vld [tilespmem:s19+$0x70];
	s18 =	sadd.s32 $0x10, s18;
	[tilespmem:s13+$0x10] =	vst v0  }
0x454: {  	v0 =	vld [tilespmem:s19+$0xFFFFFF10];
	p0 =	slt.u32 s18, $0x70;
	[tilespmem:s13+$0x20] =	vst v1  }
0x455: {  	v1 =	vld [tilespmem:s19+$0xFFFFFF20];
	[tilespmem:s13+$0x30] =	vst v2  }
0x456: {  	v2 =	vld [tilespmem:s19+$0xFFFFFF30];
	[tilespmem:s13+$0x40] =	vst v3  }
0x457: {  	v3 =	vld [tilespmem:s19+$0xFFFFFF40];
	[tilespmem:s13+$0x50] =	vst v4  }
0x458: {  	v4 =	vld [tilespmem:s19+$0xFFFFFF50];
	[tilespmem:s13+$0x60] =	vst v5  }
0x459: {  	v5 =	vld [tilespmem:s19+$0xFFFFFF60]  }
0x45a: {  	v7 =	vld [tilespmem:s19+$0xFFFFFF70]  }
0x45b: {  	v6 =	vld.idx.msk [tilespmem:v6+s4+$0x0], $0xffff  }
0x45c: {  	v8 =	vld [tilespmem:s19+$0x0]  }
0x45d: {  	v9 =	vld [tilespmem:s19+$0x10]  }
0x45e: {  	v10 =	vld [tilespmem:s19+$0x20]  }
0x45f: {  	v11 =	vld [tilespmem:s19+$0x30]  }
0x460: {  	s11 =	sadd.s32 $0x100, s11;
	v12 =	vld [tilespmem:s19+$0x40]  }
0x461: {  	s12 =	sadd.s32 $0x200, s12;
	v13 =	vld [tilespmem:s19+$0x50];
	[tilespmem:s11+$0x70] =	vst v6  }
0x462: {  	v6 =	vld [tilespmem:s12+$0x70]  }
0x463: {  	v14 =	vld [tilespmem:s19+$0x60]  }
0x464: {  	v15 =	vld [tilespmem:s19+$0xFFFFFF00]  }
0x465: {  	v0 =	vld.idx.msk [tilespmem:v0+s4+$0x0], $0xffff  }
0x466: {  	v1 =	vld.idx.msk [tilespmem:v1+s4+$0x0], $0xffff  }
0x467: {  	v2 =	vld.idx.msk [tilespmem:v2+s4+$0x0], $0xffff  }
0x468: {  	v3 =	vld.idx.msk [tilespmem:v3+s4+$0x0], $0xffff  }
0x469: {  	v4 =	vld.idx.msk [tilespmem:v4+s4+$0x0], $0xffff  }
0x46a: {  	v6 =	vld.idx.msk [tilespmem:v6+s4+$0x0], $0xffff  }
0x46b: {  	[tilespmem:s11+$0xFFFFFF90] =	vst v0;
	v0 =	vld.idx.msk [tilespmem:v5+s4+$0x0], $0xffff  }
0x46c: {  	v5 =	vld.idx.msk [tilespmem:v15+s4+$0x0], $0xffff;
	[tilespmem:s11+$0xFFFFFFA0] =	vst v1  }
0x46d: {  	[tilespmem:s11+$0xFFFFFFB0] =	vst v2;
	v1 =	vld.idx.msk [tilespmem:v7+s4+$0x0], $0xffff  }
0x46e: {  	[tilespmem:s11+$0xFFFFFFC0] =	vst v3;
	v2 =	vld.idx.msk [tilespmem:v8+s4+$0x0], $0xffff  }
0x46f: {  	s13 =	sadd.s32 $0x100, s13;
	[tilespmem:s11+$0xFFFFFFD0] =	vst v4;
	v3 =	vld.idx.msk [tilespmem:v9+s4+$0x0], $0xffff  }
0x470: {  	v4 =	vld.idx.msk [tilespmem:v10+s4+$0x0], $0xffff;
	[tilespmem:s13+$0x70] =	vst v6  }
0x471: {  	[tilespmem:s11+$0xFFFFFFE0] =	vst v0;
	v0 =	vld.idx.msk [tilespmem:v11+s4+$0x0], $0xffff  }
0x472: {  	[tilespmem:s11+$0xFFFFFF80] =	vst v5;
	v5 =	vld.idx.msk [tilespmem:v12+s4+$0x0], $0xffff  }
0x473: {  	[tilespmem:s11+$0xFFFFFFF0] =	vst v1;
	v1 =	vld.idx.msk [tilespmem:v13+s4+$0x0], $0xffff  }
0x474: {  	[tilespmem:s11+$0x0] =	vst v2;
	v2 =	vld.idx.msk [tilespmem:v14+s4+$0x0], $0xffff  }
0x475: {  	v6 =	vld [tilespmem:s12+$0xFFFFFF00];
	[tilespmem:s11+$0x10] =	vst v3  }
0x476: {  	v3 =	vld [tilespmem:s12+$0xFFFFFF10];
	[tilespmem:s11+$0x20] =	vst v4  }
0x477: {  	v4 =	vld [tilespmem:s12+$0xFFFFFF20];
	[tilespmem:s11+$0x30] =	vst v0  }
0x478: {  	v0 =	vld [tilespmem:s12+$0xFFFFFF30];
	[tilespmem:s11+$0x40] =	vst v5  }
0x479: {  	v5 =	vld [tilespmem:s12+$0xFFFFFF40];
	[tilespmem:s11+$0x50] =	vst v1  }
0x47a: {  	v1 =	vld [tilespmem:s12+$0xFFFFFF50];
	[tilespmem:s11+$0x60] =	vst v2  }
0x47b: {  	v2 =	vld [tilespmem:s12+$0xFFFFFF60]  }
0x47c: {  	v7 =	vld [tilespmem:s12+$0xFFFFFF70]  }
0x47d: {  	v8 =	vld [tilespmem:s12+$0x0]  }
0x47e: {  	v9 =	vld [tilespmem:s12+$0x10]  }
0x47f: {  	v10 =	vld [tilespmem:s12+$0x20]  }
0x480: {  	v11 =	vld [tilespmem:s12+$0x30]  }
0x481: {  	v12 =	vld [tilespmem:s12+$0x40]  }
0x482: {  	v13 =	vld [tilespmem:s12+$0x50]  }
0x483: {  	v14 =	vld [tilespmem:s12+$0x60]  }
0x484: {  	v6 =	vld.idx.msk [tilespmem:v6+s4+$0x0], $0xffff  }
0x485: {  	v3 =	vld.idx.msk [tilespmem:v3+s4+$0x0], $0xffff  }
0x486: {  	v4 =	vld.idx.msk [tilespmem:v4+s4+$0x0], $0xffff  }
0x487: {  	v0 =	vld.idx.msk [tilespmem:v0+s4+$0x0], $0xffff  }
0x488: {  	v5 =	vld.idx.msk [tilespmem:v5+s4+$0x0], $0xffff  }
0x489: {  	v15 =	vld.idx.msk [tilespmem:v1+s4+$0x0], $0xffff  }
0x48a: {  	[tilespmem:s13+$0xFFFFFF80] =	vst v6;
	v6 =	vld.idx.msk [tilespmem:v2+s4+$0x0], $0xffff  }
0x48b: {  	[tilespmem:s13+$0xFFFFFF90] =	vst v3;
	v7 =	vld.idx.msk [tilespmem:v7+s4+$0x0], $0xffff  }
0x48c: {  	[tilespmem:s13+$0xFFFFFFA0] =	vst v4;
	v8 =	vld.idx.msk [tilespmem:v8+s4+$0x0], $0xffff  }
0x48d: {  	[tilespmem:s13+$0xFFFFFFB0] =	vst v0;
	v0 =	vld.idx.msk [tilespmem:v9+s4+$0x0], $0xffff  }
.Ltmp4:
0x48e: {  	[tilespmem:s13+$0xFFFFFFC0] =	vst v5;
	v1 =	vld.idx.msk [tilespmem:v10+s4+$0x0], $0xffff;
	(pc) =	sbr.rel @p0 .LBB2_10-.Ltmp4, $4  }
0x48f: {  	[tilespmem:s13+$0xFFFFFFD0] =	vst v15;
	v2 =	vld.idx.msk [tilespmem:v11+s4+$0x0], $0xffff  }
0x490: {  	[tilespmem:s13+$0xFFFFFFE0] =	vst v6;
	v3 =	vld.idx.msk [tilespmem:v12+s4+$0x0], $0xffff  }
0x491: {  	[tilespmem:s13+$0xFFFFFFF0] =	vst v7;
	v4 =	vld.idx.msk [tilespmem:v13+s4+$0x0], $0xffff  }
0x492: {  	s19 =	sadd.s32 $0x200, s19;
	[tilespmem:s13+$0x0] =	vst v8;
	v5 =	vld.idx.msk [tilespmem:v14+s4+$0x0], $0xffff  }
0x493: {  	[tilespmem:s13+$0x10] =	vst v0  }
0x494: {  	[tilespmem:s13+$0x20] =	vst v1  }
0x495: {  	[tilespmem:s13+$0x30] =	vst v2  }
0x496: {  	[tilespmem:s13+$0x40] =	vst v3  }
0x497: {  	[tilespmem:s13+$0x50] =	vst v4  }
0x498: {  	[tilespmem:s13+$0x60] =	vst v5  }
0x499: {  	s12 =	simm.s32 $0x1A700;
	s11 =	rddreg [dreg:$0xe]  }
0x49a: {  	[hbm4b:s11+s4] =	stream.linear.scatter [tilespmem:s12], [sflag:$0x6], $0x800, $0x38;
	[tilespmem:$0x1C700] =	vst v63  }
0x49b: {  	s13 =	simm.s32 $0x1B700;
	s12 =	rddreg [dreg:$0xf]  }
0x49c: {  	[hbm4b:s12+s4] =	stream.linear.scatter [tilespmem:s13], [sflag:$0x8], $0x800, $0x38;
	[tilespmem:$0x1C700] =	vst v63  }
0x49d: {  	_ =	swait.ge [sflag:s14], $0x800  }
0x49e: {  	[sflag:s14] =	ssyncset.done $0x0  }
0x49f: {  	[sflag:s14] =	ssyncadd.s32 $0xFFFFF800  }
0x4a0: {  	_ =	swait.ge [sflag:s15], $0x800  }
0x4a1: {  	[sflag:s15] =	ssyncset.done $0x0  }
0x4a2: {  	s18 =	simm.s32 $0x18700;
	[sflag:s15] =	ssyncadd.s32 $0xFFFFF800  }
0x4a3: {  	[tilespmem:s18], [sflag:$0x2] =	stream.linear.gather [hbm4b:s1+s4], $0x80, $0x38;
	[tilespmem:$0x1C700] =	vst v63  }
0x4a4: {  	s19 =	sadd.s32 $0x10, s1  }
0x4a5: {  	[tilespmem:s16], [sflag:$0x2] =	stream.linear.gather [hbm4b:s19+s4], $0x80, $0x38;
	[tilespmem:$0x1C700] =	vst v63  }
0x4a6: {  	s12 =	sadd.s32 $0x20, s1;
	s13 =	simm.s32 $0x18900  }
0x4a7: {  	[tilespmem:s13], [sflag:$0x2] =	stream.linear.gather [hbm4b:s12+s4], $0x80, $0x38;
	[tilespmem:$0x1C700] =	vst v63  }
0x4a8: {  	s18 =	sadd.s32 $0x30, s1;
	s19 =	simm.s32 $0x18A00  }
0x4a9: {  	[tilespmem:s19], [sflag:$0x2] =	stream.linear.gather [hbm4b:s18+s4], $0x80, $0x38;
	[tilespmem:$0x1C700] =	vst v63  }
0x4aa: {  	s12 =	sadd.s32 $0x40, s1;
	s13 =	simm.s32 $0x18B00  }
0x4ab: {  	[tilespmem:s13], [sflag:$0x2] =	stream.linear.gather [hbm4b:s12+s4], $0x80, $0x38;
	[tilespmem:$0x1C700] =	vst v63  }
0x4ac: {  	s18 =	sadd.s32 $0x50, s1;
	s19 =	simm.s32 $0x18C00  }
0x4ad: {  	[tilespmem:s19], [sflag:$0x2] =	stream.linear.gather [hbm4b:s18+s4], $0x80, $0x38;
	[tilespmem:$0x1C700] =	vst v63  }
0x4ae: {  	s12 =	sadd.s32 $0x60, s1;
	s13 =	simm.s32 $0x18D00  }
0x4af: {  	[tilespmem:s13], [sflag:$0x2] =	stream.linear.gather [hbm4b:s12+s4], $0x80, $0x38;
	[tilespmem:$0x1C700] =	vst v63  }
0x4b0: {  	s18 =	sadd.s32 $0x70, s1;
	s19 =	simm.s32 $0x18E00  }
0x4b1: {  	[tilespmem:s19], [sflag:$0x2] =	stream.linear.gather [hbm4b:s18+s4], $0x80, $0x38;
	[tilespmem:$0x1C700] =	vst v63  }
0x4b2: {  	s12 =	sadd.s32 $0x80, s1;
	s13 =	simm.s32 $0x18F00  }
0x4b3: {  	[tilespmem:s13], [sflag:$0x2] =	stream.linear.gather [hbm4b:s12+s4], $0x80, $0x38;
	[tilespmem:$0x1C700] =	vst v63  }
0x4b4: {  	s18 =	sadd.s32 $0x90, s1;
	s19 =	simm.s32 $0x19000  }
0x4b5: {  	[tilespmem:s19], [sflag:$0x2] =	stream.linear.gather [hbm4b:s18+s4], $0x80, $0x38;
	[tilespmem:$0x1C700] =	vst v63  }
0x4b6: {  	s12 =	sadd.s32 $0xA0, s1;
	s13 =	simm.s32 $0x19100  }
0x4b7: {  	[tilespmem:s13], [sflag:$0x2] =	stream.linear.gather [hbm4b:s12+s4], $0x80, $0x38;
	[tilespmem:$0x1C700] =	vst v63  }
0x4b8: {  	s18 =	sadd.s32 $0xB0, s1;
	s19 =	simm.s32 $0x19200  }
0x4b9: {  	[tilespmem:s19], [sflag:$0x2] =	stream.linear.gather [hbm4b:s18+s4], $0x80, $0x38;
	[tilespmem:$0x1C700] =	vst v63  }
0x4ba: {  	s12 =	sadd.s32 $0xC0, s1;
	s13 =	simm.s32 $0x19300  }
0x4bb: {  	[tilespmem:s13], [sflag:$0x2] =	stream.linear.gather [hbm4b:s12+s4], $0x80, $0x38;
	[tilespmem:$0x1C700] =	vst v63  }
0x4bc: {  	s18 =	sadd.s32 $0xD0, s1;
	s19 =	simm.s32 $0x19400  }
0x4bd: {  	[tilespmem:s19], [sflag:$0x2] =	stream.linear.gather [hbm4b:s18+s4], $0x80, $0x38;
	[tilespmem:$0x1C700] =	vst v63  }
0x4be: {  	s12 =	sadd.s32 $0xE0, s1;
	s13 =	simm.s32 $0x19500  }
0x4bf: {  	[tilespmem:s13], [sflag:$0x2] =	stream.linear.gather [hbm4b:s12+s4], $0x80, $0x38;
	[tilespmem:$0x1C700] =	vst v63  }
0x4c0: {  	s18 =	sadd.s32 $0xF0, s1;
	s19 =	simm.s32 $0x19600  }
0x4c1: {  	[tilespmem:s19], [sflag:$0x2] =	stream.linear.gather [hbm4b:s18+s4], $0x80, $0x38;
	[tilespmem:$0x1C700] =	vst v63  }
0x4c2: {  	s12 =	simm.s32 $0x19700  }
0x4c3: {  	[tilespmem:s12], [sflag:$0x4] =	stream.linear.gather [hbm4b:s3+s4], $0x80, $0x38;
	[tilespmem:$0x1C700] =	vst v63  }
0x4c4: {  	s13 =	sadd.s32 $0x10, s3  }
0x4c5: {  	[tilespmem:s17], [sflag:$0x4] =	stream.linear.gather [hbm4b:s13+s4], $0x80, $0x38;
	[tilespmem:$0x1C700] =	vst v63  }
0x4c6: {  	s18 =	sadd.s32 $0x20, s3;
	s19 =	simm.s32 $0x19900  }
0x4c7: {  	[tilespmem:s19], [sflag:$0x4] =	stream.linear.gather [hbm4b:s18+s4], $0x80, $0x38;
	[tilespmem:$0x1C700] =	vst v63  }
0x4c8: {  	s12 =	sadd.s32 $0x30, s3;
	s13 =	simm.s32 $0x19A00  }
0x4c9: {  	[tilespmem:s13], [sflag:$0x4] =	stream.linear.gather [hbm4b:s12+s4], $0x80, $0x38;
	[tilespmem:$0x1C700] =	vst v63  }
0x4ca: {  	s18 =	sadd.s32 $0x40, s3;
	s19 =	simm.s32 $0x19B00  }
0x4cb: {  	[tilespmem:s19], [sflag:$0x4] =	stream.linear.gather [hbm4b:s18+s4], $0x80, $0x38;
	[tilespmem:$0x1C700] =	vst v63  }
0x4cc: {  	s12 =	sadd.s32 $0x50, s3;
	s13 =	simm.s32 $0x19C00  }
0x4cd: {  	[tilespmem:s13], [sflag:$0x4] =	stream.linear.gather [hbm4b:s12+s4], $0x80, $0x38;
	[tilespmem:$0x1C700] =	vst v63  }
0x4ce: {  	s18 =	sadd.s32 $0x60, s3;
	s19 =	simm.s32 $0x19D00  }
0x4cf: {  	[tilespmem:s19], [sflag:$0x4] =	stream.linear.gather [hbm4b:s18+s4], $0x80, $0x38;
	[tilespmem:$0x1C700] =	vst v63  }
0x4d0: {  	s12 =	sadd.s32 $0x70, s3;
	s13 =	simm.s32 $0x19E00  }
0x4d1: {  	[tilespmem:s13], [sflag:$0x4] =	stream.linear.gather [hbm4b:s12+s4], $0x80, $0x38;
	[tilespmem:$0x1C700] =	vst v63  }
0x4d2: {  	s18 =	sadd.s32 $0x80, s3;
	s19 =	simm.s32 $0x19F00  }
0x4d3: {  	[tilespmem:s19], [sflag:$0x4] =	stream.linear.gather [hbm4b:s18+s4], $0x80, $0x38;
	[tilespmem:$0x1C700] =	vst v63  }
0x4d4: {  	s12 =	sadd.s32 $0x90, s3;
	s13 =	simm.s32 $0x1A000  }
0x4d5: {  	[tilespmem:s13], [sflag:$0x4] =	stream.linear.gather [hbm4b:s12+s4], $0x80, $0x38;
	[tilespmem:$0x1C700] =	vst v63  }
0x4d6: {  	s18 =	sadd.s32 $0xA0, s3;
	s19 =	simm.s32 $0x1A100  }
0x4d7: {  	[tilespmem:s19], [sflag:$0x4] =	stream.linear.gather [hbm4b:s18+s4], $0x80, $0x38;
	[tilespmem:$0x1C700] =	vst v63  }
0x4d8: {  	s12 =	sadd.s32 $0xB0, s3;
	s13 =	simm.s32 $0x1A200  }
0x4d9: {  	[tilespmem:s13], [sflag:$0x4] =	stream.linear.gather [hbm4b:s12+s4], $0x80, $0x38;
	[tilespmem:$0x1C700] =	vst v63  }
0x4da: {  	s18 =	sadd.s32 $0xC0, s3;
	s19 =	simm.s32 $0x1A300  }
0x4db: {  	[tilespmem:s19], [sflag:$0x4] =	stream.linear.gather [hbm4b:s18+s4], $0x80, $0x38;
	[tilespmem:$0x1C700] =	vst v63  }
0x4dc: {  	s12 =	sadd.s32 $0xD0, s3;
	s13 =	simm.s32 $0x1A400  }
0x4dd: {  	[tilespmem:s13], [sflag:$0x4] =	stream.linear.gather [hbm4b:s12+s4], $0x80, $0x38;
	[tilespmem:$0x1C700] =	vst v63  }
0x4de: {  	s18 =	sadd.s32 $0xE0, s3;
	s19 =	simm.s32 $0x1A500  }
0x4df: {  	[tilespmem:s19], [sflag:$0x4] =	stream.linear.gather [hbm4b:s18+s4], $0x80, $0x38;
	[tilespmem:$0x1C700] =	vst v63  }
0x4e0: {  	s13 =	sadd.s32 $0xF0, s3;
	s18 =	simm.s32 $0x1A600  }
0x4e1: {  	[tilespmem:s18], [sflag:$0x4] =	stream.linear.gather [hbm4b:s13+s4], $0x80, $0x38;
	[tilespmem:$0x1C700] =	vst v63  }
0x4e2: {  	_ =	swait.ge [sflag:s24], $0x800  }
0x4e3: {  	[sflag:s24] =	ssyncset.done $0x0  }
0x4e4: {  	[sflag:s24] =	ssyncadd.s32 $0xFFFFF800  }
0x4e5: {  	_ =	swait.ge [sflag:s25], $0x800  }
0x4e6: {  	[sflag:s25] =	ssyncset.done $0x0  }
0x4e7: {  	s19 =	simm.s32 $0x18880;
	[sflag:s25] =	ssyncadd.s32 $0xFFFFF800  }
0x4e8: {  	v0 =	vld [tilespmem:s19+$0x70]  }
0x4e9: {  	v1 =	vld [tilespmem:s19+$0xFFFFFF10]  }
0x4ea: {  	v2 =	vld [tilespmem:s19+$0xFFFFFF20]  }
0x4eb: {  	v3 =	vld [tilespmem:s19+$0xFFFFFF30]  }
0x4ec: {  	v4 =	vld [tilespmem:s19+$0xFFFFFF40]  }
0x4ed: {  	v5 =	vld [tilespmem:s19+$0xFFFFFF50]  }
0x4ee: {  	v6 =	vld [tilespmem:s19+$0xFFFFFF60]  }
0x4ef: {  	v7 =	vld [tilespmem:s19+$0xFFFFFF70]  }
0x4f0: {  	v8 =	vld [tilespmem:s19+$0x0]  }
0x4f1: {  	v9 =	vld [tilespmem:s19+$0x10]  }
0x4f2: {  	v10 =	vld [tilespmem:s19+$0x20]  }
0x4f3: {  	v11 =	vld [tilespmem:s19+$0x30]  }
0x4f4: {  	v12 =	vld [tilespmem:s19+$0x40]  }
0x4f5: {  	v13 =	vld [tilespmem:s19+$0x50]  }
0x4f6: {  	v14 =	vld [tilespmem:s19+$0x60]  }
0x4f7: {  	v15 =	vld [tilespmem:s19+$0xFFFFFF00]  }
0x4f8: {  	v0 =	vld.idx.msk [tilespmem:v0+s4+$0x0], $0xffff  }
0x4f9: {  	v1 =	vld.idx.msk [tilespmem:v1+s4+$0x0], $0xffff  }
0x4fa: {  	v2 =	vld.idx.msk [tilespmem:v2+s4+$0x0], $0xffff  }
0x4fb: {  	v3 =	vld.idx.msk [tilespmem:v3+s4+$0x0], $0xffff  }
0x4fc: {  	v4 =	vld.idx.msk [tilespmem:v4+s4+$0x0], $0xffff  }
0x4fd: {  	v5 =	vld.idx.msk [tilespmem:v5+s4+$0x0], $0xffff  }
0x4fe: {  	v6 =	vld.idx.msk [tilespmem:v6+s4+$0x0], $0xffff  }
0x4ff: {  	v15 =	vld.idx.msk [tilespmem:v15+s4+$0x0], $0xffff  }
0x500: {  	v7 =	vld.idx.msk [tilespmem:v7+s4+$0x0], $0xffff  }
0x501: {  	v8 =	vld.idx.msk [tilespmem:v8+s4+$0x0], $0xffff  }
0x502: {  	v9 =	vld.idx.msk [tilespmem:v9+s4+$0x0], $0xffff  }
0x503: {  	v10 =	vld.idx.msk [tilespmem:v10+s4+$0x0], $0xffff  }
0x504: {  	v11 =	vld.idx.msk [tilespmem:v11+s4+$0x0], $0xffff  }
0x505: {  	v12 =	vld.idx.msk [tilespmem:v12+s4+$0x0], $0xffff  }
0x506: {  	s11 =	simm.s32 $0x1AFF0;
	v13 =	vld.idx.msk [tilespmem:v13+s4+$0x0], $0xffff  }
0x507: {  	s12 =	simm.s32 $0x19880;
	v14 =	vld.idx.msk [tilespmem:v14+s4+$0x0], $0xffff;
	[tilespmem:s11+$0x0] =	vst v0  }
0x508: {  	[tilespmem:s11+$0xFFFFFF10] =	vst v15;
	v0 =	vld [tilespmem:s12+$0x70]  }
0x509: {  	[tilespmem:s11+$0xFFFFFF20] =	vst v1;
	v1 =	vld [tilespmem:s12+$0xFFFFFF00]  }
0x50a: {  	[tilespmem:s11+$0xFFFFFF30] =	vst v2;
	v2 =	vld [tilespmem:s12+$0xFFFFFF10]  }
0x50b: {  	[tilespmem:s11+$0xFFFFFF40] =	vst v3;
	v3 =	vld [tilespmem:s12+$0xFFFFFF20]  }
0x50c: {  	[tilespmem:s11+$0xFFFFFF50] =	vst v4;
	v4 =	vld [tilespmem:s12+$0xFFFFFF30]  }
0x50d: {  	[tilespmem:s11+$0xFFFFFF60] =	vst v5;
	v5 =	vld [tilespmem:s12+$0xFFFFFF40]  }
0x50e: {  	[tilespmem:s11+$0xFFFFFF70] =	vst v6;
	v6 =	vld [tilespmem:s12+$0xFFFFFF50]  }
0x50f: {  	[tilespmem:s11+$0xFFFFFF80] =	vst v7;
	v7 =	vld [tilespmem:s12+$0xFFFFFF60]  }
0x510: {  	[tilespmem:s11+$0xFFFFFF90] =	vst v8;
	v56 =	vld [tilespmem:s12+$0xFFFFFF70]  }
0x511: {  	[tilespmem:s11+$0xFFFFFFA0] =	vst v9;
	v57 =	vld [tilespmem:s12+$0x0]  }
0x512: {  	[tilespmem:s11+$0xFFFFFFB0] =	vst v10;
	v58 =	vld [tilespmem:s12+$0x10]  }
0x513: {  	[tilespmem:s11+$0xFFFFFFC0] =	vst v11;
	v59 =	vld [tilespmem:s12+$0x20]  }
0x514: {  	[tilespmem:s11+$0xFFFFFFD0] =	vst v12;
	v60 =	vld [tilespmem:s12+$0x30]  }
0x515: {  	[tilespmem:s11+$0xFFFFFFE0] =	vst v13;
	v61 =	vld [tilespmem:s12+$0x40]  }
0x516: {  	[tilespmem:s11+$0xFFFFFFF0] =	vst v14;
	v62 =	vld [tilespmem:s12+$0x50]  }
0x517: {  	v63 =	vld [tilespmem:s12+$0x60]  }
0x518: {  	v0 =	vld.idx.msk [tilespmem:v0+s4+$0x0], $0xffff  }
0x519: {  	v1 =	vld.idx.msk [tilespmem:v1+s4+$0x0], $0xffff  }
0x51a: {  	v2 =	vld.idx.msk [tilespmem:v2+s4+$0x0], $0xffff  }
0x51b: {  	v3 =	vld.idx.msk [tilespmem:v3+s4+$0x0], $0xffff  }
0x51c: {  	v4 =	vld.idx.msk [tilespmem:v4+s4+$0x0], $0xffff  }
0x51d: {  	s13 =	simm.s32 $0x1BFF0;
	v5 =	vld.idx.msk [tilespmem:v5+s4+$0x0], $0xffff  }
0x51e: {  	v6 =	vld.idx.msk [tilespmem:v6+s4+$0x0], $0xffff;
	[tilespmem:s13+$0x0] =	vst v0  }
0x51f: {  	v7 =	vld.idx.msk [tilespmem:v7+s4+$0x0], $0xffff;
	[tilespmem:s13+$0xFFFFFF10] =	vst v1  }
0x520: {  	v8 =	vld.idx.msk [tilespmem:v56+s4+$0x0], $0xffff;
	[tilespmem:s13+$0xFFFFFF20] =	vst v2  }
0x521: {  	v9 =	vld.idx.msk [tilespmem:v57+s4+$0x0], $0xffff;
	[tilespmem:s13+$0xFFFFFF30] =	vst v3  }
0x522: {  	[tilespmem:s13+$0xFFFFFF40] =	vst v4;
	v0 =	vld.idx.msk [tilespmem:v58+s4+$0x0], $0xffff  }
0x523: {  	[tilespmem:s13+$0xFFFFFF50] =	vst v5;
	v1 =	vld.idx.msk [tilespmem:v59+s4+$0x0], $0xffff  }
0x524: {  	[tilespmem:s13+$0xFFFFFF60] =	vst v6;
	v2 =	vld.idx.msk [tilespmem:v60+s4+$0x0], $0xffff  }
0x525: {  	[tilespmem:s13+$0xFFFFFF70] =	vst v7;
	v3 =	vld.idx.msk [tilespmem:v61+s4+$0x0], $0xffff  }
0x526: {  	[tilespmem:s13+$0xFFFFFF80] =	vst v8;
	v4 =	vld.idx.msk [tilespmem:v62+s4+$0x0], $0xffff  }
0x527: {  	s18 =	simm.s32 $0x0;
	s19 =	simm.s32 $0x18A80;
	[tilespmem:s13+$0xFFFFFF90] =	vst v9;
	v5 =	vld.idx.msk [tilespmem:v63+s4+$0x0], $0xffff  }
.LBB2_12:
0x528: {  	v6 =	vld [tilespmem:s19+$0x70];
	s18 =	sadd.s32 $0x10, s18;
	[tilespmem:s13+$0xFFFFFFA0] =	vst v0  }
0x529: {  	v0 =	vld [tilespmem:s19+$0xFFFFFF10];
	p0 =	slt.u32 s18, $0x70;
	[tilespmem:s13+$0xFFFFFFB0] =	vst v1  }
0x52a: {  	v1 =	vld [tilespmem:s19+$0xFFFFFF20];
	[tilespmem:s13+$0xFFFFFFC0] =	vst v2  }
0x52b: {  	v2 =	vld [tilespmem:s19+$0xFFFFFF30];
	[tilespmem:s13+$0xFFFFFFD0] =	vst v3  }
0x52c: {  	v3 =	vld [tilespmem:s19+$0xFFFFFF40];
	[tilespmem:s13+$0xFFFFFFE0] =	vst v4  }
0x52d: {  	v4 =	vld [tilespmem:s19+$0xFFFFFF50];
	[tilespmem:s13+$0xFFFFFFF0] =	vst v5  }
0x52e: {  	v5 =	vld [tilespmem:s19+$0xFFFFFF60]  }
0x52f: {  	v7 =	vld [tilespmem:s19+$0xFFFFFF70]  }
0x530: {  	v6 =	vld.idx.msk [tilespmem:v6+s4+$0x0], $0xffff  }
0x531: {  	v8 =	vld [tilespmem:s19+$0x0]  }
0x532: {  	v9 =	vld [tilespmem:s19+$0x10]  }
0x533: {  	v10 =	vld [tilespmem:s19+$0x20]  }
0x534: {  	v11 =	vld [tilespmem:s19+$0x30]  }
0x535: {  	s11 =	sadd.s32 $0x100, s11;
	v12 =	vld [tilespmem:s19+$0x40]  }
0x536: {  	s12 =	sadd.s32 $0x200, s12;
	v13 =	vld [tilespmem:s19+$0x50];
	[tilespmem:s11+$0x0] =	vst v6  }
0x537: {  	v6 =	vld [tilespmem:s12+$0x70]  }
0x538: {  	v14 =	vld [tilespmem:s19+$0x60]  }
0x539: {  	v15 =	vld [tilespmem:s19+$0xFFFFFF00]  }
0x53a: {  	v0 =	vld.idx.msk [tilespmem:v0+s4+$0x0], $0xffff  }
0x53b: {  	v1 =	vld.idx.msk [tilespmem:v1+s4+$0x0], $0xffff  }
0x53c: {  	v2 =	vld.idx.msk [tilespmem:v2+s4+$0x0], $0xffff  }
0x53d: {  	v3 =	vld.idx.msk [tilespmem:v3+s4+$0x0], $0xffff  }
0x53e: {  	v4 =	vld.idx.msk [tilespmem:v4+s4+$0x0], $0xffff  }
0x53f: {  	v6 =	vld.idx.msk [tilespmem:v6+s4+$0x0], $0xffff  }
0x540: {  	[tilespmem:s11+$0xFFFFFF20] =	vst v0;
	v0 =	vld.idx.msk [tilespmem:v5+s4+$0x0], $0xffff  }
0x541: {  	v5 =	vld.idx.msk [tilespmem:v15+s4+$0x0], $0xffff;
	[tilespmem:s11+$0xFFFFFF30] =	vst v1  }
0x542: {  	[tilespmem:s11+$0xFFFFFF40] =	vst v2;
	v1 =	vld.idx.msk [tilespmem:v7+s4+$0x0], $0xffff  }
0x543: {  	[tilespmem:s11+$0xFFFFFF50] =	vst v3;
	v2 =	vld.idx.msk [tilespmem:v8+s4+$0x0], $0xffff  }
0x544: {  	s13 =	sadd.s32 $0x100, s13;
	[tilespmem:s11+$0xFFFFFF60] =	vst v4;
	v3 =	vld.idx.msk [tilespmem:v9+s4+$0x0], $0xffff  }
0x545: {  	v4 =	vld.idx.msk [tilespmem:v10+s4+$0x0], $0xffff;
	[tilespmem:s13+$0x0] =	vst v6  }
0x546: {  	[tilespmem:s11+$0xFFFFFF70] =	vst v0;
	v0 =	vld.idx.msk [tilespmem:v11+s4+$0x0], $0xffff  }
0x547: {  	[tilespmem:s11+$0xFFFFFF10] =	vst v5;
	v5 =	vld.idx.msk [tilespmem:v12+s4+$0x0], $0xffff  }
0x548: {  	[tilespmem:s11+$0xFFFFFF80] =	vst v1;
	v1 =	vld.idx.msk [tilespmem:v13+s4+$0x0], $0xffff  }
0x549: {  	[tilespmem:s11+$0xFFFFFF90] =	vst v2;
	v2 =	vld.idx.msk [tilespmem:v14+s4+$0x0], $0xffff  }
0x54a: {  	v6 =	vld [tilespmem:s12+$0xFFFFFF00];
	[tilespmem:s11+$0xFFFFFFA0] =	vst v3  }
0x54b: {  	v3 =	vld [tilespmem:s12+$0xFFFFFF10];
	[tilespmem:s11+$0xFFFFFFB0] =	vst v4  }
0x54c: {  	v4 =	vld [tilespmem:s12+$0xFFFFFF20];
	[tilespmem:s11+$0xFFFFFFC0] =	vst v0  }
0x54d: {  	v0 =	vld [tilespmem:s12+$0xFFFFFF30];
	[tilespmem:s11+$0xFFFFFFD0] =	vst v5  }
0x54e: {  	v5 =	vld [tilespmem:s12+$0xFFFFFF40];
	[tilespmem:s11+$0xFFFFFFE0] =	vst v1  }
0x54f: {  	v1 =	vld [tilespmem:s12+$0xFFFFFF50];
	[tilespmem:s11+$0xFFFFFFF0] =	vst v2  }
0x550: {  	v2 =	vld [tilespmem:s12+$0xFFFFFF60]  }
0x551: {  	v7 =	vld [tilespmem:s12+$0xFFFFFF70]  }
0x552: {  	v8 =	vld [tilespmem:s12+$0x0]  }
0x553: {  	v9 =	vld [tilespmem:s12+$0x10]  }
0x554: {  	v10 =	vld [tilespmem:s12+$0x20]  }
0x555: {  	v11 =	vld [tilespmem:s12+$0x30]  }
0x556: {  	v12 =	vld [tilespmem:s12+$0x40]  }
0x557: {  	v13 =	vld [tilespmem:s12+$0x50]  }
0x558: {  	v14 =	vld [tilespmem:s12+$0x60]  }
0x559: {  	v6 =	vld.idx.msk [tilespmem:v6+s4+$0x0], $0xffff  }
0x55a: {  	v3 =	vld.idx.msk [tilespmem:v3+s4+$0x0], $0xffff  }
0x55b: {  	v4 =	vld.idx.msk [tilespmem:v4+s4+$0x0], $0xffff  }
0x55c: {  	v0 =	vld.idx.msk [tilespmem:v0+s4+$0x0], $0xffff  }
0x55d: {  	v5 =	vld.idx.msk [tilespmem:v5+s4+$0x0], $0xffff  }
0x55e: {  	v15 =	vld.idx.msk [tilespmem:v1+s4+$0x0], $0xffff  }
0x55f: {  	[tilespmem:s13+$0xFFFFFF10] =	vst v6;
	v6 =	vld.idx.msk [tilespmem:v2+s4+$0x0], $0xffff  }
0x560: {  	[tilespmem:s13+$0xFFFFFF20] =	vst v3;
	v7 =	vld.idx.msk [tilespmem:v7+s4+$0x0], $0xffff  }
0x561: {  	[tilespmem:s13+$0xFFFFFF30] =	vst v4;
	v8 =	vld.idx.msk [tilespmem:v8+s4+$0x0], $0xffff  }
0x562: {  	[tilespmem:s13+$0xFFFFFF40] =	vst v0;
	v0 =	vld.idx.msk [tilespmem:v9+s4+$0x0], $0xffff  }
.Ltmp5:
0x563: {  	[tilespmem:s13+$0xFFFFFF50] =	vst v5;
	v1 =	vld.idx.msk [tilespmem:v10+s4+$0x0], $0xffff;
	(pc) =	sbr.rel @p0 .LBB2_12-.Ltmp5, $4  }
0x564: {  	[tilespmem:s13+$0xFFFFFF60] =	vst v15;
	v2 =	vld.idx.msk [tilespmem:v11+s4+$0x0], $0xffff  }
0x565: {  	[tilespmem:s13+$0xFFFFFF70] =	vst v6;
	v3 =	vld.idx.msk [tilespmem:v12+s4+$0x0], $0xffff  }
0x566: {  	[tilespmem:s13+$0xFFFFFF80] =	vst v7;
	v4 =	vld.idx.msk [tilespmem:v13+s4+$0x0], $0xffff  }
0x567: {  	s19 =	sadd.s32 $0x200, s19;
	[tilespmem:s13+$0xFFFFFF90] =	vst v8;
	v5 =	vld.idx.msk [tilespmem:v14+s4+$0x0], $0xffff  }
0x568: {  	[tilespmem:s13+$0xFFFFFFA0] =	vst v0  }
0x569: {  	[tilespmem:s13+$0xFFFFFFB0] =	vst v1  }
0x56a: {  	[tilespmem:s13+$0xFFFFFFC0] =	vst v2  }
0x56b: {  	[tilespmem:s13+$0xFFFFFFD0] =	vst v3  }
0x56c: {  	[tilespmem:s13+$0xFFFFFFE0] =	vst v4  }
0x56d: {  	[tilespmem:s13+$0xFFFFFFF0] =	vst v5  }
0x56e: {  	s12 =	simm.s32 $0x1AF00;
	s11 =	rddreg [dreg:$0x10]  }
0x56f: {  	[hbm4b:s11+s4] =	stream.linear.scatter [tilespmem:s12], [sflag:$0x7], $0x800, $0x38;
	[tilespmem:$0x1C700] =	vst v63  }
0x570: {  	s18 =	simm.s32 $0x1BF00;
	s13 =	rddreg [dreg:$0x11]  }
0x571: {  	[hbm4b:s13+s4] =	stream.linear.scatter [tilespmem:s18], [sflag:$0x9], $0x800, $0x38;
	[tilespmem:$0x1C700] =	vst v63  }
0x572: {  	_ =	swait.ge [sflag:s22], $0x800  }
0x573: {  	[sflag:s22] =	ssyncset.done $0x0  }
0x574: {  	[sflag:s22] =	ssyncadd.s32 $0xFFFFF800  }
0x575: {  	_ =	swait.ge [sflag:s23], $0x800  }
0x576: {  	[sflag:s23] =	ssyncset.done $0x0  }
0x577: {  	s19 =	simm.s32 $0x18780;
	[sflag:s23] =	ssyncadd.s32 $0xFFFFF800  }
0x578: {  	[tilespmem:s19], [sflag:$0x3] =	stream.linear.gather [hbm4b:s5+s4], $0x80, $0x38;
	[tilespmem:$0x1C700] =	vst v63  }
0x579: {  	s12 =	sadd.s32 $0x10, s5;
	s13 =	simm.s32 $0x18880  }
0x57a: {  	[tilespmem:s13], [sflag:$0x3] =	stream.linear.gather [hbm4b:s12+s4], $0x80, $0x38;
	[tilespmem:$0x1C700] =	vst v63  }
0x57b: {  	s18 =	sadd.s32 $0x20, s5;
	s19 =	simm.s32 $0x18980  }
0x57c: {  	[tilespmem:s19], [sflag:$0x3] =	stream.linear.gather [hbm4b:s18+s4], $0x80, $0x38;
	[tilespmem:$0x1C700] =	vst v63  }
0x57d: {  	s12 =	sadd.s32 $0x30, s5;
	s13 =	simm.s32 $0x18A80  }
0x57e: {  	[tilespmem:s13], [sflag:$0x3] =	stream.linear.gather [hbm4b:s12+s4], $0x80, $0x38;
	[tilespmem:$0x1C700] =	vst v63  }
0x57f: {  	s18 =	sadd.s32 $0x40, s5;
	s19 =	simm.s32 $0x18B80  }
0x580: {  	[tilespmem:s19], [sflag:$0x3] =	stream.linear.gather [hbm4b:s18+s4], $0x80, $0x38;
	[tilespmem:$0x1C700] =	vst v63  }
0x581: {  	s12 =	sadd.s32 $0x50, s5;
	s13 =	simm.s32 $0x18C80  }
0x582: {  	[tilespmem:s13], [sflag:$0x3] =	stream.linear.gather [hbm4b:s12+s4], $0x80, $0x38;
	[tilespmem:$0x1C700] =	vst v63  }
0x583: {  	s18 =	sadd.s32 $0x60, s5;
	s19 =	simm.s32 $0x18D80  }
0x584: {  	[tilespmem:s19], [sflag:$0x3] =	stream.linear.gather [hbm4b:s18+s4], $0x80, $0x38;
	[tilespmem:$0x1C700] =	vst v63  }
0x585: {  	s12 =	sadd.s32 $0x70, s5;
	s13 =	simm.s32 $0x18E80  }
0x586: {  	[tilespmem:s13], [sflag:$0x3] =	stream.linear.gather [hbm4b:s12+s4], $0x80, $0x38;
	[tilespmem:$0x1C700] =	vst v63  }
0x587: {  	s18 =	sadd.s32 $0x80, s5;
	s19 =	simm.s32 $0x18F80  }
0x588: {  	[tilespmem:s19], [sflag:$0x3] =	stream.linear.gather [hbm4b:s18+s4], $0x80, $0x38;
	[tilespmem:$0x1C700] =	vst v63  }
0x589: {  	s12 =	sadd.s32 $0x90, s5;
	s13 =	simm.s32 $0x19080  }
0x58a: {  	[tilespmem:s13], [sflag:$0x3] =	stream.linear.gather [hbm4b:s12+s4], $0x80, $0x38;
	[tilespmem:$0x1C700] =	vst v63  }
0x58b: {  	s18 =	sadd.s32 $0xA0, s5;
	s19 =	simm.s32 $0x19180  }
0x58c: {  	[tilespmem:s19], [sflag:$0x3] =	stream.linear.gather [hbm4b:s18+s4], $0x80, $0x38;
	[tilespmem:$0x1C700] =	vst v63  }
0x58d: {  	s12 =	sadd.s32 $0xB0, s5;
	s13 =	simm.s32 $0x19280  }
0x58e: {  	[tilespmem:s13], [sflag:$0x3] =	stream.linear.gather [hbm4b:s12+s4], $0x80, $0x38;
	[tilespmem:$0x1C700] =	vst v63  }
0x58f: {  	s18 =	sadd.s32 $0xC0, s5;
	s19 =	simm.s32 $0x19380  }
0x590: {  	[tilespmem:s19], [sflag:$0x3] =	stream.linear.gather [hbm4b:s18+s4], $0x80, $0x38;
	[tilespmem:$0x1C700] =	vst v63  }
0x591: {  	s12 =	sadd.s32 $0xD0, s5;
	s13 =	simm.s32 $0x19480  }
0x592: {  	[tilespmem:s13], [sflag:$0x3] =	stream.linear.gather [hbm4b:s12+s4], $0x80, $0x38;
	[tilespmem:$0x1C700] =	vst v63  }
0x593: {  	s18 =	sadd.s32 $0xE0, s5;
	s19 =	simm.s32 $0x19580  }
0x594: {  	[tilespmem:s19], [sflag:$0x3] =	stream.linear.gather [hbm4b:s18+s4], $0x80, $0x38;
	[tilespmem:$0x1C700] =	vst v63  }
0x595: {  	s13 =	sadd.s32 $0xF0, s5;
	s18 =	simm.s32 $0x19680  }
0x596: {  	[tilespmem:s18], [sflag:$0x3] =	stream.linear.gather [hbm4b:s13+s4], $0x80, $0x38;
	[tilespmem:$0x1C700] =	vst v63  }
0x597: {  	s19 =	simm.s32 $0x19780  }
0x598: {  	[tilespmem:s19], [sflag:$0x5] =	stream.linear.gather [hbm4b:s8+s4], $0x80, $0x38;
	[tilespmem:$0x1C700] =	vst v63  }
0x599: {  	s12 =	sadd.s32 $0x10, s8;
	s13 =	simm.s32 $0x19880  }
0x59a: {  	[tilespmem:s13], [sflag:$0x5] =	stream.linear.gather [hbm4b:s12+s4], $0x80, $0x38;
	[tilespmem:$0x1C700] =	vst v63  }
0x59b: {  	s18 =	sadd.s32 $0x20, s8;
	s19 =	simm.s32 $0x19980  }
0x59c: {  	[tilespmem:s19], [sflag:$0x5] =	stream.linear.gather [hbm4b:s18+s4], $0x80, $0x38;
	[tilespmem:$0x1C700] =	vst v63  }
0x59d: {  	s12 =	sadd.s32 $0x30, s8;
	s13 =	simm.s32 $0x19A80  }
0x59e: {  	[tilespmem:s13], [sflag:$0x5] =	stream.linear.gather [hbm4b:s12+s4], $0x80, $0x38;
	[tilespmem:$0x1C700] =	vst v63  }
0x59f: {  	s18 =	sadd.s32 $0x40, s8;
	s19 =	simm.s32 $0x19B80  }
0x5a0: {  	[tilespmem:s19], [sflag:$0x5] =	stream.linear.gather [hbm4b:s18+s4], $0x80, $0x38;
	[tilespmem:$0x1C700] =	vst v63  }
0x5a1: {  	s12 =	sadd.s32 $0x50, s8;
	s13 =	simm.s32 $0x19C80  }
0x5a2: {  	[tilespmem:s13], [sflag:$0x5] =	stream.linear.gather [hbm4b:s12+s4], $0x80, $0x38;
	[tilespmem:$0x1C700] =	vst v63  }
0x5a3: {  	s18 =	sadd.s32 $0x60, s8;
	s19 =	simm.s32 $0x19D80  }
0x5a4: {  	[tilespmem:s19], [sflag:$0x5] =	stream.linear.gather [hbm4b:s18+s4], $0x80, $0x38;
	[tilespmem:$0x1C700] =	vst v63  }
0x5a5: {  	s12 =	sadd.s32 $0x70, s8;
	s13 =	simm.s32 $0x19E80  }
0x5a6: {  	[tilespmem:s13], [sflag:$0x5] =	stream.linear.gather [hbm4b:s12+s4], $0x80, $0x38;
	[tilespmem:$0x1C700] =	vst v63  }
0x5a7: {  	s18 =	sadd.s32 $0x80, s8;
	s19 =	simm.s32 $0x19F80  }
0x5a8: {  	[tilespmem:s19], [sflag:$0x5] =	stream.linear.gather [hbm4b:s18+s4], $0x80, $0x38;
	[tilespmem:$0x1C700] =	vst v63  }
0x5a9: {  	s12 =	sadd.s32 $0x90, s8;
	s13 =	simm.s32 $0x1A080  }
0x5aa: {  	[tilespmem:s13], [sflag:$0x5] =	stream.linear.gather [hbm4b:s12+s4], $0x80, $0x38;
	[tilespmem:$0x1C700] =	vst v63  }
0x5ab: {  	s18 =	sadd.s32 $0xA0, s8;
	s19 =	simm.s32 $0x1A180  }
0x5ac: {  	[tilespmem:s19], [sflag:$0x5] =	stream.linear.gather [hbm4b:s18+s4], $0x80, $0x38;
	[tilespmem:$0x1C700] =	vst v63  }
0x5ad: {  	s12 =	sadd.s32 $0xB0, s8;
	s13 =	simm.s32 $0x1A280  }
0x5ae: {  	[tilespmem:s13], [sflag:$0x5] =	stream.linear.gather [hbm4b:s12+s4], $0x80, $0x38;
	[tilespmem:$0x1C700] =	vst v63  }
0x5af: {  	s18 =	sadd.s32 $0xC0, s8;
	s19 =	simm.s32 $0x1A380  }
0x5b0: {  	[tilespmem:s19], [sflag:$0x5] =	stream.linear.gather [hbm4b:s18+s4], $0x80, $0x38;
	[tilespmem:$0x1C700] =	vst v63  }
0x5b1: {  	s12 =	sadd.s32 $0xD0, s8;
	s13 =	simm.s32 $0x1A480  }
0x5b2: {  	[tilespmem:s13], [sflag:$0x5] =	stream.linear.gather [hbm4b:s12+s4], $0x80, $0x38;
	[tilespmem:$0x1C700] =	vst v63  }
0x5b3: {  	s18 =	sadd.s32 $0xE0, s8;
	s19 =	simm.s32 $0x1A580  }
0x5b4: {  	[tilespmem:s19], [sflag:$0x5] =	stream.linear.gather [hbm4b:s18+s4], $0x80, $0x38;
	[tilespmem:$0x1C700] =	vst v63  }
0x5b5: {  	s13 =	sadd.s32 $0xF0, s8;
	s18 =	simm.s32 $0x1A680  }
0x5b6: {  	[tilespmem:s18], [sflag:$0x5] =	stream.linear.gather [hbm4b:s13+s4], $0x80, $0x38;
	[tilespmem:$0x1C700] =	vst v63  }
0x5b7: {  	_ =	swait.ge [sflag:s20], $0x800  }
0x5b8: {  	[sflag:s20] =	ssyncset.done $0x0  }
0x5b9: {  	[sflag:s20] =	ssyncadd.s32 $0xFFFFF800  }
0x5ba: {  	_ =	swait.ge [sflag:s21], $0x800  }
0x5bb: {  	[sflag:s21] =	ssyncset.done $0x0  }
0x5bc: {  	s19 =	simm.s32 $0x18800;
	[sflag:s21] =	ssyncadd.s32 $0xFFFFF800  }
0x5bd: {  	v0 =	vld [tilespmem:s19+$0x70]  }
0x5be: {  	v1 =	vld [tilespmem:s19+$0xFFFFFF10]  }
0x5bf: {  	v2 =	vld [tilespmem:s19+$0xFFFFFF20]  }
0x5c0: {  	v3 =	vld [tilespmem:s19+$0xFFFFFF30]  }
0x5c1: {  	v4 =	vld [tilespmem:s19+$0xFFFFFF40]  }
0x5c2: {  	v5 =	vld [tilespmem:s19+$0xFFFFFF50]  }
0x5c3: {  	v6 =	vld [tilespmem:s19+$0xFFFFFF60]  }
0x5c4: {  	v7 =	vld [tilespmem:s19+$0xFFFFFF70]  }
0x5c5: {  	v8 =	vld [tilespmem:s19+$0x0]  }
0x5c6: {  	v9 =	vld [tilespmem:s19+$0x10]  }
0x5c7: {  	v10 =	vld [tilespmem:s19+$0x20]  }
0x5c8: {  	v11 =	vld [tilespmem:s19+$0x30]  }
0x5c9: {  	v12 =	vld [tilespmem:s19+$0x40]  }
0x5ca: {  	v13 =	vld [tilespmem:s19+$0x50]  }
0x5cb: {  	v14 =	vld [tilespmem:s19+$0x60]  }
0x5cc: {  	v15 =	vld [tilespmem:s19+$0xFFFFFF00]  }
0x5cd: {  	v0 =	vld.idx.msk [tilespmem:v0+s4+$0x0], $0xffff  }
0x5ce: {  	v1 =	vld.idx.msk [tilespmem:v1+s4+$0x0], $0xffff  }
0x5cf: {  	v2 =	vld.idx.msk [tilespmem:v2+s4+$0x0], $0xffff  }
0x5d0: {  	v3 =	vld.idx.msk [tilespmem:v3+s4+$0x0], $0xffff  }
0x5d1: {  	v4 =	vld.idx.msk [tilespmem:v4+s4+$0x0], $0xffff  }
0x5d2: {  	v5 =	vld.idx.msk [tilespmem:v5+s4+$0x0], $0xffff  }
0x5d3: {  	v6 =	vld.idx.msk [tilespmem:v6+s4+$0x0], $0xffff  }
0x5d4: {  	v15 =	vld.idx.msk [tilespmem:v15+s4+$0x0], $0xffff  }
0x5d5: {  	v7 =	vld.idx.msk [tilespmem:v7+s4+$0x0], $0xffff  }
0x5d6: {  	v8 =	vld.idx.msk [tilespmem:v8+s4+$0x0], $0xffff  }
0x5d7: {  	v9 =	vld.idx.msk [tilespmem:v9+s4+$0x0], $0xffff  }
0x5d8: {  	v10 =	vld.idx.msk [tilespmem:v10+s4+$0x0], $0xffff  }
0x5d9: {  	v11 =	vld.idx.msk [tilespmem:v11+s4+$0x0], $0xffff  }
0x5da: {  	v12 =	vld.idx.msk [tilespmem:v12+s4+$0x0], $0xffff  }
0x5db: {  	s11 =	simm.s32 $0x1A780;
	v13 =	vld.idx.msk [tilespmem:v13+s4+$0x0], $0xffff  }
0x5dc: {  	s12 =	simm.s32 $0x19800;
	v14 =	vld.idx.msk [tilespmem:v14+s4+$0x0], $0xffff;
	[tilespmem:s11+$0x70] =	vst v0  }
0x5dd: {  	[tilespmem:s11+$0xFFFFFF80] =	vst v15;
	v0 =	vld [tilespmem:s12+$0x70]  }
0x5de: {  	[tilespmem:s11+$0xFFFFFF90] =	vst v1;
	v1 =	vld [tilespmem:s12+$0xFFFFFF00]  }
0x5df: {  	[tilespmem:s11+$0xFFFFFFA0] =	vst v2;
	v2 =	vld [tilespmem:s12+$0xFFFFFF10]  }
0x5e0: {  	[tilespmem:s11+$0xFFFFFFB0] =	vst v3;
	v3 =	vld [tilespmem:s12+$0xFFFFFF20]  }
0x5e1: {  	[tilespmem:s11+$0xFFFFFFC0] =	vst v4;
	v4 =	vld [tilespmem:s12+$0xFFFFFF30]  }
0x5e2: {  	[tilespmem:s11+$0xFFFFFFD0] =	vst v5;
	v5 =	vld [tilespmem:s12+$0xFFFFFF40]  }
0x5e3: {  	[tilespmem:s11+$0xFFFFFFE0] =	vst v6;
	v6 =	vld [tilespmem:s12+$0xFFFFFF50]  }
0x5e4: {  	[tilespmem:s11+$0xFFFFFFF0] =	vst v7;
	v7 =	vld [tilespmem:s12+$0xFFFFFF60]  }
0x5e5: {  	[tilespmem:s11+$0x0] =	vst v8;
	v56 =	vld [tilespmem:s12+$0xFFFFFF70]  }
0x5e6: {  	[tilespmem:s11+$0x10] =	vst v9;
	v57 =	vld [tilespmem:s12+$0x0]  }
0x5e7: {  	[tilespmem:s11+$0x20] =	vst v10;
	v58 =	vld [tilespmem:s12+$0x10]  }
0x5e8: {  	[tilespmem:s11+$0x30] =	vst v11;
	v59 =	vld [tilespmem:s12+$0x20]  }
0x5e9: {  	[tilespmem:s11+$0x40] =	vst v12;
	v60 =	vld [tilespmem:s12+$0x30]  }
0x5ea: {  	[tilespmem:s11+$0x50] =	vst v13;
	v61 =	vld [tilespmem:s12+$0x40]  }
0x5eb: {  	[tilespmem:s11+$0x60] =	vst v14;
	v62 =	vld [tilespmem:s12+$0x50]  }
0x5ec: {  	v63 =	vld [tilespmem:s12+$0x60]  }
0x5ed: {  	v0 =	vld.idx.msk [tilespmem:v0+s4+$0x0], $0xffff  }
0x5ee: {  	v1 =	vld.idx.msk [tilespmem:v1+s4+$0x0], $0xffff  }
0x5ef: {  	v2 =	vld.idx.msk [tilespmem:v2+s4+$0x0], $0xffff  }
0x5f0: {  	v3 =	vld.idx.msk [tilespmem:v3+s4+$0x0], $0xffff  }
0x5f1: {  	v4 =	vld.idx.msk [tilespmem:v4+s4+$0x0], $0xffff  }
0x5f2: {  	s13 =	simm.s32 $0x1B780;
	v5 =	vld.idx.msk [tilespmem:v5+s4+$0x0], $0xffff  }
0x5f3: {  	v6 =	vld.idx.msk [tilespmem:v6+s4+$0x0], $0xffff;
	[tilespmem:s13+$0x70] =	vst v0  }
0x5f4: {  	v7 =	vld.idx.msk [tilespmem:v7+s4+$0x0], $0xffff;
	[tilespmem:s13+$0xFFFFFF80] =	vst v1  }
0x5f5: {  	v8 =	vld.idx.msk [tilespmem:v56+s4+$0x0], $0xffff;
	[tilespmem:s13+$0xFFFFFF90] =	vst v2  }
0x5f6: {  	v9 =	vld.idx.msk [tilespmem:v57+s4+$0x0], $0xffff;
	[tilespmem:s13+$0xFFFFFFA0] =	vst v3  }
0x5f7: {  	[tilespmem:s13+$0xFFFFFFB0] =	vst v4;
	v0 =	vld.idx.msk [tilespmem:v58+s4+$0x0], $0xffff  }
0x5f8: {  	[tilespmem:s13+$0xFFFFFFC0] =	vst v5;
	v1 =	vld.idx.msk [tilespmem:v59+s4+$0x0], $0xffff  }
0x5f9: {  	[tilespmem:s13+$0xFFFFFFD0] =	vst v6;
	v2 =	vld.idx.msk [tilespmem:v60+s4+$0x0], $0xffff  }
0x5fa: {  	[tilespmem:s13+$0xFFFFFFE0] =	vst v7;
	v3 =	vld.idx.msk [tilespmem:v61+s4+$0x0], $0xffff  }
0x5fb: {  	[tilespmem:s13+$0xFFFFFFF0] =	vst v8;
	v4 =	vld.idx.msk [tilespmem:v62+s4+$0x0], $0xffff  }
0x5fc: {  	s18 =	simm.s32 $0x0;
	s19 =	simm.s32 $0x18A00;
	[tilespmem:s13+$0x0] =	vst v9;
	v5 =	vld.idx.msk [tilespmem:v63+s4+$0x0], $0xffff  }
.LBB2_14:
0x5fd: {  	v6 =	vld [tilespmem:s19+$0x70];
	s18 =	sadd.s32 $0x10, s18;
	[tilespmem:s13+$0x10] =	vst v0  }
0x5fe: {  	v0 =	vld [tilespmem:s19+$0xFFFFFF10];
	p0 =	slt.u32 s18, $0x70;
	[tilespmem:s13+$0x20] =	vst v1  }
0x5ff: {  	v1 =	vld [tilespmem:s19+$0xFFFFFF20];
	[tilespmem:s13+$0x30] =	vst v2  }
0x600: {  	v2 =	vld [tilespmem:s19+$0xFFFFFF30];
	[tilespmem:s13+$0x40] =	vst v3  }
0x601: {  	v3 =	vld [tilespmem:s19+$0xFFFFFF40];
	[tilespmem:s13+$0x50] =	vst v4  }
0x602: {  	v4 =	vld [tilespmem:s19+$0xFFFFFF50];
	[tilespmem:s13+$0x60] =	vst v5  }
0x603: {  	v5 =	vld [tilespmem:s19+$0xFFFFFF60]  }
0x604: {  	v7 =	vld [tilespmem:s19+$0xFFFFFF70]  }
0x605: {  	v6 =	vld.idx.msk [tilespmem:v6+s4+$0x0], $0xffff  }
0x606: {  	v8 =	vld [tilespmem:s19+$0x0]  }
0x607: {  	v9 =	vld [tilespmem:s19+$0x10]  }
0x608: {  	v10 =	vld [tilespmem:s19+$0x20]  }
0x609: {  	v11 =	vld [tilespmem:s19+$0x30]  }
0x60a: {  	s11 =	sadd.s32 $0x100, s11;
	v12 =	vld [tilespmem:s19+$0x40]  }
0x60b: {  	s12 =	sadd.s32 $0x200, s12;
	v13 =	vld [tilespmem:s19+$0x50];
	[tilespmem:s11+$0x70] =	vst v6  }
0x60c: {  	v6 =	vld [tilespmem:s12+$0x70]  }
0x60d: {  	v14 =	vld [tilespmem:s19+$0x60]  }
0x60e: {  	v15 =	vld [tilespmem:s19+$0xFFFFFF00]  }
0x60f: {  	v0 =	vld.idx.msk [tilespmem:v0+s4+$0x0], $0xffff  }
0x610: {  	v1 =	vld.idx.msk [tilespmem:v1+s4+$0x0], $0xffff  }
0x611: {  	v2 =	vld.idx.msk [tilespmem:v2+s4+$0x0], $0xffff  }
0x612: {  	v3 =	vld.idx.msk [tilespmem:v3+s4+$0x0], $0xffff  }
0x613: {  	v4 =	vld.idx.msk [tilespmem:v4+s4+$0x0], $0xffff  }
0x614: {  	v6 =	vld.idx.msk [tilespmem:v6+s4+$0x0], $0xffff  }
0x615: {  	[tilespmem:s11+$0xFFFFFF90] =	vst v0;
	v0 =	vld.idx.msk [tilespmem:v5+s4+$0x0], $0xffff  }
0x616: {  	v5 =	vld.idx.msk [tilespmem:v15+s4+$0x0], $0xffff;
	[tilespmem:s11+$0xFFFFFFA0] =	vst v1  }
0x617: {  	[tilespmem:s11+$0xFFFFFFB0] =	vst v2;
	v1 =	vld.idx.msk [tilespmem:v7+s4+$0x0], $0xffff  }
0x618: {  	[tilespmem:s11+$0xFFFFFFC0] =	vst v3;
	v2 =	vld.idx.msk [tilespmem:v8+s4+$0x0], $0xffff  }
0x619: {  	s13 =	sadd.s32 $0x100, s13;
	[tilespmem:s11+$0xFFFFFFD0] =	vst v4;
	v3 =	vld.idx.msk [tilespmem:v9+s4+$0x0], $0xffff  }
0x61a: {  	v4 =	vld.idx.msk [tilespmem:v10+s4+$0x0], $0xffff;
	[tilespmem:s13+$0x70] =	vst v6  }
0x61b: {  	[tilespmem:s11+$0xFFFFFFE0] =	vst v0;
	v0 =	vld.idx.msk [tilespmem:v11+s4+$0x0], $0xffff  }
0x61c: {  	[tilespmem:s11+$0xFFFFFF80] =	vst v5;
	v5 =	vld.idx.msk [tilespmem:v12+s4+$0x0], $0xffff  }
0x61d: {  	[tilespmem:s11+$0xFFFFFFF0] =	vst v1;
	v1 =	vld.idx.msk [tilespmem:v13+s4+$0x0], $0xffff  }
0x61e: {  	[tilespmem:s11+$0x0] =	vst v2;
	v2 =	vld.idx.msk [tilespmem:v14+s4+$0x0], $0xffff  }
0x61f: {  	v6 =	vld [tilespmem:s12+$0xFFFFFF00];
	[tilespmem:s11+$0x10] =	vst v3  }
0x620: {  	v3 =	vld [tilespmem:s12+$0xFFFFFF10];
	[tilespmem:s11+$0x20] =	vst v4  }
0x621: {  	v4 =	vld [tilespmem:s12+$0xFFFFFF20];
	[tilespmem:s11+$0x30] =	vst v0  }
0x622: {  	v0 =	vld [tilespmem:s12+$0xFFFFFF30];
	[tilespmem:s11+$0x40] =	vst v5  }
0x623: {  	v5 =	vld [tilespmem:s12+$0xFFFFFF40];
	[tilespmem:s11+$0x50] =	vst v1  }
0x624: {  	v1 =	vld [tilespmem:s12+$0xFFFFFF50];
	[tilespmem:s11+$0x60] =	vst v2  }
0x625: {  	v2 =	vld [tilespmem:s12+$0xFFFFFF60]  }
0x626: {  	v7 =	vld [tilespmem:s12+$0xFFFFFF70]  }
0x627: {  	v8 =	vld [tilespmem:s12+$0x0]  }
0x628: {  	v9 =	vld [tilespmem:s12+$0x10]  }
0x629: {  	v10 =	vld [tilespmem:s12+$0x20]  }
0x62a: {  	v11 =	vld [tilespmem:s12+$0x30]  }
0x62b: {  	v12 =	vld [tilespmem:s12+$0x40]  }
0x62c: {  	v13 =	vld [tilespmem:s12+$0x50]  }
0x62d: {  	v14 =	vld [tilespmem:s12+$0x60]  }
0x62e: {  	v6 =	vld.idx.msk [tilespmem:v6+s4+$0x0], $0xffff  }
0x62f: {  	v3 =	vld.idx.msk [tilespmem:v3+s4+$0x0], $0xffff  }
0x630: {  	v4 =	vld.idx.msk [tilespmem:v4+s4+$0x0], $0xffff  }
0x631: {  	v0 =	vld.idx.msk [tilespmem:v0+s4+$0x0], $0xffff  }
0x632: {  	v5 =	vld.idx.msk [tilespmem:v5+s4+$0x0], $0xffff  }
0x633: {  	v15 =	vld.idx.msk [tilespmem:v1+s4+$0x0], $0xffff  }
0x634: {  	[tilespmem:s13+$0xFFFFFF80] =	vst v6;
	v6 =	vld.idx.msk [tilespmem:v2+s4+$0x0], $0xffff  }
0x635: {  	[tilespmem:s13+$0xFFFFFF90] =	vst v3;
	v7 =	vld.idx.msk [tilespmem:v7+s4+$0x0], $0xffff  }
0x636: {  	[tilespmem:s13+$0xFFFFFFA0] =	vst v4;
	v8 =	vld.idx.msk [tilespmem:v8+s4+$0x0], $0xffff  }
0x637: {  	[tilespmem:s13+$0xFFFFFFB0] =	vst v0;
	v0 =	vld.idx.msk [tilespmem:v9+s4+$0x0], $0xffff  }
.Ltmp6:
0x638: {  	[tilespmem:s13+$0xFFFFFFC0] =	vst v5;
	v1 =	vld.idx.msk [tilespmem:v10+s4+$0x0], $0xffff;
	(pc) =	sbr.rel @p0 .LBB2_14-.Ltmp6, $4  }
0x639: {  	[tilespmem:s13+$0xFFFFFFD0] =	vst v15;
	v2 =	vld.idx.msk [tilespmem:v11+s4+$0x0], $0xffff  }
0x63a: {  	[tilespmem:s13+$0xFFFFFFE0] =	vst v6;
	v3 =	vld.idx.msk [tilespmem:v12+s4+$0x0], $0xffff  }
0x63b: {  	[tilespmem:s13+$0xFFFFFFF0] =	vst v7;
	v4 =	vld.idx.msk [tilespmem:v13+s4+$0x0], $0xffff  }
0x63c: {  	s19 =	sadd.s32 $0x200, s19;
	[tilespmem:s13+$0x0] =	vst v8;
	v5 =	vld.idx.msk [tilespmem:v14+s4+$0x0], $0xffff  }
0x63d: {  	[tilespmem:s13+$0x10] =	vst v0  }
0x63e: {  	[tilespmem:s13+$0x20] =	vst v1  }
0x63f: {  	[tilespmem:s13+$0x30] =	vst v2  }
0x640: {  	[tilespmem:s13+$0x40] =	vst v3  }
0x641: {  	[tilespmem:s13+$0x50] =	vst v4  }
0x642: {  	[tilespmem:s13+$0x60] =	vst v5  }
0x643: {  	s12 =	simm.s32 $0x1A700;
	s11 =	rddreg [dreg:$0x12]  }
0x644: {  	[hbm4b:s11+s4] =	stream.linear.scatter [tilespmem:s12], [sflag:$0x6], $0x800, $0x38;
	[tilespmem:$0x1C700] =	vst v63  }
0x645: {  	s18 =	simm.s32 $0x1B700;
	s13 =	rddreg [dreg:$0x13]  }
0x646: {  	[hbm4b:s13+s4] =	stream.linear.scatter [tilespmem:s18], [sflag:$0x8], $0x800, $0x38;
	[tilespmem:$0x1C700] =	vst v63  }
0x647: {  	_ =	swait.ge [sflag:s14], $0x800  }
0x648: {  	[sflag:s14] =	ssyncset.done $0x0  }
0x649: {  	[sflag:s14] =	ssyncadd.s32 $0xFFFFF800  }
0x64a: {  	_ =	swait.ge [sflag:s15], $0x800  }
0x64b: {  	[sflag:s15] =	ssyncset.done $0x0  }
0x64c: {  	[sflag:s15] =	ssyncadd.s32 $0xFFFFF800  }
0x64d: {  	_ =	swait.ge [sflag:s24], $0x800  }
0x64e: {  	[sflag:s24] =	ssyncset.done $0x0  }
0x64f: {  	[sflag:s24] =	ssyncadd.s32 $0xFFFFF800  }
0x650: {  	_ =	swait.ge [sflag:s25], $0x800  }
0x651: {  	[sflag:s25] =	ssyncset.done $0x0  }
0x652: {  	s19 =	simm.s32 $0x18880;
	[sflag:s25] =	ssyncadd.s32 $0xFFFFF800  }
0x653: {  	v0 =	vld [tilespmem:s19+$0x70]  }
0x654: {  	v1 =	vld [tilespmem:s19+$0xFFFFFF10]  }
0x655: {  	v2 =	vld [tilespmem:s19+$0xFFFFFF20]  }
0x656: {  	v3 =	vld [tilespmem:s19+$0xFFFFFF30]  }
0x657: {  	v4 =	vld [tilespmem:s19+$0xFFFFFF40]  }
0x658: {  	v5 =	vld [tilespmem:s19+$0xFFFFFF50]  }
0x659: {  	v6 =	vld [tilespmem:s19+$0xFFFFFF60]  }
0x65a: {  	v7 =	vld [tilespmem:s19+$0xFFFFFF70]  }
0x65b: {  	v8 =	vld [tilespmem:s19+$0x0]  }
0x65c: {  	v9 =	vld [tilespmem:s19+$0x10]  }
0x65d: {  	v10 =	vld [tilespmem:s19+$0x20]  }
0x65e: {  	v11 =	vld [tilespmem:s19+$0x30]  }
0x65f: {  	v12 =	vld [tilespmem:s19+$0x40]  }
0x660: {  	v13 =	vld [tilespmem:s19+$0x50]  }
0x661: {  	v14 =	vld [tilespmem:s19+$0x60]  }
0x662: {  	v15 =	vld [tilespmem:s19+$0xFFFFFF00]  }
0x663: {  	v0 =	vld.idx.msk [tilespmem:v0+s4+$0x0], $0xffff  }
0x664: {  	v1 =	vld.idx.msk [tilespmem:v1+s4+$0x0], $0xffff  }
0x665: {  	v2 =	vld.idx.msk [tilespmem:v2+s4+$0x0], $0xffff  }
0x666: {  	v3 =	vld.idx.msk [tilespmem:v3+s4+$0x0], $0xffff  }
0x667: {  	v4 =	vld.idx.msk [tilespmem:v4+s4+$0x0], $0xffff  }
0x668: {  	v5 =	vld.idx.msk [tilespmem:v5+s4+$0x0], $0xffff  }
0x669: {  	v6 =	vld.idx.msk [tilespmem:v6+s4+$0x0], $0xffff  }
0x66a: {  	v15 =	vld.idx.msk [tilespmem:v15+s4+$0x0], $0xffff  }
0x66b: {  	v7 =	vld.idx.msk [tilespmem:v7+s4+$0x0], $0xffff  }
0x66c: {  	v8 =	vld.idx.msk [tilespmem:v8+s4+$0x0], $0xffff  }
0x66d: {  	v9 =	vld.idx.msk [tilespmem:v9+s4+$0x0], $0xffff  }
0x66e: {  	v10 =	vld.idx.msk [tilespmem:v10+s4+$0x0], $0xffff  }
0x66f: {  	v11 =	vld.idx.msk [tilespmem:v11+s4+$0x0], $0xffff  }
0x670: {  	v12 =	vld.idx.msk [tilespmem:v12+s4+$0x0], $0xffff  }
0x671: {  	s11 =	simm.s32 $0x1AFF0;
	v13 =	vld.idx.msk [tilespmem:v13+s4+$0x0], $0xffff  }
0x672: {  	s12 =	simm.s32 $0x19880;
	v14 =	vld.idx.msk [tilespmem:v14+s4+$0x0], $0xffff;
	[tilespmem:s11+$0x0] =	vst v0  }
0x673: {  	[tilespmem:s11+$0xFFFFFF10] =	vst v15;
	v0 =	vld [tilespmem:s12+$0x70]  }
0x674: {  	[tilespmem:s11+$0xFFFFFF20] =	vst v1;
	v1 =	vld [tilespmem:s12+$0xFFFFFF00]  }
0x675: {  	[tilespmem:s11+$0xFFFFFF30] =	vst v2;
	v2 =	vld [tilespmem:s12+$0xFFFFFF10]  }
0x676: {  	[tilespmem:s11+$0xFFFFFF40] =	vst v3;
	v3 =	vld [tilespmem:s12+$0xFFFFFF20]  }
0x677: {  	[tilespmem:s11+$0xFFFFFF50] =	vst v4;
	v4 =	vld [tilespmem:s12+$0xFFFFFF30]  }
0x678: {  	[tilespmem:s11+$0xFFFFFF60] =	vst v5;
	v5 =	vld [tilespmem:s12+$0xFFFFFF40]  }
0x679: {  	[tilespmem:s11+$0xFFFFFF70] =	vst v6;
	v6 =	vld [tilespmem:s12+$0xFFFFFF50]  }
0x67a: {  	[tilespmem:s11+$0xFFFFFF80] =	vst v7;
	v7 =	vld [tilespmem:s12+$0xFFFFFF60]  }
0x67b: {  	[tilespmem:s11+$0xFFFFFF90] =	vst v8;
	v56 =	vld [tilespmem:s12+$0xFFFFFF70]  }
0x67c: {  	[tilespmem:s11+$0xFFFFFFA0] =	vst v9;
	v57 =	vld [tilespmem:s12+$0x0]  }
0x67d: {  	[tilespmem:s11+$0xFFFFFFB0] =	vst v10;
	v58 =	vld [tilespmem:s12+$0x10]  }
0x67e: {  	[tilespmem:s11+$0xFFFFFFC0] =	vst v11;
	v59 =	vld [tilespmem:s12+$0x20]  }
0x67f: {  	[tilespmem:s11+$0xFFFFFFD0] =	vst v12;
	v60 =	vld [tilespmem:s12+$0x30]  }
0x680: {  	[tilespmem:s11+$0xFFFFFFE0] =	vst v13;
	v61 =	vld [tilespmem:s12+$0x40]  }
0x681: {  	[tilespmem:s11+$0xFFFFFFF0] =	vst v14;
	v62 =	vld [tilespmem:s12+$0x50]  }
0x682: {  	v63 =	vld [tilespmem:s12+$0x60]  }
0x683: {  	v0 =	vld.idx.msk [tilespmem:v0+s4+$0x0], $0xffff  }
0x684: {  	v1 =	vld.idx.msk [tilespmem:v1+s4+$0x0], $0xffff  }
0x685: {  	v2 =	vld.idx.msk [tilespmem:v2+s4+$0x0], $0xffff  }
0x686: {  	v3 =	vld.idx.msk [tilespmem:v3+s4+$0x0], $0xffff  }
0x687: {  	v4 =	vld.idx.msk [tilespmem:v4+s4+$0x0], $0xffff  }
0x688: {  	s13 =	simm.s32 $0x1BFF0;
	v5 =	vld.idx.msk [tilespmem:v5+s4+$0x0], $0xffff  }
0x689: {  	v6 =	vld.idx.msk [tilespmem:v6+s4+$0x0], $0xffff;
	[tilespmem:s13+$0x0] =	vst v0  }
0x68a: {  	v7 =	vld.idx.msk [tilespmem:v7+s4+$0x0], $0xffff;
	[tilespmem:s13+$0xFFFFFF10] =	vst v1  }
0x68b: {  	v8 =	vld.idx.msk [tilespmem:v56+s4+$0x0], $0xffff;
	[tilespmem:s13+$0xFFFFFF20] =	vst v2  }
0x68c: {  	v9 =	vld.idx.msk [tilespmem:v57+s4+$0x0], $0xffff;
	[tilespmem:s13+$0xFFFFFF30] =	vst v3  }
0x68d: {  	[tilespmem:s13+$0xFFFFFF40] =	vst v4;
	v0 =	vld.idx.msk [tilespmem:v58+s4+$0x0], $0xffff  }
0x68e: {  	[tilespmem:s13+$0xFFFFFF50] =	vst v5;
	v1 =	vld.idx.msk [tilespmem:v59+s4+$0x0], $0xffff  }
0x68f: {  	[tilespmem:s13+$0xFFFFFF60] =	vst v6;
	v2 =	vld.idx.msk [tilespmem:v60+s4+$0x0], $0xffff  }
0x690: {  	[tilespmem:s13+$0xFFFFFF70] =	vst v7;
	v3 =	vld.idx.msk [tilespmem:v61+s4+$0x0], $0xffff  }
0x691: {  	[tilespmem:s13+$0xFFFFFF80] =	vst v8;
	v4 =	vld.idx.msk [tilespmem:v62+s4+$0x0], $0xffff  }
0x692: {  	s18 =	simm.s32 $0x0;
	s19 =	simm.s32 $0x18A80;
	[tilespmem:s13+$0xFFFFFF90] =	vst v9;
	v5 =	vld.idx.msk [tilespmem:v63+s4+$0x0], $0xffff  }
.LBB2_16:
0x693: {  	v6 =	vld [tilespmem:s19+$0x70];
	s18 =	sadd.s32 $0x10, s18;
	[tilespmem:s13+$0xFFFFFFA0] =	vst v0  }
0x694: {  	v0 =	vld [tilespmem:s19+$0xFFFFFF10];
	p0 =	slt.u32 s18, $0x70;
	[tilespmem:s13+$0xFFFFFFB0] =	vst v1  }
0x695: {  	v1 =	vld [tilespmem:s19+$0xFFFFFF20];
	[tilespmem:s13+$0xFFFFFFC0] =	vst v2  }
0x696: {  	v2 =	vld [tilespmem:s19+$0xFFFFFF30];
	[tilespmem:s13+$0xFFFFFFD0] =	vst v3  }
0x697: {  	v3 =	vld [tilespmem:s19+$0xFFFFFF40];
	[tilespmem:s13+$0xFFFFFFE0] =	vst v4  }
0x698: {  	v4 =	vld [tilespmem:s19+$0xFFFFFF50];
	[tilespmem:s13+$0xFFFFFFF0] =	vst v5  }
0x699: {  	v5 =	vld [tilespmem:s19+$0xFFFFFF60]  }
0x69a: {  	v7 =	vld [tilespmem:s19+$0xFFFFFF70]  }
0x69b: {  	v6 =	vld.idx.msk [tilespmem:v6+s4+$0x0], $0xffff  }
0x69c: {  	v8 =	vld [tilespmem:s19+$0x0]  }
0x69d: {  	v9 =	vld [tilespmem:s19+$0x10]  }
0x69e: {  	v10 =	vld [tilespmem:s19+$0x20]  }
0x69f: {  	v11 =	vld [tilespmem:s19+$0x30]  }
0x6a0: {  	s11 =	sadd.s32 $0x100, s11;
	v12 =	vld [tilespmem:s19+$0x40]  }
0x6a1: {  	s12 =	sadd.s32 $0x200, s12;
	v13 =	vld [tilespmem:s19+$0x50];
	[tilespmem:s11+$0x0] =	vst v6  }
0x6a2: {  	v6 =	vld [tilespmem:s12+$0x70]  }
0x6a3: {  	v14 =	vld [tilespmem:s19+$0x60]  }
0x6a4: {  	v15 =	vld [tilespmem:s19+$0xFFFFFF00]  }
0x6a5: {  	v0 =	vld.idx.msk [tilespmem:v0+s4+$0x0], $0xffff  }
0x6a6: {  	v1 =	vld.idx.msk [tilespmem:v1+s4+$0x0], $0xffff  }
0x6a7: {  	v2 =	vld.idx.msk [tilespmem:v2+s4+$0x0], $0xffff  }
0x6a8: {  	v3 =	vld.idx.msk [tilespmem:v3+s4+$0x0], $0xffff  }
0x6a9: {  	v4 =	vld.idx.msk [tilespmem:v4+s4+$0x0], $0xffff  }
0x6aa: {  	v6 =	vld.idx.msk [tilespmem:v6+s4+$0x0], $0xffff  }
0x6ab: {  	[tilespmem:s11+$0xFFFFFF20] =	vst v0;
	v0 =	vld.idx.msk [tilespmem:v5+s4+$0x0], $0xffff  }
0x6ac: {  	v5 =	vld.idx.msk [tilespmem:v15+s4+$0x0], $0xffff;
	[tilespmem:s11+$0xFFFFFF30] =	vst v1  }
0x6ad: {  	[tilespmem:s11+$0xFFFFFF40] =	vst v2;
	v1 =	vld.idx.msk [tilespmem:v7+s4+$0x0], $0xffff  }
0x6ae: {  	[tilespmem:s11+$0xFFFFFF50] =	vst v3;
	v2 =	vld.idx.msk [tilespmem:v8+s4+$0x0], $0xffff  }
0x6af: {  	s13 =	sadd.s32 $0x100, s13;
	[tilespmem:s11+$0xFFFFFF60] =	vst v4;
	v3 =	vld.idx.msk [tilespmem:v9+s4+$0x0], $0xffff  }
0x6b0: {  	v4 =	vld.idx.msk [tilespmem:v10+s4+$0x0], $0xffff;
	[tilespmem:s13+$0x0] =	vst v6  }
0x6b1: {  	[tilespmem:s11+$0xFFFFFF70] =	vst v0;
	v0 =	vld.idx.msk [tilespmem:v11+s4+$0x0], $0xffff  }
0x6b2: {  	[tilespmem:s11+$0xFFFFFF10] =	vst v5;
	v5 =	vld.idx.msk [tilespmem:v12+s4+$0x0], $0xffff  }
0x6b3: {  	[tilespmem:s11+$0xFFFFFF80] =	vst v1;
	v1 =	vld.idx.msk [tilespmem:v13+s4+$0x0], $0xffff  }
0x6b4: {  	[tilespmem:s11+$0xFFFFFF90] =	vst v2;
	v2 =	vld.idx.msk [tilespmem:v14+s4+$0x0], $0xffff  }
0x6b5: {  	v6 =	vld [tilespmem:s12+$0xFFFFFF00];
	[tilespmem:s11+$0xFFFFFFA0] =	vst v3  }
0x6b6: {  	v3 =	vld [tilespmem:s12+$0xFFFFFF10];
	[tilespmem:s11+$0xFFFFFFB0] =	vst v4  }
0x6b7: {  	v4 =	vld [tilespmem:s12+$0xFFFFFF20];
	[tilespmem:s11+$0xFFFFFFC0] =	vst v0  }
0x6b8: {  	v0 =	vld [tilespmem:s12+$0xFFFFFF30];
	[tilespmem:s11+$0xFFFFFFD0] =	vst v5  }
0x6b9: {  	v5 =	vld [tilespmem:s12+$0xFFFFFF40];
	[tilespmem:s11+$0xFFFFFFE0] =	vst v1  }
0x6ba: {  	v1 =	vld [tilespmem:s12+$0xFFFFFF50];
	[tilespmem:s11+$0xFFFFFFF0] =	vst v2  }
0x6bb: {  	v2 =	vld [tilespmem:s12+$0xFFFFFF60]  }
0x6bc: {  	v7 =	vld [tilespmem:s12+$0xFFFFFF70]  }
0x6bd: {  	v8 =	vld [tilespmem:s12+$0x0]  }
0x6be: {  	v9 =	vld [tilespmem:s12+$0x10]  }
0x6bf: {  	v10 =	vld [tilespmem:s12+$0x20]  }
0x6c0: {  	v11 =	vld [tilespmem:s12+$0x30]  }
0x6c1: {  	v12 =	vld [tilespmem:s12+$0x40]  }
0x6c2: {  	v13 =	vld [tilespmem:s12+$0x50]  }
0x6c3: {  	v14 =	vld [tilespmem:s12+$0x60]  }
0x6c4: {  	v6 =	vld.idx.msk [tilespmem:v6+s4+$0x0], $0xffff  }
0x6c5: {  	v3 =	vld.idx.msk [tilespmem:v3+s4+$0x0], $0xffff  }
0x6c6: {  	v4 =	vld.idx.msk [tilespmem:v4+s4+$0x0], $0xffff  }
0x6c7: {  	v0 =	vld.idx.msk [tilespmem:v0+s4+$0x0], $0xffff  }
0x6c8: {  	v5 =	vld.idx.msk [tilespmem:v5+s4+$0x0], $0xffff  }
0x6c9: {  	v15 =	vld.idx.msk [tilespmem:v1+s4+$0x0], $0xffff  }
0x6ca: {  	[tilespmem:s13+$0xFFFFFF10] =	vst v6;
	v6 =	vld.idx.msk [tilespmem:v2+s4+$0x0], $0xffff  }
0x6cb: {  	[tilespmem:s13+$0xFFFFFF20] =	vst v3;
	v7 =	vld.idx.msk [tilespmem:v7+s4+$0x0], $0xffff  }
0x6cc: {  	[tilespmem:s13+$0xFFFFFF30] =	vst v4;
	v8 =	vld.idx.msk [tilespmem:v8+s4+$0x0], $0xffff  }
0x6cd: {  	[tilespmem:s13+$0xFFFFFF40] =	vst v0;
	v0 =	vld.idx.msk [tilespmem:v9+s4+$0x0], $0xffff  }
.Ltmp7:
0x6ce: {  	[tilespmem:s13+$0xFFFFFF50] =	vst v5;
	v1 =	vld.idx.msk [tilespmem:v10+s4+$0x0], $0xffff;
	(pc) =	sbr.rel @p0 .LBB2_16-.Ltmp7, $4  }
0x6cf: {  	[tilespmem:s13+$0xFFFFFF60] =	vst v15;
	v2 =	vld.idx.msk [tilespmem:v11+s4+$0x0], $0xffff  }
0x6d0: {  	[tilespmem:s13+$0xFFFFFF70] =	vst v6;
	v3 =	vld.idx.msk [tilespmem:v12+s4+$0x0], $0xffff  }
0x6d1: {  	[tilespmem:s13+$0xFFFFFF80] =	vst v7;
	v4 =	vld.idx.msk [tilespmem:v13+s4+$0x0], $0xffff  }
0x6d2: {  	s19 =	sadd.s32 $0x200, s19;
	[tilespmem:s13+$0xFFFFFF90] =	vst v8;
	v5 =	vld.idx.msk [tilespmem:v14+s4+$0x0], $0xffff  }
0x6d3: {  	[tilespmem:s13+$0xFFFFFFA0] =	vst v0  }
0x6d4: {  	[tilespmem:s13+$0xFFFFFFB0] =	vst v1  }
0x6d5: {  	[tilespmem:s13+$0xFFFFFFC0] =	vst v2  }
0x6d6: {  	[tilespmem:s13+$0xFFFFFFD0] =	vst v3  }
0x6d7: {  	[tilespmem:s13+$0xFFFFFFE0] =	vst v4  }
0x6d8: {  	[tilespmem:s13+$0xFFFFFFF0] =	vst v5  }
0x6d9: {  	s12 =	simm.s32 $0x1AF00;
	s11 =	rddreg [dreg:$0x14]  }
0x6da: {  	[hbm4b:s11+s4] =	stream.linear.scatter [tilespmem:s12], [sflag:$0x7], $0x800, $0x38;
	[tilespmem:$0x1C700] =	vst v63  }
0x6db: {  	s18 =	simm.s32 $0x1BF00;
	s13 =	rddreg [dreg:$0x15]  }
0x6dc: {  	[hbm4b:s13+s4] =	stream.linear.scatter [tilespmem:s18], [sflag:$0x9], $0x800, $0x38;
	[tilespmem:$0x1C700] =	vst v63  }
0x6dd: {  	_ =	swait.ge [sflag:s20], $0x800  }
0x6de: {  	[sflag:s20] =	ssyncset.done $0x0  }
0x6df: {  	[sflag:s20] =	ssyncadd.s32 $0xFFFFF800  }
0x6e0: {  	_ =	swait.ge [sflag:s21], $0x800  }
0x6e1: {  	[sflag:s21] =	ssyncset.done $0x0  }
0x6e2: {  	[sflag:s21] =	ssyncadd.s32 $0xFFFFF800  }
0x6e3: {  	_ =	swait.ge [sflag:s24], $0x800  }
0x6e4: {  	[sflag:s24] =	ssyncset.done $0x0  }
0x6e5: {  	[sflag:s24] =	ssyncadd.s32 $0xFFFFF800  }
0x6e6: {  	_ =	swait.ge [sflag:s25], $0x800  }
0x6e7: {  	s9 =	sadd.s32 $0x1, s9;
	s19 =	rddreg [dreg:$0x16]  }
0x6e8: {  	p0 =	sne.s32 s9, s19  }
.Ltmp8:
0x6e9: {  	_ = 	snop;
	(pc) =	sbr.rel @p0 .LBB2_1-.Ltmp8, $3  }
0x6ea: {  	_ =	sdelay $0x1  }
0x6eb: {  	[sflag:s25] =	ssyncset.done $0x0  }
0x6ec: {  	[sflag:s25] =	ssyncadd.s32 $0xFFFFF800  }
0x6ed: {  	_ =	sfence.sel $0x180000  }
0x6ee: {  	[bflag:$0x0] =	sbarrier.arrive $0xFFFF  }
0x6ef: {  	_ =	strace $0x90000047  }
0x6f0: {  	s0 =	stileid.u32;
	[bflag:$0x2] =	sbarrier.arrive $0xFFFF  }
0x6f1: {  	p0 =	sne.s32 s0, $0x0;
	s0 =	rddreg [dreg:$0x4]  }
0x6f2: {  	s0 =	sadd.s32 @!p0 $0x100000, s0  }
0x6f3: {  	[sflag:s0] =	ssyncadd.tile.s32 @!p0 $0x1;
	_ =	shalt  }
.Lfunc_end2:
_tile_overlayer_lowered:
.L_overlay_start_2:
0x6f4: {  	(tag) =	ssettag $0x2  }
0x6f5: {  	s0 =	rddreg [dreg:$0x0];
	s2 =	stileid.u32  }
0x6f6: {  	s1 =	rddreg [dreg:$0x1];
	p0 =	sne.s32 s2, $0x0  }
0x6f7: {  	s3 =	rddreg [dreg:$0x2];
	[bflag:$0x3] =	sbarrier.arrive $0xFFFF;
	s2 =	simm.s32 @!p0 $0x1C0A  }
0x6f8: {  	[timem:s3], [sflag:s2] =	dma.local @!p0 [hbm:s0], s1  }
0x6f9: {  	s0 =	simm.s32 @!p0 $0xA  }
0x6fa: {  	_ =	swait.ge @!p0 [sflag:s0], s1  }
0x6fb: {  	s1 =	ssub.s32 @!p0 $0x0, s1;
	[sflag:s0] =	ssyncset.done @!p0 $0x0  }
0x6fc: {  	[sflag:s0] =	ssyncadd.s32 @!p0 s1  }
0x6fd: {  	[bflag:$0x3] =	sbarrier.arrive $0xFFFF  }
0x6fe: {  	_ =	shalt  }

// kernel: kernel.8.cloned.1.call-start
scs
__scs_entry_jumppad:
0x0: {  	(pc) =	sbr.rel $0x88, $3  }
0x1: {  	(tag) =	ssettag $0x0;
	lr =	simm.s32 $0x1  }
0x2: {  	[smem:$0x3F95] =	sst lr;
	_ =	strace $0xD0000000  }
0x3: {  	_ = 	snop  }
0x4: {  	_ = 	snop  }
0x5: {  	_ = 	snop  }
0x6: {  	_ = 	snop  }
0x7: {  	_ = 	snop  }
__scs_overlays_trampoline_lowered:
0x8: {  	[smem:$0x3FA4] =	sst s0  }
0x9: {  	[smem:$0x3FA5] =	sst s1  }
0xa: {  	[smem:$0x3FA6] =	sst s2  }
0xb: {  	[smem:$0x3FA7] =	sst s3  }
0xc: {  	[smem:$0x3FA8] =	sst s4  }
0xd: {  	[smem:$0x3FA9] =	sst s5  }
0xe: {  	[smem:$0x3FAA] =	sst s6  }
0xf: {  	[smem:$0x3FAB] =	sst s7  }
0x10: {  	[smem:$0x3FAC] =	sst s8  }
0x11: {  	[smem:$0x3FAD] =	sst s9;
	s0 =	simm.s32 @!p0 $0x0  }
0x12: {  	s1 =	sld [smem:$0x3F93];
	s0 =	simm.s32 @p0 $0x1  }
0x13: {  	[smem:$0x3FAE] =	sst s0;
	s0 =	simm.s32 @!p1 $0x0  }
0x14: {  	s2 =	sld [smem:$0x3F92];
	s0 =	simm.s32 @p1 $0x1  }
0x15: {  	[smem:$0x3FAF] =	sst s0;
	s0 =	simm.s32 @!p2 $0x0  }
0x16: {  	s3 =	sld [smem:$0x3FDB];
	s0 =	simm.s32 @p2 $0x1  }
0x17: {  	s4 =	simm.s32 $0x1BF5;
	[smem:$0x3FB1] =	sst s0  }
0x18: {  	s0 =	sld [smem:$0x3F94];
	_ =	swait.ge [sflag:s4], $0x0  }
0x19: {  	s7 =	sld [smem:$0x3F95]  }
0x1a: {  	s8 =	sadd.s32 $0xFFFFE003, lr  }
0x1b: {  	s9 =	sadd.s32 $0xFFFFFEF7, lr;
	s5 =	simm.s32 $0xFFFFFFFF;
	p2 =	slt.u32 s8, $0xFFFFF086  }
0x1c: {  	p1 =	slt.u32 s9, $0xF7A;
	s5 =	simm.s32 @!p2 $0x0  }
0x1d: {  	s5 =	simm.s32 @p1 $0x1;
	p0 =	seq.s32 s7, s2  }
0x1e: {  	s7 =	smul.u32 @!p0 $0xF7A, s2;
	p2 =	seq.s32 @!p0 s5, $0x0  }
0x1f: {  	s9 =	smul.u32 $0xF7A, s1;
	s8 =	simm.s32 @!p0 $0x1BF5;
	p2 =	por !p2, p0  }
0x20: {  	[sflag:s8] =	ssyncset.s32 @!p0 $0xFFFFF086;
	s6 =	sadd.s32 @!p0 s3, s7;
	s7 =	simm.s32 @!p0 $0x108  }
0x21: {  	s3 =	sadd.s32 s3, s9;
	s6 =	sadd.s32 @!p0 $0x88, s6;
	s7 =	simm.s32 @p2 $0x1082  }
0x22: {  	[simem:s7], [sflag:s8] =	dma.local @!p0 [hbm:s6], $0xF7A  }
0x23: {  	s9 =	sor.u32 $0xD0000000, s2;
	s6 =	simm.s32 $0x108;
	_ =	swait.ge @!p0 [sflag:s8], $0x0  }
0x24: {  	s3 =	sadd.s32 $0x88, s3;
	s6 =	simm.s32 @!p1 $0x1082;
	[sflag:s4] =	ssyncset.s32 $0xFFFFF086  }
0x25: {  	[simem:s6], [sflag:s4] =	dma.local [hbm:s3], $0xF7A  }
0x26: {  	[smem:$0x3F95] =	sst s1;
	(tag) =	ssettag s2;
	_ =	strace s9  }
0x27: {  	s1 =	sld [smem:$0x3FA5]  }
0x28: {  	s2 =	sld [smem:$0x3FA6]  }
0x29: {  	s4 =	sld [smem:$0x3FA8]  }
0x2a: {  	p0 =	seq.s32 s5, $0x0;
	s5 =	sld [smem:$0x3FA9]  }
0x2b: {  	s6 =	sld [smem:$0x3FAA]  }
0x2c: {  	s7 =	sld [smem:$0x3FAB]  }
0x2d: {  	s3 =	simm.s32 $0x108;
	s8 =	sld [smem:$0x3FAC]  }
0x2e: {  	s3 =	simm.s32 @!p0 $0x1082;
	s9 =	sld [smem:$0x3FAD]  }
0x2f: {  	lr =	sadd.s32 s0, s3;
	s0 =	sld [smem:$0x3FA4]  }
0x30: {  	s3 =	sld [smem:$0x3FA7]  }
0x31: {  	[smem:$0x3FB0] =	sst s10  }
0x32: {  	s10 =	sld [smem:$0x3FAE];
	_ =	sdelay $0x3  }
0x33: {  	p0 =	seq.s32 s10, $0x1;
	s10 =	sld [smem:$0x3FB0];
	_ =	sdelay $0x3  }
0x34: {  	[smem:$0x3FB0] =	sst s10  }
0x35: {  	s10 =	sld [smem:$0x3FAF];
	_ =	sdelay $0x3  }
0x36: {  	p1 =	seq.s32 s10, $0x1;
	s10 =	sld [smem:$0x3FB0];
	_ =	sdelay $0x3  }
0x37: {  	[smem:$0x3FB0] =	sst s10  }
0x38: {  	s10 =	sld [smem:$0x3FB1]  }
0x39: {  	_ = 	snop;
	(pc) =	sbr.ind lr, $3  }
0x3a: {  	_ = 	snop  }
0x3b: {  	_ = 	snop  }
0x3c: {  	p2 =	seq.s32 s10, $0x1;
	s10 =	sld [smem:$0x3FB0]  }
0x3d: {  	_ =	shalt  }
0x3e: {  	_ =	shalt  }
0x3f: {  	_ =	shalt  }
0x40: {  	_ =	shalt  }
0x41: {  	_ =	shalt  }
0x42: {  	_ =	shalt  }
0x43: {  	_ =	shalt  }
0x44: {  	_ =	shalt  }
0x45: {  	_ =	shalt  }
0x46: {  	_ =	shalt  }
0x47: {  	_ =	shalt  }
0x48: {  	_ =	shalt  }
0x49: {  	_ =	shalt  }
0x4a: {  	_ =	shalt  }
0x4b: {  	_ =	shalt  }
0x4c: {  	_ =	shalt  }
0x4d: {  	_ =	shalt  }
0x4e: {  	_ =	shalt  }
0x4f: {  	_ =	shalt  }
0x50: {  	_ =	shalt  }
0x51: {  	_ =	shalt  }
0x52: {  	_ =	shalt  }
0x53: {  	_ =	shalt  }
0x54: {  	_ =	shalt  }
0x55: {  	_ =	shalt  }
0x56: {  	_ =	shalt  }
0x57: {  	_ =	shalt  }
0x58: {  	_ =	shalt  }
0x59: {  	_ =	shalt  }
0x5a: {  	_ =	shalt  }
0x5b: {  	_ =	shalt  }
0x5c: {  	_ =	shalt  }
0x5d: {  	_ =	shalt  }
0x5e: {  	_ =	shalt  }
0x5f: {  	_ =	shalt  }
0x60: {  	_ =	shalt  }
0x61: {  	_ =	shalt  }
0x62: {  	_ =	shalt  }
0x63: {  	_ =	shalt  }
0x64: {  	_ =	shalt  }
0x65: {  	_ =	shalt  }
0x66: {  	_ =	shalt  }
0x67: {  	_ =	shalt  }
0x68: {  	_ =	shalt  }
0x69: {  	_ =	shalt  }
0x6a: {  	_ =	shalt  }
0x6b: {  	_ =	shalt  }
0x6c: {  	_ =	shalt  }
0x6d: {  	_ =	shalt  }
0x6e: {  	_ =	shalt  }
0x6f: {  	_ =	shalt  }
0x70: {  	_ =	shalt  }
0x71: {  	_ =	shalt  }
0x72: {  	_ =	shalt  }
0x73: {  	_ =	shalt  }
0x74: {  	_ =	shalt  }
0x75: {  	_ =	shalt  }
0x76: {  	_ =	shalt  }
0x77: {  	_ =	shalt  }
0x78: {  	_ =	shalt  }
0x79: {  	_ =	shalt  }
0x7a: {  	_ =	shalt  }
0x7b: {  	_ =	shalt  }
0x7c: {  	_ =	shalt  }
0x7d: {  	_ =	shalt  }
0x7e: {  	_ =	shalt  }
0x7f: {  	_ =	shalt  }
0x80: {  	_ =	shalt  }
0x81: {  	_ =	shalt  }
0x82: {  	_ =	shalt  }
0x83: {  	_ =	shalt  }
0x84: {  	_ =	shalt  }
0x85: {  	_ =	shalt  }
0x86: {  	_ =	shalt  }
0x87: {  	_ =	shalt  }
.Lfunc_end0:
.L_simem_size_0:
called_computation.1_lowered:
.L_overlay_start_0:
0x88: {  	s2 =	sld [smem:$0x3FD9]  }
0x89: {  	s3 =	sld [smem:$0x3FFE];
	_ =	sdelay $0x1  }
0x8a: {  	s1 =	srdreg.scid  }
0x8b: {  	s0 =	sand.u32 $0x1, s1  }
0x8c: {  	s16 =	sshll.u32 s0, $0xA;
	s2 =	sadd.s32 s3, s2  }
0x8d: {  	s2 =	sadd.s32 s2, s16  }
0x8e: {  	[smem:$0x3FBC] =	sst s2  }
0x8f: {  	_ = 	snop  }
0x90: {  	(tm) =	ssettm $0x1  }
0x91: {  	s17 =	sld [smem:$0x3FFB];
	_ =	sdelay $0x3  }
0x92: {  	_ =	strace s17  }
0x93: {  	s2 =	sld [smem:$0x3FFC];
	_ =	sdelay $0x3  }
0x94: {  	_ =	strace s2  }
0x95: {  	s2 =	sld [smem:$0x3FFD];
	_ =	sdelay $0x3  }
0x96: {  	_ =	strace s2  }
0x97: {  	_ =	strace $0x8FFFFFFF  }
0x98: {  	s18 =	sld [smem:$0x3FDB];
	_ =	sdelay $0x1  }
0x99: {  	s19 =	simm.s32 $_scs_section_size  }
0x9a: {  	s4 =	simm.s32 $_size__tile_overlayer_lowered;
	s5 =	simm.s32 $_tile_overlayer_lowered  }
0x9b: {  	s22 =	simm.s32 $0x1BFF;
	s21 =	sshll.u32 s5, $0x1;
	s2 =	sadd.s32 s19, s18  }
0x9c: {  	s6 =	simm.s32 $0x0;
	s20 =	sshll.u32 s4, $0x1;
	s4 =	sadd.s32 s21, s2  }
0x9d: {  	[timem:s6], [sflag:s22] =	dma.local [hbm:s4], s20  }
0x9e: {  	_ =	swait.ge [sflag:s22], s20  }
0x9f: {  	s3 =	ssub.s32 $0x0, s20;
	[sflag:s22] =	ssyncset.done $0x0  }
0xa0: {  	[sflag:s22] =	ssyncadd.s32 s3;
	_ =	sdelay $0x1  }
0xa1: {  	s23 =	simm.s32 $0x1B8B  }
0xa2: {  	_ =	swait.ge [sflag:s23], $0x1  }
0xa3: {  	[sflag:s23] =	ssyncset.done $0x0  }
0xa4: {  	s25 =	simm.s32 $0x1B8E;
	s24 =	sld [smem:$0x3FFE];
	[sflag:s23] =	ssyncadd.s32 $0xFFFFFFFF  }
0xa5: {  	s26 =	simm.s32 $execute0_lowered;
	[smem:$0x3FD2] =	sst s25  }
0xa6: {  	s4 =	sshll.u32 s26, $0x1;
	_ =	strace $0x80000049;
	[dreg:$0x1] =	wrdreg $0xFFFFFFFF  }
0xa7: {  	s28 =	simm.s32 $_size_execute0_lowered;
	s2 =	sadd.s32 s2, s4;
	[dreg:$0x0] =	wrdreg $0x0  }
0xa8: {  	s4 =	sshll.u32 s28, $0x1;
	[dreg:$0x2] =	wrdreg s2  }
0xa9: {  	[dreg:$0x3] =	wrdreg s4  }
0xaa: {  	[dreg:$0x4] =	wrdreg $0xC0  }
0xab: {  	_ =	task [dreg:s6], $0x5FFFF  }
0xac: {  	[dreg:$0x1] =	wrdreg $0xFFFFFFFF  }
0xad: {  	[dreg:$0x0] =	wrdreg $0x60  }
0xae: {  	[dreg:$0x2] =	wrdreg s24  }
0xaf: {  	[dreg:$0x3] =	wrdreg $0x9  }
0xb0: {  	_ =	task.clear_ibuf [dreg:s6], $0x4FFFF;
	_ =	strace $0x90000049  }
0xb1: {  	s29 =	simm.s32 $0x9;
	_ =	strace $0x8000004B  }
0xb2: {  	_ =	swait.ge [sflag:s29], $0x1  }
0xb3: {  	[sflag:s29] =	ssyncadd.s32 $0xFFFFFFFF  }
0xb4: {  	_ =	strace $0x9000004B  }
0xb5: {  	_ =	sfence  }
0xb6: {  	s30 =	sld [smem:$0x0];
	_ =	sdelay $0x2  }
0xb7: {  	s31 =	sshll.u32 s1, $0xD;
	s1 =	sshrl.u32 s1, $0x2  }
0xb8: {  	s3 =	sand.u32 $0x4000, s31;
	s1 =	sadd.s32 s1, s30  }
0xb9: {  	s0 =	sor.u32 s3, s0;
	s1 =	sshll.u32 s1, $0x11  }
0xba: {  	s0 =	sor.u32 s1, s0  }
0xbb: {  	s0 =	sadd.s32 $0x8F2B, s0  }
0xbc: {  	[sflag:s0] =	ssyncadd.remote.s32 $0x1  }
0xbd: {  	_ =	sfence.sel $0xFFFF  }
0xbe: {  	[dreg:$0x0] =	wrdreg $0xFFFFFFFF;
	(pc) =	sbr.abs _section_cstart, $3  }
0xbf: {  	[dreg:$0x1] =	wrdreg $0xFFFFFFFF  }
0xc0: {  	_ =	task.clear_ibuf [dreg:s6], $0x2FFFF;
	_ =	strace $0x9FFFFFFF  }
0xc1: {  	(tm) =	ssettm $0x7FFFFFFF  }
tec
execute0_lowered:
.L_overlay_start_1:
0x0: {  	(tag) =	ssettag $0x1  }
0x1: {  	s3 =	rddreg [dreg:$0x0]  }
0x2: {  	s0 =	rddreg [dreg:$0x1];
	s2 =	simm.s32 $0x0;
	s4 =	srdreg.scid  }
0x3: {  	s1 =	stileid.u32;
	s8 =	simm.s32 $0x1;
	s9 =	simm.s32 $0x8000  }
0x4: {  	v0 =	vlaneseq.u32;
	[smem:$0x7FF] =	sst s2;
	s4 =	sand.u32 $0x1, s4;
	s5 =	sshll.u32 s1, $0x1  }
0x5: {  	s10 =	simm.s32 $0x0;
	v0 =	vmul.u32 $0x88, v0;
	_ =	strace $0x8000004A;
	s5 =	sor.u32 s4, s5  }
0x6: {  	v1 =	vimm.s32 $0x0;
	vm0 =	vcmask $0x300;
	s4 =	ssub.s32 $0x2, s4;
	s6 =	sshll.u32 s5, $0x6;
	s5 =	sshll.u32 s5, $0xD  }
0x7: {  	v1 =	vsel vm0, $0x3, v1;
	s31 =	sshrl.u32 s4, $0x1;
	v2 =	vor.u32 $0x1, v0;
	s6 =	sadd.s32 s6, s3;
	s5 =	sadd.s32 s5, s3  }
0x8: {  	v3 =	vor.u32 $0x2, v0;
	v4 =	vor.u32 $0x3, v0;
	v5 =	vor.u32 $0x4, v0;
	s7 =	ssub.s32 s4, s31;
	s3 =	sadd.s32 $0x1A00, s6;
	s4 =	sadd.s32 $0x21A00, s5  }
0x9: {  	v6 =	vor.u32 $0x5, v0;
	v7 =	vor.u32 $0x6, v0;
	v8 =	vor.u32 $0x7, v0;
	s5 =	smax.u32 s7, $0x1;
	s6 =	simm.s32 $0x200;
	s7 =	simm.s32 $0x4000  }
.LBB2_1:
0xa: {  	[tilespmem:s2], [sflag:$0x1] =	stream.strided.gather [hbm4b:s3+s6], $0x8000, s7, s6, $0x38;
	[tilespmem:$0x19000] =	vst v63  }
0xb: {  	s11 =	simm.s32 $0x0;
	s13 =	sand.u32 $0x1F0, s2  }
0xc: {  	s12 =	sand.u32 $0x38, s11;
	v10 =	vmov s13  }
0xd: {  	s14 =	sor.u32 $0x1, s12;
	v9 =	vmov s12;
	s15 =	sor.u32 $0x7, s12;
	s26 =	sor.u32 $0x2, s12;
	v13 =	vmul.u32 $0x88, v10  }
0xe: {  	s16 =	sor.u32 $0x3, s12;
	s17 =	sor.u32 $0x4, s12;
	s18 =	sor.u32 $0x5, s12;
	v11 =	vmov s14;
	v12 =	vmov s15;
	v10 =	vmov s26  }
0xf: {  	s19 =	sor.u32 $0x6, s12;
	v14 =	vmov s16;
	v15 =	vmov s17;
	v16 =	vmov s18  }
0x10: {  	_ =	swait.ge [sflag:s8], $0x8000;
	v17 =	vmov s19;
	v9 =	vshrl.u32 v9, $0x3;
	v12 =	vshrl.u32 v12, $0x3  }
0x11: {  	s21 =	sand.u32 $0x70, s2;
	s20 =	sand.u32 $0x600, s11;
	[sflag:s8] =	ssyncset.done $0x0;
	v11 =	vshrl.u32 v11, $0x3;
	v10 =	vshrl.u32 v10, $0x3;
	v12 =	vshll.u32 v12, v1  }
0x12: {  	s20 =	sshrl.u32 s20, $0x2;
	s12 =	sshll.u32 s12, $0x9;
	s15 =	sshll.u32 s15, $0x9;
	v14 =	vshrl.u32 v14, $0x3;
	v15 =	vshrl.u32 v15, $0x3;
	v12 =	vor.u32 v13, v12  }
0x13: {  	[sflag:s8] =	ssyncadd.s32 $0xFFFF8000;
	s13 =	sshll.u32 s26, $0x9;
	s15 =	sor.u32 s20, s15;
	v16 =	vshrl.u32 v16, $0x3;
	v10 =	vshll.u32 v10, v1;
	v12 =	vbroadcast v12, $0x0  }
0x14: {  	s14 =	sshll.u32 s14, $0x9;
	v17 =	vshrl.u32 v17, $0x3;
	s13 =	sor.u32 s20, s13;
	s15 =	sor.u32 s21, s15;
	v11 =	vshll.u32 v11, v1;
	v18 =	vor.u32 v13, v10  }
0x15: {  	s16 =	sshll.u32 s16, $0x9;
	s14 =	sor.u32 s20, s14;
	s13 =	sor.u32 s21, s13;
	v20 =	vld [tilespmem:s15+$0x0];
	v11 =	vor.u32 v13, v11;
	v18 =	vbroadcast v18, $0x0;
	v19 =	vadd.s32 v8, v12  }
0x16: {  	s28 =	sshll.u32 s18, $0x9;
	s16 =	sor.u32 s20, s16;
	s14 =	sor.u32 s21, s14;
	v10 =	vld [tilespmem:s13+$0x0];
	v12 =	vshll.u32 v14, v1;
	v14 =	vshll.u32 v15, v1;
	v15 =	vshll.u32 v16, v1  }
0x17: {  	s17 =	sshll.u32 s17, $0x9;
	s16 =	sor.u32 s21, s16;
	s15 =	sor.u32 s20, s28;
	v16 =	vshll.u32 v17, v1;
	v17 =	vshll.u32 v9, v1;
	v9 =	vld [tilespmem:s14+$0x0];
	v12 =	vor.u32 v13, v12  }
0x18: {  	s30 =	sshll.u32 s19, $0x9;
	s29 =	sor.u32 s20, s17;
	s15 =	sor.u32 s21, s15;
	v21 =	vor.u32 v13, v14;
	v22 =	vor.u32 v13, v15;
	v14 =	vbroadcast v11, $0x0;
	v11 =	vld [tilespmem:s16+$0x0]  }
0x19: {  	s12 =	sor.u32 s20, s12;
	s31 =	sor.u32 s20, s30;
	s14 =	sor.u32 s21, s29;
	v15 =	vor.u32 v13, v17;
	v16 =	vor.u32 v13, v16;
	v13 =	vld [tilespmem:s15+$0x0];
	v17 =	vbroadcast v12, $0x0  }
0x1a: {  	s13 =	sor.u32 s21, s12;
	s12 =	simm.s32 $0x0;
	v12 =	vld [tilespmem:s14+$0x0];
	s14 =	sor.u32 s21, s31;
	v14 =	vadd.s32 v2, v14;
	[tilespmem:v19+s9+$0x0] =	vst.idx.msk $0xffff, v20;
	v19 =	vbroadcast v21, $0x0;
	v20 =	vbroadcast v22, $0x0  }
.LBB2_2:
0x1b: {  	s11 =	sadd.s32 $0x8, s11;
	v15 =	vbroadcast v15, $0x0;
	v18 =	vadd.s32 v3, v18;
	v21 =	vld [tilespmem:s14+$0x0];
	v16 =	vbroadcast v16, $0x0;
	s12 =	sadd.s32 $0x2, s12  }
0x1c: {  	v17 =	vadd.s32 v4, v17;
	s14 =	sand.u32 $0x38, s11;
	p0 =	slt.u32 s11, $0x7F8;
	v22 =	vld [tilespmem:s13+$0x0];
	v19 =	vadd.s32 v5, v19;
	v20 =	vadd.s32 v6, v20;
	s13 =	sand.u32 $0x1F0, s12  }
0x1d: {  	s21 =	sand.u32 $0x600, s11;
	v23 =	vmov s14;
	s15 =	sor.u32 $0x1, s14;
	s16 =	sor.u32 $0x7, s14;
	v24 =	vadd.s32 v0, v15;
	v15 =	vadd.s32 v7, v16  }
0x1e: {  	v16 =	vmov s13;
	s13 =	sor.u32 $0x2, s14;
	s17 =	sor.u32 $0x3, s14;
	s18 =	sor.u32 $0x4, s14;
	v25 =	vmov s15;
	v26 =	vmov s16  }
0x1f: {  	s19 =	sor.u32 $0x5, s14;
	s20 =	sor.u32 $0x6, s14;
	v16 =	vmul.u32 $0x88, v16;
	s15 =	sshll.u32 s15, $0x9;
	v27 =	vmov s13;
	v26 =	vshrl.u32 v26, $0x3;
	[tilespmem:v14+s9+$0x0] =	vst.idx.msk $0xffff, v9  }
0x20: {  	s14 =	sshll.u32 s14, $0x9;
	s13 =	sshll.u32 s13, $0x9;
	s22 =	sshll.u32 s17, $0x9;
	v9 =	vmov s17;
	v14 =	vmov s18;
	v26 =	vshll.u32 v26, v1;
	[tilespmem:v18+s9+$0x0] =	vst.idx.msk $0xffff, v10  }
0x21: {  	s16 =	sshll.u32 s16, $0x9;
	s17 =	sshrl.u32 s21, $0x2;
	s18 =	sshll.u32 s18, $0x9;
	v10 =	vmov s19;
	v18 =	vmov s20;
	v26 =	vor.u32 v16, v26;
	[tilespmem:v17+s9+$0x0] =	vst.idx.msk $0xffff, v11  }
0x22: {  	s21 =	sand.u32 $0x70, s12;
	s19 =	sshll.u32 s19, $0x9;
	s16 =	sor.u32 s17, s16;
	v11 =	vshrl.u32 v25, $0x3;
	v17 =	vshrl.u32 v27, $0x3;
	v25 =	vbroadcast v26, $0x0;
	[tilespmem:v19+s9+$0x0] =	vst.idx.msk $0xffff, v12  }
0x23: {  	v9 =	vshrl.u32 v9, $0x3;
	s20 =	sshll.u32 s20, $0x9;
	s15 =	sor.u32 s17, s15;
	v10 =	vshrl.u32 v10, $0x3;
	s16 =	sor.u32 s21, s16;
	v12 =	vshrl.u32 v14, $0x3;
	[tilespmem:v20+s9+$0x0] =	vst.idx.msk $0xffff, v13  }
0x24: {  	s13 =	sor.u32 s17, s13;
	s22 =	sor.u32 s17, s22;
	s14 =	sor.u32 s17, s14;
	v14 =	vshrl.u32 v18, $0x3;
	v13 =	vshrl.u32 v23, $0x3;
	v18 =	vld [tilespmem:s16+$0x0];
	v19 =	vadd.s32 v8, v25;
	[tilespmem:v15+s9+$0x0] =	vst.idx.msk $0xffff, v21  }
0x25: {  	v11 =	vshll.u32 v11, v1;
	v15 =	vshll.u32 v17, v1;
	v17 =	vshll.u32 v9, v1;
	s16 =	sor.u32 s17, s18;
	s18 =	sor.u32 s17, s19;
	s19 =	sor.u32 s17, s20  }
0x26: {  	s15 =	sor.u32 s21, s15;
	v12 =	vshll.u32 v12, v1;
	v20 =	vshll.u32 v10, v1;
	v14 =	vshll.u32 v14, v1;
	s17 =	sor.u32 s21, s13;
	s16 =	sor.u32 s21, s16  }
.Ltmp0:
0x27: {  	v11 =	vor.u32 v16, v11;
	v13 =	vshll.u32 v13, v1;
	v21 =	vor.u32 v16, v15;
	s18 =	sor.u32 s21, s18;
	v9 =	vld [tilespmem:s15+$0x0];
	s15 =	sor.u32 s21, s22;
	(pc) =	sbr.rel @p0 .LBB2_2-.Ltmp0, $4  }
0x28: {  	s13 =	sor.u32 s21, s14;
	v23 =	vor.u32 v16, v12;
	v20 =	vor.u32 v16, v20;
	v17 =	vor.u32 v16, v17;
	s14 =	sor.u32 s21, s19;
	v10 =	vld [tilespmem:s17+$0x0]  }
0x29: {  	v15 =	vor.u32 v16, v13;
	v13 =	vbroadcast v11, $0x0;
	v16 =	vor.u32 v16, v14;
	v11 =	vld [tilespmem:s15+$0x0];
	[tilespmem:v19+s9+$0x0] =	vst.idx.msk $0xffff, v18  }
0x2a: {  	v17 =	vbroadcast v17, $0x0;
	v18 =	vbroadcast v21, $0x0;
	v12 =	vld [tilespmem:s16+$0x0];
	[tilespmem:v24+s9+$0x0] =	vst.idx.msk $0xffff, v22  }
0x2b: {  	v20 =	vbroadcast v20, $0x0;
	v14 =	vadd.s32 v2, v13;
	v19 =	vbroadcast v23, $0x0;
	v13 =	vld [tilespmem:s18+$0x0]  }
0x2c: {  	v18 =	vadd.s32 v3, v18  }
0x2d: {  	v17 =	vadd.s32 v4, v17  }
0x2e: {  	v16 =	vbroadcast v16, $0x0;
	v19 =	vadd.s32 v5, v19  }
0x2f: {  	v15 =	vbroadcast v15, $0x0;
	v20 =	vadd.s32 v6, v20  }
0x30: {  	v21 =	vld [tilespmem:s14+$0x0];
	[tilespmem:v14+s9+$0x0] =	vst.idx.msk $0xffff, v9;
	v16 =	vadd.s32 v7, v16  }
0x31: {  	v9 =	vld [tilespmem:s13+$0x0];
	v63 =	vadd.s32 v0, v15;
	[tilespmem:v18+s9+$0x0] =	vst.idx.msk $0xffff, v10  }
0x32: {  	[tilespmem:v17+s9+$0x0] =	vst.idx.msk $0xffff, v11  }
0x33: {  	[tilespmem:v19+s9+$0x0] =	vst.idx.msk $0xffff, v12  }
0x34: {  	[tilespmem:v20+s9+$0x0] =	vst.idx.msk $0xffff, v13  }
0x35: {  	s11 =	simm.s32 $0x8000;
	[tilespmem:v16+s9+$0x0] =	vst.idx.msk $0xffff, v21  }
0x36: {  	s12 =	simm.s32 $0x10;
	s14 =	sadd.s32 $0x0, s4;
	s13 =	simm.s32 $0x8088;
	[tilespmem:v63+s9+$0x0] =	vst.idx.msk $0xffff, v9  }
.LBB2_4:
0x37: {  	[hbm4b:s14+s2] =	stream.linear.scatter [tilespmem:s11], [sflag:$0x1], $0x80, $0x38;
	[tilespmem:$0x19000] =	vst v63  }
0x38: {  	s14 =	smov.u32 s12;
	s11 =	smov.u32 s13;
	p0 =	sne.s32 s12, $0x1FF0  }
.Ltmp1:
0x39: {  	s12 =	sadd.s32 $0x10, s12;
	(pc) =	sbr.rel @p0 .LBB2_4-.Ltmp1, $2  }
0x3a: {  	_ =	sdelay $0x2  }
0x3b: {  	s13 =	sadd.s32 $0x88, s13;
	s14 =	sadd.s32 s14, s4  }
0x3c: {  	s10 =	sadd.s32 $0x1, s10  }
0x3d: {  	p0 =	sne.s32 s10, s5  }
.Ltmp2:
0x3e: {  	_ = 	snop;
	(pc) =	sbr.rel @p0 .LBB2_1-.Ltmp2, $4  }
0x3f: {  	[hbm4b:s14+s2] =	stream.linear.scatter [tilespmem:s11], [sflag:$0x1], $0x80, $0x38;
	[tilespmem:$0x19000] =	vst v63  }
0x40: {  	_ =	swait.ge [sflag:s8], $0x10000  }
0x41: {  	[sflag:s8] =	ssyncset.done $0x0  }
0x42: {  	[sflag:s8] =	ssyncadd.s32 $0xFFFF0000  }
0x43: {  	_ =	sfence.sel $0x180000  }
0x44: {  	[bflag:$0x0] =	sbarrier.arrive $0xFFFF  }
0x45: {  	p0 =	sne.s32 s1, $0x0;
	_ =	strace $0x9000004A  }
0x46: {  	s0 =	sadd.s32 @!p0 $0x100000, s0;
	[bflag:$0x2] =	sbarrier.arrive $0xFFFF  }
0x47: {  	[sflag:s0] =	ssyncadd.tile.s32 @!p0 $0x1;
	_ =	shalt  }
.Lfunc_end2:
_tile_overlayer_lowered:
.L_overlay_start_2:
0x48: {  	(tag) =	ssettag $0x2  }
0x49: {  	s0 =	rddreg [dreg:$0x0];
	s2 =	stileid.u32  }
0x4a: {  	s1 =	rddreg [dreg:$0x1];
	p0 =	sne.s32 s2, $0x0  }
0x4b: {  	s3 =	rddreg [dreg:$0x2];
	[bflag:$0x3] =	sbarrier.arrive $0xFFFF;
	s2 =	simm.s32 @!p0 $0x1C01  }
0x4c: {  	[timem:s3], [sflag:s2] =	dma.local @!p0 [hbm:s0], s1  }
0x4d: {  	s0 =	simm.s32 @!p0 $0x1  }
0x4e: {  	_ =	swait.ge @!p0 [sflag:s0], s1  }
0x4f: {  	s1 =	ssub.s32 @!p0 $0x0, s1;
	[sflag:s0] =	ssyncset.done @!p0 $0x0  }
0x50: {  	[sflag:s0] =	ssyncadd.s32 @!p0 s1  }
0x51: {  	[bflag:$0x3] =	sbarrier.arrive $0xFFFF  }
0x52: {  	_ =	shalt  }

</sc_bundles>
